<compile_context>
chip_gen: v7x
topology: tpu7x:2x2x1
jax: 0.10.2.dev20260603
libtpu: 0.0.44.dev20260713+nightly
codegen_flags: <defaults>
</compile_context>

<pallas_src>
import jax
import jax.numpy as jnp
from jax import lax
from jax.experimental import pallas as pl
from jax.experimental.pallas import tpu as pltpu
from jax.experimental.pallas import tpu_sc as plsc

N = 10000
E = 320000
NF = 128
EF = 16
MSG = 128
H = 300
NH = 128
NP = 32
G = 64

NC = 2
NS = 16
NW = NC * NS

S = 4
ESL = E // S
ECH = 128
CPW = 20
EPAD = NW * CPW * ECH

NPAD = 10240
STRIPE = NPAD // NS
DUMP = NPAD - 1

_MESH = dict(core_axis_name="c", subcore_axis_name="s", num_cores=NC,
             num_subcores=NS)


def _gather_body(x_hbm, src_hbm, dst_hbm, xi_hbm, xj_hbm,
                 idx_s, idx_d, bi0, bi1, bj0, bj1, sem):
  wid = lax.axis_index("s") * NC + lax.axis_index("c")
  pltpu.sync_copy(src_hbm.at[wid], idx_s)
  pltpu.sync_copy(dst_hbm.at[wid], idx_d)
  base = wid * CPW

  def step(m, carry):
    r0 = 2 * m
    r1 = 2 * m + 1
    c0 = pltpu.async_copy(x_hbm.at[idx_d.at[r0]], bi0, sem)
    c1 = pltpu.async_copy(x_hbm.at[idx_s.at[r0]], bj0, sem)
    c2 = pltpu.async_copy(x_hbm.at[idx_d.at[r1]], bi1, sem)
    c3 = pltpu.async_copy(x_hbm.at[idx_s.at[r1]], bj1, sem)
    c0.wait()
    c1.wait()
    c2.wait()
    c3.wait()
    off = (base + r0) * ECH
    pltpu.sync_copy(bi0, xi_hbm.at[pl.ds(off, ECH)])
    pltpu.sync_copy(bj0, xj_hbm.at[pl.ds(off, ECH)])
    pltpu.sync_copy(bi1, xi_hbm.at[pl.ds(off + ECH, ECH)])
    pltpu.sync_copy(bj1, xj_hbm.at[pl.ds(off + ECH, ECH)])
    return carry

  lax.fori_loop(0, CPW // 2, step, 0)


def _sc_gather(x, src3, dst3):
  mesh = plsc.VectorSubcoreMesh(**_MESH)
  buf = pltpu.VMEM((ECH, NF), jnp.float32)
  fn = pl.kernel(
      _gather_body,
      out_type=(jax.ShapeDtypeStruct((EPAD, NF), jnp.float32),
                jax.ShapeDtypeStruct((EPAD, NF), jnp.float32)),
      mesh=mesh,
      scratch_types=[
          pltpu.VMEM((CPW, ECH), jnp.int32),
          pltpu.VMEM((CPW, ECH), jnp.int32),
          buf, buf, buf, buf,
          pltpu.SemaphoreType.DMA,
      ],
  )
  return fn(x, src3, dst3)


def _scatter_body(msg_hbm, dst_hbm, zero_hbm, out_hbm,
                  idx_d, mb0, mb1, acc, sem_m):
  cid = lax.axis_index("c")
  sid = lax.axis_index("s")
  wid = sid * NC + cid
  pltpu.sync_copy(zero_hbm.at[pl.ds(sid * STRIPE, STRIPE)],
                  acc.at[pl.ds(sid * STRIPE, STRIPE)])
  plsc.subcore_barrier()

  pltpu.sync_copy(dst_hbm.at[wid], idx_d)
  mbs = [mb0, mb1]
  base = wid * CPW

  def load(r, slot):
    off = (base + r) * ECH
    pltpu.async_copy(msg_hbm.at[pl.ds(off, ECH)], mbs[slot], sem_m)

  def wait_load(slot):
    pltpu.make_async_copy(msg_hbm.at[pl.ds(0, ECH)], mbs[slot], sem_m).wait()

  load(0, 0)

  def step(m, carry):
    for b in range(2):
      r = 2 * m + b

      @pl.when(r < CPW)
      def _():
        @pl.when(r + 1 < CPW)
        def _():
          load(r + 1, (b + 1) % 2)

        wait_load(b)
        pltpu.sync_copy(mbs[b], acc.at[idx_d.at[r]], add=True)
    return carry

  lax.fori_loop(0, (CPW + 1) // 2, step, 0)

  plsc.subcore_barrier()
  pltpu.sync_copy(acc.at[pl.ds(sid * STRIPE, STRIPE)],
                  out_hbm.at[cid, pl.ds(sid * STRIPE, STRIPE)])


def _sc_scatter(msg, dst3, zero):
  mesh = plsc.VectorSubcoreMesh(**_MESH)
  fn = pl.kernel(
      _scatter_body,
      out_type=jax.ShapeDtypeStruct((NC, NPAD, MSG), jnp.float32),
      mesh=mesh,
      scratch_types=[
          pltpu.VMEM((CPW, ECH), jnp.int32),
          pltpu.VMEM((ECH, MSG), jnp.float32),
          pltpu.VMEM((ECH, MSG), jnp.float32),
          pltpu.VMEM_SHARED((NPAD, MSG), jnp.float32),
          pltpu.SemaphoreType.DMA,
      ],
  )
  return fn(msg, dst3, zero)


BE = 2048
NEB = EPAD // BE


def _emlp_body(xi_ref, xj_ref, ea_ref, w1a, w1b, w1c, b1, w2, b2, w3, b3,
               w4, b4, out_ref):
  f32 = jnp.float32
  h = jnp.dot(xi_ref[...], w1a[...], preferred_element_type=f32)
  h = h + jnp.dot(xj_ref[...], w1b[...], preferred_element_type=f32)
  h = h + jnp.dot(ea_ref[...], w1c[...], preferred_element_type=f32)
  h = jnp.maximum(h + b1[...], 0.0)
  h = jnp.maximum(jnp.dot(h, w2[...], preferred_element_type=f32) + b2[...],
                  0.0)
  h = jnp.maximum(jnp.dot(h, w3[...], preferred_element_type=f32) + b3[...],
                  0.0)
  out_ref[...] = jnp.dot(h, w4[...], preferred_element_type=f32) + b4[...]


def _tc_edge_mlp(xi, xj, ea, w1a, w1b, w1c, b1, w2, b2, w3, b3, w4, b4):
  ws = lambda shape: pl.BlockSpec(shape, lambda i: (0, 0))
  return pl.pallas_call(
      _emlp_body,
      grid=(NEB,),
      in_specs=[
          pl.BlockSpec((BE, NF), lambda i: (i, 0)),
          pl.BlockSpec((BE, NF), lambda i: (i, 0)),
          pl.BlockSpec((BE, EF), lambda i: (i, 0)),
          ws((NF, H)), ws((NF, H)), ws((EF, H)), ws((1, H)),
          ws((H, H)), ws((1, H)),
          ws((H, H)), ws((1, H)),
          ws((H, MSG)), ws((1, MSG)),
      ],
      out_specs=pl.BlockSpec((BE, MSG), lambda i: (i, 0)),
      out_shape=jax.ShapeDtypeStruct((EPAD, MSG), jnp.float32),
      compiler_params=pltpu.CompilerParams(
          dimension_semantics=("parallel",)),
  )(xi, xj, ea, w1a, w1b, w1c, b1, w2, b2, w3, b3, w4, b4)


BN = 2000
NBLK = N // BN


def _node_body(*args):
  parts_refs = args[:S]
  (batch_ref, w1, b1, w2, b2, w3, b3, w4, b4,
   lw, blr, out_ref, acc_s, acc_c) = args[S:]
  f32 = jnp.float32
  i = pl.program_id(0)

  @pl.when(i == 0)
  def _():
    acc_s[...] = jnp.zeros_like(acc_s)
    acc_c[...] = jnp.zeros_like(acc_c)

  aggr = parts_refs[0][0] + parts_refs[0][1]
  for pr in parts_refs[1:]:
    aggr = aggr + pr[0] + pr[1]
  h = jnp.maximum(jnp.dot(aggr, w1[...], preferred_element_type=f32)
                  + b1[...], 0.0)
  h = jnp.maximum(jnp.dot(h, w2[...], preferred_element_type=f32) + b2[...],
                  0.0)
  h = jnp.maximum(jnp.dot(h, w3[...], preferred_element_type=f32) + b3[...],
                  0.0)
  node = jnp.dot(h, w4[...], preferred_element_type=f32) + b4[...]

  gid = lax.broadcasted_iota(jnp.int32, (BN, G), 1)
  oh = jnp.where(batch_ref[...] == gid, 1.0, 0.0).astype(f32)
  dn = (((0,), (0,)), ((), ()))
  acc_s[...] += lax.dot_general(oh, node, dn, preferred_element_type=f32)
  ones = jnp.ones((BN, MSG), f32)
  acc_c[...] += lax.dot_general(oh, ones, dn, preferred_element_type=f32)

  @pl.when(i == NBLK - 1)
  def _():
    pooled = acc_s[...] / jnp.maximum(acc_c[...], 1.0)
    out_ref[...] = (jnp.dot(pooled, lw[...], preferred_element_type=f32)
                    + blr[...])


def _tc_node(parts, batch_i, w1, b1, w2, b2, w3, b3, w4, b4, lw, bl):
  ws = lambda shape: pl.BlockSpec(shape, lambda i: (0, 0))
  pspec = pl.BlockSpec((NC, BN, MSG), lambda i: (0, i, 0))
  return pl.pallas_call(
      _node_body,
      grid=(NBLK,),
      in_specs=[
          *([pspec] * S),
          pl.BlockSpec((BN, 1), lambda i: (i, 0)),
          ws((MSG, H)), ws((1, H)),
          ws((H, H)), ws((1, H)),
          ws((H, H)), ws((1, H)),
          ws((H, NH)), ws((1, NH)),
          ws((NH, NP)), ws((1, NP)),
      ],
      out_specs=pl.BlockSpec((G, NP), lambda i: (0, 0)),
      out_shape=jax.ShapeDtypeStruct((G, NP), jnp.float32),
      scratch_shapes=[
          pltpu.VMEM((G, NH), jnp.float32),
          pltpu.VMEM((G, NH), jnp.float32),
      ],
      compiler_params=pltpu.CompilerParams(
          dimension_semantics=("arbitrary",)),
  )(*parts, batch_i, w1, b1, w2, b2, w3, b3, w4, b4, lw, bl)


def kernel(x, edge_index, edge_attr, batch,
           mW1, mb1, mW2, mb2, mW3, mb3, mW4, mb4,
           nW1, nb1, nW2, nb2, nW3, nb3, nW4, nb4,
           L, bL):
  padidx = jnp.arange(EPAD - ESL, dtype=jnp.int32) % N
  srcs = edge_index[0].reshape(S, ESL)
  dsts = edge_index[1].reshape(S, ESL)

  w1a = mW1[:NF]
  w1b = mW1[NF:2 * NF]
  w1c = mW1[2 * NF:]
  mb1r = mb1.reshape(1, H)
  mb2r = mb2.reshape(1, H)
  mb3r = mb3.reshape(1, H)
  mb4r = mb4.reshape(1, MSG)
  zero = jnp.zeros((NPAD, MSG), jnp.float32)
  ea_s = jnp.pad(edge_attr.reshape(S, ESL, EF),
                 ((0, 0), (0, EPAD - ESL), (0, 0)))

  parts = []
  for s in range(S):
    src3 = jnp.concatenate([srcs[s], padidx]).reshape(NW, CPW, ECH)
    dst3g = jnp.concatenate([dsts[s], padidx]).reshape(NW, CPW, ECH)
    dst3s = jnp.pad(dsts[s], ((0, EPAD - ESL),),
                    constant_values=DUMP).reshape(NW, CPW, ECH)
    xi, xj = _sc_gather(x, src3, dst3g)
    msg = _tc_edge_mlp(xi, xj, ea_s[s],
                       w1a, w1b, w1c, mb1r, mW2, mb2r, mW3, mb3r, mW4, mb4r)
    parts.append(_sc_scatter(msg, dst3s, zero))

  batch_i = batch.reshape(N, 1)
  out = _tc_node(parts, batch_i,
                 nW1, nb1.reshape(1, H),
                 nW2, nb2.reshape(1, H),
                 nW3, nb3.reshape(1, H),
                 nW4, nb4.reshape(1, NH),
                 L, bL.reshape(1, NP))
  return out

# --- scband reference (transcript-rebuilt; emitter-appended) ---
"""Pipeline reference for scband-gnpool2-60730837565919 (READ-ONLY COPY).

The authoritative reference and input builder live on the scoring server;
editing this copy changes nothing except your own understanding.
"""

import jax, jax.numpy as jnp
import numpy as np

N = 10000
E = 320000
NF = 128
EF = 16
MSG = 128
H = 300
NH = 128
NP = 32
G = 64


def _lin(k, fi, fo):
    return jax.random.normal(k, (fi, fo), dtype=jnp.float32) * (1.0 / np.sqrt(fi))


def setup_inputs(seed: int = 0) -> dict:
    key = jax.random.key(seed)
    ks = jax.random.split(key, 16)
    x = jax.random.normal(ks[0], (N, NF), dtype=jnp.float32)
    edge_index = jax.random.randint(ks[1], (2, E), 0, N, dtype=jnp.int32)
    edge_attr = jax.random.normal(ks[2], (E, EF), dtype=jnp.float32)
    batch = jnp.sort(jax.random.randint(ks[3], (N,), 0, G, dtype=jnp.int32))
    inp = {
        "x": x,
        "edge_index": edge_index,
        "edge_attr": edge_attr,
        "batch": batch,
        # msg_fnc params: Lin(2*NF+EF, H), Lin(H, H), Lin(H, H), Lin(H, MSG)
        "mW1": _lin(ks[4], 2 * NF + EF, H), "mb1": jnp.zeros((H,), jnp.float32),
        "mW2": _lin(ks[5], H, H), "mb2": jnp.zeros((H,), jnp.float32),
        "mW3": _lin(ks[6], H, H), "mb3": jnp.zeros((H,), jnp.float32),
        "mW4": _lin(ks[7], H, MSG), "mb4": jnp.zeros((MSG,), jnp.float32),
        # node_fnc params: Lin(MSG, H), Lin(H, H), Lin(H, H), Lin(H, NH)
        "nW1": _lin(ks[8], MSG, H), "nb1": jnp.zeros((H,), jnp.float32),
        "nW2": _lin(ks[9], H, H), "nb2": jnp.zeros((H,), jnp.float32),
        "nW3": _lin(ks[10], H, H), "nb3": jnp.zeros((H,), jnp.float32),
        "nW4": _lin(ks[11], H, NH), "nb4": jnp.zeros((NH,), jnp.float32),
        # final lin: Lin(NH, NP)
        "L": _lin(ks[12], NH, NP), "bL": jnp.zeros((NP,), jnp.float32),
    }
    return inp


def _mlp4(h, W1, b1, W2, b2, W3, b3, W4, b4):
    h = jax.nn.relu(h @ W1 + b1)
    h = jax.nn.relu(h @ W2 + b2)
    h = jax.nn.relu(h @ W3 + b3)
    return h @ W4 + b4


def reference(x, edge_index, edge_attr, batch,
              mW1, mb1, mW2, mb2, mW3, mb3, mW4, mb4,
              nW1, nb1, nW2, nb2, nW3, nb3, nW4, nb4,
              L, bL):
    src = edge_index[0]
    dst = edge_index[1]
    # PyG flow source_to_target: x_j = x[src], x_i = x[dst]; aggregate at dst
    x_i = jnp.take(x, dst, axis=0)
    x_j = jnp.take(x, src, axis=0)
    tmp = jnp.concatenate([x_i, x_j, edge_attr], axis=1)
    msg = _mlp4(tmp, mW1, mb1, mW2, mb2, mW3, mb3, mW4, mb4)
    aggr = jax.ops.segment_sum(msg, dst, num_segments=x.shape[0])
    node = _mlp4(aggr, nW1, nb1, nW2, nb2, nW3, nb3, nW4, nb4)
    # global_mean_pool over batch ids
    sums = jax.ops.segment_sum(node, batch, num_segments=G, indices_are_sorted=True)
    counts = jax.ops.segment_sum(jnp.ones((node.shape[0], 1), jnp.float32), batch,
                                 num_segments=G, indices_are_sorted=True)
    pooled = sums / jnp.maximum(counts, 1.0)
    # dropout is identity in eval mode
    out = pooled @ L + bL
    return out

if __name__ == "__main__":
    import jax
    _d = setup_inputs()
    print(jax.jit(kernel)(*tuple(_d.values())))

</pallas_src>

<mosaic_0001>
#map = affine_map<(d0, d1) -> (0, 0)>
#map1 = affine_map<(d0, d1) -> (0, 0, 0)>
module attributes {stable_mosaic.version = 14 : i64} {
  func.func @_gather_body(%arg0: i32, %arg1: i32, %arg2: memref<10000x128xf32, #tpu.memory_space<hbm>>, %arg3: memref<32x20x128xi32, #tpu.memory_space<hbm>>, %arg4: memref<32x20x128xi32, #tpu.memory_space<hbm>>, %arg5: memref<81920x128xf32, #tpu.memory_space<hbm>>, %arg6: memref<81920x128xf32, #tpu.memory_space<hbm>>, %arg7: memref<20x128xi32, #tpu.memory_space<vmem>>, %arg8: memref<20x128xi32, #tpu.memory_space<vmem>>, %arg9: memref<128x128xf32, #tpu.memory_space<vmem>>, %arg10: memref<128x128xf32, #tpu.memory_space<vmem>>, %arg11: memref<128x128xf32, #tpu.memory_space<vmem>>, %arg12: memref<128x128xf32, #tpu.memory_space<vmem>>, %arg13: memref<!tpu.dma_semaphore, #tpu.memory_space<semaphore_mem>>) attributes {dimension_semantics = [#tpu.dimension_semantics<core_parallel>, #tpu.dimension_semantics<subcore_parallel>], iteration_bounds = array<i64: 2, 16>, scalar_prefetch = 0 : i64, scratch_operands = 7 : i64, tpu.core_type = #tpu.core_type<sc_vector_subcore>, window_params = [{transform_indices = #map}, {transform_indices = #map1}, {transform_indices = #map1}, {transform_indices = #map}, {transform_indices = #map}]} {
    %mul3A = arith.constant 2 : i32
    %mul3A_0 = arith.muli %arg1, %mul3A : i32
    %add3A = arith.addi %mul3A_0, %arg0 : i32
    "tpu.region"() ({
      %run_scoped3A = tpu.sem_alloc : memref<!tpu.dma_semaphore, #tpu.memory_space<semaphore_mem>>
      %dma_start3A = arith.constant 0 : i32
      %dma_start3A_8 = arith.constant 0 : i32
      %dma_start3A_9 = tpu.memref_slice %arg3[%add3A, %dma_start3A, %dma_start3A_8] : memref<32x20x128xi32, #tpu.memory_space<hbm>> -> memref<1x20x128xi32, #tpu.memory_space<hbm>>
      %dma_start3A_10 = tpu.memref_squeeze %dma_start3A_9 : memref<1x20x128xi32, #tpu.memory_space<hbm>> -> memref<20x128xi32, #tpu.memory_space<hbm>>
      %dma_start3A_11 = arith.constant 0 : i32
      %dma_start3A_12 = arith.constant 0 : i32
      %dma_start3A_13 = tpu.memref_slice %arg3[%add3A, %dma_start3A_11, %dma_start3A_12] : memref<32x20x128xi32, #tpu.memory_space<hbm>> -> memref<1x20x128xi32, #tpu.memory_space<hbm>>
      %dma_start3A_14 = tpu.memref_squeeze %dma_start3A_13 : memref<1x20x128xi32, #tpu.memory_space<hbm>> -> memref<20x128xi32, #tpu.memory_space<hbm>>
      tpu.enqueue_dma source(%dma_start3A_14 : memref<20x128xi32, #tpu.memory_space<hbm>>) target(%arg7 : memref<20x128xi32, #tpu.memory_space<vmem>>) target_semaphore(%run_scoped3A : memref<!tpu.dma_semaphore, #tpu.memory_space<semaphore_mem>>)
      %dma_wait3A = arith.constant 0 : i32
      %dma_wait3A_15 = arith.constant 0 : i32
      %dma_wait3A_16 = tpu.memref_slice %arg3[%add3A, %dma_wait3A, %dma_wait3A_15] : memref<32x20x128xi32, #tpu.memory_space<hbm>> -> memref<1x20x128xi32, #tpu.memory_space<hbm>>
      %dma_wait3A_17 = tpu.memref_squeeze %dma_wait3A_16 : memref<1x20x128xi32, #tpu.memory_space<hbm>> -> memref<20x128xi32, #tpu.memory_space<hbm>>
      %dma_wait3A_18 = arith.constant 0 : i32
      %dma_wait3A_19 = arith.constant 0 : i32
      %dma_wait3A_20 = tpu.memref_slice %arg3[%add3A, %dma_wait3A_18, %dma_wait3A_19] : memref<32x20x128xi32, #tpu.memory_space<hbm>> -> memref<1x20x128xi32, #tpu.memory_space<hbm>>
      %dma_wait3A_21 = tpu.memref_squeeze %dma_wait3A_20 : memref<1x20x128xi32, #tpu.memory_space<hbm>> -> memref<20x128xi32, #tpu.memory_space<hbm>>
      tpu.wait_dma2 semaphore(%run_scoped3A : memref<!tpu.dma_semaphore, #tpu.memory_space<semaphore_mem>>) src(%dma_wait3A_21 : memref<20x128xi32, #tpu.memory_space<hbm>>) dst(%arg7 : memref<20x128xi32, #tpu.memory_space<vmem>>)
      tpu.yield
    }) : () -> ()
    "tpu.region"() ({
      %run_scoped3A = tpu.sem_alloc : memref<!tpu.dma_semaphore, #tpu.memory_space<semaphore_mem>>
      %dma_start3A = arith.constant 0 : i32
      %dma_start3A_8 = arith.constant 0 : i32
      %dma_start3A_9 = tpu.memref_slice %arg4[%add3A, %dma_start3A, %dma_start3A_8] : memref<32x20x128xi32, #tpu.memory_space<hbm>> -> memref<1x20x128xi32, #tpu.memory_space<hbm>>
      %dma_start3A_10 = tpu.memref_squeeze %dma_start3A_9 : memref<1x20x128xi32, #tpu.memory_space<hbm>> -> memref<20x128xi32, #tpu.memory_space<hbm>>
      %dma_start3A_11 = arith.constant 0 : i32
      %dma_start3A_12 = arith.constant 0 : i32
      %dma_start3A_13 = tpu.memref_slice %arg4[%add3A, %dma_start3A_11, %dma_start3A_12] : memref<32x20x128xi32, #tpu.memory_space<hbm>> -> memref<1x20x128xi32, #tpu.memory_space<hbm>>
      %dma_start3A_14 = tpu.memref_squeeze %dma_start3A_13 : memref<1x20x128xi32, #tpu.memory_space<hbm>> -> memref<20x128xi32, #tpu.memory_space<hbm>>
      tpu.enqueue_dma source(%dma_start3A_14 : memref<20x128xi32, #tpu.memory_space<hbm>>) target(%arg8 : memref<20x128xi32, #tpu.memory_space<vmem>>) target_semaphore(%run_scoped3A : memref<!tpu.dma_semaphore, #tpu.memory_space<semaphore_mem>>)
      %dma_wait3A = arith.constant 0 : i32
      %dma_wait3A_15 = arith.constant 0 : i32
      %dma_wait3A_16 = tpu.memref_slice %arg4[%add3A, %dma_wait3A, %dma_wait3A_15] : memref<32x20x128xi32, #tpu.memory_space<hbm>> -> memref<1x20x128xi32, #tpu.memory_space<hbm>>
      %dma_wait3A_17 = tpu.memref_squeeze %dma_wait3A_16 : memref<1x20x128xi32, #tpu.memory_space<hbm>> -> memref<20x128xi32, #tpu.memory_space<hbm>>
      %dma_wait3A_18 = arith.constant 0 : i32
      %dma_wait3A_19 = arith.constant 0 : i32
      %dma_wait3A_20 = tpu.memref_slice %arg4[%add3A, %dma_wait3A_18, %dma_wait3A_19] : memref<32x20x128xi32, #tpu.memory_space<hbm>> -> memref<1x20x128xi32, #tpu.memory_space<hbm>>
      %dma_wait3A_21 = tpu.memref_squeeze %dma_wait3A_20 : memref<1x20x128xi32, #tpu.memory_space<hbm>> -> memref<20x128xi32, #tpu.memory_space<hbm>>
      tpu.wait_dma2 semaphore(%run_scoped3A : memref<!tpu.dma_semaphore, #tpu.memory_space<semaphore_mem>>) src(%dma_wait3A_21 : memref<20x128xi32, #tpu.memory_space<hbm>>) dst(%arg8 : memref<20x128xi32, #tpu.memory_space<vmem>>)
      tpu.yield
    }) : () -> ()
    %mul3A_1 = arith.constant 20 : i32
    %mul3A_2 = arith.muli %add3A, %mul3A_1 : i32
    %scan3A = arith.constant 0 : i32
    %scan3A_3 = arith.constant 0 : i32
    %scan3A_4 = arith.constant 10 : i32
    %scan3A_5 = arith.addi %scan3A_3, %scan3A_4 : i32
    %scan3A_6 = arith.constant 1 : i32
    scf.for %scan3A_8 = %scan3A_3 to %scan3A_5 step %scan3A_6  : i32 {
      %mul3A_9 = arith.constant 2 : i32
      %mul3A_10 = arith.muli %mul3A_9, %scan3A_8 : i32
      %mul3A_11 = arith.constant 2 : i32
      %mul3A_12 = arith.muli %mul3A_11, %scan3A_8 : i32
      %add3A_13 = arith.constant 1 : i32
      %add3A_14 = arith.addi %mul3A_12, %add3A_13 : i32
      %dma_start3A = arith.constant 0 : i32
      %dma_start3A_15 = tpu.memref_slice %arg8[%mul3A_10, %dma_start3A] : memref<20x128xi32, #tpu.memory_space<vmem>> -> memref<1x128xi32, #tpu.memory_space<vmem>>
      %dma_start3A_16 = tpu.memref_squeeze %dma_start3A_15 : memref<1x128xi32, #tpu.memory_space<vmem>> -> memref<128xi32, #tpu.memory_space<vmem>>
      %dma_start3A_17 = arith.constant 0 : i32
      %dma_start3A_18 = arith.constant 0 : i32
      %dma_start3A_19 = tpu.memref_slice %arg2[%dma_start3A_17, %dma_start3A_18] : memref<10000x128xf32, #tpu.memory_space<hbm>> -> memref<10000x128xf32, #tpu.memory_space<hbm>>
      tpu.enqueue_indirect_dma source(%dma_start3A_19 : memref<10000x128xf32, #tpu.memory_space<hbm>>) target(%arg9 : memref<128x128xf32, #tpu.memory_space<vmem>>) offsets(%dma_start3A_16 : memref<128xi32, #tpu.memory_space<vmem>>) semaphore(%arg13 : memref<!tpu.dma_semaphore, #tpu.memory_space<semaphore_mem>>)
      %dma_start3A_20 = arith.constant 0 : i32
      %dma_start3A_21 = tpu.memref_slice %arg7[%mul3A_10, %dma_start3A_20] : memref<20x128xi32, #tpu.memory_space<vmem>> -> memref<1x128xi32, #tpu.memory_space<vmem>>
      %dma_start3A_22 = tpu.memref_squeeze %dma_start3A_21 : memref<1x128xi32, #tpu.memory_space<vmem>> -> memref<128xi32, #tpu.memory_space<vmem>>
      %dma_start3A_23 = arith.constant 0 : i32
      %dma_start3A_24 = arith.constant 0 : i32
      %dma_start3A_25 = tpu.memref_slice %arg2[%dma_start3A_23, %dma_start3A_24] : memref<10000x128xf32, #tpu.memory_space<hbm>> -> memref<10000x128xf32, #tpu.memory_space<hbm>>
      tpu.enqueue_indirect_dma source(%dma_start3A_25 : memref<10000x128xf32, #tpu.memory_space<hbm>>) target(%arg11 : memref<128x128xf32, #tpu.memory_space<vmem>>) offsets(%dma_start3A_22 : memref<128xi32, #tpu.memory_space<vmem>>) semaphore(%arg13 : memref<!tpu.dma_semaphore, #tpu.memory_space<semaphore_mem>>)
      %dma_start3A_26 = arith.constant 0 : i32
      %dma_start3A_27 = tpu.memref_slice %arg8[%add3A_14, %dma_start3A_26] : memref<20x128xi32, #tpu.memory_space<vmem>> -> memref<1x128xi32, #tpu.memory_space<vmem>>
      %dma_start3A_28 = tpu.memref_squeeze %dma_start3A_27 : memref<1x128xi32, #tpu.memory_space<vmem>> -> memref<128xi32, #tpu.memory_space<vmem>>
      %dma_start3A_29 = arith.constant 0 : i32
      %dma_start3A_30 = arith.constant 0 : i32
      %dma_start3A_31 = tpu.memref_slice %arg2[%dma_start3A_29, %dma_start3A_30] : memref<10000x128xf32, #tpu.memory_space<hbm>> -> memref<10000x128xf32, #tpu.memory_space<hbm>>
      tpu.enqueue_indirect_dma source(%dma_start3A_31 : memref<10000x128xf32, #tpu.memory_space<hbm>>) target(%arg10 : memref<128x128xf32, #tpu.memory_space<vmem>>) offsets(%dma_start3A_28 : memref<128xi32, #tpu.memory_space<vmem>>) semaphore(%arg13 : memref<!tpu.dma_semaphore, #tpu.memory_space<semaphore_mem>>)
      %dma_start3A_32 = arith.constant 0 : i32
      %dma_start3A_33 = tpu.memref_slice %arg7[%add3A_14, %dma_start3A_32] : memref<20x128xi32, #tpu.memory_space<vmem>> -> memref<1x128xi32, #tpu.memory_space<vmem>>
      %dma_start3A_34 = tpu.memref_squeeze %dma_start3A_33 : memref<1x128xi32, #tpu.memory_space<vmem>> -> memref<128xi32, #tpu.memory_space<vmem>>
      %dma_start3A_35 = arith.constant 0 : i32
      %dma_start3A_36 = arith.constant 0 : i32
      %dma_start3A_37 = tpu.memref_slice %arg2[%dma_start3A_35, %dma_start3A_36] : memref<10000x128xf32, #tpu.memory_space<hbm>> -> memref<10000x128xf32, #tpu.memory_space<hbm>>
      tpu.enqueue_indirect_dma source(%dma_start3A_37 : memref<10000x128xf32, #tpu.memory_space<hbm>>) target(%arg12 : memref<128x128xf32, #tpu.memory_space<vmem>>) offsets(%dma_start3A_34 : memref<128xi32, #tpu.memory_space<vmem>>) semaphore(%arg13 : memref<!tpu.dma_semaphore, #tpu.memory_space<semaphore_mem>>)
      %dma_wait3A = arith.constant 0 : i32
      %dma_wait3A_38 = tpu.memref_slice %arg8[%mul3A_10, %dma_wait3A] : memref<20x128xi32, #tpu.memory_space<vmem>> -> memref<1x128xi32, #tpu.memory_space<vmem>>
      %dma_wait3A_39 = tpu.memref_squeeze %dma_wait3A_38 : memref<1x128xi32, #tpu.memory_space<vmem>> -> memref<128xi32, #tpu.memory_space<vmem>>
      %dma_wait3A_40 = arith.constant 0 : i32
      %dma_wait3A_41 = arith.constant 0 : i32
      %dma_wait3A_42 = tpu.memref_slice %arg2[%dma_wait3A_40, %dma_wait3A_41] : memref<10000x128xf32, #tpu.memory_space<hbm>> -> memref<10000x128xf32, #tpu.memory_space<hbm>>
      tpu.wait_indirect_dma semaphore(%arg13 : memref<!tpu.dma_semaphore, #tpu.memory_space<semaphore_mem>>) src(%dma_wait3A_42 : memref<10000x128xf32, #tpu.memory_space<hbm>>) dst(%arg9 : memref<128x128xf32, #tpu.memory_space<vmem>>)
      %dma_wait3A_43 = arith.constant 0 : i32
      %dma_wait3A_44 = tpu.memref_slice %arg7[%mul3A_10, %dma_wait3A_43] : memref<20x128xi32, #tpu.memory_space<vmem>> -> memref<1x128xi32, #tpu.memory_space<vmem>>
      %dma_wait3A_45 = tpu.memref_squeeze %dma_wait3A_44 : memref<1x128xi32, #tpu.memory_space<vmem>> -> memref<128xi32, #tpu.memory_space<vmem>>
      %dma_wait3A_46 = arith.constant 0 : i32
      %dma_wait3A_47 = arith.constant 0 : i32
      %dma_wait3A_48 = tpu.memref_slice %arg2[%dma_wait3A_46, %dma_wait3A_47] : memref<10000x128xf32, #tpu.memory_space<hbm>> -> memref<10000x128xf32, #tpu.memory_space<hbm>>
      tpu.wait_indirect_dma semaphore(%arg13 : memref<!tpu.dma_semaphore, #tpu.memory_space<semaphore_mem>>) src(%dma_wait3A_48 : memref<10000x128xf32, #tpu.memory_space<hbm>>) dst(%arg11 : memref<128x128xf32, #tpu.memory_space<vmem>>)
      %dma_wait3A_49 = arith.constant 0 : i32
      %dma_wait3A_50 = tpu.memref_slice %arg8[%add3A_14, %dma_wait3A_49] : memref<20x128xi32, #tpu.memory_space<vmem>> -> memref<1x128xi32, #tpu.memory_space<vmem>>
      %dma_wait3A_51 = tpu.memref_squeeze %dma_wait3A_50 : memref<1x128xi32, #tpu.memory_space<vmem>> -> memref<128xi32, #tpu.memory_space<vmem>>
      %dma_wait3A_52 = arith.constant 0 : i32
      %dma_wait3A_53 = arith.constant 0 : i32
      %dma_wait3A_54 = tpu.memref_slice %arg2[%dma_wait3A_52, %dma_wait3A_53] : memref<10000x128xf32, #tpu.memory_space<hbm>> -> memref<10000x128xf32, #tpu.memory_space<hbm>>
      tpu.wait_indirect_dma semaphore(%arg13 : memref<!tpu.dma_semaphore, #tpu.memory_space<semaphore_mem>>) src(%dma_wait3A_54 : memref<10000x128xf32, #tpu.memory_space<hbm>>) dst(%arg10 : memref<128x128xf32, #tpu.memory_space<vmem>>)
      %dma_wait3A_55 = arith.constant 0 : i32
      %dma_wait3A_56 = tpu.memref_slice %arg7[%add3A_14, %dma_wait3A_55] : memref<20x128xi32, #tpu.memory_space<vmem>> -> memref<1x128xi32, #tpu.memory_space<vmem>>
      %dma_wait3A_57 = tpu.memref_squeeze %dma_wait3A_56 : memref<1x128xi32, #tpu.memory_space<vmem>> -> memref<128xi32, #tpu.memory_space<vmem>>
      %dma_wait3A_58 = arith.constant 0 : i32
      %dma_wait3A_59 = arith.constant 0 : i32
      %dma_wait3A_60 = tpu.memref_slice %arg2[%dma_wait3A_58, %dma_wait3A_59] : memref<10000x128xf32, #tpu.memory_space<hbm>> -> memref<10000x128xf32, #tpu.memory_space<hbm>>
      tpu.wait_indirect_dma semaphore(%arg13 : memref<!tpu.dma_semaphore, #tpu.memory_space<semaphore_mem>>) src(%dma_wait3A_60 : memref<10000x128xf32, #tpu.memory_space<hbm>>) dst(%arg12 : memref<128x128xf32, #tpu.memory_space<vmem>>)
      %add3A_61 = arith.addi %mul3A_2, %mul3A_10 : i32
      %mul3A_62 = arith.constant 128 : i32
      %mul3A_63 = arith.muli %add3A_61, %mul3A_62 : i32
      "tpu.region"() ({
        %run_scoped3A = tpu.sem_alloc : memref<!tpu.dma_semaphore, #tpu.memory_space<semaphore_mem>>
        %dma_start3A_68 = arith.constant 0 : i32
        %dma_start3A_69 = tpu.memref_slice %arg5[%mul3A_63, %dma_start3A_68] : memref<81920x128xf32, #tpu.memory_space<hbm>> -> memref<128x128xf32, #tpu.memory_space<hbm>>
        %dma_start3A_70 = arith.constant 0 : i32
        %dma_start3A_71 = tpu.memref_slice %arg5[%mul3A_63, %dma_start3A_70] : memref<81920x128xf32, #tpu.memory_space<hbm>> -> memref<128x128xf32, #tpu.memory_space<hbm>>
        tpu.enqueue_dma source(%arg9 : memref<128x128xf32, #tpu.memory_space<vmem>>) target(%dma_start3A_71 : memref<128x128xf32, #tpu.memory_space<hbm>>) target_semaphore(%run_scoped3A : memref<!tpu.dma_semaphore, #tpu.memory_space<semaphore_mem>>)
        %dma_wait3A_72 = arith.constant 0 : i32
        %dma_wait3A_73 = tpu.memref_slice %arg5[%mul3A_63, %dma_wait3A_72] : memref<81920x128xf32, #tpu.memory_space<hbm>> -> memref<128x128xf32, #tpu.memory_space<hbm>>
        %dma_wait3A_74 = arith.constant 0 : i32
        %dma_wait3A_75 = tpu.memref_slice %arg5[%mul3A_63, %dma_wait3A_74] : memref<81920x128xf32, #tpu.memory_space<hbm>> -> memref<128x128xf32, #tpu.memory_space<hbm>>
        tpu.wait_dma2 semaphore(%run_scoped3A : memref<!tpu.dma_semaphore, #tpu.memory_space<semaphore_mem>>) src(%arg9 : memref<128x128xf32, #tpu.memory_space<vmem>>) dst(%dma_wait3A_75 : memref<128x128xf32, #tpu.memory_space<hbm>>)
        tpu.yield
      }) : () -> ()
      "tpu.region"() ({
        %run_scoped3A = tpu.sem_alloc : memref<!tpu.dma_semaphore, #tpu.memory_space<semaphore_mem>>
        %dma_start3A_68 = arith.constant 0 : i32
        %dma_start3A_69 = tpu.memref_slice %arg6[%mul3A_63, %dma_start3A_68] : memref<81920x128xf32, #tpu.memory_space<hbm>> -> memref<128x128xf32, #tpu.memory_space<hbm>>
        %dma_start3A_70 = arith.constant 0 : i32
        %dma_start3A_71 = tpu.memref_slice %arg6[%mul3A_63, %dma_start3A_70] : memref<81920x128xf32, #tpu.memory_space<hbm>> -> memref<128x128xf32, #tpu.memory_space<hbm>>
        tpu.enqueue_dma source(%arg11 : memref<128x128xf32, #tpu.memory_space<vmem>>) target(%dma_start3A_71 : memref<128x128xf32, #tpu.memory_space<hbm>>) target_semaphore(%run_scoped3A : memref<!tpu.dma_semaphore, #tpu.memory_space<semaphore_mem>>)
        %dma_wait3A_72 = arith.constant 0 : i32
        %dma_wait3A_73 = tpu.memref_slice %arg6[%mul3A_63, %dma_wait3A_72] : memref<81920x128xf32, #tpu.memory_space<hbm>> -> memref<128x128xf32, #tpu.memory_space<hbm>>
        %dma_wait3A_74 = arith.constant 0 : i32
        %dma_wait3A_75 = tpu.memref_slice %arg6[%mul3A_63, %dma_wait3A_74] : memref<81920x128xf32, #tpu.memory_space<hbm>> -> memref<128x128xf32, #tpu.memory_space<hbm>>
        tpu.wait_dma2 semaphore(%run_scoped3A : memref<!tpu.dma_semaphore, #tpu.memory_space<semaphore_mem>>) src(%arg11 : memref<128x128xf32, #tpu.memory_space<vmem>>) dst(%dma_wait3A_75 : memref<128x128xf32, #tpu.memory_space<hbm>>)
        tpu.yield
      }) : () -> ()
      %add3A_64 = arith.constant 128 : i32
      %add3A_65 = arith.addi %mul3A_63, %add3A_64 : i32
      "tpu.region"() ({
        %run_scoped3A = tpu.sem_alloc : memref<!tpu.dma_semaphore, #tpu.memory_space<semaphore_mem>>
        %dma_start3A_68 = arith.constant 0 : i32
        %dma_start3A_69 = tpu.memref_slice %arg5[%add3A_65, %dma_start3A_68] : memref<81920x128xf32, #tpu.memory_space<hbm>> -> memref<128x128xf32, #tpu.memory_space<hbm>>
        %dma_start3A_70 = arith.constant 0 : i32
        %dma_start3A_71 = tpu.memref_slice %arg5[%add3A_65, %dma_start3A_70] : memref<81920x128xf32, #tpu.memory_space<hbm>> -> memref<128x128xf32, #tpu.memory_space<hbm>>
        tpu.enqueue_dma source(%arg10 : memref<128x128xf32, #tpu.memory_space<vmem>>) target(%dma_start3A_71 : memref<128x128xf32, #tpu.memory_space<hbm>>) target_semaphore(%run_scoped3A : memref<!tpu.dma_semaphore, #tpu.memory_space<semaphore_mem>>)
        %dma_wait3A_72 = arith.constant 0 : i32
        %dma_wait3A_73 = tpu.memref_slice %arg5[%add3A_65, %dma_wait3A_72] : memref<81920x128xf32, #tpu.memory_space<hbm>> -> memref<128x128xf32, #tpu.memory_space<hbm>>
        %dma_wait3A_74 = arith.constant 0 : i32
        %dma_wait3A_75 = tpu.memref_slice %arg5[%add3A_65, %dma_wait3A_74] : memref<81920x128xf32, #tpu.memory_space<hbm>> -> memref<128x128xf32, #tpu.memory_space<hbm>>
        tpu.wait_dma2 semaphore(%run_scoped3A : memref<!tpu.dma_semaphore, #tpu.memory_space<semaphore_mem>>) src(%arg10 : memref<128x128xf32, #tpu.memory_space<vmem>>) dst(%dma_wait3A_75 : memref<128x128xf32, #tpu.memory_space<hbm>>)
        tpu.yield
      }) : () -> ()
      %add3A_66 = arith.constant 128 : i32
      %add3A_67 = arith.addi %mul3A_63, %add3A_66 : i32
      "tpu.region"() ({
        %run_scoped3A = tpu.sem_alloc : memref<!tpu.dma_semaphore, #tpu.memory_space<semaphore_mem>>
        %dma_start3A_68 = arith.constant 0 : i32
        %dma_start3A_69 = tpu.memref_slice %arg6[%add3A_67, %dma_start3A_68] : memref<81920x128xf32, #tpu.memory_space<hbm>> -> memref<128x128xf32, #tpu.memory_space<hbm>>
        %dma_start3A_70 = arith.constant 0 : i32
        %dma_start3A_71 = tpu.memref_slice %arg6[%add3A_67, %dma_start3A_70] : memref<81920x128xf32, #tpu.memory_space<hbm>> -> memref<128x128xf32, #tpu.memory_space<hbm>>
        tpu.enqueue_dma source(%arg12 : memref<128x128xf32, #tpu.memory_space<vmem>>) target(%dma_start3A_71 : memref<128x128xf32, #tpu.memory_space<hbm>>) target_semaphore(%run_scoped3A : memref<!tpu.dma_semaphore, #tpu.memory_space<semaphore_mem>>)
        %dma_wait3A_72 = arith.constant 0 : i32
        %dma_wait3A_73 = tpu.memref_slice %arg6[%add3A_67, %dma_wait3A_72] : memref<81920x128xf32, #tpu.memory_space<hbm>> -> memref<128x128xf32, #tpu.memory_space<hbm>>
        %dma_wait3A_74 = arith.constant 0 : i32
        %dma_wait3A_75 = tpu.memref_slice %arg6[%add3A_67, %dma_wait3A_74] : memref<81920x128xf32, #tpu.memory_space<hbm>> -> memref<128x128xf32, #tpu.memory_space<hbm>>
        tpu.wait_dma2 semaphore(%run_scoped3A : memref<!tpu.dma_semaphore, #tpu.memory_space<semaphore_mem>>) src(%arg12 : memref<128x128xf32, #tpu.memory_space<vmem>>) dst(%dma_wait3A_75 : memref<128x128xf32, #tpu.memory_space<hbm>>)
        tpu.yield
      }) : () -> ()
    }
    %scan3A_7 = arith.constant 10 : i32
    return
  }
}

#map = affine_map<(d0, d1) -> (0, 0)>
#map1 = affine_map<(d0, d1) -> (0, 0, 0)>
module attributes {stable_mosaic.version = 14 : i64} {
  func.func @_gather_body(%arg0: i32, %arg1: i32, %arg2: memref<10000x128xf32, #tpu.memory_space<hbm>>, %arg3: memref<32x20x128xi32, #tpu.memory_space<hbm>>, %arg4: memref<32x20x128xi32, #tpu.memory_space<hbm>>, %arg5: memref<81920x128xf32, #tpu.memory_space<hbm>>, %arg6: memref<81920x128xf32, #tpu.memory_space<hbm>>, %arg7: memref<20x128xi32, #tpu.memory_space<vmem>>, %arg8: memref<20x128xi32, #tpu.memory_space<vmem>>, %arg9: memref<128x128xf32, #tpu.memory_space<vmem>>, %arg10: memref<128x128xf32, #tpu.memory_space<vmem>>, %arg11: memref<128x128xf32, #tpu.memory_space<vmem>>, %arg12: memref<128x128xf32, #tpu.memory_space<vmem>>, %arg13: memref<!tpu.dma_semaphore, #tpu.memory_space<semaphore_mem>>) attributes {dimension_semantics = [#tpu.dimension_semantics<core_parallel>, #tpu.dimension_semantics<subcore_parallel>], iteration_bounds = array<i64: 2, 16>, scalar_prefetch = 0 : i64, scratch_operands = 7 : i64, tpu.core_type = #tpu.core_type<sc_vector_subcore>, window_params = [{transform_indices = #map}, {transform_indices = #map1}, {transform_indices = #map1}, {transform_indices = #map}, {transform_indices = #map}]} {
    %mul3A = arith.constant 2 : i32
    %mul3A_0 = arith.muli %arg1, %mul3A : i32
    %add3A = arith.addi %mul3A_0, %arg0 : i32
    "tpu.region"() ({
      %run_scoped3A = tpu.sem_alloc : memref<!tpu.dma_semaphore, #tpu.memory_space<semaphore_mem>>
      %dma_start3A = arith.constant 0 : i32
      %dma_start3A_8 = arith.constant 0 : i32
      %dma_start3A_9 = tpu.memref_slice %arg3[%add3A, %dma_start3A, %dma_start3A_8] : memref<32x20x128xi32, #tpu.memory_space<hbm>> -> memref<1x20x128xi32, #tpu.memory_space<hbm>>
      %dma_start3A_10 = tpu.memref_squeeze %dma_start3A_9 : memref<1x20x128xi32, #tpu.memory_space<hbm>> -> memref<20x128xi32, #tpu.memory_space<hbm>>
      %dma_start3A_11 = arith.constant 0 : i32
      %dma_start3A_12 = arith.constant 0 : i32
      %dma_start3A_13 = tpu.memref_slice %arg3[%add3A, %dma_start3A_11, %dma_start3A_12] : memref<32x20x128xi32, #tpu.memory_space<hbm>> -> memref<1x20x128xi32, #tpu.memory_space<hbm>>
      %dma_start3A_14 = tpu.memref_squeeze %dma_start3A_13 : memref<1x20x128xi32, #tpu.memory_space<hbm>> -> memref<20x128xi32, #tpu.memory_space<hbm>>
      tpu.enqueue_dma source(%dma_start3A_14 : memref<20x128xi32, #tpu.memory_space<hbm>>) target(%arg7 : memref<20x128xi32, #tpu.memory_space<vmem>>) target_semaphore(%run_scoped3A : memref<!tpu.dma_semaphore, #tpu.memory_space<semaphore_mem>>)
      %dma_wait3A = arith.constant 0 : i32
      %dma_wait3A_15 = arith.constant 0 : i32
      %dma_wait3A_16 = tpu.memref_slice %arg3[%add3A, %dma_wait3A, %dma_wait3A_15] : memref<32x20x128xi32, #tpu.memory_space<hbm>> -> memref<1x20x128xi32, #tpu.memory_space<hbm>>
      %dma_wait3A_17 = tpu.memref_squeeze %dma_wait3A_16 : memref<1x20x128xi32, #tpu.memory_space<hbm>> -> memref<20x128xi32, #tpu.memory_space<hbm>>
      %dma_wait3A_18 = arith.constant 0 : i32
      %dma_wait3A_19 = arith.constant 0 : i32
      %dma_wait3A_20 = tpu.memref_slice %arg3[%add3A, %dma_wait3A_18, %dma_wait3A_19] : memref<32x20x128xi32, #tpu.memory_space<hbm>> -> memref<1x20x128xi32, #tpu.memory_space<hbm>>
      %dma_wait3A_21 = tpu.memref_squeeze %dma_wait3A_20 : memref<1x20x128xi32, #tpu.memory_space<hbm>> -> memref<20x128xi32, #tpu.memory_space<hbm>>
      tpu.wait_dma2 semaphore(%run_scoped3A : memref<!tpu.dma_semaphore, #tpu.memory_space<semaphore_mem>>) src(%dma_wait3A_21 : memref<20x128xi32, #tpu.memory_space<hbm>>) dst(%arg7 : memref<20x128xi32, #tpu.memory_space<vmem>>)
      tpu.yield
    }) : () -> ()
    "tpu.region"() ({
      %run_scoped3A = tpu.sem_alloc : memref<!tpu.dma_semaphore, #tpu.memory_space<semaphore_mem>>
      %dma_start3A = arith.constant 0 : i32
      %dma_start3A_8 = arith.constant 0 : i32
      %dma_start3A_9 = tpu.memref_slice %arg4[%add3A, %dma_start3A, %dma_start3A_8] : memref<32x20x128xi32, #tpu.memory_space<hbm>> -> memref<1x20x128xi32, #tpu.memory_space<hbm>>
      %dma_start3A_10 = tpu.memref_squeeze %dma_start3A_9 : memref<1x20x128xi32, #tpu.memory_space<hbm>> -> memref<20x128xi32, #tpu.memory_space<hbm>>
      %dma_start3A_11 = arith.constant 0 : i32
      %dma_start3A_12 = arith.constant 0 : i32
      %dma_start3A_13 = tpu.memref_slice %arg4[%add3A, %dma_start3A_11, %dma_start3A_12] : memref<32x20x128xi32, #tpu.memory_space<hbm>> -> memref<1x20x128xi32, #tpu.memory_space<hbm>>
      %dma_start3A_14 = tpu.memref_squeeze %dma_start3A_13 : memref<1x20x128xi32, #tpu.memory_space<hbm>> -> memref<20x128xi32, #tpu.memory_space<hbm>>
      tpu.enqueue_dma source(%dma_start3A_14 : memref<20x128xi32, #tpu.memory_space<hbm>>) target(%arg8 : memref<20x128xi32, #tpu.memory_space<vmem>>) target_semaphore(%run_scoped3A : memref<!tpu.dma_semaphore, #tpu.memory_space<semaphore_mem>>)
      %dma_wait3A = arith.constant 0 : i32
      %dma_wait3A_15 = arith.constant 0 : i32
      %dma_wait3A_16 = tpu.memref_slice %arg4[%add3A, %dma_wait3A, %dma_wait3A_15] : memref<32x20x128xi32, #tpu.memory_space<hbm>> -> memref<1x20x128xi32, #tpu.memory_space<hbm>>
      %dma_wait3A_17 = tpu.memref_squeeze %dma_wait3A_16 : memref<1x20x128xi32, #tpu.memory_space<hbm>> -> memref<20x128xi32, #tpu.memory_space<hbm>>
      %dma_wait3A_18 = arith.constant 0 : i32
      %dma_wait3A_19 = arith.constant 0 : i32
      %dma_wait3A_20 = tpu.memref_slice %arg4[%add3A, %dma_wait3A_18, %dma_wait3A_19] : memref<32x20x128xi32, #tpu.memory_space<hbm>> -> memref<1x20x128xi32, #tpu.memory_space<hbm>>
      %dma_wait3A_21 = tpu.memref_squeeze %dma_wait3A_20 : memref<1x20x128xi32, #tpu.memory_space<hbm>> -> memref<20x128xi32, #tpu.memory_space<hbm>>
      tpu.wait_dma2 semaphore(%run_scoped3A : memref<!tpu.dma_semaphore, #tpu.memory_space<semaphore_mem>>) src(%dma_wait3A_21 : memref<20x128xi32, #tpu.memory_space<hbm>>) dst(%arg8 : memref<20x128xi32, #tpu.memory_space<vmem>>)
      tpu.yield
    }) : () -> ()
    %mul3A_1 = arith.constant 20 : i32
    %mul3A_2 = arith.muli %add3A, %mul3A_1 : i32
    %scan3A = arith.constant 0 : i32
    %scan3A_3 = arith.constant 0 : i32
    %scan3A_4 = arith.constant 10 : i32
    %scan3A_5 = arith.addi %scan3A_3, %scan3A_4 : i32
    %scan3A_6 = arith.constant 1 : i32
    scf.for %scan3A_8 = %scan3A_3 to %scan3A_5 step %scan3A_6  : i32 {
      %mul3A_9 = arith.constant 2 : i32
      %mul3A_10 = arith.muli %mul3A_9, %scan3A_8 : i32
      %mul3A_11 = arith.constant 2 : i32
      %mul3A_12 = arith.muli %mul3A_11, %scan3A_8 : i32
      %add3A_13 = arith.constant 1 : i32
      %add3A_14 = arith.addi %mul3A_12, %add3A_13 : i32
      %dma_start3A = arith.constant 0 : i32
      %dma_start3A_15 = tpu.memref_slice %arg8[%mul3A_10, %dma_start3A] : memref<20x128xi32, #tpu.memory_space<vmem>> -> memref<1x128xi32, #tpu.memory_space<vmem>>
      %dma_start3A_16 = tpu.memref_squeeze %dma_start3A_15 : memref<1x128xi32, #tpu.memory_space<vmem>> -> memref<128xi32, #tpu.memory_space<vmem>>
      %dma_start3A_17 = arith.constant 0 : i32
      %dma_start3A_18 = arith.constant 0 : i32
      %dma_start3A_19 = tpu.memref_slice %arg2[%dma_start3A_17, %dma_start3A_18] : memref<10000x128xf32, #tpu.memory_space<hbm>> -> memref<10000x128xf32, #tpu.memory_space<hbm>>
      tpu.enqueue_indirect_dma source(%dma_start3A_19 : memref<10000x128xf32, #tpu.memory_space<hbm>>) target(%arg9 : memref<128x128xf32, #tpu.memory_space<vmem>>) offsets(%dma_start3A_16 : memref<128xi32, #tpu.memory_space<vmem>>) semaphore(%arg13 : memref<!tpu.dma_semaphore, #tpu.memory_space<semaphore_mem>>)
      %dma_start3A_20 = arith.constant 0 : i32
      %dma_start3A_21 = tpu.memref_slice %arg7[%mul3A_10, %dma_start3A_20] : memref<20x128xi32, #tpu.memory_space<vmem>> -> memref<1x128xi32, #tpu.memory_space<vmem>>
      %dma_start3A_22 = tpu.memref_squeeze %dma_start3A_21 : memref<1x128xi32, #tpu.memory_space<vmem>> -> memref<128xi32, #tpu.memory_space<vmem>>
      %dma_start3A_23 = arith.constant 0 : i32
      %dma_start3A_24 = arith.constant 0 : i32
      %dma_start3A_25 = tpu.memref_slice %arg2[%dma_start3A_23, %dma_start3A_24] : memref<10000x128xf32, #tpu.memory_space<hbm>> -> memref<10000x128xf32, #tpu.memory_space<hbm>>
      tpu.enqueue_indirect_dma source(%dma_start3A_25 : memref<10000x128xf32, #tpu.memory_space<hbm>>) target(%arg11 : memref<128x128xf32, #tpu.memory_space<vmem>>) offsets(%dma_start3A_22 : memref<128xi32, #tpu.memory_space<vmem>>) semaphore(%arg13 : memref<!tpu.dma_semaphore, #tpu.memory_space<semaphore_mem>>)
      %dma_start3A_26 = arith.constant 0 : i32
      %dma_start3A_27 = tpu.memref_slice %arg8[%add3A_14, %dma_start3A_26] : memref<20x128xi32, #tpu.memory_space<vmem>> -> memref<1x128xi32, #tpu.memory_space<vmem>>
      %dma_start3A_28 = tpu.memref_squeeze %dma_start3A_27 : memref<1x128xi32, #tpu.memory_space<vmem>> -> memref<128xi32, #tpu.memory_space<vmem>>
      %dma_start3A_29 = arith.constant 0 : i32
      %dma_start3A_30 = arith.constant 0 : i32
      %dma_start3A_31 = tpu.memref_slice %arg2[%dma_start3A_29, %dma_start3A_30] : memref<10000x128xf32, #tpu.memory_space<hbm>> -> memref<10000x128xf32, #tpu.memory_space<hbm>>
      tpu.enqueue_indirect_dma source(%dma_start3A_31 : memref<10000x128xf32, #tpu.memory_space<hbm>>) target(%arg10 : memref<128x128xf32, #tpu.memory_space<vmem>>) offsets(%dma_start3A_28 : memref<128xi32, #tpu.memory_space<vmem>>) semaphore(%arg13 : memref<!tpu.dma_semaphore, #tpu.memory_space<semaphore_mem>>)
      %dma_start3A_32 = arith.constant 0 : i32
      %dma_start3A_33 = tpu.memref_slice %arg7[%add3A_14, %dma_start3A_32] : memref<20x128xi32, #tpu.memory_space<vmem>> -> memref<1x128xi32, #tpu.memory_space<vmem>>
      %dma_start3A_34 = tpu.memref_squeeze %dma_start3A_33 : memref<1x128xi32, #tpu.memory_space<vmem>> -> memref<128xi32, #tpu.memory_space<vmem>>
      %dma_start3A_35 = arith.constant 0 : i32
      %dma_start3A_36 = arith.constant 0 : i32
      %dma_start3A_37 = tpu.memref_slice %arg2[%dma_start3A_35, %dma_start3A_36] : memref<10000x128xf32, #tpu.memory_space<hbm>> -> memref<10000x128xf32, #tpu.memory_space<hbm>>
      tpu.enqueue_indirect_dma source(%dma_start3A_37 : memref<10000x128xf32, #tpu.memory_space<hbm>>) target(%arg12 : memref<128x128xf32, #tpu.memory_space<vmem>>) offsets(%dma_start3A_34 : memref<128xi32, #tpu.memory_space<vmem>>) semaphore(%arg13 : memref<!tpu.dma_semaphore, #tpu.memory_space<semaphore_mem>>)
      %dma_wait3A = arith.constant 0 : i32
      %dma_wait3A_38 = tpu.memref_slice %arg8[%mul3A_10, %dma_wait3A] : memref<20x128xi32, #tpu.memory_space<vmem>> -> memref<1x128xi32, #tpu.memory_space<vmem>>
      %dma_wait3A_39 = tpu.memref_squeeze %dma_wait3A_38 : memref<1x128xi32, #tpu.memory_space<vmem>> -> memref<128xi32, #tpu.memory_space<vmem>>
      %dma_wait3A_40 = arith.constant 0 : i32
      %dma_wait3A_41 = arith.constant 0 : i32
      %dma_wait3A_42 = tpu.memref_slice %arg2[%dma_wait3A_40, %dma_wait3A_41] : memref<10000x128xf32, #tpu.memory_space<hbm>> -> memref<10000x128xf32, #tpu.memory_space<hbm>>
      tpu.wait_indirect_dma semaphore(%arg13 : memref<!tpu.dma_semaphore, #tpu.memory_space<semaphore_mem>>) src(%dma_wait3A_42 : memref<10000x128xf32, #tpu.memory_space<hbm>>) dst(%arg9 : memref<128x128xf32, #tpu.memory_space<vmem>>)
      %dma_wait3A_43 = arith.constant 0 : i32
      %dma_wait3A_44 = tpu.memref_slice %arg7[%mul3A_10, %dma_wait3A_43] : memref<20x128xi32, #tpu.memory_space<vmem>> -> memref<1x128xi32, #tpu.memory_space<vmem>>
      %dma_wait3A_45 = tpu.memref_squeeze %dma_wait3A_44 : memref<1x128xi32, #tpu.memory_space<vmem>> -> memref<128xi32, #tpu.memory_space<vmem>>
      %dma_wait3A_46 = arith.constant 0 : i32
      %dma_wait3A_47 = arith.constant 0 : i32
      %dma_wait3A_48 = tpu.memref_slice %arg2[%dma_wait3A_46, %dma_wait3A_47] : memref<10000x128xf32, #tpu.memory_space<hbm>> -> memref<10000x128xf32, #tpu.memory_space<hbm>>
      tpu.wait_indirect_dma semaphore(%arg13 : memref<!tpu.dma_semaphore, #tpu.memory_space<semaphore_mem>>) src(%dma_wait3A_48 : memref<10000x128xf32, #tpu.memory_space<hbm>>) dst(%arg11 : memref<128x128xf32, #tpu.memory_space<vmem>>)
      %dma_wait3A_49 = arith.constant 0 : i32
      %dma_wait3A_50 = tpu.memref_slice %arg8[%add3A_14, %dma_wait3A_49] : memref<20x128xi32, #tpu.memory_space<vmem>> -> memref<1x128xi32, #tpu.memory_space<vmem>>
      %dma_wait3A_51 = tpu.memref_squeeze %dma_wait3A_50 : memref<1x128xi32, #tpu.memory_space<vmem>> -> memref<128xi32, #tpu.memory_space<vmem>>
      %dma_wait3A_52 = arith.constant 0 : i32
      %dma_wait3A_53 = arith.constant 0 : i32
      %dma_wait3A_54 = tpu.memref_slice %arg2[%dma_wait3A_52, %dma_wait3A_53] : memref<10000x128xf32, #tpu.memory_space<hbm>> -> memref<10000x128xf32, #tpu.memory_space<hbm>>
      tpu.wait_indirect_dma semaphore(%arg13 : memref<!tpu.dma_semaphore, #tpu.memory_space<semaphore_mem>>) src(%dma_wait3A_54 : memref<10000x128xf32, #tpu.memory_space<hbm>>) dst(%arg10 : memref<128x128xf32, #tpu.memory_space<vmem>>)
      %dma_wait3A_55 = arith.constant 0 : i32
      %dma_wait3A_56 = tpu.memref_slice %arg7[%add3A_14, %dma_wait3A_55] : memref<20x128xi32, #tpu.memory_space<vmem>> -> memref<1x128xi32, #tpu.memory_space<vmem>>
      %dma_wait3A_57 = tpu.memref_squeeze %dma_wait3A_56 : memref<1x128xi32, #tpu.memory_space<vmem>> -> memref<128xi32, #tpu.memory_space<vmem>>
      %dma_wait3A_58 = arith.constant 0 : i32
      %dma_wait3A_59 = arith.constant 0 : i32
      %dma_wait3A_60 = tpu.memref_slice %arg2[%dma_wait3A_58, %dma_wait3A_59] : memref<10000x128xf32, #tpu.memory_space<hbm>> -> memref<10000x128xf32, #tpu.memory_space<hbm>>
      tpu.wait_indirect_dma semaphore(%arg13 : memref<!tpu.dma_semaphore, #tpu.memory_space<semaphore_mem>>) src(%dma_wait3A_60 : memref<10000x128xf32, #tpu.memory_space<hbm>>) dst(%arg12 : memref<128x128xf32, #tpu.memory_space<vmem>>)
      %add3A_61 = arith.addi %mul3A_2, %mul3A_10 : i32
      %mul3A_62 = arith.constant 128 : i32
      %mul3A_63 = arith.muli %add3A_61, %mul3A_62 : i32
      "tpu.region"() ({
        %run_scoped3A = tpu.sem_alloc : memref<!tpu.dma_semaphore, #tpu.memory_space<semaphore_mem>>
        %dma_start3A_68 = arith.constant 0 : i32
        %dma_start3A_69 = tpu.memref_slice %arg5[%mul3A_63, %dma_start3A_68] : memref<81920x128xf32, #tpu.memory_space<hbm>> -> memref<128x128xf32, #tpu.memory_space<hbm>>
        %dma_start3A_70 = arith.constant 0 : i32
        %dma_start3A_71 = tpu.memref_slice %arg5[%mul3A_63, %dma_start3A_70] : memref<81920x128xf32, #tpu.memory_space<hbm>> -> memref<128x128xf32, #tpu.memory_space<hbm>>
        tpu.enqueue_dma source(%arg9 : memref<128x128xf32, #tpu.memory_space<vmem>>) target(%dma_start3A_71 : memref<128x128xf32, #tpu.memory_space<hbm>>) target_semaphore(%run_scoped3A : memref<!tpu.dma_semaphore, #tpu.memory_space<semaphore_mem>>)
        %dma_wait3A_72 = arith.constant 0 : i32
        %dma_wait3A_73 = tpu.memref_slice %arg5[%mul3A_63, %dma_wait3A_72] : memref<81920x128xf32, #tpu.memory_space<hbm>> -> memref<128x128xf32, #tpu.memory_space<hbm>>
        %dma_wait3A_74 = arith.constant 0 : i32
        %dma_wait3A_75 = tpu.memref_slice %arg5[%mul3A_63, %dma_wait3A_74] : memref<81920x128xf32, #tpu.memory_space<hbm>> -> memref<128x128xf32, #tpu.memory_space<hbm>>
        tpu.wait_dma2 semaphore(%run_scoped3A : memref<!tpu.dma_semaphore, #tpu.memory_space<semaphore_mem>>) src(%arg9 : memref<128x128xf32, #tpu.memory_space<vmem>>) dst(%dma_wait3A_75 : memref<128x128xf32, #tpu.memory_space<hbm>>)
        tpu.yield
      }) : () -> ()
      "tpu.region"() ({
        %run_scoped3A = tpu.sem_alloc : memref<!tpu.dma_semaphore, #tpu.memory_space<semaphore_mem>>
        %dma_start3A_68 = arith.constant 0 : i32
        %dma_start3A_69 = tpu.memref_slice %arg6[%mul3A_63, %dma_start3A_68] : memref<81920x128xf32, #tpu.memory_space<hbm>> -> memref<128x128xf32, #tpu.memory_space<hbm>>
        %dma_start3A_70 = arith.constant 0 : i32
        %dma_start3A_71 = tpu.memref_slice %arg6[%mul3A_63, %dma_start3A_70] : memref<81920x128xf32, #tpu.memory_space<hbm>> -> memref<128x128xf32, #tpu.memory_space<hbm>>
        tpu.enqueue_dma source(%arg11 : memref<128x128xf32, #tpu.memory_space<vmem>>) target(%dma_start3A_71 : memref<128x128xf32, #tpu.memory_space<hbm>>) target_semaphore(%run_scoped3A : memref<!tpu.dma_semaphore, #tpu.memory_space<semaphore_mem>>)
        %dma_wait3A_72 = arith.constant 0 : i32
        %dma_wait3A_73 = tpu.memref_slice %arg6[%mul3A_63, %dma_wait3A_72] : memref<81920x128xf32, #tpu.memory_space<hbm>> -> memref<128x128xf32, #tpu.memory_space<hbm>>
        %dma_wait3A_74 = arith.constant 0 : i32
        %dma_wait3A_75 = tpu.memref_slice %arg6[%mul3A_63, %dma_wait3A_74] : memref<81920x128xf32, #tpu.memory_space<hbm>> -> memref<128x128xf32, #tpu.memory_space<hbm>>
        tpu.wait_dma2 semaphore(%run_scoped3A : memref<!tpu.dma_semaphore, #tpu.memory_space<semaphore_mem>>) src(%arg11 : memref<128x128xf32, #tpu.memory_space<vmem>>) dst(%dma_wait3A_75 : memref<128x128xf32, #tpu.memory_space<hbm>>)
        tpu.yield
      }) : () -> ()
      %add3A_64 = arith.constant 128 : i32
      %add3A_65 = arith.addi %mul3A_63, %add3A_64 : i32
      "tpu.region"() ({
        %run_scoped3A = tpu.sem_alloc : memref<!tpu.dma_semaphore, #tpu.memory_space<semaphore_mem>>
        %dma_start3A_68 = arith.constant 0 : i32
        %dma_start3A_69 = tpu.memref_slice %arg5[%add3A_65, %dma_start3A_68] : memref<81920x128xf32, #tpu.memory_space<hbm>> -> memref<128x128xf32, #tpu.memory_space<hbm>>
        %dma_start3A_70 = arith.constant 0 : i32
        %dma_start3A_71 = tpu.memref_slice %arg5[%add3A_65, %dma_start3A_70] : memref<81920x128xf32, #tpu.memory_space<hbm>> -> memref<128x128xf32, #tpu.memory_space<hbm>>
        tpu.enqueue_dma source(%arg10 : memref<128x128xf32, #tpu.memory_space<vmem>>) target(%dma_start3A_71 : memref<128x128xf32, #tpu.memory_space<hbm>>) target_semaphore(%run_scoped3A : memref<!tpu.dma_semaphore, #tpu.memory_space<semaphore_mem>>)
        %dma_wait3A_72 = arith.constant 0 : i32
        %dma_wait3A_73 = tpu.memref_slice %arg5[%add3A_65, %dma_wait3A_72] : memref<81920x128xf32, #tpu.memory_space<hbm>> -> memref<128x128xf32, #tpu.memory_space<hbm>>
        %dma_wait3A_74 = arith.constant 0 : i32
        %dma_wait3A_75 = tpu.memref_slice %arg5[%add3A_65, %dma_wait3A_74] : memref<81920x128xf32, #tpu.memory_space<hbm>> -> memref<128x128xf32, #tpu.memory_space<hbm>>
        tpu.wait_dma2 semaphore(%run_scoped3A : memref<!tpu.dma_semaphore, #tpu.memory_space<semaphore_mem>>) src(%arg10 : memref<128x128xf32, #tpu.memory_space<vmem>>) dst(%dma_wait3A_75 : memref<128x128xf32, #tpu.memory_space<hbm>>)
        tpu.yield
      }) : () -> ()
      %add3A_66 = arith.constant 128 : i32
      %add3A_67 = arith.addi %mul3A_63, %add3A_66 : i32
      "tpu.region"() ({
        %run_scoped3A = tpu.sem_alloc : memref<!tpu.dma_semaphore, #tpu.memory_space<semaphore_mem>>
        %dma_start3A_68 = arith.constant 0 : i32
        %dma_start3A_69 = tpu.memref_slice %arg6[%add3A_67, %dma_start3A_68] : memref<81920x128xf32, #tpu.memory_space<hbm>> -> memref<128x128xf32, #tpu.memory_space<hbm>>
        %dma_start3A_70 = arith.constant 0 : i32
        %dma_start3A_71 = tpu.memref_slice %arg6[%add3A_67, %dma_start3A_70] : memref<81920x128xf32, #tpu.memory_space<hbm>> -> memref<128x128xf32, #tpu.memory_space<hbm>>
        tpu.enqueue_dma source(%arg12 : memref<128x128xf32, #tpu.memory_space<vmem>>) target(%dma_start3A_71 : memref<128x128xf32, #tpu.memory_space<hbm>>) target_semaphore(%run_scoped3A : memref<!tpu.dma_semaphore, #tpu.memory_space<semaphore_mem>>)
        %dma_wait3A_72 = arith.constant 0 : i32
        %dma_wait3A_73 = tpu.memref_slice %arg6[%add3A_67, %dma_wait3A_72] : memref<81920x128xf32, #tpu.memory_space<hbm>> -> memref<128x128xf32, #tpu.memory_space<hbm>>
        %dma_wait3A_74 = arith.constant 0 : i32
        %dma_wait3A_75 = tpu.memref_slice %arg6[%add3A_67, %dma_wait3A_74] : memref<81920x128xf32, #tpu.memory_space<hbm>> -> memref<128x128xf32, #tpu.memory_space<hbm>>
        tpu.wait_dma2 semaphore(%run_scoped3A : memref<!tpu.dma_semaphore, #tpu.memory_space<semaphore_mem>>) src(%arg12 : memref<128x128xf32, #tpu.memory_space<vmem>>) dst(%dma_wait3A_75 : memref<128x128xf32, #tpu.memory_space<hbm>>)
        tpu.yield
      }) : () -> ()
    }
    %scan3A_7 = arith.constant 10 : i32
    return
  }
}

#map = affine_map<(d0, d1) -> (0, 0)>
#map1 = affine_map<(d0, d1) -> (0, 0, 0)>
module attributes {stable_mosaic.version = 14 : i64} {
  func.func @_gather_body(%arg0: i32, %arg1: i32, %arg2: memref<10000x128xf32, #tpu.memory_space<hbm>>, %arg3: memref<32x20x128xi32, #tpu.memory_space<hbm>>, %arg4: memref<32x20x128xi32, #tpu.memory_space<hbm>>, %arg5: memref<81920x128xf32, #tpu.memory_space<hbm>>, %arg6: memref<81920x128xf32, #tpu.memory_space<hbm>>, %arg7: memref<20x128xi32, #tpu.memory_space<vmem>>, %arg8: memref<20x128xi32, #tpu.memory_space<vmem>>, %arg9: memref<128x128xf32, #tpu.memory_space<vmem>>, %arg10: memref<128x128xf32, #tpu.memory_space<vmem>>, %arg11: memref<128x128xf32, #tpu.memory_space<vmem>>, %arg12: memref<128x128xf32, #tpu.memory_space<vmem>>, %arg13: memref<!tpu.dma_semaphore, #tpu.memory_space<semaphore_mem>>) attributes {dimension_semantics = [#tpu.dimension_semantics<core_parallel>, #tpu.dimension_semantics<subcore_parallel>], iteration_bounds = array<i64: 2, 16>, scalar_prefetch = 0 : i64, scratch_operands = 7 : i64, tpu.core_type = #tpu.core_type<sc_vector_subcore>, window_params = [{transform_indices = #map}, {transform_indices = #map1}, {transform_indices = #map1}, {transform_indices = #map}, {transform_indices = #map}]} {
    %mul3A = arith.constant 2 : i32
    %mul3A_0 = arith.muli %arg1, %mul3A : i32
    %add3A = arith.addi %mul3A_0, %arg0 : i32
    "tpu.region"() ({
      %run_scoped3A = tpu.sem_alloc : memref<!tpu.dma_semaphore, #tpu.memory_space<semaphore_mem>>
      %dma_start3A = arith.constant 0 : i32
      %dma_start3A_8 = arith.constant 0 : i32
      %dma_start3A_9 = tpu.memref_slice %arg3[%add3A, %dma_start3A, %dma_start3A_8] : memref<32x20x128xi32, #tpu.memory_space<hbm>> -> memref<1x20x128xi32, #tpu.memory_space<hbm>>
      %dma_start3A_10 = tpu.memref_squeeze %dma_start3A_9 : memref<1x20x128xi32, #tpu.memory_space<hbm>> -> memref<20x128xi32, #tpu.memory_space<hbm>>
      %dma_start3A_11 = arith.constant 0 : i32
      %dma_start3A_12 = arith.constant 0 : i32
      %dma_start3A_13 = tpu.memref_slice %arg3[%add3A, %dma_start3A_11, %dma_start3A_12] : memref<32x20x128xi32, #tpu.memory_space<hbm>> -> memref<1x20x128xi32, #tpu.memory_space<hbm>>
      %dma_start3A_14 = tpu.memref_squeeze %dma_start3A_13 : memref<1x20x128xi32, #tpu.memory_space<hbm>> -> memref<20x128xi32, #tpu.memory_space<hbm>>
      tpu.enqueue_dma source(%dma_start3A_14 : memref<20x128xi32, #tpu.memory_space<hbm>>) target(%arg7 : memref<20x128xi32, #tpu.memory_space<vmem>>) target_semaphore(%run_scoped3A : memref<!tpu.dma_semaphore, #tpu.memory_space<semaphore_mem>>)
      %dma_wait3A = arith.constant 0 : i32
      %dma_wait3A_15 = arith.constant 0 : i32
      %dma_wait3A_16 = tpu.memref_slice %arg3[%add3A, %dma_wait3A, %dma_wait3A_15] : memref<32x20x128xi32, #tpu.memory_space<hbm>> -> memref<1x20x128xi32, #tpu.memory_space<hbm>>
      %dma_wait3A_17 = tpu.memref_squeeze %dma_wait3A_16 : memref<1x20x128xi32, #tpu.memory_space<hbm>> -> memref<20x128xi32, #tpu.memory_space<hbm>>
      %dma_wait3A_18 = arith.constant 0 : i32
      %dma_wait3A_19 = arith.constant 0 : i32
      %dma_wait3A_20 = tpu.memref_slice %arg3[%add3A, %dma_wait3A_18, %dma_wait3A_19] : memref<32x20x128xi32, #tpu.memory_space<hbm>> -> memref<1x20x128xi32, #tpu.memory_space<hbm>>
      %dma_wait3A_21 = tpu.memref_squeeze %dma_wait3A_20 : memref<1x20x128xi32, #tpu.memory_space<hbm>> -> memref<20x128xi32, #tpu.memory_space<hbm>>
      tpu.wait_dma2 semaphore(%run_scoped3A : memref<!tpu.dma_semaphore, #tpu.memory_space<semaphore_mem>>) src(%dma_wait3A_21 : memref<20x128xi32, #tpu.memory_space<hbm>>) dst(%arg7 : memref<20x128xi32, #tpu.memory_space<vmem>>)
      tpu.yield
    }) : () -> ()
    "tpu.region"() ({
      %run_scoped3A = tpu.sem_alloc : memref<!tpu.dma_semaphore, #tpu.memory_space<semaphore_mem>>
      %dma_start3A = arith.constant 0 : i32
      %dma_start3A_8 = arith.constant 0 : i32
      %dma_start3A_9 = tpu.memref_slice %arg4[%add3A, %dma_start3A, %dma_start3A_8] : memref<32x20x128xi32, #tpu.memory_space<hbm>> -> memref<1x20x128xi32, #tpu.memory_space<hbm>>
      %dma_start3A_10 = tpu.memref_squeeze %dma_start3A_9 : memref<1x20x128xi32, #tpu.memory_space<hbm>> -> memref<20x128xi32, #tpu.memory_space<hbm>>
      %dma_start3A_11 = arith.constant 0 : i32
      %dma_start3A_12 = arith.constant 0 : i32
      %dma_start3A_13 = tpu.memref_slice %arg4[%add3A, %dma_start3A_11, %dma_start3A_12] : memref<32x20x128xi32, #tpu.memory_space<hbm>> -> memref<1x20x128xi32, #tpu.memory_space<hbm>>
      %dma_start3A_14 = tpu.memref_squeeze %dma_start3A_13 : memref<1x20x128xi32, #tpu.memory_space<hbm>> -> memref<20x128xi32, #tpu.memory_space<hbm>>
      tpu.enqueue_dma source(%dma_start3A_14 : memref<20x128xi32, #tpu.memory_space<hbm>>) target(%arg8 : memref<20x128xi32, #tpu.memory_space<vmem>>) target_semaphore(%run_scoped3A : memref<!tpu.dma_semaphore, #tpu.memory_space<semaphore_mem>>)
      %dma_wait3A = arith.constant 0 : i32
      %dma_wait3A_15 = arith.constant 0 : i32
      %dma_wait3A_16 = tpu.memref_slice %arg4[%add3A, %dma_wait3A, %dma_wait3A_15] : memref<32x20x128xi32, #tpu.memory_space<hbm>> -> memref<1x20x128xi32, #tpu.memory_space<hbm>>
      %dma_wait3A_17 = tpu.memref_squeeze %dma_wait3A_16 : memref<1x20x128xi32, #tpu.memory_space<hbm>> -> memref<20x128xi32, #tpu.memory_space<hbm>>
      %dma_wait3A_18 = arith.constant 0 : i32
      %dma_wait3A_19 = arith.constant 0 : i32
      %dma_wait3A_20 = tpu.memref_slice %arg4[%add3A, %dma_wait3A_18, %dma_wait3A_19] : memref<32x20x128xi32, #tpu.memory_space<hbm>> -> memref<1x20x128xi32, #tpu.memory_space<hbm>>
      %dma_wait3A_21 = tpu.memref_squeeze %dma_wait3A_20 : memref<1x20x128xi32, #tpu.memory_space<hbm>> -> memref<20x128xi32, #tpu.memory_space<hbm>>
      tpu.wait_dma2 semaphore(%run_scoped3A : memref<!tpu.dma_semaphore, #tpu.memory_space<semaphore_mem>>) src(%dma_wait3A_21 : memref<20x128xi32, #tpu.memory_space<hbm>>) dst(%arg8 : memref<20x128xi32, #tpu.memory_space<vmem>>)
      tpu.yield
    }) : () -> ()
    %mul3A_1 = arith.constant 20 : i32
    %mul3A_2 = arith.muli %add3A, %mul3A_1 : i32
    %scan3A = arith.constant 0 : i32
    %scan3A_3 = arith.constant 0 : i32
    %scan3A_4 = arith.constant 10 : i32
    %scan3A_5 = arith.addi %scan3A_3, %scan3A_4 : i32
    %scan3A_6 = arith.constant 1 : i32
    scf.for %scan3A_8 = %scan3A_3 to %scan3A_5 step %scan3A_6  : i32 {
      %mul3A_9 = arith.constant 2 : i32
      %mul3A_10 = arith.muli %mul3A_9, %scan3A_8 : i32
      %mul3A_11 = arith.constant 2 : i32
      %mul3A_12 = arith.muli %mul3A_11, %scan3A_8 : i32
      %add3A_13 = arith.constant 1 : i32
      %add3A_14 = arith.addi %mul3A_12, %add3A_13 : i32
      %dma_start3A = arith.constant 0 : i32
      %dma_start3A_15 = tpu.memref_slice %arg8[%mul3A_10, %dma_start3A] : memref<20x128xi32, #tpu.memory_space<vmem>> -> memref<1x128xi32, #tpu.memory_space<vmem>>
      %dma_start3A_16 = tpu.memref_squeeze %dma_start3A_15 : memref<1x128xi32, #tpu.memory_space<vmem>> -> memref<128xi32, #tpu.memory_space<vmem>>
      %dma_start3A_17 = arith.constant 0 : i32
      %dma_start3A_18 = arith.constant 0 : i32
      %dma_start3A_19 = tpu.memref_slice %arg2[%dma_start3A_17, %dma_start3A_18] : memref<10000x128xf32, #tpu.memory_space<hbm>> -> memref<10000x128xf32, #tpu.memory_space<hbm>>
      tpu.enqueue_indirect_dma source(%dma_start3A_19 : memref<10000x128xf32, #tpu.memory_space<hbm>>) target(%arg9 : memref<128x128xf32, #tpu.memory_space<vmem>>) offsets(%dma_start3A_16 : memref<128xi32, #tpu.memory_space<vmem>>) semaphore(%arg13 : memref<!tpu.dma_semaphore, #tpu.memory_space<semaphore_mem>>)
      %dma_start3A_20 = arith.constant 0 : i32
      %dma_start3A_21 = tpu.memref_slice %arg7[%mul3A_10, %dma_start3A_20] : memref<20x128xi32, #tpu.memory_space<vmem>> -> memref<1x128xi32, #tpu.memory_space<vmem>>
      %dma_start3A_22 = tpu.memref_squeeze %dma_start3A_21 : memref<1x128xi32, #tpu.memory_space<vmem>> -> memref<128xi32, #tpu.memory_space<vmem>>
      %dma_start3A_23 = arith.constant 0 : i32
      %dma_start3A_24 = arith.constant 0 : i32
      %dma_start3A_25 = tpu.memref_slice %arg2[%dma_start3A_23, %dma_start3A_24] : memref<10000x128xf32, #tpu.memory_space<hbm>> -> memref<10000x128xf32, #tpu.memory_space<hbm>>
      tpu.enqueue_indirect_dma source(%dma_start3A_25 : memref<10000x128xf32, #tpu.memory_space<hbm>>) target(%arg11 : memref<128x128xf32, #tpu.memory_space<vmem>>) offsets(%dma_start3A_22 : memref<128xi32, #tpu.memory_space<vmem>>) semaphore(%arg13 : memref<!tpu.dma_semaphore, #tpu.memory_space<semaphore_mem>>)
      %dma_start3A_26 = arith.constant 0 : i32
      %dma_start3A_27 = tpu.memref_slice %arg8[%add3A_14, %dma_start3A_26] : memref<20x128xi32, #tpu.memory_space<vmem>> -> memref<1x128xi32, #tpu.memory_space<vmem>>
      %dma_start3A_28 = tpu.memref_squeeze %dma_start3A_27 : memref<1x128xi32, #tpu.memory_space<vmem>> -> memref<128xi32, #tpu.memory_space<vmem>>
      %dma_start3A_29 = arith.constant 0 : i32
      %dma_start3A_30 = arith.constant 0 : i32
      %dma_start3A_31 = tpu.memref_slice %arg2[%dma_start3A_29, %dma_start3A_30] : memref<10000x128xf32, #tpu.memory_space<hbm>> -> memref<10000x128xf32, #tpu.memory_space<hbm>>
      tpu.enqueue_indirect_dma source(%dma_start3A_31 : memref<10000x128xf32, #tpu.memory_space<hbm>>) target(%arg10 : memref<128x128xf32, #tpu.memory_space<vmem>>) offsets(%dma_start3A_28 : memref<128xi32, #tpu.memory_space<vmem>>) semaphore(%arg13 : memref<!tpu.dma_semaphore, #tpu.memory_space<semaphore_mem>>)
      %dma_start3A_32 = arith.constant 0 : i32
      %dma_start3A_33 = tpu.memref_slice %arg7[%add3A_14, %dma_start3A_32] : memref<20x128xi32, #tpu.memory_space<vmem>> -> memref<1x128xi32, #tpu.memory_space<vmem>>
      %dma_start3A_34 = tpu.memref_squeeze %dma_start3A_33 : memref<1x128xi32, #tpu.memory_space<vmem>> -> memref<128xi32, #tpu.memory_space<vmem>>
      %dma_start3A_35 = arith.constant 0 : i32
      %dma_start3A_36 = arith.constant 0 : i32
      %dma_start3A_37 = tpu.memref_slice %arg2[%dma_start3A_35, %dma_start3A_36] : memref<10000x128xf32, #tpu.memory_space<hbm>> -> memref<10000x128xf32, #tpu.memory_space<hbm>>
      tpu.enqueue_indirect_dma source(%dma_start3A_37 : memref<10000x128xf32, #tpu.memory_space<hbm>>) target(%arg12 : memref<128x128xf32, #tpu.memory_space<vmem>>) offsets(%dma_start3A_34 : memref<128xi32, #tpu.memory_space<vmem>>) semaphore(%arg13 : memref<!tpu.dma_semaphore, #tpu.memory_space<semaphore_mem>>)
      %dma_wait3A = arith.constant 0 : i32
      %dma_wait3A_38 = tpu.memref_slice %arg8[%mul3A_10, %dma_wait3A] : memref<20x128xi32, #tpu.memory_space<vmem>> -> memref<1x128xi32, #tpu.memory_space<vmem>>
      %dma_wait3A_39 = tpu.memref_squeeze %dma_wait3A_38 : memref<1x128xi32, #tpu.memory_space<vmem>> -> memref<128xi32, #tpu.memory_space<vmem>>
      %dma_wait3A_40 = arith.constant 0 : i32
      %dma_wait3A_41 = arith.constant 0 : i32
      %dma_wait3A_42 = tpu.memref_slice %arg2[%dma_wait3A_40, %dma_wait3A_41] : memref<10000x128xf32, #tpu.memory_space<hbm>> -> memref<10000x128xf32, #tpu.memory_space<hbm>>
      tpu.wait_indirect_dma semaphore(%arg13 : memref<!tpu.dma_semaphore, #tpu.memory_space<semaphore_mem>>) src(%dma_wait3A_42 : memref<10000x128xf32, #tpu.memory_space<hbm>>) dst(%arg9 : memref<128x128xf32, #tpu.memory_space<vmem>>)
      %dma_wait3A_43 = arith.constant 0 : i32
      %dma_wait3A_44 = tpu.memref_slice %arg7[%mul3A_10, %dma_wait3A_43] : memref<20x128xi32, #tpu.memory_space<vmem>> -> memref<1x128xi32, #tpu.memory_space<vmem>>
      %dma_wait3A_45 = tpu.memref_squeeze %dma_wait3A_44 : memref<1x128xi32, #tpu.memory_space<vmem>> -> memref<128xi32, #tpu.memory_space<vmem>>
      %dma_wait3A_46 = arith.constant 0 : i32
      %dma_wait3A_47 = arith.constant 0 : i32
      %dma_wait3A_48 = tpu.memref_slice %arg2[%dma_wait3A_46, %dma_wait3A_47] : memref<10000x128xf32, #tpu.memory_space<hbm>> -> memref<10000x128xf32, #tpu.memory_space<hbm>>
      tpu.wait_indirect_dma semaphore(%arg13 : memref<!tpu.dma_semaphore, #tpu.memory_space<semaphore_mem>>) src(%dma_wait3A_48 : memref<10000x128xf32, #tpu.memory_space<hbm>>) dst(%arg11 : memref<128x128xf32, #tpu.memory_space<vmem>>)
      %dma_wait3A_49 = arith.constant 0 : i32
      %dma_wait3A_50 = tpu.memref_slice %arg8[%add3A_14, %dma_wait3A_49] : memref<20x128xi32, #tpu.memory_space<vmem>> -> memref<1x128xi32, #tpu.memory_space<vmem>>
      %dma_wait3A_51 = tpu.memref_squeeze %dma_wait3A_50 : memref<1x128xi32, #tpu.memory_space<vmem>> -> memref<128xi32, #tpu.memory_space<vmem>>
      %dma_wait3A_52 = arith.constant 0 : i32
      %dma_wait3A_53 = arith.constant 0 : i32
      %dma_wait3A_54 = tpu.memref_slice %arg2[%dma_wait3A_52, %dma_wait3A_53] : memref<10000x128xf32, #tpu.memory_space<hbm>> -> memref<10000x128xf32, #tpu.memory_space<hbm>>
      tpu.wait_indirect_dma semaphore(%arg13 : memref<!tpu.dma_semaphore, #tpu.memory_space<semaphore_mem>>) src(%dma_wait3A_54 : memref<10000x128xf32, #tpu.memory_space<hbm>>) dst(%arg10 : memref<128x128xf32, #tpu.memory_space<vmem>>)
      %dma_wait3A_55 = arith.constant 0 : i32
      %dma_wait3A_56 = tpu.memref_slice %arg7[%add3A_14, %dma_wait3A_55] : memref<20x128xi32, #tpu.memory_space<vmem>> -> memref<1x128xi32, #tpu.memory_space<vmem>>
      %dma_wait3A_57 = tpu.memref_squeeze %dma_wait3A_56 : memref<1x128xi32, #tpu.memory_space<vmem>> -> memref<128xi32, #tpu.memory_space<vmem>>
      %dma_wait3A_58 = arith.constant 0 : i32
      %dma_wait3A_59 = arith.constant 0 : i32
      %dma_wait3A_60 = tpu.memref_slice %arg2[%dma_wait3A_58, %dma_wait3A_59] : memref<10000x128xf32, #tpu.memory_space<hbm>> -> memref<10000x128xf32, #tpu.memory_space<hbm>>
      tpu.wait_indirect_dma semaphore(%arg13 : memref<!tpu.dma_semaphore, #tpu.memory_space<semaphore_mem>>) src(%dma_wait3A_60 : memref<10000x128xf32, #tpu.memory_space<hbm>>) dst(%arg12 : memref<128x128xf32, #tpu.memory_space<vmem>>)
      %add3A_61 = arith.addi %mul3A_2, %mul3A_10 : i32
      %mul3A_62 = arith.constant 128 : i32
      %mul3A_63 = arith.muli %add3A_61, %mul3A_62 : i32
      "tpu.region"() ({
        %run_scoped3A = tpu.sem_alloc : memref<!tpu.dma_semaphore, #tpu.memory_space<semaphore_mem>>
        %dma_start3A_68 = arith.constant 0 : i32
        %dma_start3A_69 = tpu.memref_slice %arg5[%mul3A_63, %dma_start3A_68] : memref<81920x128xf32, #tpu.memory_space<hbm>> -> memref<128x128xf32, #tpu.memory_space<hbm>>
        %dma_start3A_70 = arith.constant 0 : i32
        %dma_start3A_71 = tpu.memref_slice %arg5[%mul3A_63, %dma_start3A_70] : memref<81920x128xf32, #tpu.memory_space<hbm>> -> memref<128x128xf32, #tpu.memory_space<hbm>>
        tpu.enqueue_dma source(%arg9 : memref<128x128xf32, #tpu.memory_space<vmem>>) target(%dma_start3A_71 : memref<128x128xf32, #tpu.memory_space<hbm>>) target_semaphore(%run_scoped3A : memref<!tpu.dma_semaphore, #tpu.memory_space<semaphore_mem>>)
        %dma_wait3A_72 = arith.constant 0 : i32
        %dma_wait3A_73 = tpu.memref_slice %arg5[%mul3A_63, %dma_wait3A_72] : memref<81920x128xf32, #tpu.memory_space<hbm>> -> memref<128x128xf32, #tpu.memory_space<hbm>>
        %dma_wait3A_74 = arith.constant 0 : i32
        %dma_wait3A_75 = tpu.memref_slice %arg5[%mul3A_63, %dma_wait3A_74] : memref<81920x128xf32, #tpu.memory_space<hbm>> -> memref<128x128xf32, #tpu.memory_space<hbm>>
        tpu.wait_dma2 semaphore(%run_scoped3A : memref<!tpu.dma_semaphore, #tpu.memory_space<semaphore_mem>>) src(%arg9 : memref<128x128xf32, #tpu.memory_space<vmem>>) dst(%dma_wait3A_75 : memref<128x128xf32, #tpu.memory_space<hbm>>)
        tpu.yield
      }) : () -> ()
      "tpu.region"() ({
        %run_scoped3A = tpu.sem_alloc : memref<!tpu.dma_semaphore, #tpu.memory_space<semaphore_mem>>
        %dma_start3A_68 = arith.constant 0 : i32
        %dma_start3A_69 = tpu.memref_slice %arg6[%mul3A_63, %dma_start3A_68] : memref<81920x128xf32, #tpu.memory_space<hbm>> -> memref<128x128xf32, #tpu.memory_space<hbm>>
        %dma_start3A_70 = arith.constant 0 : i32
        %dma_start3A_71 = tpu.memref_slice %arg6[%mul3A_63, %dma_start3A_70] : memref<81920x128xf32, #tpu.memory_space<hbm>> -> memref<128x128xf32, #tpu.memory_space<hbm>>
        tpu.enqueue_dma source(%arg11 : memref<128x128xf32, #tpu.memory_space<vmem>>) target(%dma_start3A_71 : memref<128x128xf32, #tpu.memory_space<hbm>>) target_semaphore(%run_scoped3A : memref<!tpu.dma_semaphore, #tpu.memory_space<semaphore_mem>>)
        %dma_wait3A_72 = arith.constant 0 : i32
        %dma_wait3A_73 = tpu.memref_slice %arg6[%mul3A_63, %dma_wait3A_72] : memref<81920x128xf32, #tpu.memory_space<hbm>> -> memref<128x128xf32, #tpu.memory_space<hbm>>
        %dma_wait3A_74 = arith.constant 0 : i32
        %dma_wait3A_75 = tpu.memref_slice %arg6[%mul3A_63, %dma_wait3A_74] : memref<81920x128xf32, #tpu.memory_space<hbm>> -> memref<128x128xf32, #tpu.memory_space<hbm>>
        tpu.wait_dma2 semaphore(%run_scoped3A : memref<!tpu.dma_semaphore, #tpu.memory_space<semaphore_mem>>) src(%arg11 : memref<128x128xf32, #tpu.memory_space<vmem>>) dst(%dma_wait3A_75 : memref<128x128xf32, #tpu.memory_space<hbm>>)
        tpu.yield
      }) : () -> ()
      %add3A_64 = arith.constant 128 : i32
      %add3A_65 = arith.addi %mul3A_63, %add3A_64 : i32
      "tpu.region"() ({
        %run_scoped3A = tpu.sem_alloc : memref<!tpu.dma_semaphore, #tpu.memory_space<semaphore_mem>>
        %dma_start3A_68 = arith.constant 0 : i32
        %dma_start3A_69 = tpu.memref_slice %arg5[%add3A_65, %dma_start3A_68] : memref<81920x128xf32, #tpu.memory_space<hbm>> -> memref<128x128xf32, #tpu.memory_space<hbm>>
        %dma_start3A_70 = arith.constant 0 : i32
        %dma_start3A_71 = tpu.memref_slice %arg5[%add3A_65, %dma_start3A_70] : memref<81920x128xf32, #tpu.memory_space<hbm>> -> memref<128x128xf32, #tpu.memory_space<hbm>>
        tpu.enqueue_dma source(%arg10 : memref<128x128xf32, #tpu.memory_space<vmem>>) target(%dma_start3A_71 : memref<128x128xf32, #tpu.memory_space<hbm>>) target_semaphore(%run_scoped3A : memref<!tpu.dma_semaphore, #tpu.memory_space<semaphore_mem>>)
        %dma_wait3A_72 = arith.constant 0 : i32
        %dma_wait3A_73 = tpu.memref_slice %arg5[%add3A_65, %dma_wait3A_72] : memref<81920x128xf32, #tpu.memory_space<hbm>> -> memref<128x128xf32, #tpu.memory_space<hbm>>
        %dma_wait3A_74 = arith.constant 0 : i32
        %dma_wait3A_75 = tpu.memref_slice %arg5[%add3A_65, %dma_wait3A_74] : memref<81920x128xf32, #tpu.memory_space<hbm>> -> memref<128x128xf32, #tpu.memory_space<hbm>>
        tpu.wait_dma2 semaphore(%run_scoped3A : memref<!tpu.dma_semaphore, #tpu.memory_space<semaphore_mem>>) src(%arg10 : memref<128x128xf32, #tpu.memory_space<vmem>>) dst(%dma_wait3A_75 : memref<128x128xf32, #tpu.memory_space<hbm>>)
        tpu.yield
      }) : () -> ()
      %add3A_66 = arith.constant 128 : i32
      %add3A_67 = arith.addi %mul3A_63, %add3A_66 : i32
      "tpu.region"() ({
        %run_scoped3A = tpu.sem_alloc : memref<!tpu.dma_semaphore, #tpu.memory_space<semaphore_mem>>
        %dma_start3A_68 = arith.constant 0 : i32
        %dma_start3A_69 = tpu.memref_slice %arg6[%add3A_67, %dma_start3A_68] : memref<81920x128xf32, #tpu.memory_space<hbm>> -> memref<128x128xf32, #tpu.memory_space<hbm>>
        %dma_start3A_70 = arith.constant 0 : i32
        %dma_start3A_71 = tpu.memref_slice %arg6[%add3A_67, %dma_start3A_70] : memref<81920x128xf32, #tpu.memory_space<hbm>> -> memref<128x128xf32, #tpu.memory_space<hbm>>
        tpu.enqueue_dma source(%arg12 : memref<128x128xf32, #tpu.memory_space<vmem>>) target(%dma_start3A_71 : memref<128x128xf32, #tpu.memory_space<hbm>>) target_semaphore(%run_scoped3A : memref<!tpu.dma_semaphore, #tpu.memory_space<semaphore_mem>>)
        %dma_wait3A_72 = arith.constant 0 : i32
        %dma_wait3A_73 = tpu.memref_slice %arg6[%add3A_67, %dma_wait3A_72] : memref<81920x128xf32, #tpu.memory_space<hbm>> -> memref<128x128xf32, #tpu.memory_space<hbm>>
        %dma_wait3A_74 = arith.constant 0 : i32
        %dma_wait3A_75 = tpu.memref_slice %arg6[%add3A_67, %dma_wait3A_74] : memref<81920x128xf32, #tpu.memory_space<hbm>> -> memref<128x128xf32, #tpu.memory_space<hbm>>
        tpu.wait_dma2 semaphore(%run_scoped3A : memref<!tpu.dma_semaphore, #tpu.memory_space<semaphore_mem>>) src(%arg12 : memref<128x128xf32, #tpu.memory_space<vmem>>) dst(%dma_wait3A_75 : memref<128x128xf32, #tpu.memory_space<hbm>>)
        tpu.yield
      }) : () -> ()
    }
    %scan3A_7 = arith.constant 10 : i32
    return
  }
}

#map = affine_map<(d0, d1) -> (0, 0)>
#map1 = affine_map<(d0, d1) -> (0, 0, 0)>
module attributes {stable_mosaic.version = 14 : i64} {
  func.func @_gather_body(%arg0: i32, %arg1: i32, %arg2: memref<10000x128xf32, #tpu.memory_space<hbm>>, %arg3: memref<32x20x128xi32, #tpu.memory_space<hbm>>, %arg4: memref<32x20x128xi32, #tpu.memory_space<hbm>>, %arg5: memref<81920x128xf32, #tpu.memory_space<hbm>>, %arg6: memref<81920x128xf32, #tpu.memory_space<hbm>>, %arg7: memref<20x128xi32, #tpu.memory_space<vmem>>, %arg8: memref<20x128xi32, #tpu.memory_space<vmem>>, %arg9: memref<128x128xf32, #tpu.memory_space<vmem>>, %arg10: memref<128x128xf32, #tpu.memory_space<vmem>>, %arg11: memref<128x128xf32, #tpu.memory_space<vmem>>, %arg12: memref<128x128xf32, #tpu.memory_space<vmem>>, %arg13: memref<!tpu.dma_semaphore, #tpu.memory_space<semaphore_mem>>) attributes {dimension_semantics = [#tpu.dimension_semantics<core_parallel>, #tpu.dimension_semantics<subcore_parallel>], iteration_bounds = array<i64: 2, 16>, scalar_prefetch = 0 : i64, scratch_operands = 7 : i64, tpu.core_type = #tpu.core_type<sc_vector_subcore>, window_params = [{transform_indices = #map}, {transform_indices = #map1}, {transform_indices = #map1}, {transform_indices = #map}, {transform_indices = #map}]} {
    %mul3A = arith.constant 2 : i32
    %mul3A_0 = arith.muli %arg1, %mul3A : i32
    %add3A = arith.addi %mul3A_0, %arg0 : i32
    "tpu.region"() ({
      %run_scoped3A = tpu.sem_alloc : memref<!tpu.dma_semaphore, #tpu.memory_space<semaphore_mem>>
      %dma_start3A = arith.constant 0 : i32
      %dma_start3A_8 = arith.constant 0 : i32
      %dma_start3A_9 = tpu.memref_slice %arg3[%add3A, %dma_start3A, %dma_start3A_8] : memref<32x20x128xi32, #tpu.memory_space<hbm>> -> memref<1x20x128xi32, #tpu.memory_space<hbm>>
      %dma_start3A_10 = tpu.memref_squeeze %dma_start3A_9 : memref<1x20x128xi32, #tpu.memory_space<hbm>> -> memref<20x128xi32, #tpu.memory_space<hbm>>
      %dma_start3A_11 = arith.constant 0 : i32
      %dma_start3A_12 = arith.constant 0 : i32
      %dma_start3A_13 = tpu.memref_slice %arg3[%add3A, %dma_start3A_11, %dma_start3A_12] : memref<32x20x128xi32, #tpu.memory_space<hbm>> -> memref<1x20x128xi32, #tpu.memory_space<hbm>>
      %dma_start3A_14 = tpu.memref_squeeze %dma_start3A_13 : memref<1x20x128xi32, #tpu.memory_space<hbm>> -> memref<20x128xi32, #tpu.memory_space<hbm>>
      tpu.enqueue_dma source(%dma_start3A_14 : memref<20x128xi32, #tpu.memory_space<hbm>>) target(%arg7 : memref<20x128xi32, #tpu.memory_space<vmem>>) target_semaphore(%run_scoped3A : memref<!tpu.dma_semaphore, #tpu.memory_space<semaphore_mem>>)
      %dma_wait3A = arith.constant 0 : i32
      %dma_wait3A_15 = arith.constant 0 : i32
      %dma_wait3A_16 = tpu.memref_slice %arg3[%add3A, %dma_wait3A, %dma_wait3A_15] : memref<32x20x128xi32, #tpu.memory_space<hbm>> -> memref<1x20x128xi32, #tpu.memory_space<hbm>>
      %dma_wait3A_17 = tpu.memref_squeeze %dma_wait3A_16 : memref<1x20x128xi32, #tpu.memory_space<hbm>> -> memref<20x128xi32, #tpu.memory_space<hbm>>
      %dma_wait3A_18 = arith.constant 0 : i32
      %dma_wait3A_19 = arith.constant 0 : i32
      %dma_wait3A_20 = tpu.memref_slice %arg3[%add3A, %dma_wait3A_18, %dma_wait3A_19] : memref<32x20x128xi32, #tpu.memory_space<hbm>> -> memref<1x20x128xi32, #tpu.memory_space<hbm>>
      %dma_wait3A_21 = tpu.memref_squeeze %dma_wait3A_20 : memref<1x20x128xi32, #tpu.memory_space<hbm>> -> memref<20x128xi32, #tpu.memory_space<hbm>>
      tpu.wait_dma2 semaphore(%run_scoped3A : memref<!tpu.dma_semaphore, #tpu.memory_space<semaphore_mem>>) src(%dma_wait3A_21 : memref<20x128xi32, #tpu.memory_space<hbm>>) dst(%arg7 : memref<20x128xi32, #tpu.memory_space<vmem>>)
      tpu.yield
    }) : () -> ()
    "tpu.region"() ({
      %run_scoped3A = tpu.sem_alloc : memref<!tpu.dma_semaphore, #tpu.memory_space<semaphore_mem>>
      %dma_start3A = arith.constant 0 : i32
      %dma_start3A_8 = arith.constant 0 : i32
      %dma_start3A_9 = tpu.memref_slice %arg4[%add3A, %dma_start3A, %dma_start3A_8] : memref<32x20x128xi32, #tpu.memory_space<hbm>> -> memref<1x20x128xi32, #tpu.memory_space<hbm>>
      %dma_start3A_10 = tpu.memref_squeeze %dma_start3A_9 : memref<1x20x128xi32, #tpu.memory_space<hbm>> -> memref<20x128xi32, #tpu.memory_space<hbm>>
      %dma_start3A_11 = arith.constant 0 : i32
      %dma_start3A_12 = arith.constant 0 : i32
      %dma_start3A_13 = tpu.memref_slice %arg4[%add3A, %dma_start3A_11, %dma_start3A_12] : memref<32x20x128xi32, #tpu.memory_space<hbm>> -> memref<1x20x128xi32, #tpu.memory_space<hbm>>
      %dma_start3A_14 = tpu.memref_squeeze %dma_start3A_13 : memref<1x20x128xi32, #tpu.memory_space<hbm>> -> memref<20x128xi32, #tpu.memory_space<hbm>>
      tpu.enqueue_dma source(%dma_start3A_14 : memref<20x128xi32, #tpu.memory_space<hbm>>) target(%arg8 : memref<20x128xi32, #tpu.memory_space<vmem>>) target_semaphore(%run_scoped3A : memref<!tpu.dma_semaphore, #tpu.memory_space<semaphore_mem>>)
      %dma_wait3A = arith.constant 0 : i32
      %dma_wait3A_15 = arith.constant 0 : i32
      %dma_wait3A_16 = tpu.memref_slice %arg4[%add3A, %dma_wait3A, %dma_wait3A_15] : memref<32x20x128xi32, #tpu.memory_space<hbm>> -> memref<1x20x128xi32, #tpu.memory_space<hbm>>
      %dma_wait3A_17 = tpu.memref_squeeze %dma_wait3A_16 : memref<1x20x128xi32, #tpu.memory_space<hbm>> -> memref<20x128xi32, #tpu.memory_space<hbm>>
      %dma_wait3A_18 = arith.constant 0 : i32
      %dma_wait3A_19 = arith.constant 0 : i32
      %dma_wait3A_20 = tpu.memref_slice %arg4[%add3A, %dma_wait3A_18, %dma_wait3A_19] : memref<32x20x128xi32, #tpu.memory_space<hbm>> -> memref<1x20x128xi32, #tpu.memory_space<hbm>>
      %dma_wait3A_21 = tpu.memref_squeeze %dma_wait3A_20 : memref<1x20x128xi32, #tpu.memory_space<hbm>> -> memref<20x128xi32, #tpu.memory_space<hbm>>
      tpu.wait_dma2 semaphore(%run_scoped3A : memref<!tpu.dma_semaphore, #tpu.memory_space<semaphore_mem>>) src(%dma_wait3A_21 : memref<20x128xi32, #tpu.memory_space<hbm>>) dst(%arg8 : memref<20x128xi32, #tpu.memory_space<vmem>>)
      tpu.yield
    }) : () -> ()
    %mul3A_1 = arith.constant 20 : i32
    %mul3A_2 = arith.muli %add3A, %mul3A_1 : i32
    %scan3A = arith.constant 0 : i32
    %scan3A_3 = arith.constant 0 : i32
    %scan3A_4 = arith.constant 10 : i32
    %scan3A_5 = arith.addi %scan3A_3, %scan3A_4 : i32
    %scan3A_6 = arith.constant 1 : i32
    scf.for %scan3A_8 = %scan3A_3 to %scan3A_5 step %scan3A_6  : i32 {
      %mul3A_9 = arith.constant 2 : i32
      %mul3A_10 = arith.muli %mul3A_9, %scan3A_8 : i32
      %mul3A_11 = arith.constant 2 : i32
      %mul3A_12 = arith.muli %mul3A_11, %scan3A_8 : i32
      %add3A_13 = arith.constant 1 : i32
      %add3A_14 = arith.addi %mul3A_12, %add3A_13 : i32
      %dma_start3A = arith.constant 0 : i32
      %dma_start3A_15 = tpu.memref_slice %arg8[%mul3A_10, %dma_start3A] : memref<20x128xi32, #tpu.memory_space<vmem>> -> memref<1x128xi32, #tpu.memory_space<vmem>>
      %dma_start3A_16 = tpu.memref_squeeze %dma_start3A_15 : memref<1x128xi32, #tpu.memory_space<vmem>> -> memref<128xi32, #tpu.memory_space<vmem>>
      %dma_start3A_17 = arith.constant 0 : i32
      %dma_start3A_18 = arith.constant 0 : i32
      %dma_start3A_19 = tpu.memref_slice %arg2[%dma_start3A_17, %dma_start3A_18] : memref<10000x128xf32, #tpu.memory_space<hbm>> -> memref<10000x128xf32, #tpu.memory_space<hbm>>
      tpu.enqueue_indirect_dma source(%dma_start3A_19 : memref<10000x128xf32, #tpu.memory_space<hbm>>) target(%arg9 : memref<128x128xf32, #tpu.memory_space<vmem>>) offsets(%dma_start3A_16 : memref<128xi32, #tpu.memory_space<vmem>>) semaphore(%arg13 : memref<!tpu.dma_semaphore, #tpu.memory_space<semaphore_mem>>)
      %dma_start3A_20 = arith.constant 0 : i32
      %dma_start3A_21 = tpu.memref_slice %arg7[%mul3A_10, %dma_start3A_20] : memref<20x128xi32, #tpu.memory_space<vmem>> -> memref<1x128xi32, #tpu.memory_space<vmem>>
      %dma_start3A_22 = tpu.memref_squeeze %dma_start3A_21 : memref<1x128xi32, #tpu.memory_space<vmem>> -> memref<128xi32, #tpu.memory_space<vmem>>
      %dma_start3A_23 = arith.constant 0 : i32
      %dma_start3A_24 = arith.constant 0 : i32
      %dma_start3A_25 = tpu.memref_slice %arg2[%dma_start3A_23, %dma_start3A_24] : memref<10000x128xf32, #tpu.memory_space<hbm>> -> memref<10000x128xf32, #tpu.memory_space<hbm>>
      tpu.enqueue_indirect_dma source(%dma_start3A_25 : memref<10000x128xf32, #tpu.memory_space<hbm>>) target(%arg11 : memref<128x128xf32, #tpu.memory_space<vmem>>) offsets(%dma_start3A_22 : memref<128xi32, #tpu.memory_space<vmem>>) semaphore(%arg13 : memref<!tpu.dma_semaphore, #tpu.memory_space<semaphore_mem>>)
      %dma_start3A_26 = arith.constant 0 : i32
      %dma_start3A_27 = tpu.memref_slice %arg8[%add3A_14, %dma_start3A_26] : memref<20x128xi32, #tpu.memory_space<vmem>> -> memref<1x128xi32, #tpu.memory_space<vmem>>
      %dma_start3A_28 = tpu.memref_squeeze %dma_start3A_27 : memref<1x128xi32, #tpu.memory_space<vmem>> -> memref<128xi32, #tpu.memory_space<vmem>>
      %dma_start3A_29 = arith.constant 0 : i32
      %dma_start3A_30 = arith.constant 0 : i32
      %dma_start3A_31 = tpu.memref_slice %arg2[%dma_start3A_29, %dma_start3A_30] : memref<10000x128xf32, #tpu.memory_space<hbm>> -> memref<10000x128xf32, #tpu.memory_space<hbm>>
      tpu.enqueue_indirect_dma source(%dma_start3A_31 : memref<10000x128xf32, #tpu.memory_space<hbm>>) target(%arg10 : memref<128x128xf32, #tpu.memory_space<vmem>>) offsets(%dma_start3A_28 : memref<128xi32, #tpu.memory_space<vmem>>) semaphore(%arg13 : memref<!tpu.dma_semaphore, #tpu.memory_space<semaphore_mem>>)
      %dma_start3A_32 = arith.constant 0 : i32
      %dma_start3A_33 = tpu.memref_slice %arg7[%add3A_14, %dma_start3A_32] : memref<20x128xi32, #tpu.memory_space<vmem>> -> memref<1x128xi32, #tpu.memory_space<vmem>>
      %dma_start3A_34 = tpu.memref_squeeze %dma_start3A_33 : memref<1x128xi32, #tpu.memory_space<vmem>> -> memref<128xi32, #tpu.memory_space<vmem>>
      %dma_start3A_35 = arith.constant 0 : i32
      %dma_start3A_36 = arith.constant 0 : i32
      %dma_start3A_37 = tpu.memref_slice %arg2[%dma_start3A_35, %dma_start3A_36] : memref<10000x128xf32, #tpu.memory_space<hbm>> -> memref<10000x128xf32, #tpu.memory_space<hbm>>
      tpu.enqueue_indirect_dma source(%dma_start3A_37 : memref<10000x128xf32, #tpu.memory_space<hbm>>) target(%arg12 : memref<128x128xf32, #tpu.memory_space<vmem>>) offsets(%dma_start3A_34 : memref<128xi32, #tpu.memory_space<vmem>>) semaphore(%arg13 : memref<!tpu.dma_semaphore, #tpu.memory_space<semaphore_mem>>)
      %dma_wait3A = arith.constant 0 : i32
      %dma_wait3A_38 = tpu.memref_slice %arg8[%mul3A_10, %dma_wait3A] : memref<20x128xi32, #tpu.memory_space<vmem>> -> memref<1x128xi32, #tpu.memory_space<vmem>>
      %dma_wait3A_39 = tpu.memref_squeeze %dma_wait3A_38 : memref<1x128xi32, #tpu.memory_space<vmem>> -> memref<128xi32, #tpu.memory_space<vmem>>
      %dma_wait3A_40 = arith.constant 0 : i32
      %dma_wait3A_41 = arith.constant 0 : i32
      %dma_wait3A_42 = tpu.memref_slice %arg2[%dma_wait3A_40, %dma_wait3A_41] : memref<10000x128xf32, #tpu.memory_space<hbm>> -> memref<10000x128xf32, #tpu.memory_space<hbm>>
      tpu.wait_indirect_dma semaphore(%arg13 : memref<!tpu.dma_semaphore, #tpu.memory_space<semaphore_mem>>) src(%dma_wait3A_42 : memref<10000x128xf32, #tpu.memory_space<hbm>>) dst(%arg9 : memref<128x128xf32, #tpu.memory_space<vmem>>)
      %dma_wait3A_43 = arith.constant 0 : i32
      %dma_wait3A_44 = tpu.memref_slice %arg7[%mul3A_10, %dma_wait3A_43] : memref<20x128xi32, #tpu.memory_space<vmem>> -> memref<1x128xi32, #tpu.memory_space<vmem>>
      %dma_wait3A_45 = tpu.memref_squeeze %dma_wait3A_44 : memref<1x128xi32, #tpu.memory_space<vmem>> -> memref<128xi32, #tpu.memory_space<vmem>>
      %dma_wait3A_46 = arith.constant 0 : i32
      %dma_wait3A_47 = arith.constant 0 : i32
      %dma_wait3A_48 = tpu.memref_slice %arg2[%dma_wait3A_46, %dma_wait3A_47] : memref<10000x128xf32, #tpu.memory_space<hbm>> -> memref<10000x128xf32, #tpu.memory_space<hbm>>
      tpu.wait_indirect_dma semaphore(%arg13 : memref<!tpu.dma_semaphore, #tpu.memory_space<semaphore_mem>>) src(%dma_wait3A_48 : memref<10000x128xf32, #tpu.memory_space<hbm>>) dst(%arg11 : memref<128x128xf32, #tpu.memory_space<vmem>>)
      %dma_wait3A_49 = arith.constant 0 : i32
      %dma_wait3A_50 = tpu.memref_slice %arg8[%add3A_14, %dma_wait3A_49] : memref<20x128xi32, #tpu.memory_space<vmem>> -> memref<1x128xi32, #tpu.memory_space<vmem>>
      %dma_wait3A_51 = tpu.memref_squeeze %dma_wait3A_50 : memref<1x128xi32, #tpu.memory_space<vmem>> -> memref<128xi32, #tpu.memory_space<vmem>>
      %dma_wait3A_52 = arith.constant 0 : i32
      %dma_wait3A_53 = arith.constant 0 : i32
      %dma_wait3A_54 = tpu.memref_slice %arg2[%dma_wait3A_52, %dma_wait3A_53] : memref<10000x128xf32, #tpu.memory_space<hbm>> -> memref<10000x128xf32, #tpu.memory_space<hbm>>
      tpu.wait_indirect_dma semaphore(%arg13 : memref<!tpu.dma_semaphore, #tpu.memory_space<semaphore_mem>>) src(%dma_wait3A_54 : memref<10000x128xf32, #tpu.memory_space<hbm>>) dst(%arg10 : memref<128x128xf32, #tpu.memory_space<vmem>>)
      %dma_wait3A_55 = arith.constant 0 : i32
      %dma_wait3A_56 = tpu.memref_slice %arg7[%add3A_14, %dma_wait3A_55] : memref<20x128xi32, #tpu.memory_space<vmem>> -> memref<1x128xi32, #tpu.memory_space<vmem>>
      %dma_wait3A_57 = tpu.memref_squeeze %dma_wait3A_56 : memref<1x128xi32, #tpu.memory_space<vmem>> -> memref<128xi32, #tpu.memory_space<vmem>>
      %dma_wait3A_58 = arith.constant 0 : i32
      %dma_wait3A_59 = arith.constant 0 : i32
      %dma_wait3A_60 = tpu.memref_slice %arg2[%dma_wait3A_58, %dma_wait3A_59] : memref<10000x128xf32, #tpu.memory_space<hbm>> -> memref<10000x128xf32, #tpu.memory_space<hbm>>
      tpu.wait_indirect_dma semaphore(%arg13 : memref<!tpu.dma_semaphore, #tpu.memory_space<semaphore_mem>>) src(%dma_wait3A_60 : memref<10000x128xf32, #tpu.memory_space<hbm>>) dst(%arg12 : memref<128x128xf32, #tpu.memory_space<vmem>>)
      %add3A_61 = arith.addi %mul3A_2, %mul3A_10 : i32
      %mul3A_62 = arith.constant 128 : i32
      %mul3A_63 = arith.muli %add3A_61, %mul3A_62 : i32
      "tpu.region"() ({
        %run_scoped3A = tpu.sem_alloc : memref<!tpu.dma_semaphore, #tpu.memory_space<semaphore_mem>>
        %dma_start3A_68 = arith.constant 0 : i32
        %dma_start3A_69 = tpu.memref_slice %arg5[%mul3A_63, %dma_start3A_68] : memref<81920x128xf32, #tpu.memory_space<hbm>> -> memref<128x128xf32, #tpu.memory_space<hbm>>
        %dma_start3A_70 = arith.constant 0 : i32
        %dma_start3A_71 = tpu.memref_slice %arg5[%mul3A_63, %dma_start3A_70] : memref<81920x128xf32, #tpu.memory_space<hbm>> -> memref<128x128xf32, #tpu.memory_space<hbm>>
        tpu.enqueue_dma source(%arg9 : memref<128x128xf32, #tpu.memory_space<vmem>>) target(%dma_start3A_71 : memref<128x128xf32, #tpu.memory_space<hbm>>) target_semaphore(%run_scoped3A : memref<!tpu.dma_semaphore, #tpu.memory_space<semaphore_mem>>)
        %dma_wait3A_72 = arith.constant 0 : i32
        %dma_wait3A_73 = tpu.memref_slice %arg5[%mul3A_63, %dma_wait3A_72] : memref<81920x128xf32, #tpu.memory_space<hbm>> -> memref<128x128xf32, #tpu.memory_space<hbm>>
        %dma_wait3A_74 = arith.constant 0 : i32
        %dma_wait3A_75 = tpu.memref_slice %arg5[%mul3A_63, %dma_wait3A_74] : memref<81920x128xf32, #tpu.memory_space<hbm>> -> memref<128x128xf32, #tpu.memory_space<hbm>>
        tpu.wait_dma2 semaphore(%run_scoped3A : memref<!tpu.dma_semaphore, #tpu.memory_space<semaphore_mem>>) src(%arg9 : memref<128x128xf32, #tpu.memory_space<vmem>>) dst(%dma_wait3A_75 : memref<128x128xf32, #tpu.memory_space<hbm>>)
        tpu.yield
      }) : () -> ()
      "tpu.region"() ({
        %run_scoped3A = tpu.sem_alloc : memref<!tpu.dma_semaphore, #tpu.memory_space<semaphore_mem>>
        %dma_start3A_68 = arith.constant 0 : i32
        %dma_start3A_69 = tpu.memref_slice %arg6[%mul3A_63, %dma_start3A_68] : memref<81920x128xf32, #tpu.memory_space<hbm>> -> memref<128x128xf32, #tpu.memory_space<hbm>>
        %dma_start3A_70 = arith.constant 0 : i32
        %dma_start3A_71 = tpu.memref_slice %arg6[%mul3A_63, %dma_start3A_70] : memref<81920x128xf32, #tpu.memory_space<hbm>> -> memref<128x128xf32, #tpu.memory_space<hbm>>
        tpu.enqueue_dma source(%arg11 : memref<128x128xf32, #tpu.memory_space<vmem>>) target(%dma_start3A_71 : memref<128x128xf32, #tpu.memory_space<hbm>>) target_semaphore(%run_scoped3A : memref<!tpu.dma_semaphore, #tpu.memory_space<semaphore_mem>>)
        %dma_wait3A_72 = arith.constant 0 : i32
        %dma_wait3A_73 = tpu.memref_slice %arg6[%mul3A_63, %dma_wait3A_72] : memref<81920x128xf32, #tpu.memory_space<hbm>> -> memref<128x128xf32, #tpu.memory_space<hbm>>
        %dma_wait3A_74 = arith.constant 0 : i32
        %dma_wait3A_75 = tpu.memref_slice %arg6[%mul3A_63, %dma_wait3A_74] : memref<81920x128xf32, #tpu.memory_space<hbm>> -> memref<128x128xf32, #tpu.memory_space<hbm>>
        tpu.wait_dma2 semaphore(%run_scoped3A : memref<!tpu.dma_semaphore, #tpu.memory_space<semaphore_mem>>) src(%arg11 : memref<128x128xf32, #tpu.memory_space<vmem>>) dst(%dma_wait3A_75 : memref<128x128xf32, #tpu.memory_space<hbm>>)
        tpu.yield
      }) : () -> ()
      %add3A_64 = arith.constant 128 : i32
      %add3A_65 = arith.addi %mul3A_63, %add3A_64 : i32
      "tpu.region"() ({
        %run_scoped3A = tpu.sem_alloc : memref<!tpu.dma_semaphore, #tpu.memory_space<semaphore_mem>>
        %dma_start3A_68 = arith.constant 0 : i32
        %dma_start3A_69 = tpu.memref_slice %arg5[%add3A_65, %dma_start3A_68] : memref<81920x128xf32, #tpu.memory_space<hbm>> -> memref<128x128xf32, #tpu.memory_space<hbm>>
        %dma_start3A_70 = arith.constant 0 : i32
        %dma_start3A_71 = tpu.memref_slice %arg5[%add3A_65, %dma_start3A_70] : memref<81920x128xf32, #tpu.memory_space<hbm>> -> memref<128x128xf32, #tpu.memory_space<hbm>>
        tpu.enqueue_dma source(%arg10 : memref<128x128xf32, #tpu.memory_space<vmem>>) target(%dma_start3A_71 : memref<128x128xf32, #tpu.memory_space<hbm>>) target_semaphore(%run_scoped3A : memref<!tpu.dma_semaphore, #tpu.memory_space<semaphore_mem>>)
        %dma_wait3A_72 = arith.constant 0 : i32
        %dma_wait3A_73 = tpu.memref_slice %arg5[%add3A_65, %dma_wait3A_72] : memref<81920x128xf32, #tpu.memory_space<hbm>> -> memref<128x128xf32, #tpu.memory_space<hbm>>
        %dma_wait3A_74 = arith.constant 0 : i32
        %dma_wait3A_75 = tpu.memref_slice %arg5[%add3A_65, %dma_wait3A_74] : memref<81920x128xf32, #tpu.memory_space<hbm>> -> memref<128x128xf32, #tpu.memory_space<hbm>>
        tpu.wait_dma2 semaphore(%run_scoped3A : memref<!tpu.dma_semaphore, #tpu.memory_space<semaphore_mem>>) src(%arg10 : memref<128x128xf32, #tpu.memory_space<vmem>>) dst(%dma_wait3A_75 : memref<128x128xf32, #tpu.memory_space<hbm>>)
        tpu.yield
      }) : () -> ()
      %add3A_66 = arith.constant 128 : i32
      %add3A_67 = arith.addi %mul3A_63, %add3A_66 : i32
      "tpu.region"() ({
        %run_scoped3A = tpu.sem_alloc : memref<!tpu.dma_semaphore, #tpu.memory_space<semaphore_mem>>
        %dma_start3A_68 = arith.constant 0 : i32
        %dma_start3A_69 = tpu.memref_slice %arg6[%add3A_67, %dma_start3A_68] : memref<81920x128xf32, #tpu.memory_space<hbm>> -> memref<128x128xf32, #tpu.memory_space<hbm>>
        %dma_start3A_70 = arith.constant 0 : i32
        %dma_start3A_71 = tpu.memref_slice %arg6[%add3A_67, %dma_start3A_70] : memref<81920x128xf32, #tpu.memory_space<hbm>> -> memref<128x128xf32, #tpu.memory_space<hbm>>
        tpu.enqueue_dma source(%arg12 : memref<128x128xf32, #tpu.memory_space<vmem>>) target(%dma_start3A_71 : memref<128x128xf32, #tpu.memory_space<hbm>>) target_semaphore(%run_scoped3A : memref<!tpu.dma_semaphore, #tpu.memory_space<semaphore_mem>>)
        %dma_wait3A_72 = arith.constant 0 : i32
        %dma_wait3A_73 = tpu.memref_slice %arg6[%add3A_67, %dma_wait3A_72] : memref<81920x128xf32, #tpu.memory_space<hbm>> -> memref<128x128xf32, #tpu.memory_space<hbm>>
        %dma_wait3A_74 = arith.constant 0 : i32
        %dma_wait3A_75 = tpu.memref_slice %arg6[%add3A_67, %dma_wait3A_74] : memref<81920x128xf32, #tpu.memory_space<hbm>> -> memref<128x128xf32, #tpu.memory_space<hbm>>
        tpu.wait_dma2 semaphore(%run_scoped3A : memref<!tpu.dma_semaphore, #tpu.memory_space<semaphore_mem>>) src(%arg12 : memref<128x128xf32, #tpu.memory_space<vmem>>) dst(%dma_wait3A_75 : memref<128x128xf32, #tpu.memory_space<hbm>>)
        tpu.yield
      }) : () -> ()
    }
    %scan3A_7 = arith.constant 10 : i32
    return
  }
}

#map = affine_map<(d0, d1) -> (0, 0)>
#map1 = affine_map<(d0, d1) -> (0, 0, 0)>
module attributes {stable_mosaic.version = 14 : i64} {
  func.func @_scatter_body(%arg0: i32, %arg1: i32, %arg2: memref<81920x128xf32, #tpu.memory_space<hbm>>, %arg3: memref<32x20x128xi32, #tpu.memory_space<hbm>>, %arg4: memref<10240x128xf32, #tpu.memory_space<hbm>>, %arg5: memref<2x10240x128xf32, #tpu.memory_space<hbm>>, %arg6: memref<20x128xi32, #tpu.memory_space<vmem>>, %arg7: memref<128x128xf32, #tpu.memory_space<vmem>>, %arg8: memref<128x128xf32, #tpu.memory_space<vmem>>, %arg9: memref<10240x128xf32, #tpu.memory_space<vmem_shared>>, %arg10: memref<!tpu.dma_semaphore, #tpu.memory_space<semaphore_mem>>) attributes {dimension_semantics = [#tpu.dimension_semantics<core_parallel>, #tpu.dimension_semantics<subcore_parallel>], iteration_bounds = array<i64: 2, 16>, scalar_prefetch = 0 : i64, scratch_operands = 5 : i64, tpu.core_type = #tpu.core_type<sc_vector_subcore>, window_params = [{transform_indices = #map}, {transform_indices = #map1}, {transform_indices = #map}, {transform_indices = #map1}]} {
    %mul3A = arith.constant 2 : i32
    %mul3A_0 = arith.muli %arg1, %mul3A : i32
    %add3A = arith.addi %mul3A_0, %arg0 : i32
    %mul3A_1 = arith.constant 640 : i32
    %mul3A_2 = arith.muli %arg1, %mul3A_1 : i32
    %mul3A_3 = arith.constant 640 : i32
    %mul3A_4 = arith.muli %arg1, %mul3A_3 : i32
    "tpu.region"() ({
      %run_scoped3A = tpu.sem_alloc : memref<!tpu.dma_semaphore, #tpu.memory_space<semaphore_mem>>
      %dma_start3A_24 = arith.constant 0 : i32
      %dma_start3A_25 = tpu.memref_slice %arg9[%mul3A_4, %dma_start3A_24] : memref<10240x128xf32, #tpu.memory_space<vmem_shared>> -> memref<640x128xf32, #tpu.memory_space<vmem_shared>>
      %dma_start3A_26 = arith.constant 0 : i32
      %dma_start3A_27 = tpu.memref_slice %arg4[%mul3A_2, %dma_start3A_26] : memref<10240x128xf32, #tpu.memory_space<hbm>> -> memref<640x128xf32, #tpu.memory_space<hbm>>
      tpu.enqueue_dma source(%dma_start3A_27 : memref<640x128xf32, #tpu.memory_space<hbm>>) target(%dma_start3A_25 : memref<640x128xf32, #tpu.memory_space<vmem_shared>>) target_semaphore(%run_scoped3A : memref<!tpu.dma_semaphore, #tpu.memory_space<semaphore_mem>>)
      %dma_wait3A = arith.constant 0 : i32
      %dma_wait3A_28 = tpu.memref_slice %arg9[%mul3A_4, %dma_wait3A] : memref<10240x128xf32, #tpu.memory_space<vmem_shared>> -> memref<640x128xf32, #tpu.memory_space<vmem_shared>>
      %dma_wait3A_29 = arith.constant 0 : i32
      %dma_wait3A_30 = tpu.memref_slice %arg4[%mul3A_2, %dma_wait3A_29] : memref<10240x128xf32, #tpu.memory_space<hbm>> -> memref<640x128xf32, #tpu.memory_space<hbm>>
      tpu.wait_dma2 semaphore(%run_scoped3A : memref<!tpu.dma_semaphore, #tpu.memory_space<semaphore_mem>>) src(%dma_wait3A_30 : memref<640x128xf32, #tpu.memory_space<hbm>>) dst(%dma_wait3A_28 : memref<640x128xf32, #tpu.memory_space<vmem_shared>>)
      tpu.yield
    }) : () -> ()
    %barrier3A = arith.constant 0 : index
    tpu.barrier barrier_id(%barrier3A)
    "tpu.region"() ({
      %run_scoped3A = tpu.sem_alloc : memref<!tpu.dma_semaphore, #tpu.memory_space<semaphore_mem>>
      %dma_start3A_24 = arith.constant 0 : i32
      %dma_start3A_25 = arith.constant 0 : i32
      %dma_start3A_26 = tpu.memref_slice %arg3[%add3A, %dma_start3A_24, %dma_start3A_25] : memref<32x20x128xi32, #tpu.memory_space<hbm>> -> memref<1x20x128xi32, #tpu.memory_space<hbm>>
      %dma_start3A_27 = tpu.memref_squeeze %dma_start3A_26 : memref<1x20x128xi32, #tpu.memory_space<hbm>> -> memref<20x128xi32, #tpu.memory_space<hbm>>
      %dma_start3A_28 = arith.constant 0 : i32
      %dma_start3A_29 = arith.constant 0 : i32
      %dma_start3A_30 = tpu.memref_slice %arg3[%add3A, %dma_start3A_28, %dma_start3A_29] : memref<32x20x128xi32, #tpu.memory_space<hbm>> -> memref<1x20x128xi32, #tpu.memory_space<hbm>>
      %dma_start3A_31 = tpu.memref_squeeze %dma_start3A_30 : memref<1x20x128xi32, #tpu.memory_space<hbm>> -> memref<20x128xi32, #tpu.memory_space<hbm>>
      tpu.enqueue_dma source(%dma_start3A_31 : memref<20x128xi32, #tpu.memory_space<hbm>>) target(%arg6 : memref<20x128xi32, #tpu.memory_space<vmem>>) target_semaphore(%run_scoped3A : memref<!tpu.dma_semaphore, #tpu.memory_space<semaphore_mem>>)
      %dma_wait3A = arith.constant 0 : i32
      %dma_wait3A_32 = arith.constant 0 : i32
      %dma_wait3A_33 = tpu.memref_slice %arg3[%add3A, %dma_wait3A, %dma_wait3A_32] : memref<32x20x128xi32, #tpu.memory_space<hbm>> -> memref<1x20x128xi32, #tpu.memory_space<hbm>>
      %dma_wait3A_34 = tpu.memref_squeeze %dma_wait3A_33 : memref<1x20x128xi32, #tpu.memory_space<hbm>> -> memref<20x128xi32, #tpu.memory_space<hbm>>
      %dma_wait3A_35 = arith.constant 0 : i32
      %dma_wait3A_36 = arith.constant 0 : i32
      %dma_wait3A_37 = tpu.memref_slice %arg3[%add3A, %dma_wait3A_35, %dma_wait3A_36] : memref<32x20x128xi32, #tpu.memory_space<hbm>> -> memref<1x20x128xi32, #tpu.memory_space<hbm>>
      %dma_wait3A_38 = tpu.memref_squeeze %dma_wait3A_37 : memref<1x20x128xi32, #tpu.memory_space<hbm>> -> memref<20x128xi32, #tpu.memory_space<hbm>>
      tpu.wait_dma2 semaphore(%run_scoped3A : memref<!tpu.dma_semaphore, #tpu.memory_space<semaphore_mem>>) src(%dma_wait3A_38 : memref<20x128xi32, #tpu.memory_space<hbm>>) dst(%arg6 : memref<20x128xi32, #tpu.memory_space<vmem>>)
      tpu.yield
    }) : () -> ()
    %mul3A_5 = arith.constant 20 : i32
    %mul3A_6 = arith.muli %add3A, %mul3A_5 : i32
    %add3A_7 = arith.constant 0 : i32
    %add3A_8 = arith.addi %mul3A_6, %add3A_7 : i32
    %mul3A_9 = arith.constant 128 : i32
    %mul3A_10 = arith.muli %add3A_8, %mul3A_9 : i32
    %dma_start3A = arith.constant 0 : i32
    %dma_start3A_11 = tpu.memref_slice %arg2[%mul3A_10, %dma_start3A] : memref<81920x128xf32, #tpu.memory_space<hbm>> -> memref<128x128xf32, #tpu.memory_space<hbm>>
    %dma_start3A_12 = arith.constant 0 : i32
    %dma_start3A_13 = tpu.memref_slice %arg2[%mul3A_10, %dma_start3A_12] : memref<81920x128xf32, #tpu.memory_space<hbm>> -> memref<128x128xf32, #tpu.memory_space<hbm>>
    tpu.enqueue_dma source(%dma_start3A_13 : memref<128x128xf32, #tpu.memory_space<hbm>>) target(%arg7 : memref<128x128xf32, #tpu.memory_space<vmem>>) target_semaphore(%arg10 : memref<!tpu.dma_semaphore, #tpu.memory_space<semaphore_mem>>)
    %scan3A = arith.constant 0 : i32
    %scan3A_14 = arith.constant 0 : i32
    %scan3A_15 = arith.constant 10 : i32
    %scan3A_16 = arith.addi %scan3A_14, %scan3A_15 : i32
    %scan3A_17 = arith.constant 1 : i32
    scf.for %scan3A_24 = %scan3A_14 to %scan3A_16 step %scan3A_17  : i32 {
      %mul3A_25 = arith.constant 2 : i32
      %mul3A_26 = arith.muli %mul3A_25, %scan3A_24 : i32
      %add3A_27 = arith.constant 0 : i32
      %add3A_28 = arith.addi %mul3A_26, %add3A_27 : i32
      %lt3A = arith.constant 20 : i32
      %lt3A_29 = arith.cmpi slt, %add3A_28, %lt3A : i32
      %convert_element_type3A = arith.extui %lt3A_29 : i1 to i32
      %cond3A = arith.constant 0 : i32
      %cond3A_30 = arith.cmpi ne, %convert_element_type3A, %cond3A : i32
      scf.if %cond3A_30 {
        %add3A_40 = arith.constant 1 : i32
        %add3A_41 = arith.addi %add3A_28, %add3A_40 : i32
        %lt3A_42 = arith.constant 20 : i32
        %lt3A_43 = arith.cmpi slt, %add3A_41, %lt3A_42 : i32
        %convert_element_type3A_44 = arith.extui %lt3A_43 : i1 to i32
        %cond3A_45 = arith.constant 0 : i32
        %cond3A_46 = arith.cmpi ne, %convert_element_type3A_44, %cond3A_45 : i32
        scf.if %cond3A_46 {
          %add3A_52 = arith.constant 1 : i32
          %add3A_53 = arith.addi %add3A_28, %add3A_52 : i32
          %add3A_54 = arith.addi %mul3A_6, %add3A_53 : i32
          %mul3A_55 = arith.constant 128 : i32
          %mul3A_56 = arith.muli %add3A_54, %mul3A_55 : i32
          %dma_start3A_57 = arith.constant 0 : i32
          %dma_start3A_58 = tpu.memref_slice %arg2[%mul3A_56, %dma_start3A_57] : memref<81920x128xf32, #tpu.memory_space<hbm>> -> memref<128x128xf32, #tpu.memory_space<hbm>>
          %dma_start3A_59 = arith.constant 0 : i32
          %dma_start3A_60 = tpu.memref_slice %arg2[%mul3A_56, %dma_start3A_59] : memref<81920x128xf32, #tpu.memory_space<hbm>> -> memref<128x128xf32, #tpu.memory_space<hbm>>
          tpu.enqueue_dma source(%dma_start3A_60 : memref<128x128xf32, #tpu.memory_space<hbm>>) target(%arg8 : memref<128x128xf32, #tpu.memory_space<vmem>>) target_semaphore(%arg10 : memref<!tpu.dma_semaphore, #tpu.memory_space<semaphore_mem>>)
        } else {
        }
        %dma_wait3A = arith.constant 0 : i32
        %dma_wait3A_47 = arith.constant 0 : i32
        %dma_wait3A_48 = tpu.memref_slice %arg2[%dma_wait3A, %dma_wait3A_47] : memref<81920x128xf32, #tpu.memory_space<hbm>> -> memref<128x128xf32, #tpu.memory_space<hbm>>
        %dma_wait3A_49 = arith.constant 0 : i32
        %dma_wait3A_50 = arith.constant 0 : i32
        %dma_wait3A_51 = tpu.memref_slice %arg2[%dma_wait3A_49, %dma_wait3A_50] : memref<81920x128xf32, #tpu.memory_space<hbm>> -> memref<128x128xf32, #tpu.memory_space<hbm>>
        tpu.wait_dma2 semaphore(%arg10 : memref<!tpu.dma_semaphore, #tpu.memory_space<semaphore_mem>>) src(%dma_wait3A_51 : memref<128x128xf32, #tpu.memory_space<hbm>>) dst(%arg7 : memref<128x128xf32, #tpu.memory_space<vmem>>)
        "tpu.region"() ({
          %run_scoped3A = tpu.sem_alloc : memref<!tpu.dma_semaphore, #tpu.memory_space<semaphore_mem>>
          %dma_start3A_52 = arith.constant 0 : i32
          %dma_start3A_53 = tpu.memref_slice %arg6[%add3A_28, %dma_start3A_52] : memref<20x128xi32, #tpu.memory_space<vmem>> -> memref<1x128xi32, #tpu.memory_space<vmem>>
          %dma_start3A_54 = tpu.memref_squeeze %dma_start3A_53 : memref<1x128xi32, #tpu.memory_space<vmem>> -> memref<128xi32, #tpu.memory_space<vmem>>
          %dma_start3A_55 = arith.constant 0 : i32
          %dma_start3A_56 = arith.constant 0 : i32
          %dma_start3A_57 = tpu.memref_slice %arg9[%dma_start3A_55, %dma_start3A_56] : memref<10240x128xf32, #tpu.memory_space<vmem_shared>> -> memref<10240x128xf32, #tpu.memory_space<vmem_shared>>
          tpu.enqueue_indirect_dma source(%arg7 : memref<128x128xf32, #tpu.memory_space<vmem>>) target(%dma_start3A_57 : memref<10240x128xf32, #tpu.memory_space<vmem_shared>>) offsets(%dma_start3A_54 : memref<128xi32, #tpu.memory_space<vmem>>) semaphore(%run_scoped3A : memref<!tpu.dma_semaphore, #tpu.memory_space<semaphore_mem>>) {add = true}
          %dma_wait3A_58 = arith.constant 0 : i32
          %dma_wait3A_59 = tpu.memref_slice %arg6[%add3A_28, %dma_wait3A_58] : memref<20x128xi32, #tpu.memory_space<vmem>> -> memref<1x128xi32, #tpu.memory_space<vmem>>
          %dma_wait3A_60 = tpu.memref_squeeze %dma_wait3A_59 : memref<1x128xi32, #tpu.memory_space<vmem>> -> memref<128xi32, #tpu.memory_space<vmem>>
          %dma_wait3A_61 = arith.constant 0 : i32
          %dma_wait3A_62 = arith.constant 0 : i32
          %dma_wait3A_63 = tpu.memref_slice %arg9[%dma_wait3A_61, %dma_wait3A_62] : memref<10240x128xf32, #tpu.memory_space<vmem_shared>> -> memref<10240x128xf32, #tpu.memory_space<vmem_shared>>
          tpu.wait_indirect_dma semaphore(%run_scoped3A : memref<!tpu.dma_semaphore, #tpu.memory_space<semaphore_mem>>) src(%arg7 : memref<128x128xf32, #tpu.memory_space<vmem>>) dst(%dma_wait3A_63 : memref<10240x128xf32, #tpu.memory_space<vmem_shared>>)
          tpu.yield
        }) : () -> ()
      } else {
      }
      %mul3A_31 = arith.constant 2 : i32
      %mul3A_32 = arith.muli %mul3A_31, %scan3A_24 : i32
      %add3A_33 = arith.constant 1 : i32
      %add3A_34 = arith.addi %mul3A_32, %add3A_33 : i32
      %lt3A_35 = arith.constant 20 : i32
      %lt3A_36 = arith.cmpi slt, %add3A_34, %lt3A_35 : i32
      %convert_element_type3A_37 = arith.extui %lt3A_36 : i1 to i32
      %cond3A_38 = arith.constant 0 : i32
      %cond3A_39 = arith.cmpi ne, %convert_element_type3A_37, %cond3A_38 : i32
      scf.if %cond3A_39 {
        %add3A_40 = arith.constant 1 : i32
        %add3A_41 = arith.addi %add3A_34, %add3A_40 : i32
        %lt3A_42 = arith.constant 20 : i32
        %lt3A_43 = arith.cmpi slt, %add3A_41, %lt3A_42 : i32
        %convert_element_type3A_44 = arith.extui %lt3A_43 : i1 to i32
        %cond3A_45 = arith.constant 0 : i32
        %cond3A_46 = arith.cmpi ne, %convert_element_type3A_44, %cond3A_45 : i32
        scf.if %cond3A_46 {
          %add3A_52 = arith.constant 1 : i32
          %add3A_53 = arith.addi %add3A_34, %add3A_52 : i32
          %add3A_54 = arith.addi %mul3A_6, %add3A_53 : i32
          %mul3A_55 = arith.constant 128 : i32
          %mul3A_56 = arith.muli %add3A_54, %mul3A_55 : i32
          %dma_start3A_57 = arith.constant 0 : i32
          %dma_start3A_58 = tpu.memref_slice %arg2[%mul3A_56, %dma_start3A_57] : memref<81920x128xf32, #tpu.memory_space<hbm>> -> memref<128x128xf32, #tpu.memory_space<hbm>>
          %dma_start3A_59 = arith.constant 0 : i32
          %dma_start3A_60 = tpu.memref_slice %arg2[%mul3A_56, %dma_start3A_59] : memref<81920x128xf32, #tpu.memory_space<hbm>> -> memref<128x128xf32, #tpu.memory_space<hbm>>
          tpu.enqueue_dma source(%dma_start3A_60 : memref<128x128xf32, #tpu.memory_space<hbm>>) target(%arg7 : memref<128x128xf32, #tpu.memory_space<vmem>>) target_semaphore(%arg10 : memref<!tpu.dma_semaphore, #tpu.memory_space<semaphore_mem>>)
        } else {
        }
        %dma_wait3A = arith.constant 0 : i32
        %dma_wait3A_47 = arith.constant 0 : i32
        %dma_wait3A_48 = tpu.memref_slice %arg2[%dma_wait3A, %dma_wait3A_47] : memref<81920x128xf32, #tpu.memory_space<hbm>> -> memref<128x128xf32, #tpu.memory_space<hbm>>
        %dma_wait3A_49 = arith.constant 0 : i32
        %dma_wait3A_50 = arith.constant 0 : i32
        %dma_wait3A_51 = tpu.memref_slice %arg2[%dma_wait3A_49, %dma_wait3A_50] : memref<81920x128xf32, #tpu.memory_space<hbm>> -> memref<128x128xf32, #tpu.memory_space<hbm>>
        tpu.wait_dma2 semaphore(%arg10 : memref<!tpu.dma_semaphore, #tpu.memory_space<semaphore_mem>>) src(%dma_wait3A_51 : memref<128x128xf32, #tpu.memory_space<hbm>>) dst(%arg8 : memref<128x128xf32, #tpu.memory_space<vmem>>)
        "tpu.region"() ({
          %run_scoped3A = tpu.sem_alloc : memref<!tpu.dma_semaphore, #tpu.memory_space<semaphore_mem>>
          %dma_start3A_52 = arith.constant 0 : i32
          %dma_start3A_53 = tpu.memref_slice %arg6[%add3A_34, %dma_start3A_52] : memref<20x128xi32, #tpu.memory_space<vmem>> -> memref<1x128xi32, #tpu.memory_space<vmem>>
          %dma_start3A_54 = tpu.memref_squeeze %dma_start3A_53 : memref<1x128xi32, #tpu.memory_space<vmem>> -> memref<128xi32, #tpu.memory_space<vmem>>
          %dma_start3A_55 = arith.constant 0 : i32
          %dma_start3A_56 = arith.constant 0 : i32
          %dma_start3A_57 = tpu.memref_slice %arg9[%dma_start3A_55, %dma_start3A_56] : memref<10240x128xf32, #tpu.memory_space<vmem_shared>> -> memref<10240x128xf32, #tpu.memory_space<vmem_shared>>
          tpu.enqueue_indirect_dma source(%arg8 : memref<128x128xf32, #tpu.memory_space<vmem>>) target(%dma_start3A_57 : memref<10240x128xf32, #tpu.memory_space<vmem_shared>>) offsets(%dma_start3A_54 : memref<128xi32, #tpu.memory_space<vmem>>) semaphore(%run_scoped3A : memref<!tpu.dma_semaphore, #tpu.memory_space<semaphore_mem>>) {add = true}
          %dma_wait3A_58 = arith.constant 0 : i32
          %dma_wait3A_59 = tpu.memref_slice %arg6[%add3A_34, %dma_wait3A_58] : memref<20x128xi32, #tpu.memory_space<vmem>> -> memref<1x128xi32, #tpu.memory_space<vmem>>
          %dma_wait3A_60 = tpu.memref_squeeze %dma_wait3A_59 : memref<1x128xi32, #tpu.memory_space<vmem>> -> memref<128xi32, #tpu.memory_space<vmem>>
          %dma_wait3A_61 = arith.constant 0 : i32
          %dma_wait3A_62 = arith.constant 0 : i32
          %dma_wait3A_63 = tpu.memref_slice %arg9[%dma_wait3A_61, %dma_wait3A_62] : memref<10240x128xf32, #tpu.memory_space<vmem_shared>> -> memref<10240x128xf32, #tpu.memory_space<vmem_shared>>
          tpu.wait_indirect_dma semaphore(%run_scoped3A : memref<!tpu.dma_semaphore, #tpu.memory_space<semaphore_mem>>) src(%arg8 : memref<128x128xf32, #tpu.memory_space<vmem>>) dst(%dma_wait3A_63 : memref<10240x128xf32, #tpu.memory_space<vmem_shared>>)
          tpu.yield
        }) : () -> ()
      } else {
      }
    }
    %scan3A_18 = arith.constant 10 : i32
    %barrier3A_19 = arith.constant 0 : index
    tpu.barrier barrier_id(%barrier3A_19)
    %mul3A_20 = arith.constant 640 : i32
    %mul3A_21 = arith.muli %arg1, %mul3A_20 : i32
    %mul3A_22 = arith.constant 640 : i32
    %mul3A_23 = arith.muli %arg1, %mul3A_22 : i32
    "tpu.region"() ({
      %run_scoped3A = tpu.sem_alloc : memref<!tpu.dma_semaphore, #tpu.memory_space<semaphore_mem>>
      %dma_start3A_24 = arith.constant 0 : i32
      %dma_start3A_25 = tpu.memref_slice %arg5[%arg0, %mul3A_23, %dma_start3A_24] : memref<2x10240x128xf32, #tpu.memory_space<hbm>> -> memref<1x640x128xf32, #tpu.memory_space<hbm>>
      %dma_start3A_26 = tpu.memref_squeeze %dma_start3A_25 : memref<1x640x128xf32, #tpu.memory_space<hbm>> -> memref<640x128xf32, #tpu.memory_space<hbm>>
      %dma_start3A_27 = arith.constant 0 : i32
      %dma_start3A_28 = tpu.memref_slice %arg9[%mul3A_21, %dma_start3A_27] : memref<10240x128xf32, #tpu.memory_space<vmem_shared>> -> memref<640x128xf32, #tpu.memory_space<vmem_shared>>
      tpu.enqueue_dma source(%dma_start3A_28 : memref<640x128xf32, #tpu.memory_space<vmem_shared>>) target(%dma_start3A_26 : memref<640x128xf32, #tpu.memory_space<hbm>>) target_semaphore(%run_scoped3A : memref<!tpu.dma_semaphore, #tpu.memory_space<semaphore_mem>>)
      %dma_wait3A = arith.constant 0 : i32
      %dma_wait3A_29 = tpu.memref_slice %arg5[%arg0, %mul3A_23, %dma_wait3A] : memref<2x10240x128xf32, #tpu.memory_space<hbm>> -> memref<1x640x128xf32, #tpu.memory_space<hbm>>
      %dma_wait3A_30 = tpu.memref_squeeze %dma_wait3A_29 : memref<1x640x128xf32, #tpu.memory_space<hbm>> -> memref<640x128xf32, #tpu.memory_space<hbm>>
      %dma_wait3A_31 = arith.constant 0 : i32
      %dma_wait3A_32 = tpu.memref_slice %arg9[%mul3A_21, %dma_wait3A_31] : memref<10240x128xf32, #tpu.memory_space<vmem_shared>> -> memref<640x128xf32, #tpu.memory_space<vmem_shared>>
      tpu.wait_dma2 semaphore(%run_scoped3A : memref<!tpu.dma_semaphore, #tpu.memory_space<semaphore_mem>>) src(%dma_wait3A_32 : memref<640x128xf32, #tpu.memory_space<vmem_shared>>) dst(%dma_wait3A_30 : memref<640x128xf32, #tpu.memory_space<hbm>>)
      tpu.yield
    }) : () -> ()
    return
  }
}

#map = affine_map<(d0, d1) -> (0, 0)>
#map1 = affine_map<(d0, d1) -> (0, 0, 0)>
module attributes {stable_mosaic.version = 14 : i64} {
  func.func @_scatter_body(%arg0: i32, %arg1: i32, %arg2: memref<81920x128xf32, #tpu.memory_space<hbm>>, %arg3: memref<32x20x128xi32, #tpu.memory_space<hbm>>, %arg4: memref<10240x128xf32, #tpu.memory_space<hbm>>, %arg5: memref<2x10240x128xf32, #tpu.memory_space<hbm>>, %arg6: memref<20x128xi32, #tpu.memory_space<vmem>>, %arg7: memref<128x128xf32, #tpu.memory_space<vmem>>, %arg8: memref<128x128xf32, #tpu.memory_space<vmem>>, %arg9: memref<10240x128xf32, #tpu.memory_space<vmem_shared>>, %arg10: memref<!tpu.dma_semaphore, #tpu.memory_space<semaphore_mem>>) attributes {dimension_semantics = [#tpu.dimension_semantics<core_parallel>, #tpu.dimension_semantics<subcore_parallel>], iteration_bounds = array<i64: 2, 16>, scalar_prefetch = 0 : i64, scratch_operands = 5 : i64, tpu.core_type = #tpu.core_type<sc_vector_subcore>, window_params = [{transform_indices = #map}, {transform_indices = #map1}, {transform_indices = #map}, {transform_indices = #map1}]} {
    %mul3A = arith.constant 2 : i32
    %mul3A_0 = arith.muli %arg1, %mul3A : i32
    %add3A = arith.addi %mul3A_0, %arg0 : i32
    %mul3A_1 = arith.constant 640 : i32
    %mul3A_2 = arith.muli %arg1, %mul3A_1 : i32
    %mul3A_3 = arith.constant 640 : i32
    %mul3A_4 = arith.muli %arg1, %mul3A_3 : i32
    "tpu.region"() ({
      %run_scoped3A = tpu.sem_alloc : memref<!tpu.dma_semaphore, #tpu.memory_space<semaphore_mem>>
      %dma_start3A_24 = arith.constant 0 : i32
      %dma_start3A_25 = tpu.memref_slice %arg9[%mul3A_4, %dma_start3A_24] : memref<10240x128xf32, #tpu.memory_space<vmem_shared>> -> memref<640x128xf32, #tpu.memory_space<vmem_shared>>
      %dma_start3A_26 = arith.constant 0 : i32
      %dma_start3A_27 = tpu.memref_slice %arg4[%mul3A_2, %dma_start3A_26] : memref<10240x128xf32, #tpu.memory_space<hbm>> -> memref<640x128xf32, #tpu.memory_space<hbm>>
      tpu.enqueue_dma source(%dma_start3A_27 : memref<640x128xf32, #tpu.memory_space<hbm>>) target(%dma_start3A_25 : memref<640x128xf32, #tpu.memory_space<vmem_shared>>) target_semaphore(%run_scoped3A : memref<!tpu.dma_semaphore, #tpu.memory_space<semaphore_mem>>)
      %dma_wait3A = arith.constant 0 : i32
      %dma_wait3A_28 = tpu.memref_slice %arg9[%mul3A_4, %dma_wait3A] : memref<10240x128xf32, #tpu.memory_space<vmem_shared>> -> memref<640x128xf32, #tpu.memory_space<vmem_shared>>
      %dma_wait3A_29 = arith.constant 0 : i32
      %dma_wait3A_30 = tpu.memref_slice %arg4[%mul3A_2, %dma_wait3A_29] : memref<10240x128xf32, #tpu.memory_space<hbm>> -> memref<640x128xf32, #tpu.memory_space<hbm>>
      tpu.wait_dma2 semaphore(%run_scoped3A : memref<!tpu.dma_semaphore, #tpu.memory_space<semaphore_mem>>) src(%dma_wait3A_30 : memref<640x128xf32, #tpu.memory_space<hbm>>) dst(%dma_wait3A_28 : memref<640x128xf32, #tpu.memory_space<vmem_shared>>)
      tpu.yield
    }) : () -> ()
    %barrier3A = arith.constant 0 : index
    tpu.barrier barrier_id(%barrier3A)
    "tpu.region"() ({
      %run_scoped3A = tpu.sem_alloc : memref<!tpu.dma_semaphore, #tpu.memory_space<semaphore_mem>>
      %dma_start3A_24 = arith.constant 0 : i32
      %dma_start3A_25 = arith.constant 0 : i32
      %dma_start3A_26 = tpu.memref_slice %arg3[%add3A, %dma_start3A_24, %dma_start3A_25] : memref<32x20x128xi32, #tpu.memory_space<hbm>> -> memref<1x20x128xi32, #tpu.memory_space<hbm>>
      %dma_start3A_27 = tpu.memref_squeeze %dma_start3A_26 : memref<1x20x128xi32, #tpu.memory_space<hbm>> -> memref<20x128xi32, #tpu.memory_space<hbm>>
      %dma_start3A_28 = arith.constant 0 : i32
      %dma_start3A_29 = arith.constant 0 : i32
      %dma_start3A_30 = tpu.memref_slice %arg3[%add3A, %dma_start3A_28, %dma_start3A_29] : memref<32x20x128xi32, #tpu.memory_space<hbm>> -> memref<1x20x128xi32, #tpu.memory_space<hbm>>
      %dma_start3A_31 = tpu.memref_squeeze %dma_start3A_30 : memref<1x20x128xi32, #tpu.memory_space<hbm>> -> memref<20x128xi32, #tpu.memory_space<hbm>>
      tpu.enqueue_dma source(%dma_start3A_31 : memref<20x128xi32, #tpu.memory_space<hbm>>) target(%arg6 : memref<20x128xi32, #tpu.memory_space<vmem>>) target_semaphore(%run_scoped3A : memref<!tpu.dma_semaphore, #tpu.memory_space<semaphore_mem>>)
      %dma_wait3A = arith.constant 0 : i32
      %dma_wait3A_32 = arith.constant 0 : i32
      %dma_wait3A_33 = tpu.memref_slice %arg3[%add3A, %dma_wait3A, %dma_wait3A_32] : memref<32x20x128xi32, #tpu.memory_space<hbm>> -> memref<1x20x128xi32, #tpu.memory_space<hbm>>
      %dma_wait3A_34 = tpu.memref_squeeze %dma_wait3A_33 : memref<1x20x128xi32, #tpu.memory_space<hbm>> -> memref<20x128xi32, #tpu.memory_space<hbm>>
      %dma_wait3A_35 = arith.constant 0 : i32
      %dma_wait3A_36 = arith.constant 0 : i32
      %dma_wait3A_37 = tpu.memref_slice %arg3[%add3A, %dma_wait3A_35, %dma_wait3A_36] : memref<32x20x128xi32, #tpu.memory_space<hbm>> -> memref<1x20x128xi32, #tpu.memory_space<hbm>>
      %dma_wait3A_38 = tpu.memref_squeeze %dma_wait3A_37 : memref<1x20x128xi32, #tpu.memory_space<hbm>> -> memref<20x128xi32, #tpu.memory_space<hbm>>
      tpu.wait_dma2 semaphore(%run_scoped3A : memref<!tpu.dma_semaphore, #tpu.memory_space<semaphore_mem>>) src(%dma_wait3A_38 : memref<20x128xi32, #tpu.memory_space<hbm>>) dst(%arg6 : memref<20x128xi32, #tpu.memory_space<vmem>>)
      tpu.yield
    }) : () -> ()
    %mul3A_5 = arith.constant 20 : i32
    %mul3A_6 = arith.muli %add3A, %mul3A_5 : i32
    %add3A_7 = arith.constant 0 : i32
    %add3A_8 = arith.addi %mul3A_6, %add3A_7 : i32
    %mul3A_9 = arith.constant 128 : i32
    %mul3A_10 = arith.muli %add3A_8, %mul3A_9 : i32
    %dma_start3A = arith.constant 0 : i32
    %dma_start3A_11 = tpu.memref_slice %arg2[%mul3A_10, %dma_start3A] : memref<81920x128xf32, #tpu.memory_space<hbm>> -> memref<128x128xf32, #tpu.memory_space<hbm>>
    %dma_start3A_12 = arith.constant 0 : i32
    %dma_start3A_13 = tpu.memref_slice %arg2[%mul3A_10, %dma_start3A_12] : memref<81920x128xf32, #tpu.memory_space<hbm>> -> memref<128x128xf32, #tpu.memory_space<hbm>>
    tpu.enqueue_dma source(%dma_start3A_13 : memref<128x128xf32, #tpu.memory_space<hbm>>) target(%arg7 : memref<128x128xf32, #tpu.memory_space<vmem>>) target_semaphore(%arg10 : memref<!tpu.dma_semaphore, #tpu.memory_space<semaphore_mem>>)
    %scan3A = arith.constant 0 : i32
    %scan3A_14 = arith.constant 0 : i32
    %scan3A_15 = arith.constant 10 : i32
    %scan3A_16 = arith.addi %scan3A_14, %scan3A_15 : i32
    %scan3A_17 = arith.constant 1 : i32
    scf.for %scan3A_24 = %scan3A_14 to %scan3A_16 step %scan3A_17  : i32 {
      %mul3A_25 = arith.constant 2 : i32
      %mul3A_26 = arith.muli %mul3A_25, %scan3A_24 : i32
      %add3A_27 = arith.constant 0 : i32
      %add3A_28 = arith.addi %mul3A_26, %add3A_27 : i32
      %lt3A = arith.constant 20 : i32
      %lt3A_29 = arith.cmpi slt, %add3A_28, %lt3A : i32
      %convert_element_type3A = arith.extui %lt3A_29 : i1 to i32
      %cond3A = arith.constant 0 : i32
      %cond3A_30 = arith.cmpi ne, %convert_element_type3A, %cond3A : i32
      scf.if %cond3A_30 {
        %add3A_40 = arith.constant 1 : i32
        %add3A_41 = arith.addi %add3A_28, %add3A_40 : i32
        %lt3A_42 = arith.constant 20 : i32
        %lt3A_43 = arith.cmpi slt, %add3A_41, %lt3A_42 : i32
        %convert_element_type3A_44 = arith.extui %lt3A_43 : i1 to i32
        %cond3A_45 = arith.constant 0 : i32
        %cond3A_46 = arith.cmpi ne, %convert_element_type3A_44, %cond3A_45 : i32
        scf.if %cond3A_46 {
          %add3A_52 = arith.constant 1 : i32
          %add3A_53 = arith.addi %add3A_28, %add3A_52 : i32
          %add3A_54 = arith.addi %mul3A_6, %add3A_53 : i32
          %mul3A_55 = arith.constant 128 : i32
          %mul3A_56 = arith.muli %add3A_54, %mul3A_55 : i32
          %dma_start3A_57 = arith.constant 0 : i32
          %dma_start3A_58 = tpu.memref_slice %arg2[%mul3A_56, %dma_start3A_57] : memref<81920x128xf32, #tpu.memory_space<hbm>> -> memref<128x128xf32, #tpu.memory_space<hbm>>
          %dma_start3A_59 = arith.constant 0 : i32
          %dma_start3A_60 = tpu.memref_slice %arg2[%mul3A_56, %dma_start3A_59] : memref<81920x128xf32, #tpu.memory_space<hbm>> -> memref<128x128xf32, #tpu.memory_space<hbm>>
          tpu.enqueue_dma source(%dma_start3A_60 : memref<128x128xf32, #tpu.memory_space<hbm>>) target(%arg8 : memref<128x128xf32, #tpu.memory_space<vmem>>) target_semaphore(%arg10 : memref<!tpu.dma_semaphore, #tpu.memory_space<semaphore_mem>>)
        } else {
        }
        %dma_wait3A = arith.constant 0 : i32
        %dma_wait3A_47 = arith.constant 0 : i32
        %dma_wait3A_48 = tpu.memref_slice %arg2[%dma_wait3A, %dma_wait3A_47] : memref<81920x128xf32, #tpu.memory_space<hbm>> -> memref<128x128xf32, #tpu.memory_space<hbm>>
        %dma_wait3A_49 = arith.constant 0 : i32
        %dma_wait3A_50 = arith.constant 0 : i32
        %dma_wait3A_51 = tpu.memref_slice %arg2[%dma_wait3A_49, %dma_wait3A_50] : memref<81920x128xf32, #tpu.memory_space<hbm>> -> memref<128x128xf32, #tpu.memory_space<hbm>>
        tpu.wait_dma2 semaphore(%arg10 : memref<!tpu.dma_semaphore, #tpu.memory_space<semaphore_mem>>) src(%dma_wait3A_51 : memref<128x128xf32, #tpu.memory_space<hbm>>) dst(%arg7 : memref<128x128xf32, #tpu.memory_space<vmem>>)
        "tpu.region"() ({
          %run_scoped3A = tpu.sem_alloc : memref<!tpu.dma_semaphore, #tpu.memory_space<semaphore_mem>>
          %dma_start3A_52 = arith.constant 0 : i32
          %dma_start3A_53 = tpu.memref_slice %arg6[%add3A_28, %dma_start3A_52] : memref<20x128xi32, #tpu.memory_space<vmem>> -> memref<1x128xi32, #tpu.memory_space<vmem>>
          %dma_start3A_54 = tpu.memref_squeeze %dma_start3A_53 : memref<1x128xi32, #tpu.memory_space<vmem>> -> memref<128xi32, #tpu.memory_space<vmem>>
          %dma_start3A_55 = arith.constant 0 : i32
          %dma_start3A_56 = arith.constant 0 : i32
          %dma_start3A_57 = tpu.memref_slice %arg9[%dma_start3A_55, %dma_start3A_56] : memref<10240x128xf32, #tpu.memory_space<vmem_shared>> -> memref<10240x128xf32, #tpu.memory_space<vmem_shared>>
          tpu.enqueue_indirect_dma source(%arg7 : memref<128x128xf32, #tpu.memory_space<vmem>>) target(%dma_start3A_57 : memref<10240x128xf32, #tpu.memory_space<vmem_shared>>) offsets(%dma_start3A_54 : memref<128xi32, #tpu.memory_space<vmem>>) semaphore(%run_scoped3A : memref<!tpu.dma_semaphore, #tpu.memory_space<semaphore_mem>>) {add = true}
          %dma_wait3A_58 = arith.constant 0 : i32
          %dma_wait3A_59 = tpu.memref_slice %arg6[%add3A_28, %dma_wait3A_58] : memref<20x128xi32, #tpu.memory_space<vmem>> -> memref<1x128xi32, #tpu.memory_space<vmem>>
          %dma_wait3A_60 = tpu.memref_squeeze %dma_wait3A_59 : memref<1x128xi32, #tpu.memory_space<vmem>> -> memref<128xi32, #tpu.memory_space<vmem>>
          %dma_wait3A_61 = arith.constant 0 : i32
          %dma_wait3A_62 = arith.constant 0 : i32
          %dma_wait3A_63 = tpu.memref_slice %arg9[%dma_wait3A_61, %dma_wait3A_62] : memref<10240x128xf32, #tpu.memory_space<vmem_shared>> -> memref<10240x128xf32, #tpu.memory_space<vmem_shared>>
          tpu.wait_indirect_dma semaphore(%run_scoped3A : memref<!tpu.dma_semaphore, #tpu.memory_space<semaphore_mem>>) src(%arg7 : memref<128x128xf32, #tpu.memory_space<vmem>>) dst(%dma_wait3A_63 : memref<10240x128xf32, #tpu.memory_space<vmem_shared>>)
          tpu.yield
        }) : () -> ()
      } else {
      }
      %mul3A_31 = arith.constant 2 : i32
      %mul3A_32 = arith.muli %mul3A_31, %scan3A_24 : i32
      %add3A_33 = arith.constant 1 : i32
      %add3A_34 = arith.addi %mul3A_32, %add3A_33 : i32
      %lt3A_35 = arith.constant 20 : i32
      %lt3A_36 = arith.cmpi slt, %add3A_34, %lt3A_35 : i32
      %convert_element_type3A_37 = arith.extui %lt3A_36 : i1 to i32
      %cond3A_38 = arith.constant 0 : i32
      %cond3A_39 = arith.cmpi ne, %convert_element_type3A_37, %cond3A_38 : i32
      scf.if %cond3A_39 {
        %add3A_40 = arith.constant 1 : i32
        %add3A_41 = arith.addi %add3A_34, %add3A_40 : i32
        %lt3A_42 = arith.constant 20 : i32
        %lt3A_43 = arith.cmpi slt, %add3A_41, %lt3A_42 : i32
        %convert_element_type3A_44 = arith.extui %lt3A_43 : i1 to i32
        %cond3A_45 = arith.constant 0 : i32
        %cond3A_46 = arith.cmpi ne, %convert_element_type3A_44, %cond3A_45 : i32
        scf.if %cond3A_46 {
          %add3A_52 = arith.constant 1 : i32
          %add3A_53 = arith.addi %add3A_34, %add3A_52 : i32
          %add3A_54 = arith.addi %mul3A_6, %add3A_53 : i32
          %mul3A_55 = arith.constant 128 : i32
          %mul3A_56 = arith.muli %add3A_54, %mul3A_55 : i32
          %dma_start3A_57 = arith.constant 0 : i32
          %dma_start3A_58 = tpu.memref_slice %arg2[%mul3A_56, %dma_start3A_57] : memref<81920x128xf32, #tpu.memory_space<hbm>> -> memref<128x128xf32, #tpu.memory_space<hbm>>
          %dma_start3A_59 = arith.constant 0 : i32
          %dma_start3A_60 = tpu.memref_slice %arg2[%mul3A_56, %dma_start3A_59] : memref<81920x128xf32, #tpu.memory_space<hbm>> -> memref<128x128xf32, #tpu.memory_space<hbm>>
          tpu.enqueue_dma source(%dma_start3A_60 : memref<128x128xf32, #tpu.memory_space<hbm>>) target(%arg7 : memref<128x128xf32, #tpu.memory_space<vmem>>) target_semaphore(%arg10 : memref<!tpu.dma_semaphore, #tpu.memory_space<semaphore_mem>>)
        } else {
        }
        %dma_wait3A = arith.constant 0 : i32
        %dma_wait3A_47 = arith.constant 0 : i32
        %dma_wait3A_48 = tpu.memref_slice %arg2[%dma_wait3A, %dma_wait3A_47] : memref<81920x128xf32, #tpu.memory_space<hbm>> -> memref<128x128xf32, #tpu.memory_space<hbm>>
        %dma_wait3A_49 = arith.constant 0 : i32
        %dma_wait3A_50 = arith.constant 0 : i32
        %dma_wait3A_51 = tpu.memref_slice %arg2[%dma_wait3A_49, %dma_wait3A_50] : memref<81920x128xf32, #tpu.memory_space<hbm>> -> memref<128x128xf32, #tpu.memory_space<hbm>>
        tpu.wait_dma2 semaphore(%arg10 : memref<!tpu.dma_semaphore, #tpu.memory_space<semaphore_mem>>) src(%dma_wait3A_51 : memref<128x128xf32, #tpu.memory_space<hbm>>) dst(%arg8 : memref<128x128xf32, #tpu.memory_space<vmem>>)
        "tpu.region"() ({
          %run_scoped3A = tpu.sem_alloc : memref<!tpu.dma_semaphore, #tpu.memory_space<semaphore_mem>>
          %dma_start3A_52 = arith.constant 0 : i32
          %dma_start3A_53 = tpu.memref_slice %arg6[%add3A_34, %dma_start3A_52] : memref<20x128xi32, #tpu.memory_space<vmem>> -> memref<1x128xi32, #tpu.memory_space<vmem>>
          %dma_start3A_54 = tpu.memref_squeeze %dma_start3A_53 : memref<1x128xi32, #tpu.memory_space<vmem>> -> memref<128xi32, #tpu.memory_space<vmem>>
          %dma_start3A_55 = arith.constant 0 : i32
          %dma_start3A_56 = arith.constant 0 : i32
          %dma_start3A_57 = tpu.memref_slice %arg9[%dma_start3A_55, %dma_start3A_56] : memref<10240x128xf32, #tpu.memory_space<vmem_shared>> -> memref<10240x128xf32, #tpu.memory_space<vmem_shared>>
          tpu.enqueue_indirect_dma source(%arg8 : memref<128x128xf32, #tpu.memory_space<vmem>>) target(%dma_start3A_57 : memref<10240x128xf32, #tpu.memory_space<vmem_shared>>) offsets(%dma_start3A_54 : memref<128xi32, #tpu.memory_space<vmem>>) semaphore(%run_scoped3A : memref<!tpu.dma_semaphore, #tpu.memory_space<semaphore_mem>>) {add = true}
          %dma_wait3A_58 = arith.constant 0 : i32
          %dma_wait3A_59 = tpu.memref_slice %arg6[%add3A_34, %dma_wait3A_58] : memref<20x128xi32, #tpu.memory_space<vmem>> -> memref<1x128xi32, #tpu.memory_space<vmem>>
          %dma_wait3A_60 = tpu.memref_squeeze %dma_wait3A_59 : memref<1x128xi32, #tpu.memory_space<vmem>> -> memref<128xi32, #tpu.memory_space<vmem>>
          %dma_wait3A_61 = arith.constant 0 : i32
          %dma_wait3A_62 = arith.constant 0 : i32
          %dma_wait3A_63 = tpu.memref_slice %arg9[%dma_wait3A_61, %dma_wait3A_62] : memref<10240x128xf32, #tpu.memory_space<vmem_shared>> -> memref<10240x128xf32, #tpu.memory_space<vmem_shared>>
          tpu.wait_indirect_dma semaphore(%run_scoped3A : memref<!tpu.dma_semaphore, #tpu.memory_space<semaphore_mem>>) src(%arg8 : memref<128x128xf32, #tpu.memory_space<vmem>>) dst(%dma_wait3A_63 : memref<10240x128xf32, #tpu.memory_space<vmem_shared>>)
          tpu.yield
        }) : () -> ()
      } else {
      }
    }
    %scan3A_18 = arith.constant 10 : i32
    %barrier3A_19 = arith.constant 0 : index
    tpu.barrier barrier_id(%barrier3A_19)
    %mul3A_20 = arith.constant 640 : i32
    %mul3A_21 = arith.muli %arg1, %mul3A_20 : i32
    %mul3A_22 = arith.constant 640 : i32
    %mul3A_23 = arith.muli %arg1, %mul3A_22 : i32
    "tpu.region"() ({
      %run_scoped3A = tpu.sem_alloc : memref<!tpu.dma_semaphore, #tpu.memory_space<semaphore_mem>>
      %dma_start3A_24 = arith.constant 0 : i32
      %dma_start3A_25 = tpu.memref_slice %arg5[%arg0, %mul3A_23, %dma_start3A_24] : memref<2x10240x128xf32, #tpu.memory_space<hbm>> -> memref<1x640x128xf32, #tpu.memory_space<hbm>>
      %dma_start3A_26 = tpu.memref_squeeze %dma_start3A_25 : memref<1x640x128xf32, #tpu.memory_space<hbm>> -> memref<640x128xf32, #tpu.memory_space<hbm>>
      %dma_start3A_27 = arith.constant 0 : i32
      %dma_start3A_28 = tpu.memref_slice %arg9[%mul3A_21, %dma_start3A_27] : memref<10240x128xf32, #tpu.memory_space<vmem_shared>> -> memref<640x128xf32, #tpu.memory_space<vmem_shared>>
      tpu.enqueue_dma source(%dma_start3A_28 : memref<640x128xf32, #tpu.memory_space<vmem_shared>>) target(%dma_start3A_26 : memref<640x128xf32, #tpu.memory_space<hbm>>) target_semaphore(%run_scoped3A : memref<!tpu.dma_semaphore, #tpu.memory_space<semaphore_mem>>)
      %dma_wait3A = arith.constant 0 : i32
      %dma_wait3A_29 = tpu.memref_slice %arg5[%arg0, %mul3A_23, %dma_wait3A] : memref<2x10240x128xf32, #tpu.memory_space<hbm>> -> memref<1x640x128xf32, #tpu.memory_space<hbm>>
      %dma_wait3A_30 = tpu.memref_squeeze %dma_wait3A_29 : memref<1x640x128xf32, #tpu.memory_space<hbm>> -> memref<640x128xf32, #tpu.memory_space<hbm>>
      %dma_wait3A_31 = arith.constant 0 : i32
      %dma_wait3A_32 = tpu.memref_slice %arg9[%mul3A_21, %dma_wait3A_31] : memref<10240x128xf32, #tpu.memory_space<vmem_shared>> -> memref<640x128xf32, #tpu.memory_space<vmem_shared>>
      tpu.wait_dma2 semaphore(%run_scoped3A : memref<!tpu.dma_semaphore, #tpu.memory_space<semaphore_mem>>) src(%dma_wait3A_32 : memref<640x128xf32, #tpu.memory_space<vmem_shared>>) dst(%dma_wait3A_30 : memref<640x128xf32, #tpu.memory_space<hbm>>)
      tpu.yield
    }) : () -> ()
    return
  }
}

#map = affine_map<(d0, d1) -> (0, 0)>
#map1 = affine_map<(d0, d1) -> (0, 0, 0)>
module attributes {stable_mosaic.version = 14 : i64} {
  func.func @_scatter_body(%arg0: i32, %arg1: i32, %arg2: memref<81920x128xf32, #tpu.memory_space<hbm>>, %arg3: memref<32x20x128xi32, #tpu.memory_space<hbm>>, %arg4: memref<10240x128xf32, #tpu.memory_space<hbm>>, %arg5: memref<2x10240x128xf32, #tpu.memory_space<hbm>>, %arg6: memref<20x128xi32, #tpu.memory_space<vmem>>, %arg7: memref<128x128xf32, #tpu.memory_space<vmem>>, %arg8: memref<128x128xf32, #tpu.memory_space<vmem>>, %arg9: memref<10240x128xf32, #tpu.memory_space<vmem_shared>>, %arg10: memref<!tpu.dma_semaphore, #tpu.memory_space<semaphore_mem>>) attributes {dimension_semantics = [#tpu.dimension_semantics<core_parallel>, #tpu.dimension_semantics<subcore_parallel>], iteration_bounds = array<i64: 2, 16>, scalar_prefetch = 0 : i64, scratch_operands = 5 : i64, tpu.core_type = #tpu.core_type<sc_vector_subcore>, window_params = [{transform_indices = #map}, {transform_indices = #map1}, {transform_indices = #map}, {transform_indices = #map1}]} {
    %mul3A = arith.constant 2 : i32
    %mul3A_0 = arith.muli %arg1, %mul3A : i32
    %add3A = arith.addi %mul3A_0, %arg0 : i32
    %mul3A_1 = arith.constant 640 : i32
    %mul3A_2 = arith.muli %arg1, %mul3A_1 : i32
    %mul3A_3 = arith.constant 640 : i32
    %mul3A_4 = arith.muli %arg1, %mul3A_3 : i32
    "tpu.region"() ({
      %run_scoped3A = tpu.sem_alloc : memref<!tpu.dma_semaphore, #tpu.memory_space<semaphore_mem>>
      %dma_start3A_24 = arith.constant 0 : i32
      %dma_start3A_25 = tpu.memref_slice %arg9[%mul3A_4, %dma_start3A_24] : memref<10240x128xf32, #tpu.memory_space<vmem_shared>> -> memref<640x128xf32, #tpu.memory_space<vmem_shared>>
      %dma_start3A_26 = arith.constant 0 : i32
      %dma_start3A_27 = tpu.memref_slice %arg4[%mul3A_2, %dma_start3A_26] : memref<10240x128xf32, #tpu.memory_space<hbm>> -> memref<640x128xf32, #tpu.memory_space<hbm>>
      tpu.enqueue_dma source(%dma_start3A_27 : memref<640x128xf32, #tpu.memory_space<hbm>>) target(%dma_start3A_25 : memref<640x128xf32, #tpu.memory_space<vmem_shared>>) target_semaphore(%run_scoped3A : memref<!tpu.dma_semaphore, #tpu.memory_space<semaphore_mem>>)
      %dma_wait3A = arith.constant 0 : i32
      %dma_wait3A_28 = tpu.memref_slice %arg9[%mul3A_4, %dma_wait3A] : memref<10240x128xf32, #tpu.memory_space<vmem_shared>> -> memref<640x128xf32, #tpu.memory_space<vmem_shared>>
      %dma_wait3A_29 = arith.constant 0 : i32
      %dma_wait3A_30 = tpu.memref_slice %arg4[%mul3A_2, %dma_wait3A_29] : memref<10240x128xf32, #tpu.memory_space<hbm>> -> memref<640x128xf32, #tpu.memory_space<hbm>>
      tpu.wait_dma2 semaphore(%run_scoped3A : memref<!tpu.dma_semaphore, #tpu.memory_space<semaphore_mem>>) src(%dma_wait3A_30 : memref<640x128xf32, #tpu.memory_space<hbm>>) dst(%dma_wait3A_28 : memref<640x128xf32, #tpu.memory_space<vmem_shared>>)
      tpu.yield
    }) : () -> ()
    %barrier3A = arith.constant 0 : index
    tpu.barrier barrier_id(%barrier3A)
    "tpu.region"() ({
      %run_scoped3A = tpu.sem_alloc : memref<!tpu.dma_semaphore, #tpu.memory_space<semaphore_mem>>
      %dma_start3A_24 = arith.constant 0 : i32
      %dma_start3A_25 = arith.constant 0 : i32
      %dma_start3A_26 = tpu.memref_slice %arg3[%add3A, %dma_start3A_24, %dma_start3A_25] : memref<32x20x128xi32, #tpu.memory_space<hbm>> -> memref<1x20x128xi32, #tpu.memory_space<hbm>>
      %dma_start3A_27 = tpu.memref_squeeze %dma_start3A_26 : memref<1x20x128xi32, #tpu.memory_space<hbm>> -> memref<20x128xi32, #tpu.memory_space<hbm>>
      %dma_start3A_28 = arith.constant 0 : i32
      %dma_start3A_29 = arith.constant 0 : i32
      %dma_start3A_30 = tpu.memref_slice %arg3[%add3A, %dma_start3A_28, %dma_start3A_29] : memref<32x20x128xi32, #tpu.memory_space<hbm>> -> memref<1x20x128xi32, #tpu.memory_space<hbm>>
      %dma_start3A_31 = tpu.memref_squeeze %dma_start3A_30 : memref<1x20x128xi32, #tpu.memory_space<hbm>> -> memref<20x128xi32, #tpu.memory_space<hbm>>
      tpu.enqueue_dma source(%dma_start3A_31 : memref<20x128xi32, #tpu.memory_space<hbm>>) target(%arg6 : memref<20x128xi32, #tpu.memory_space<vmem>>) target_semaphore(%run_scoped3A : memref<!tpu.dma_semaphore, #tpu.memory_space<semaphore_mem>>)
      %dma_wait3A = arith.constant 0 : i32
      %dma_wait3A_32 = arith.constant 0 : i32
      %dma_wait3A_33 = tpu.memref_slice %arg3[%add3A, %dma_wait3A, %dma_wait3A_32] : memref<32x20x128xi32, #tpu.memory_space<hbm>> -> memref<1x20x128xi32, #tpu.memory_space<hbm>>
      %dma_wait3A_34 = tpu.memref_squeeze %dma_wait3A_33 : memref<1x20x128xi32, #tpu.memory_space<hbm>> -> memref<20x128xi32, #tpu.memory_space<hbm>>
      %dma_wait3A_35 = arith.constant 0 : i32
      %dma_wait3A_36 = arith.constant 0 : i32
      %dma_wait3A_37 = tpu.memref_slice %arg3[%add3A, %dma_wait3A_35, %dma_wait3A_36] : memref<32x20x128xi32, #tpu.memory_space<hbm>> -> memref<1x20x128xi32, #tpu.memory_space<hbm>>
      %dma_wait3A_38 = tpu.memref_squeeze %dma_wait3A_37 : memref<1x20x128xi32, #tpu.memory_space<hbm>> -> memref<20x128xi32, #tpu.memory_space<hbm>>
      tpu.wait_dma2 semaphore(%run_scoped3A : memref<!tpu.dma_semaphore, #tpu.memory_space<semaphore_mem>>) src(%dma_wait3A_38 : memref<20x128xi32, #tpu.memory_space<hbm>>) dst(%arg6 : memref<20x128xi32, #tpu.memory_space<vmem>>)
      tpu.yield
    }) : () -> ()
    %mul3A_5 = arith.constant 20 : i32
    %mul3A_6 = arith.muli %add3A, %mul3A_5 : i32
    %add3A_7 = arith.constant 0 : i32
    %add3A_8 = arith.addi %mul3A_6, %add3A_7 : i32
    %mul3A_9 = arith.constant 128 : i32
    %mul3A_10 = arith.muli %add3A_8, %mul3A_9 : i32
    %dma_start3A = arith.constant 0 : i32
    %dma_start3A_11 = tpu.memref_slice %arg2[%mul3A_10, %dma_start3A] : memref<81920x128xf32, #tpu.memory_space<hbm>> -> memref<128x128xf32, #tpu.memory_space<hbm>>
    %dma_start3A_12 = arith.constant 0 : i32
    %dma_start3A_13 = tpu.memref_slice %arg2[%mul3A_10, %dma_start3A_12] : memref<81920x128xf32, #tpu.memory_space<hbm>> -> memref<128x128xf32, #tpu.memory_space<hbm>>
    tpu.enqueue_dma source(%dma_start3A_13 : memref<128x128xf32, #tpu.memory_space<hbm>>) target(%arg7 : memref<128x128xf32, #tpu.memory_space<vmem>>) target_semaphore(%arg10 : memref<!tpu.dma_semaphore, #tpu.memory_space<semaphore_mem>>)
    %scan3A = arith.constant 0 : i32
    %scan3A_14 = arith.constant 0 : i32
    %scan3A_15 = arith.constant 10 : i32
    %scan3A_16 = arith.addi %scan3A_14, %scan3A_15 : i32
    %scan3A_17 = arith.constant 1 : i32
    scf.for %scan3A_24 = %scan3A_14 to %scan3A_16 step %scan3A_17  : i32 {
      %mul3A_25 = arith.constant 2 : i32
      %mul3A_26 = arith.muli %mul3A_25, %scan3A_24 : i32
      %add3A_27 = arith.constant 0 : i32
      %add3A_28 = arith.addi %mul3A_26, %add3A_27 : i32
      %lt3A = arith.constant 20 : i32
      %lt3A_29 = arith.cmpi slt, %add3A_28, %lt3A : i32
      %convert_element_type3A = arith.extui %lt3A_29 : i1 to i32
      %cond3A = arith.constant 0 : i32
      %cond3A_30 = arith.cmpi ne, %convert_element_type3A, %cond3A : i32
      scf.if %cond3A_30 {
        %add3A_40 = arith.constant 1 : i32
        %add3A_41 = arith.addi %add3A_28, %add3A_40 : i32
        %lt3A_42 = arith.constant 20 : i32
        %lt3A_43 = arith.cmpi slt, %add3A_41, %lt3A_42 : i32
        %convert_element_type3A_44 = arith.extui %lt3A_43 : i1 to i32
        %cond3A_45 = arith.constant 0 : i32
        %cond3A_46 = arith.cmpi ne, %convert_element_type3A_44, %cond3A_45 : i32
        scf.if %cond3A_46 {
          %add3A_52 = arith.constant 1 : i32
          %add3A_53 = arith.addi %add3A_28, %add3A_52 : i32
          %add3A_54 = arith.addi %mul3A_6, %add3A_53 : i32
          %mul3A_55 = arith.constant 128 : i32
          %mul3A_56 = arith.muli %add3A_54, %mul3A_55 : i32
          %dma_start3A_57 = arith.constant 0 : i32
          %dma_start3A_58 = tpu.memref_slice %arg2[%mul3A_56, %dma_start3A_57] : memref<81920x128xf32, #tpu.memory_space<hbm>> -> memref<128x128xf32, #tpu.memory_space<hbm>>
          %dma_start3A_59 = arith.constant 0 : i32
          %dma_start3A_60 = tpu.memref_slice %arg2[%mul3A_56, %dma_start3A_59] : memref<81920x128xf32, #tpu.memory_space<hbm>> -> memref<128x128xf32, #tpu.memory_space<hbm>>
          tpu.enqueue_dma source(%dma_start3A_60 : memref<128x128xf32, #tpu.memory_space<hbm>>) target(%arg8 : memref<128x128xf32, #tpu.memory_space<vmem>>) target_semaphore(%arg10 : memref<!tpu.dma_semaphore, #tpu.memory_space<semaphore_mem>>)
        } else {
        }
        %dma_wait3A = arith.constant 0 : i32
        %dma_wait3A_47 = arith.constant 0 : i32
        %dma_wait3A_48 = tpu.memref_slice %arg2[%dma_wait3A, %dma_wait3A_47] : memref<81920x128xf32, #tpu.memory_space<hbm>> -> memref<128x128xf32, #tpu.memory_space<hbm>>
        %dma_wait3A_49 = arith.constant 0 : i32
        %dma_wait3A_50 = arith.constant 0 : i32
        %dma_wait3A_51 = tpu.memref_slice %arg2[%dma_wait3A_49, %dma_wait3A_50] : memref<81920x128xf32, #tpu.memory_space<hbm>> -> memref<128x128xf32, #tpu.memory_space<hbm>>
        tpu.wait_dma2 semaphore(%arg10 : memref<!tpu.dma_semaphore, #tpu.memory_space<semaphore_mem>>) src(%dma_wait3A_51 : memref<128x128xf32, #tpu.memory_space<hbm>>) dst(%arg7 : memref<128x128xf32, #tpu.memory_space<vmem>>)
        "tpu.region"() ({
          %run_scoped3A = tpu.sem_alloc : memref<!tpu.dma_semaphore, #tpu.memory_space<semaphore_mem>>
          %dma_start3A_52 = arith.constant 0 : i32
          %dma_start3A_53 = tpu.memref_slice %arg6[%add3A_28, %dma_start3A_52] : memref<20x128xi32, #tpu.memory_space<vmem>> -> memref<1x128xi32, #tpu.memory_space<vmem>>
          %dma_start3A_54 = tpu.memref_squeeze %dma_start3A_53 : memref<1x128xi32, #tpu.memory_space<vmem>> -> memref<128xi32, #tpu.memory_space<vmem>>
          %dma_start3A_55 = arith.constant 0 : i32
          %dma_start3A_56 = arith.constant 0 : i32
          %dma_start3A_57 = tpu.memref_slice %arg9[%dma_start3A_55, %dma_start3A_56] : memref<10240x128xf32, #tpu.memory_space<vmem_shared>> -> memref<10240x128xf32, #tpu.memory_space<vmem_shared>>
          tpu.enqueue_indirect_dma source(%arg7 : memref<128x128xf32, #tpu.memory_space<vmem>>) target(%dma_start3A_57 : memref<10240x128xf32, #tpu.memory_space<vmem_shared>>) offsets(%dma_start3A_54 : memref<128xi32, #tpu.memory_space<vmem>>) semaphore(%run_scoped3A : memref<!tpu.dma_semaphore, #tpu.memory_space<semaphore_mem>>) {add = true}
          %dma_wait3A_58 = arith.constant 0 : i32
          %dma_wait3A_59 = tpu.memref_slice %arg6[%add3A_28, %dma_wait3A_58] : memref<20x128xi32, #tpu.memory_space<vmem>> -> memref<1x128xi32, #tpu.memory_space<vmem>>
          %dma_wait3A_60 = tpu.memref_squeeze %dma_wait3A_59 : memref<1x128xi32, #tpu.memory_space<vmem>> -> memref<128xi32, #tpu.memory_space<vmem>>
          %dma_wait3A_61 = arith.constant 0 : i32
          %dma_wait3A_62 = arith.constant 0 : i32
          %dma_wait3A_63 = tpu.memref_slice %arg9[%dma_wait3A_61, %dma_wait3A_62] : memref<10240x128xf32, #tpu.memory_space<vmem_shared>> -> memref<10240x128xf32, #tpu.memory_space<vmem_shared>>
          tpu.wait_indirect_dma semaphore(%run_scoped3A : memref<!tpu.dma_semaphore, #tpu.memory_space<semaphore_mem>>) src(%arg7 : memref<128x128xf32, #tpu.memory_space<vmem>>) dst(%dma_wait3A_63 : memref<10240x128xf32, #tpu.memory_space<vmem_shared>>)
          tpu.yield
        }) : () -> ()
      } else {
      }
      %mul3A_31 = arith.constant 2 : i32
      %mul3A_32 = arith.muli %mul3A_31, %scan3A_24 : i32
      %add3A_33 = arith.constant 1 : i32
      %add3A_34 = arith.addi %mul3A_32, %add3A_33 : i32
      %lt3A_35 = arith.constant 20 : i32
      %lt3A_36 = arith.cmpi slt, %add3A_34, %lt3A_35 : i32
      %convert_element_type3A_37 = arith.extui %lt3A_36 : i1 to i32
      %cond3A_38 = arith.constant 0 : i32
      %cond3A_39 = arith.cmpi ne, %convert_element_type3A_37, %cond3A_38 : i32
      scf.if %cond3A_39 {
        %add3A_40 = arith.constant 1 : i32
        %add3A_41 = arith.addi %add3A_34, %add3A_40 : i32
        %lt3A_42 = arith.constant 20 : i32
        %lt3A_43 = arith.cmpi slt, %add3A_41, %lt3A_42 : i32
        %convert_element_type3A_44 = arith.extui %lt3A_43 : i1 to i32
        %cond3A_45 = arith.constant 0 : i32
        %cond3A_46 = arith.cmpi ne, %convert_element_type3A_44, %cond3A_45 : i32
        scf.if %cond3A_46 {
          %add3A_52 = arith.constant 1 : i32
          %add3A_53 = arith.addi %add3A_34, %add3A_52 : i32
          %add3A_54 = arith.addi %mul3A_6, %add3A_53 : i32
          %mul3A_55 = arith.constant 128 : i32
          %mul3A_56 = arith.muli %add3A_54, %mul3A_55 : i32
          %dma_start3A_57 = arith.constant 0 : i32
          %dma_start3A_58 = tpu.memref_slice %arg2[%mul3A_56, %dma_start3A_57] : memref<81920x128xf32, #tpu.memory_space<hbm>> -> memref<128x128xf32, #tpu.memory_space<hbm>>
          %dma_start3A_59 = arith.constant 0 : i32
          %dma_start3A_60 = tpu.memref_slice %arg2[%mul3A_56, %dma_start3A_59] : memref<81920x128xf32, #tpu.memory_space<hbm>> -> memref<128x128xf32, #tpu.memory_space<hbm>>
          tpu.enqueue_dma source(%dma_start3A_60 : memref<128x128xf32, #tpu.memory_space<hbm>>) target(%arg7 : memref<128x128xf32, #tpu.memory_space<vmem>>) target_semaphore(%arg10 : memref<!tpu.dma_semaphore, #tpu.memory_space<semaphore_mem>>)
        } else {
        }
        %dma_wait3A = arith.constant 0 : i32
        %dma_wait3A_47 = arith.constant 0 : i32
        %dma_wait3A_48 = tpu.memref_slice %arg2[%dma_wait3A, %dma_wait3A_47] : memref<81920x128xf32, #tpu.memory_space<hbm>> -> memref<128x128xf32, #tpu.memory_space<hbm>>
        %dma_wait3A_49 = arith.constant 0 : i32
        %dma_wait3A_50 = arith.constant 0 : i32
        %dma_wait3A_51 = tpu.memref_slice %arg2[%dma_wait3A_49, %dma_wait3A_50] : memref<81920x128xf32, #tpu.memory_space<hbm>> -> memref<128x128xf32, #tpu.memory_space<hbm>>
        tpu.wait_dma2 semaphore(%arg10 : memref<!tpu.dma_semaphore, #tpu.memory_space<semaphore_mem>>) src(%dma_wait3A_51 : memref<128x128xf32, #tpu.memory_space<hbm>>) dst(%arg8 : memref<128x128xf32, #tpu.memory_space<vmem>>)
        "tpu.region"() ({
          %run_scoped3A = tpu.sem_alloc : memref<!tpu.dma_semaphore, #tpu.memory_space<semaphore_mem>>
          %dma_start3A_52 = arith.constant 0 : i32
          %dma_start3A_53 = tpu.memref_slice %arg6[%add3A_34, %dma_start3A_52] : memref<20x128xi32, #tpu.memory_space<vmem>> -> memref<1x128xi32, #tpu.memory_space<vmem>>
          %dma_start3A_54 = tpu.memref_squeeze %dma_start3A_53 : memref<1x128xi32, #tpu.memory_space<vmem>> -> memref<128xi32, #tpu.memory_space<vmem>>
          %dma_start3A_55 = arith.constant 0 : i32
          %dma_start3A_56 = arith.constant 0 : i32
          %dma_start3A_57 = tpu.memref_slice %arg9[%dma_start3A_55, %dma_start3A_56] : memref<10240x128xf32, #tpu.memory_space<vmem_shared>> -> memref<10240x128xf32, #tpu.memory_space<vmem_shared>>
          tpu.enqueue_indirect_dma source(%arg8 : memref<128x128xf32, #tpu.memory_space<vmem>>) target(%dma_start3A_57 : memref<10240x128xf32, #tpu.memory_space<vmem_shared>>) offsets(%dma_start3A_54 : memref<128xi32, #tpu.memory_space<vmem>>) semaphore(%run_scoped3A : memref<!tpu.dma_semaphore, #tpu.memory_space<semaphore_mem>>) {add = true}
          %dma_wait3A_58 = arith.constant 0 : i32
          %dma_wait3A_59 = tpu.memref_slice %arg6[%add3A_34, %dma_wait3A_58] : memref<20x128xi32, #tpu.memory_space<vmem>> -> memref<1x128xi32, #tpu.memory_space<vmem>>
          %dma_wait3A_60 = tpu.memref_squeeze %dma_wait3A_59 : memref<1x128xi32, #tpu.memory_space<vmem>> -> memref<128xi32, #tpu.memory_space<vmem>>
          %dma_wait3A_61 = arith.constant 0 : i32
          %dma_wait3A_62 = arith.constant 0 : i32
          %dma_wait3A_63 = tpu.memref_slice %arg9[%dma_wait3A_61, %dma_wait3A_62] : memref<10240x128xf32, #tpu.memory_space<vmem_shared>> -> memref<10240x128xf32, #tpu.memory_space<vmem_shared>>
          tpu.wait_indirect_dma semaphore(%run_scoped3A : memref<!tpu.dma_semaphore, #tpu.memory_space<semaphore_mem>>) src(%arg8 : memref<128x128xf32, #tpu.memory_space<vmem>>) dst(%dma_wait3A_63 : memref<10240x128xf32, #tpu.memory_space<vmem_shared>>)
          tpu.yield
        }) : () -> ()
      } else {
      }
    }
    %scan3A_18 = arith.constant 10 : i32
    %barrier3A_19 = arith.constant 0 : index
    tpu.barrier barrier_id(%barrier3A_19)
    %mul3A_20 = arith.constant 640 : i32
    %mul3A_21 = arith.muli %arg1, %mul3A_20 : i32
    %mul3A_22 = arith.constant 640 : i32
    %mul3A_23 = arith.muli %arg1, %mul3A_22 : i32
    "tpu.region"() ({
      %run_scoped3A = tpu.sem_alloc : memref<!tpu.dma_semaphore, #tpu.memory_space<semaphore_mem>>
      %dma_start3A_24 = arith.constant 0 : i32
      %dma_start3A_25 = tpu.memref_slice %arg5[%arg0, %mul3A_23, %dma_start3A_24] : memref<2x10240x128xf32, #tpu.memory_space<hbm>> -> memref<1x640x128xf32, #tpu.memory_space<hbm>>
      %dma_start3A_26 = tpu.memref_squeeze %dma_start3A_25 : memref<1x640x128xf32, #tpu.memory_space<hbm>> -> memref<640x128xf32, #tpu.memory_space<hbm>>
      %dma_start3A_27 = arith.constant 0 : i32
      %dma_start3A_28 = tpu.memref_slice %arg9[%mul3A_21, %dma_start3A_27] : memref<10240x128xf32, #tpu.memory_space<vmem_shared>> -> memref<640x128xf32, #tpu.memory_space<vmem_shared>>
      tpu.enqueue_dma source(%dma_start3A_28 : memref<640x128xf32, #tpu.memory_space<vmem_shared>>) target(%dma_start3A_26 : memref<640x128xf32, #tpu.memory_space<hbm>>) target_semaphore(%run_scoped3A : memref<!tpu.dma_semaphore, #tpu.memory_space<semaphore_mem>>)
      %dma_wait3A = arith.constant 0 : i32
      %dma_wait3A_29 = tpu.memref_slice %arg5[%arg0, %mul3A_23, %dma_wait3A] : memref<2x10240x128xf32, #tpu.memory_space<hbm>> -> memref<1x640x128xf32, #tpu.memory_space<hbm>>
      %dma_wait3A_30 = tpu.memref_squeeze %dma_wait3A_29 : memref<1x640x128xf32, #tpu.memory_space<hbm>> -> memref<640x128xf32, #tpu.memory_space<hbm>>
      %dma_wait3A_31 = arith.constant 0 : i32
      %dma_wait3A_32 = tpu.memref_slice %arg9[%mul3A_21, %dma_wait3A_31] : memref<10240x128xf32, #tpu.memory_space<vmem_shared>> -> memref<640x128xf32, #tpu.memory_space<vmem_shared>>
      tpu.wait_dma2 semaphore(%run_scoped3A : memref<!tpu.dma_semaphore, #tpu.memory_space<semaphore_mem>>) src(%dma_wait3A_32 : memref<640x128xf32, #tpu.memory_space<vmem_shared>>) dst(%dma_wait3A_30 : memref<640x128xf32, #tpu.memory_space<hbm>>)
      tpu.yield
    }) : () -> ()
    return
  }
}

#map = affine_map<(d0, d1) -> (0, 0)>
#map1 = affine_map<(d0, d1) -> (0, 0, 0)>
module attributes {stable_mosaic.version = 14 : i64} {
  func.func @_scatter_body(%arg0: i32, %arg1: i32, %arg2: memref<81920x128xf32, #tpu.memory_space<hbm>>, %arg3: memref<32x20x128xi32, #tpu.memory_space<hbm>>, %arg4: memref<10240x128xf32, #tpu.memory_space<hbm>>, %arg5: memref<2x10240x128xf32, #tpu.memory_space<hbm>>, %arg6: memref<20x128xi32, #tpu.memory_space<vmem>>, %arg7: memref<128x128xf32, #tpu.memory_space<vmem>>, %arg8: memref<128x128xf32, #tpu.memory_space<vmem>>, %arg9: memref<10240x128xf32, #tpu.memory_space<vmem_shared>>, %arg10: memref<!tpu.dma_semaphore, #tpu.memory_space<semaphore_mem>>) attributes {dimension_semantics = [#tpu.dimension_semantics<core_parallel>, #tpu.dimension_semantics<subcore_parallel>], iteration_bounds = array<i64: 2, 16>, scalar_prefetch = 0 : i64, scratch_operands = 5 : i64, tpu.core_type = #tpu.core_type<sc_vector_subcore>, window_params = [{transform_indices = #map}, {transform_indices = #map1}, {transform_indices = #map}, {transform_indices = #map1}]} {
    %mul3A = arith.constant 2 : i32
    %mul3A_0 = arith.muli %arg1, %mul3A : i32
    %add3A = arith.addi %mul3A_0, %arg0 : i32
    %mul3A_1 = arith.constant 640 : i32
    %mul3A_2 = arith.muli %arg1, %mul3A_1 : i32
    %mul3A_3 = arith.constant 640 : i32
    %mul3A_4 = arith.muli %arg1, %mul3A_3 : i32
    "tpu.region"() ({
      %run_scoped3A = tpu.sem_alloc : memref<!tpu.dma_semaphore, #tpu.memory_space<semaphore_mem>>
      %dma_start3A_24 = arith.constant 0 : i32
      %dma_start3A_25 = tpu.memref_slice %arg9[%mul3A_4, %dma_start3A_24] : memref<10240x128xf32, #tpu.memory_space<vmem_shared>> -> memref<640x128xf32, #tpu.memory_space<vmem_shared>>
      %dma_start3A_26 = arith.constant 0 : i32
      %dma_start3A_27 = tpu.memref_slice %arg4[%mul3A_2, %dma_start3A_26] : memref<10240x128xf32, #tpu.memory_space<hbm>> -> memref<640x128xf32, #tpu.memory_space<hbm>>
      tpu.enqueue_dma source(%dma_start3A_27 : memref<640x128xf32, #tpu.memory_space<hbm>>) target(%dma_start3A_25 : memref<640x128xf32, #tpu.memory_space<vmem_shared>>) target_semaphore(%run_scoped3A : memref<!tpu.dma_semaphore, #tpu.memory_space<semaphore_mem>>)
      %dma_wait3A = arith.constant 0 : i32
      %dma_wait3A_28 = tpu.memref_slice %arg9[%mul3A_4, %dma_wait3A] : memref<10240x128xf32, #tpu.memory_space<vmem_shared>> -> memref<640x128xf32, #tpu.memory_space<vmem_shared>>
      %dma_wait3A_29 = arith.constant 0 : i32
      %dma_wait3A_30 = tpu.memref_slice %arg4[%mul3A_2, %dma_wait3A_29] : memref<10240x128xf32, #tpu.memory_space<hbm>> -> memref<640x128xf32, #tpu.memory_space<hbm>>
      tpu.wait_dma2 semaphore(%run_scoped3A : memref<!tpu.dma_semaphore, #tpu.memory_space<semaphore_mem>>) src(%dma_wait3A_30 : memref<640x128xf32, #tpu.memory_space<hbm>>) dst(%dma_wait3A_28 : memref<640x128xf32, #tpu.memory_space<vmem_shared>>)
      tpu.yield
    }) : () -> ()
    %barrier3A = arith.constant 0 : index
    tpu.barrier barrier_id(%barrier3A)
    "tpu.region"() ({
      %run_scoped3A = tpu.sem_alloc : memref<!tpu.dma_semaphore, #tpu.memory_space<semaphore_mem>>
      %dma_start3A_24 = arith.constant 0 : i32
      %dma_start3A_25 = arith.constant 0 : i32
      %dma_start3A_26 = tpu.memref_slice %arg3[%add3A, %dma_start3A_24, %dma_start3A_25] : memref<32x20x128xi32, #tpu.memory_space<hbm>> -> memref<1x20x128xi32, #tpu.memory_space<hbm>>
      %dma_start3A_27 = tpu.memref_squeeze %dma_start3A_26 : memref<1x20x128xi32, #tpu.memory_space<hbm>> -> memref<20x128xi32, #tpu.memory_space<hbm>>
      %dma_start3A_28 = arith.constant 0 : i32
      %dma_start3A_29 = arith.constant 0 : i32
      %dma_start3A_30 = tpu.memref_slice %arg3[%add3A, %dma_start3A_28, %dma_start3A_29] : memref<32x20x128xi32, #tpu.memory_space<hbm>> -> memref<1x20x128xi32, #tpu.memory_space<hbm>>
      %dma_start3A_31 = tpu.memref_squeeze %dma_start3A_30 : memref<1x20x128xi32, #tpu.memory_space<hbm>> -> memref<20x128xi32, #tpu.memory_space<hbm>>
      tpu.enqueue_dma source(%dma_start3A_31 : memref<20x128xi32, #tpu.memory_space<hbm>>) target(%arg6 : memref<20x128xi32, #tpu.memory_space<vmem>>) target_semaphore(%run_scoped3A : memref<!tpu.dma_semaphore, #tpu.memory_space<semaphore_mem>>)
      %dma_wait3A = arith.constant 0 : i32
      %dma_wait3A_32 = arith.constant 0 : i32
      %dma_wait3A_33 = tpu.memref_slice %arg3[%add3A, %dma_wait3A, %dma_wait3A_32] : memref<32x20x128xi32, #tpu.memory_space<hbm>> -> memref<1x20x128xi32, #tpu.memory_space<hbm>>
      %dma_wait3A_34 = tpu.memref_squeeze %dma_wait3A_33 : memref<1x20x128xi32, #tpu.memory_space<hbm>> -> memref<20x128xi32, #tpu.memory_space<hbm>>
      %dma_wait3A_35 = arith.constant 0 : i32
      %dma_wait3A_36 = arith.constant 0 : i32
      %dma_wait3A_37 = tpu.memref_slice %arg3[%add3A, %dma_wait3A_35, %dma_wait3A_36] : memref<32x20x128xi32, #tpu.memory_space<hbm>> -> memref<1x20x128xi32, #tpu.memory_space<hbm>>
      %dma_wait3A_38 = tpu.memref_squeeze %dma_wait3A_37 : memref<1x20x128xi32, #tpu.memory_space<hbm>> -> memref<20x128xi32, #tpu.memory_space<hbm>>
      tpu.wait_dma2 semaphore(%run_scoped3A : memref<!tpu.dma_semaphore, #tpu.memory_space<semaphore_mem>>) src(%dma_wait3A_38 : memref<20x128xi32, #tpu.memory_space<hbm>>) dst(%arg6 : memref<20x128xi32, #tpu.memory_space<vmem>>)
      tpu.yield
    }) : () -> ()
    %mul3A_5 = arith.constant 20 : i32
    %mul3A_6 = arith.muli %add3A, %mul3A_5 : i32
    %add3A_7 = arith.constant 0 : i32
    %add3A_8 = arith.addi %mul3A_6, %add3A_7 : i32
    %mul3A_9 = arith.constant 128 : i32
    %mul3A_10 = arith.muli %add3A_8, %mul3A_9 : i32
    %dma_start3A = arith.constant 0 : i32
    %dma_start3A_11 = tpu.memref_slice %arg2[%mul3A_10, %dma_start3A] : memref<81920x128xf32, #tpu.memory_space<hbm>> -> memref<128x128xf32, #tpu.memory_space<hbm>>
    %dma_start3A_12 = arith.constant 0 : i32
    %dma_start3A_13 = tpu.memref_slice %arg2[%mul3A_10, %dma_start3A_12] : memref<81920x128xf32, #tpu.memory_space<hbm>> -> memref<128x128xf32, #tpu.memory_space<hbm>>
    tpu.enqueue_dma source(%dma_start3A_13 : memref<128x128xf32, #tpu.memory_space<hbm>>) target(%arg7 : memref<128x128xf32, #tpu.memory_space<vmem>>) target_semaphore(%arg10 : memref<!tpu.dma_semaphore, #tpu.memory_space<semaphore_mem>>)
    %scan3A = arith.constant 0 : i32
    %scan3A_14 = arith.constant 0 : i32
    %scan3A_15 = arith.constant 10 : i32
    %scan3A_16 = arith.addi %scan3A_14, %scan3A_15 : i32
    %scan3A_17 = arith.constant 1 : i32
    scf.for %scan3A_24 = %scan3A_14 to %scan3A_16 step %scan3A_17  : i32 {
      %mul3A_25 = arith.constant 2 : i32
      %mul3A_26 = arith.muli %mul3A_25, %scan3A_24 : i32
      %add3A_27 = arith.constant 0 : i32
      %add3A_28 = arith.addi %mul3A_26, %add3A_27 : i32
      %lt3A = arith.constant 20 : i32
      %lt3A_29 = arith.cmpi slt, %add3A_28, %lt3A : i32
      %convert_element_type3A = arith.extui %lt3A_29 : i1 to i32
      %cond3A = arith.constant 0 : i32
      %cond3A_30 = arith.cmpi ne, %convert_element_type3A, %cond3A : i32
      scf.if %cond3A_30 {
        %add3A_40 = arith.constant 1 : i32
        %add3A_41 = arith.addi %add3A_28, %add3A_40 : i32
        %lt3A_42 = arith.constant 20 : i32
        %lt3A_43 = arith.cmpi slt, %add3A_41, %lt3A_42 : i32
        %convert_element_type3A_44 = arith.extui %lt3A_43 : i1 to i32
        %cond3A_45 = arith.constant 0 : i32
        %cond3A_46 = arith.cmpi ne, %convert_element_type3A_44, %cond3A_45 : i32
        scf.if %cond3A_46 {
          %add3A_52 = arith.constant 1 : i32
          %add3A_53 = arith.addi %add3A_28, %add3A_52 : i32
          %add3A_54 = arith.addi %mul3A_6, %add3A_53 : i32
          %mul3A_55 = arith.constant 128 : i32
          %mul3A_56 = arith.muli %add3A_54, %mul3A_55 : i32
          %dma_start3A_57 = arith.constant 0 : i32
          %dma_start3A_58 = tpu.memref_slice %arg2[%mul3A_56, %dma_start3A_57] : memref<81920x128xf32, #tpu.memory_space<hbm>> -> memref<128x128xf32, #tpu.memory_space<hbm>>
          %dma_start3A_59 = arith.constant 0 : i32
          %dma_start3A_60 = tpu.memref_slice %arg2[%mul3A_56, %dma_start3A_59] : memref<81920x128xf32, #tpu.memory_space<hbm>> -> memref<128x128xf32, #tpu.memory_space<hbm>>
          tpu.enqueue_dma source(%dma_start3A_60 : memref<128x128xf32, #tpu.memory_space<hbm>>) target(%arg8 : memref<128x128xf32, #tpu.memory_space<vmem>>) target_semaphore(%arg10 : memref<!tpu.dma_semaphore, #tpu.memory_space<semaphore_mem>>)
        } else {
        }
        %dma_wait3A = arith.constant 0 : i32
        %dma_wait3A_47 = arith.constant 0 : i32
        %dma_wait3A_48 = tpu.memref_slice %arg2[%dma_wait3A, %dma_wait3A_47] : memref<81920x128xf32, #tpu.memory_space<hbm>> -> memref<128x128xf32, #tpu.memory_space<hbm>>
        %dma_wait3A_49 = arith.constant 0 : i32
        %dma_wait3A_50 = arith.constant 0 : i32
        %dma_wait3A_51 = tpu.memref_slice %arg2[%dma_wait3A_49, %dma_wait3A_50] : memref<81920x128xf32, #tpu.memory_space<hbm>> -> memref<128x128xf32, #tpu.memory_space<hbm>>
        tpu.wait_dma2 semaphore(%arg10 : memref<!tpu.dma_semaphore, #tpu.memory_space<semaphore_mem>>) src(%dma_wait3A_51 : memref<128x128xf32, #tpu.memory_space<hbm>>) dst(%arg7 : memref<128x128xf32, #tpu.memory_space<vmem>>)
        "tpu.region"() ({
          %run_scoped3A = tpu.sem_alloc : memref<!tpu.dma_semaphore, #tpu.memory_space<semaphore_mem>>
          %dma_start3A_52 = arith.constant 0 : i32
          %dma_start3A_53 = tpu.memref_slice %arg6[%add3A_28, %dma_start3A_52] : memref<20x128xi32, #tpu.memory_space<vmem>> -> memref<1x128xi32, #tpu.memory_space<vmem>>
          %dma_start3A_54 = tpu.memref_squeeze %dma_start3A_53 : memref<1x128xi32, #tpu.memory_space<vmem>> -> memref<128xi32, #tpu.memory_space<vmem>>
          %dma_start3A_55 = arith.constant 0 : i32
          %dma_start3A_56 = arith.constant 0 : i32
          %dma_start3A_57 = tpu.memref_slice %arg9[%dma_start3A_55, %dma_start3A_56] : memref<10240x128xf32, #tpu.memory_space<vmem_shared>> -> memref<10240x128xf32, #tpu.memory_space<vmem_shared>>
          tpu.enqueue_indirect_dma source(%arg7 : memref<128x128xf32, #tpu.memory_space<vmem>>) target(%dma_start3A_57 : memref<10240x128xf32, #tpu.memory_space<vmem_shared>>) offsets(%dma_start3A_54 : memref<128xi32, #tpu.memory_space<vmem>>) semaphore(%run_scoped3A : memref<!tpu.dma_semaphore, #tpu.memory_space<semaphore_mem>>) {add = true}
          %dma_wait3A_58 = arith.constant 0 : i32
          %dma_wait3A_59 = tpu.memref_slice %arg6[%add3A_28, %dma_wait3A_58] : memref<20x128xi32, #tpu.memory_space<vmem>> -> memref<1x128xi32, #tpu.memory_space<vmem>>
          %dma_wait3A_60 = tpu.memref_squeeze %dma_wait3A_59 : memref<1x128xi32, #tpu.memory_space<vmem>> -> memref<128xi32, #tpu.memory_space<vmem>>
          %dma_wait3A_61 = arith.constant 0 : i32
          %dma_wait3A_62 = arith.constant 0 : i32
          %dma_wait3A_63 = tpu.memref_slice %arg9[%dma_wait3A_61, %dma_wait3A_62] : memref<10240x128xf32, #tpu.memory_space<vmem_shared>> -> memref<10240x128xf32, #tpu.memory_space<vmem_shared>>
          tpu.wait_indirect_dma semaphore(%run_scoped3A : memref<!tpu.dma_semaphore, #tpu.memory_space<semaphore_mem>>) src(%arg7 : memref<128x128xf32, #tpu.memory_space<vmem>>) dst(%dma_wait3A_63 : memref<10240x128xf32, #tpu.memory_space<vmem_shared>>)
          tpu.yield
        }) : () -> ()
      } else {
      }
      %mul3A_31 = arith.constant 2 : i32
      %mul3A_32 = arith.muli %mul3A_31, %scan3A_24 : i32
      %add3A_33 = arith.constant 1 : i32
      %add3A_34 = arith.addi %mul3A_32, %add3A_33 : i32
      %lt3A_35 = arith.constant 20 : i32
      %lt3A_36 = arith.cmpi slt, %add3A_34, %lt3A_35 : i32
      %convert_element_type3A_37 = arith.extui %lt3A_36 : i1 to i32
      %cond3A_38 = arith.constant 0 : i32
      %cond3A_39 = arith.cmpi ne, %convert_element_type3A_37, %cond3A_38 : i32
      scf.if %cond3A_39 {
        %add3A_40 = arith.constant 1 : i32
        %add3A_41 = arith.addi %add3A_34, %add3A_40 : i32
        %lt3A_42 = arith.constant 20 : i32
        %lt3A_43 = arith.cmpi slt, %add3A_41, %lt3A_42 : i32
        %convert_element_type3A_44 = arith.extui %lt3A_43 : i1 to i32
        %cond3A_45 = arith.constant 0 : i32
        %cond3A_46 = arith.cmpi ne, %convert_element_type3A_44, %cond3A_45 : i32
        scf.if %cond3A_46 {
          %add3A_52 = arith.constant 1 : i32
          %add3A_53 = arith.addi %add3A_34, %add3A_52 : i32
          %add3A_54 = arith.addi %mul3A_6, %add3A_53 : i32
          %mul3A_55 = arith.constant 128 : i32
          %mul3A_56 = arith.muli %add3A_54, %mul3A_55 : i32
          %dma_start3A_57 = arith.constant 0 : i32
          %dma_start3A_58 = tpu.memref_slice %arg2[%mul3A_56, %dma_start3A_57] : memref<81920x128xf32, #tpu.memory_space<hbm>> -> memref<128x128xf32, #tpu.memory_space<hbm>>
          %dma_start3A_59 = arith.constant 0 : i32
          %dma_start3A_60 = tpu.memref_slice %arg2[%mul3A_56, %dma_start3A_59] : memref<81920x128xf32, #tpu.memory_space<hbm>> -> memref<128x128xf32, #tpu.memory_space<hbm>>
          tpu.enqueue_dma source(%dma_start3A_60 : memref<128x128xf32, #tpu.memory_space<hbm>>) target(%arg7 : memref<128x128xf32, #tpu.memory_space<vmem>>) target_semaphore(%arg10 : memref<!tpu.dma_semaphore, #tpu.memory_space<semaphore_mem>>)
        } else {
        }
        %dma_wait3A = arith.constant 0 : i32
        %dma_wait3A_47 = arith.constant 0 : i32
        %dma_wait3A_48 = tpu.memref_slice %arg2[%dma_wait3A, %dma_wait3A_47] : memref<81920x128xf32, #tpu.memory_space<hbm>> -> memref<128x128xf32, #tpu.memory_space<hbm>>
        %dma_wait3A_49 = arith.constant 0 : i32
        %dma_wait3A_50 = arith.constant 0 : i32
        %dma_wait3A_51 = tpu.memref_slice %arg2[%dma_wait3A_49, %dma_wait3A_50] : memref<81920x128xf32, #tpu.memory_space<hbm>> -> memref<128x128xf32, #tpu.memory_space<hbm>>
        tpu.wait_dma2 semaphore(%arg10 : memref<!tpu.dma_semaphore, #tpu.memory_space<semaphore_mem>>) src(%dma_wait3A_51 : memref<128x128xf32, #tpu.memory_space<hbm>>) dst(%arg8 : memref<128x128xf32, #tpu.memory_space<vmem>>)
        "tpu.region"() ({
          %run_scoped3A = tpu.sem_alloc : memref<!tpu.dma_semaphore, #tpu.memory_space<semaphore_mem>>
          %dma_start3A_52 = arith.constant 0 : i32
          %dma_start3A_53 = tpu.memref_slice %arg6[%add3A_34, %dma_start3A_52] : memref<20x128xi32, #tpu.memory_space<vmem>> -> memref<1x128xi32, #tpu.memory_space<vmem>>
          %dma_start3A_54 = tpu.memref_squeeze %dma_start3A_53 : memref<1x128xi32, #tpu.memory_space<vmem>> -> memref<128xi32, #tpu.memory_space<vmem>>
          %dma_start3A_55 = arith.constant 0 : i32
          %dma_start3A_56 = arith.constant 0 : i32
          %dma_start3A_57 = tpu.memref_slice %arg9[%dma_start3A_55, %dma_start3A_56] : memref<10240x128xf32, #tpu.memory_space<vmem_shared>> -> memref<10240x128xf32, #tpu.memory_space<vmem_shared>>
          tpu.enqueue_indirect_dma source(%arg8 : memref<128x128xf32, #tpu.memory_space<vmem>>) target(%dma_start3A_57 : memref<10240x128xf32, #tpu.memory_space<vmem_shared>>) offsets(%dma_start3A_54 : memref<128xi32, #tpu.memory_space<vmem>>) semaphore(%run_scoped3A : memref<!tpu.dma_semaphore, #tpu.memory_space<semaphore_mem>>) {add = true}
          %dma_wait3A_58 = arith.constant 0 : i32
          %dma_wait3A_59 = tpu.memref_slice %arg6[%add3A_34, %dma_wait3A_58] : memref<20x128xi32, #tpu.memory_space<vmem>> -> memref<1x128xi32, #tpu.memory_space<vmem>>
          %dma_wait3A_60 = tpu.memref_squeeze %dma_wait3A_59 : memref<1x128xi32, #tpu.memory_space<vmem>> -> memref<128xi32, #tpu.memory_space<vmem>>
          %dma_wait3A_61 = arith.constant 0 : i32
          %dma_wait3A_62 = arith.constant 0 : i32
          %dma_wait3A_63 = tpu.memref_slice %arg9[%dma_wait3A_61, %dma_wait3A_62] : memref<10240x128xf32, #tpu.memory_space<vmem_shared>> -> memref<10240x128xf32, #tpu.memory_space<vmem_shared>>
          tpu.wait_indirect_dma semaphore(%run_scoped3A : memref<!tpu.dma_semaphore, #tpu.memory_space<semaphore_mem>>) src(%arg8 : memref<128x128xf32, #tpu.memory_space<vmem>>) dst(%dma_wait3A_63 : memref<10240x128xf32, #tpu.memory_space<vmem_shared>>)
          tpu.yield
        }) : () -> ()
      } else {
      }
    }
    %scan3A_18 = arith.constant 10 : i32
    %barrier3A_19 = arith.constant 0 : index
    tpu.barrier barrier_id(%barrier3A_19)
    %mul3A_20 = arith.constant 640 : i32
    %mul3A_21 = arith.muli %arg1, %mul3A_20 : i32
    %mul3A_22 = arith.constant 640 : i32
    %mul3A_23 = arith.muli %arg1, %mul3A_22 : i32
    "tpu.region"() ({
      %run_scoped3A = tpu.sem_alloc : memref<!tpu.dma_semaphore, #tpu.memory_space<semaphore_mem>>
      %dma_start3A_24 = arith.constant 0 : i32
      %dma_start3A_25 = tpu.memref_slice %arg5[%arg0, %mul3A_23, %dma_start3A_24] : memref<2x10240x128xf32, #tpu.memory_space<hbm>> -> memref<1x640x128xf32, #tpu.memory_space<hbm>>
      %dma_start3A_26 = tpu.memref_squeeze %dma_start3A_25 : memref<1x640x128xf32, #tpu.memory_space<hbm>> -> memref<640x128xf32, #tpu.memory_space<hbm>>
      %dma_start3A_27 = arith.constant 0 : i32
      %dma_start3A_28 = tpu.memref_slice %arg9[%mul3A_21, %dma_start3A_27] : memref<10240x128xf32, #tpu.memory_space<vmem_shared>> -> memref<640x128xf32, #tpu.memory_space<vmem_shared>>
      tpu.enqueue_dma source(%dma_start3A_28 : memref<640x128xf32, #tpu.memory_space<vmem_shared>>) target(%dma_start3A_26 : memref<640x128xf32, #tpu.memory_space<hbm>>) target_semaphore(%run_scoped3A : memref<!tpu.dma_semaphore, #tpu.memory_space<semaphore_mem>>)
      %dma_wait3A = arith.constant 0 : i32
      %dma_wait3A_29 = tpu.memref_slice %arg5[%arg0, %mul3A_23, %dma_wait3A] : memref<2x10240x128xf32, #tpu.memory_space<hbm>> -> memref<1x640x128xf32, #tpu.memory_space<hbm>>
      %dma_wait3A_30 = tpu.memref_squeeze %dma_wait3A_29 : memref<1x640x128xf32, #tpu.memory_space<hbm>> -> memref<640x128xf32, #tpu.memory_space<hbm>>
      %dma_wait3A_31 = arith.constant 0 : i32
      %dma_wait3A_32 = tpu.memref_slice %arg9[%mul3A_21, %dma_wait3A_31] : memref<10240x128xf32, #tpu.memory_space<vmem_shared>> -> memref<640x128xf32, #tpu.memory_space<vmem_shared>>
      tpu.wait_dma2 semaphore(%run_scoped3A : memref<!tpu.dma_semaphore, #tpu.memory_space<semaphore_mem>>) src(%dma_wait3A_32 : memref<640x128xf32, #tpu.memory_space<vmem_shared>>) dst(%dma_wait3A_30 : memref<640x128xf32, #tpu.memory_space<hbm>>)
      tpu.yield
    }) : () -> ()
    return
  }
}

module attributes {stable_mosaic.version = 14 : i64} {
  func.func @_emlp_body(%arg0: i32, %arg1: memref<2048x128xf32, #tpu.memory_space<vmem>>, %arg2: memref<2048x128xf32, #tpu.memory_space<vmem>>, %arg3: memref<2048x16xf32, #tpu.memory_space<vmem>>, %arg4: memref<128x300xf32, #tpu.memory_space<vmem>>, %arg5: memref<128x300xf32, #tpu.memory_space<vmem>>, %arg6: memref<16x300xf32, #tpu.memory_space<vmem>>, %arg7: memref<1x300xf32, #tpu.memory_space<vmem>>, %arg8: memref<300x300xf32, #tpu.memory_space<vmem>>, %arg9: memref<1x300xf32, #tpu.memory_space<vmem>>, %arg10: memref<300x300xf32, #tpu.memory_space<vmem>>, %arg11: memref<1x300xf32, #tpu.memory_space<vmem>>, %arg12: memref<300x128xf32, #tpu.memory_space<vmem>>, %arg13: memref<1x128xf32, #tpu.memory_space<vmem>>, %arg14: memref<2048x128xf32, #tpu.memory_space<vmem>>) attributes {dimension_semantics = [#tpu.dimension_semantics<parallel>], iteration_bounds = array<i64: 40>, scalar_prefetch = 0 : i64, scratch_operands = 0 : i64, tpu.core_type = #tpu.core_type<tc>, window_params = [{transform_indices = @transform_0, window_bounds = array<i64: 2048, 128>}, {transform_indices = @transform_1, window_bounds = array<i64: 2048, 128>}, {transform_indices = @transform_2, window_bounds = array<i64: 2048, 16>}, {pipeline_mode = #tpu.pipeline_mode<synchronous>, transform_indices = @transform_3, window_bounds = array<i64: 128, 300>}, {pipeline_mode = #tpu.pipeline_mode<synchronous>, transform_indices = @transform_4, window_bounds = array<i64: 128, 300>}, {pipeline_mode = #tpu.pipeline_mode<synchronous>, transform_indices = @transform_5, window_bounds = array<i64: 16, 300>}, {pipeline_mode = #tpu.pipeline_mode<synchronous>, transform_indices = @transform_6, window_bounds = array<i64: 1, 300>}, {pipeline_mode = #tpu.pipeline_mode<synchronous>, transform_indices = @transform_7, window_bounds = array<i64: 300, 300>}, {pipeline_mode = #tpu.pipeline_mode<synchronous>, transform_indices = @transform_8, window_bounds = array<i64: 1, 300>}, {pipeline_mode = #tpu.pipeline_mode<synchronous>, transform_indices = @transform_9, window_bounds = array<i64: 300, 300>}, {pipeline_mode = #tpu.pipeline_mode<synchronous>, transform_indices = @transform_10, window_bounds = array<i64: 1, 300>}, {pipeline_mode = #tpu.pipeline_mode<synchronous>, transform_indices = @transform_11, window_bounds = array<i64: 300, 128>}, {pipeline_mode = #tpu.pipeline_mode<synchronous>, transform_indices = @transform_12, window_bounds = array<i64: 1, 128>}, {transform_indices = @transform_13, window_bounds = array<i64: 2048, 128>}]} {
    %get3A = arith.constant 0 : index
    %get3A_0 = arith.constant 0 : index
    %get3A_1 = vector.load %arg1[%get3A, %get3A_0] : memref<2048x128xf32, #tpu.memory_space<vmem>>, vector<2048x128xf32>
    %get3A_2 = arith.constant 0 : index
    %get3A_3 = arith.constant 0 : index
    %get3A_4 = vector.load %arg4[%get3A_2, %get3A_3] : memref<128x300xf32, #tpu.memory_space<vmem>>, vector<128x300xf32>
    %dot_general3A = arith.constant dense<0.000000e+00> : vector<2048x300xf32>
    %dot_general3A_5 = tpu.matmul %get3A_1, %get3A_4, %dot_general3A {dimension_numbers = #tpu.dot_dimension_numbers<[1], [0], [0], [1], [0, 0, 1, 1], [], []>, transpose_lhs_hint = false} : vector<2048x128xf32>, vector<128x300xf32>, vector<2048x300xf32> -> vector<2048x300xf32>
    %get3A_6 = arith.constant 0 : index
    %get3A_7 = arith.constant 0 : index
    %get3A_8 = vector.load %arg2[%get3A_6, %get3A_7] : memref<2048x128xf32, #tpu.memory_space<vmem>>, vector<2048x128xf32>
    %get3A_9 = arith.constant 0 : index
    %get3A_10 = arith.constant 0 : index
    %get3A_11 = vector.load %arg5[%get3A_9, %get3A_10] : memref<128x300xf32, #tpu.memory_space<vmem>>, vector<128x300xf32>
    %dot_general3A_12 = arith.constant dense<0.000000e+00> : vector<2048x300xf32>
    %dot_general3A_13 = tpu.matmul %get3A_8, %get3A_11, %dot_general3A_12 {dimension_numbers = #tpu.dot_dimension_numbers<[1], [0], [0], [1], [0, 0, 1, 1], [], []>, transpose_lhs_hint = false} : vector<2048x128xf32>, vector<128x300xf32>, vector<2048x300xf32> -> vector<2048x300xf32>
    %add3A = arith.addf %dot_general3A_5, %dot_general3A_13 : vector<2048x300xf32>
    %get3A_14 = arith.constant 0 : index
    %get3A_15 = arith.constant 0 : index
    %get3A_16 = vector.load %arg3[%get3A_14, %get3A_15] : memref<2048x16xf32, #tpu.memory_space<vmem>>, vector<2048x16xf32>
    %get3A_17 = arith.constant 0 : index
    %get3A_18 = arith.constant 0 : index
    %get3A_19 = vector.load %arg6[%get3A_17, %get3A_18] : memref<16x300xf32, #tpu.memory_space<vmem>>, vector<16x300xf32>
    %dot_general3A_20 = arith.constant dense<0.000000e+00> : vector<2048x300xf32>
    %dot_general3A_21 = tpu.matmul %get3A_16, %get3A_19, %dot_general3A_20 {dimension_numbers = #tpu.dot_dimension_numbers<[1], [0], [0], [1], [0, 0, 1, 1], [], []>, transpose_lhs_hint = false} : vector<2048x16xf32>, vector<16x300xf32>, vector<2048x300xf32> -> vector<2048x300xf32>
    %add3A_22 = arith.addf %add3A, %dot_general3A_21 : vector<2048x300xf32>
    %get3A_23 = arith.constant 0 : index
    %get3A_24 = arith.constant 0 : index
    %get3A_25 = vector.load %arg7[%get3A_23, %get3A_24] : memref<1x300xf32, #tpu.memory_space<vmem>>, vector<1x300xf32>
    %add3A_26 = vector.broadcast %get3A_25 : vector<1x300xf32> to vector<2048x300xf32>
    %add3A_27 = arith.addf %add3A_22, %add3A_26 : vector<2048x300xf32>
    %max3A = arith.constant 0.000000e+00 : f32
    %max3A_28 = vector.broadcast %max3A : f32 to vector<2048x300xf32>
    %max3A_29 = arith.maximumf %add3A_27, %max3A_28 : vector<2048x300xf32>
    %get3A_30 = arith.constant 0 : index
    %get3A_31 = arith.constant 0 : index
    %get3A_32 = vector.load %arg8[%get3A_30, %get3A_31] : memref<300x300xf32, #tpu.memory_space<vmem>>, vector<300x300xf32>
    %dot_general3A_33 = arith.constant dense<0.000000e+00> : vector<2048x300xf32>
    %dot_general3A_34 = tpu.matmul %max3A_29, %get3A_32, %dot_general3A_33 {dimension_numbers = #tpu.dot_dimension_numbers<[1], [0], [0], [1], [0, 0, 1, 1], [], []>, transpose_lhs_hint = false} : vector<2048x300xf32>, vector<300x300xf32>, vector<2048x300xf32> -> vector<2048x300xf32>
    %get3A_35 = arith.constant 0 : index
    %get3A_36 = arith.constant 0 : index
    %get3A_37 = vector.load %arg9[%get3A_35, %get3A_36] : memref<1x300xf32, #tpu.memory_space<vmem>>, vector<1x300xf32>
    %add3A_38 = vector.broadcast %get3A_37 : vector<1x300xf32> to vector<2048x300xf32>
    %add3A_39 = arith.addf %dot_general3A_34, %add3A_38 : vector<2048x300xf32>
    %max3A_40 = arith.constant 0.000000e+00 : f32
    %max3A_41 = vector.broadcast %max3A_40 : f32 to vector<2048x300xf32>
    %max3A_42 = arith.maximumf %add3A_39, %max3A_41 : vector<2048x300xf32>
    %get3A_43 = arith.constant 0 : index
    %get3A_44 = arith.constant 0 : index
    %get3A_45 = vector.load %arg10[%get3A_43, %get3A_44] : memref<300x300xf32, #tpu.memory_space<vmem>>, vector<300x300xf32>
    %dot_general3A_46 = arith.constant dense<0.000000e+00> : vector<2048x300xf32>
    %dot_general3A_47 = tpu.matmul %max3A_42, %get3A_45, %dot_general3A_46 {dimension_numbers = #tpu.dot_dimension_numbers<[1], [0], [0], [1], [0, 0, 1, 1], [], []>, transpose_lhs_hint = false} : vector<2048x300xf32>, vector<300x300xf32>, vector<2048x300xf32> -> vector<2048x300xf32>
    %get3A_48 = arith.constant 0 : index
    %get3A_49 = arith.constant 0 : index
    %get3A_50 = vector.load %arg11[%get3A_48, %get3A_49] : memref<1x300xf32, #tpu.memory_space<vmem>>, vector<1x300xf32>
    %add3A_51 = vector.broadcast %get3A_50 : vector<1x300xf32> to vector<2048x300xf32>
    %add3A_52 = arith.addf %dot_general3A_47, %add3A_51 : vector<2048x300xf32>
    %max3A_53 = arith.constant 0.000000e+00 : f32
    %max3A_54 = vector.broadcast %max3A_53 : f32 to vector<2048x300xf32>
    %max3A_55 = arith.maximumf %add3A_52, %max3A_54 : vector<2048x300xf32>
    %get3A_56 = arith.constant 0 : index
    %get3A_57 = arith.constant 0 : index
    %get3A_58 = vector.load %arg12[%get3A_56, %get3A_57] : memref<300x128xf32, #tpu.memory_space<vmem>>, vector<300x128xf32>
    %dot_general3A_59 = arith.constant dense<0.000000e+00> : vector<2048x128xf32>
    %dot_general3A_60 = tpu.matmul %max3A_55, %get3A_58, %dot_general3A_59 {dimension_numbers = #tpu.dot_dimension_numbers<[1], [0], [0], [1], [0, 0, 1, 1], [], []>, transpose_lhs_hint = false} : vector<2048x300xf32>, vector<300x128xf32>, vector<2048x128xf32> -> vector<2048x128xf32>
    %get3A_61 = arith.constant 0 : index
    %get3A_62 = arith.constant 0 : index
    %get3A_63 = vector.load %arg13[%get3A_61, %get3A_62] : memref<1x128xf32, #tpu.memory_space<vmem>>, vector<1x128xf32>
    %add3A_64 = vector.broadcast %get3A_63 : vector<1x128xf32> to vector<2048x128xf32>
    %add3A_65 = arith.addf %dot_general3A_60, %add3A_64 : vector<2048x128xf32>
    %swap3A = arith.constant 0 : index
    %swap3A_66 = arith.constant 0 : index
    %swap3A_67 = vector.load %arg14[%swap3A, %swap3A_66] : memref<2048x128xf32, #tpu.memory_space<vmem>>, vector<2048x128xf32>
    tpu.vector_store %arg14[%swap3A, %swap3A_66], %add3A_65 {strides = array<i32>} : memref<2048x128xf32, #tpu.memory_space<vmem>>, vector<2048x128xf32>,
    return
  }
  func.func @transform_0(%arg0: i32) -> (i32, i32) {
    %c0_i32 = arith.constant 0 : i32
    %c0_i32_0 = arith.constant 0 : i32
    return %arg0, %c0_i32 : i32, i32
  }
  func.func @transform_1(%arg0: i32) -> (i32, i32) {
    %c0_i32 = arith.constant 0 : i32
    %c0_i32_0 = arith.constant 0 : i32
    return %arg0, %c0_i32 : i32, i32
  }
  func.func @transform_2(%arg0: i32) -> (i32, i32) {
    %c0_i32 = arith.constant 0 : i32
    %c0_i32_0 = arith.constant 0 : i32
    return %arg0, %c0_i32 : i32, i32
  }
  func.func @transform_3(%arg0: i32) -> (i32, i32) {
    %c0_i32 = arith.constant 0 : i32
    %c0_i32_0 = arith.constant 0 : i32
    %c0_i32_1 = arith.constant 0 : i32
    return %c0_i32, %c0_i32_0 : i32, i32
  }
  func.func @transform_4(%arg0: i32) -> (i32, i32) {
    %c0_i32 = arith.constant 0 : i32
    %c0_i32_0 = arith.constant 0 : i32
    %c0_i32_1 = arith.constant 0 : i32
    return %c0_i32, %c0_i32_0 : i32, i32
  }
  func.func @transform_5(%arg0: i32) -> (i32, i32) {
    %c0_i32 = arith.constant 0 : i32
    %c0_i32_0 = arith.constant 0 : i32
    %c0_i32_1 = arith.constant 0 : i32
    return %c0_i32, %c0_i32_0 : i32, i32
  }
  func.func @transform_6(%arg0: i32) -> (i32, i32) {
    %c0_i32 = arith.constant 0 : i32
    %c0_i32_0 = arith.constant 0 : i32
    %c0_i32_1 = arith.constant 0 : i32
    return %c0_i32, %c0_i32_0 : i32, i32
  }
  func.func @transform_7(%arg0: i32) -> (i32, i32) {
    %c0_i32 = arith.constant 0 : i32
    %c0_i32_0 = arith.constant 0 : i32
    %c0_i32_1 = arith.constant 0 : i32
    return %c0_i32, %c0_i32_0 : i32, i32
  }
  func.func @transform_8(%arg0: i32) -> (i32, i32) {
    %c0_i32 = arith.constant 0 : i32
    %c0_i32_0 = arith.constant 0 : i32
    %c0_i32_1 = arith.constant 0 : i32
    return %c0_i32, %c0_i32_0 : i32, i32
  }
  func.func @transform_9(%arg0: i32) -> (i32, i32) {
    %c0_i32 = arith.constant 0 : i32
    %c0_i32_0 = arith.constant 0 : i32
    %c0_i32_1 = arith.constant 0 : i32
    return %c0_i32, %c0_i32_0 : i32, i32
  }
  func.func @transform_10(%arg0: i32) -> (i32, i32) {
    %c0_i32 = arith.constant 0 : i32
    %c0_i32_0 = arith.constant 0 : i32
    %c0_i32_1 = arith.constant 0 : i32
    return %c0_i32, %c0_i32_0 : i32, i32
  }
  func.func @transform_11(%arg0: i32) -> (i32, i32) {
    %c0_i32 = arith.constant 0 : i32
    %c0_i32_0 = arith.constant 0 : i32
    %c0_i32_1 = arith.constant 0 : i32
    return %c0_i32, %c0_i32_0 : i32, i32
  }
  func.func @transform_12(%arg0: i32) -> (i32, i32) {
    %c0_i32 = arith.constant 0 : i32
    %c0_i32_0 = arith.constant 0 : i32
    %c0_i32_1 = arith.constant 0 : i32
    return %c0_i32, %c0_i32_0 : i32, i32
  }
  func.func @transform_13(%arg0: i32) -> (i32, i32) {
    %c0_i32 = arith.constant 0 : i32
    %c0_i32_0 = arith.constant 0 : i32
    return %arg0, %c0_i32 : i32, i32
  }
}

module attributes {stable_mosaic.version = 14 : i64} {
  func.func @_node_body(%arg0: i32, %arg1: memref<2x2000x128xf32, #tpu.memory_space<vmem>>, %arg2: memref<2x2000x128xf32, #tpu.memory_space<vmem>>, %arg3: memref<2x2000x128xf32, #tpu.memory_space<vmem>>, %arg4: memref<2x2000x128xf32, #tpu.memory_space<vmem>>, %arg5: memref<2000x1xi32, #tpu.memory_space<vmem>>, %arg6: memref<128x300xf32, #tpu.memory_space<vmem>>, %arg7: memref<1x300xf32, #tpu.memory_space<vmem>>, %arg8: memref<300x300xf32, #tpu.memory_space<vmem>>, %arg9: memref<1x300xf32, #tpu.memory_space<vmem>>, %arg10: memref<300x300xf32, #tpu.memory_space<vmem>>, %arg11: memref<1x300xf32, #tpu.memory_space<vmem>>, %arg12: memref<300x128xf32, #tpu.memory_space<vmem>>, %arg13: memref<1x128xf32, #tpu.memory_space<vmem>>, %arg14: memref<128x32xf32, #tpu.memory_space<vmem>>, %arg15: memref<1x32xf32, #tpu.memory_space<vmem>>, %arg16: memref<64x32xf32, #tpu.memory_space<vmem>>, %arg17: memref<64x128xf32, #tpu.memory_space<vmem>>, %arg18: memref<64x128xf32, #tpu.memory_space<vmem>>) attributes {dimension_semantics = [#tpu.dimension_semantics<arbitrary>], iteration_bounds = array<i64: 5>, scalar_prefetch = 0 : i64, scratch_operands = 2 : i64, tpu.core_type = #tpu.core_type<tc>, window_params = [{transform_indices = @transform_0, window_bounds = array<i64: 2, 2000, 128>}, {transform_indices = @transform_1, window_bounds = array<i64: 2, 2000, 128>}, {transform_indices = @transform_2, window_bounds = array<i64: 2, 2000, 128>}, {transform_indices = @transform_3, window_bounds = array<i64: 2, 2000, 128>}, {transform_indices = @transform_4, window_bounds = array<i64: 2000, 1>}, {pipeline_mode = #tpu.pipeline_mode<synchronous>, transform_indices = @transform_5, window_bounds = array<i64: 128, 300>}, {pipeline_mode = #tpu.pipeline_mode<synchronous>, transform_indices = @transform_6, window_bounds = array<i64: 1, 300>}, {pipeline_mode = #tpu.pipeline_mode<synchronous>, transform_indices = @transform_7, window_bounds = array<i64: 300, 300>}, {pipeline_mode = #tpu.pipeline_mode<synchronous>, transform_indices = @transform_8, window_bounds = array<i64: 1, 300>}, {pipeline_mode = #tpu.pipeline_mode<synchronous>, transform_indices = @transform_9, window_bounds = array<i64: 300, 300>}, {pipeline_mode = #tpu.pipeline_mode<synchronous>, transform_indices = @transform_10, window_bounds = array<i64: 1, 300>}, {pipeline_mode = #tpu.pipeline_mode<synchronous>, transform_indices = @transform_11, window_bounds = array<i64: 300, 128>}, {pipeline_mode = #tpu.pipeline_mode<synchronous>, transform_indices = @transform_12, window_bounds = array<i64: 1, 128>}, {pipeline_mode = #tpu.pipeline_mode<synchronous>, transform_indices = @transform_13, window_bounds = array<i64: 128, 32>}, {pipeline_mode = #tpu.pipeline_mode<synchronous>, transform_indices = @transform_14, window_bounds = array<i64: 1, 32>}, {pipeline_mode = #tpu.pipeline_mode<synchronous>, transform_indices = @transform_15, window_bounds = array<i64: 64, 32>}]} {
    %eq3A = arith.constant 0 : i32
    %eq3A_0 = arith.cmpi eq, %arg0, %eq3A : i32
    %convert_element_type3A = arith.extui %eq3A_0 : i1 to i32
    %cond3A = arith.constant 0 : i32
    %cond3A_1 = arith.cmpi ne, %convert_element_type3A, %cond3A : i32
    scf.if %cond3A_1 {
      %broadcast_in_dim3A_125 = arith.constant 0.000000e+00 : f32
      %broadcast_in_dim3A_126 = vector.broadcast %broadcast_in_dim3A_125 : f32 to vector<64x128xf32>
      %swap3A_127 = arith.constant 0 : index
      %swap3A_128 = arith.constant 0 : index
      %swap3A_129 = vector.load %arg17[%swap3A_127, %swap3A_128] : memref<64x128xf32, #tpu.memory_space<vmem>>, vector<64x128xf32>
      tpu.vector_store %arg17[%swap3A_127, %swap3A_128], %broadcast_in_dim3A_126 {strides = array<i32>} : memref<64x128xf32, #tpu.memory_space<vmem>>, vector<64x128xf32>,
      %broadcast_in_dim3A_130 = arith.constant 0.000000e+00 : f32
      %broadcast_in_dim3A_131 = vector.broadcast %broadcast_in_dim3A_130 : f32 to vector<64x128xf32>
      %swap3A_132 = arith.constant 0 : index
      %swap3A_133 = arith.constant 0 : index
      %swap3A_134 = vector.load %arg18[%swap3A_132, %swap3A_133] : memref<64x128xf32, #tpu.memory_space<vmem>>, vector<64x128xf32>
      tpu.vector_store %arg18[%swap3A_132, %swap3A_133], %broadcast_in_dim3A_131 {strides = array<i32>} : memref<64x128xf32, #tpu.memory_space<vmem>>, vector<64x128xf32>,
    } else {
    }
    %get3A = arith.constant 0 : index
    %get3A_2 = arith.constant 0 : index
    %get3A_3 = arith.constant 0 : index
    %get3A_4 = vector.load %arg1[%get3A, %get3A_2, %get3A_3] : memref<2x2000x128xf32, #tpu.memory_space<vmem>>, vector<1x2000x128xf32>
    %get3A_5 = vector.shape_cast %get3A_4 : vector<1x2000x128xf32> to vector<2000x128xf32>
    %get3A_6 = arith.constant 1 : index
    %get3A_7 = arith.constant 0 : index
    %get3A_8 = arith.constant 0 : index
    %get3A_9 = vector.load %arg1[%get3A_6, %get3A_7, %get3A_8] : memref<2x2000x128xf32, #tpu.memory_space<vmem>>, vector<1x2000x128xf32>
    %get3A_10 = vector.shape_cast %get3A_9 : vector<1x2000x128xf32> to vector<2000x128xf32>
    %add3A = arith.addf %get3A_5, %get3A_10 : vector<2000x128xf32>
    %get3A_11 = arith.constant 0 : index
    %get3A_12 = arith.constant 0 : index
    %get3A_13 = arith.constant 0 : index
    %get3A_14 = vector.load %arg2[%get3A_11, %get3A_12, %get3A_13] : memref<2x2000x128xf32, #tpu.memory_space<vmem>>, vector<1x2000x128xf32>
    %get3A_15 = vector.shape_cast %get3A_14 : vector<1x2000x128xf32> to vector<2000x128xf32>
    %add3A_16 = arith.addf %add3A, %get3A_15 : vector<2000x128xf32>
    %get3A_17 = arith.constant 1 : index
    %get3A_18 = arith.constant 0 : index
    %get3A_19 = arith.constant 0 : index
    %get3A_20 = vector.load %arg2[%get3A_17, %get3A_18, %get3A_19] : memref<2x2000x128xf32, #tpu.memory_space<vmem>>, vector<1x2000x128xf32>
    %get3A_21 = vector.shape_cast %get3A_20 : vector<1x2000x128xf32> to vector<2000x128xf32>
    %add3A_22 = arith.addf %add3A_16, %get3A_21 : vector<2000x128xf32>
    %get3A_23 = arith.constant 0 : index
    %get3A_24 = arith.constant 0 : index
    %get3A_25 = arith.constant 0 : index
    %get3A_26 = vector.load %arg3[%get3A_23, %get3A_24, %get3A_25] : memref<2x2000x128xf32, #tpu.memory_space<vmem>>, vector<1x2000x128xf32>
    %get3A_27 = vector.shape_cast %get3A_26 : vector<1x2000x128xf32> to vector<2000x128xf32>
    %add3A_28 = arith.addf %add3A_22, %get3A_27 : vector<2000x128xf32>
    %get3A_29 = arith.constant 1 : index
    %get3A_30 = arith.constant 0 : index
    %get3A_31 = arith.constant 0 : index
    %get3A_32 = vector.load %arg3[%get3A_29, %get3A_30, %get3A_31] : memref<2x2000x128xf32, #tpu.memory_space<vmem>>, vector<1x2000x128xf32>
    %get3A_33 = vector.shape_cast %get3A_32 : vector<1x2000x128xf32> to vector<2000x128xf32>
    %add3A_34 = arith.addf %add3A_28, %get3A_33 : vector<2000x128xf32>
    %get3A_35 = arith.constant 0 : index
    %get3A_36 = arith.constant 0 : index
    %get3A_37 = arith.constant 0 : index
    %get3A_38 = vector.load %arg4[%get3A_35, %get3A_36, %get3A_37] : memref<2x2000x128xf32, #tpu.memory_space<vmem>>, vector<1x2000x128xf32>
    %get3A_39 = vector.shape_cast %get3A_38 : vector<1x2000x128xf32> to vector<2000x128xf32>
    %add3A_40 = arith.addf %add3A_34, %get3A_39 : vector<2000x128xf32>
    %get3A_41 = arith.constant 1 : index
    %get3A_42 = arith.constant 0 : index
    %get3A_43 = arith.constant 0 : index
    %get3A_44 = vector.load %arg4[%get3A_41, %get3A_42, %get3A_43] : memref<2x2000x128xf32, #tpu.memory_space<vmem>>, vector<1x2000x128xf32>
    %get3A_45 = vector.shape_cast %get3A_44 : vector<1x2000x128xf32> to vector<2000x128xf32>
    %add3A_46 = arith.addf %add3A_40, %get3A_45 : vector<2000x128xf32>
    %get3A_47 = arith.constant 0 : index
    %get3A_48 = arith.constant 0 : index
    %get3A_49 = vector.load %arg6[%get3A_47, %get3A_48] : memref<128x300xf32, #tpu.memory_space<vmem>>, vector<128x300xf32>
    %dot_general3A = arith.constant dense<0.000000e+00> : vector<2000x300xf32>
    %dot_general3A_50 = tpu.matmul %add3A_46, %get3A_49, %dot_general3A {dimension_numbers = #tpu.dot_dimension_numbers<[1], [0], [0], [1], [0, 0, 1, 1], [], []>, transpose_lhs_hint = false} : vector<2000x128xf32>, vector<128x300xf32>, vector<2000x300xf32> -> vector<2000x300xf32>
    %get3A_51 = arith.constant 0 : index
    %get3A_52 = arith.constant 0 : index
    %get3A_53 = vector.load %arg7[%get3A_51, %get3A_52] : memref<1x300xf32, #tpu.memory_space<vmem>>, vector<1x300xf32>
    %add3A_54 = vector.broadcast %get3A_53 : vector<1x300xf32> to vector<2000x300xf32>
    %add3A_55 = arith.addf %dot_general3A_50, %add3A_54 : vector<2000x300xf32>
    %max3A = arith.constant 0.000000e+00 : f32
    %max3A_56 = vector.broadcast %max3A : f32 to vector<2000x300xf32>
    %max3A_57 = arith.maximumf %add3A_55, %max3A_56 : vector<2000x300xf32>
    %get3A_58 = arith.constant 0 : index
    %get3A_59 = arith.constant 0 : index
    %get3A_60 = vector.load %arg8[%get3A_58, %get3A_59] : memref<300x300xf32, #tpu.memory_space<vmem>>, vector<300x300xf32>
    %dot_general3A_61 = arith.constant dense<0.000000e+00> : vector<2000x300xf32>
    %dot_general3A_62 = tpu.matmul %max3A_57, %get3A_60, %dot_general3A_61 {dimension_numbers = #tpu.dot_dimension_numbers<[1], [0], [0], [1], [0, 0, 1, 1], [], []>, transpose_lhs_hint = false} : vector<2000x300xf32>, vector<300x300xf32>, vector<2000x300xf32> -> vector<2000x300xf32>
    %get3A_63 = arith.constant 0 : index
    %get3A_64 = arith.constant 0 : index
    %get3A_65 = vector.load %arg9[%get3A_63, %get3A_64] : memref<1x300xf32, #tpu.memory_space<vmem>>, vector<1x300xf32>
    %add3A_66 = vector.broadcast %get3A_65 : vector<1x300xf32> to vector<2000x300xf32>
    %add3A_67 = arith.addf %dot_general3A_62, %add3A_66 : vector<2000x300xf32>
    %max3A_68 = arith.constant 0.000000e+00 : f32
    %max3A_69 = vector.broadcast %max3A_68 : f32 to vector<2000x300xf32>
    %max3A_70 = arith.maximumf %add3A_67, %max3A_69 : vector<2000x300xf32>
    %get3A_71 = arith.constant 0 : index
    %get3A_72 = arith.constant 0 : index
    %get3A_73 = vector.load %arg10[%get3A_71, %get3A_72] : memref<300x300xf32, #tpu.memory_space<vmem>>, vector<300x300xf32>
    %dot_general3A_74 = arith.constant dense<0.000000e+00> : vector<2000x300xf32>
    %dot_general3A_75 = tpu.matmul %max3A_70, %get3A_73, %dot_general3A_74 {dimension_numbers = #tpu.dot_dimension_numbers<[1], [0], [0], [1], [0, 0, 1, 1], [], []>, transpose_lhs_hint = false} : vector<2000x300xf32>, vector<300x300xf32>, vector<2000x300xf32> -> vector<2000x300xf32>
    %get3A_76 = arith.constant 0 : index
    %get3A_77 = arith.constant 0 : index
    %get3A_78 = vector.load %arg11[%get3A_76, %get3A_77] : memref<1x300xf32, #tpu.memory_space<vmem>>, vector<1x300xf32>
    %add3A_79 = vector.broadcast %get3A_78 : vector<1x300xf32> to vector<2000x300xf32>
    %add3A_80 = arith.addf %dot_general3A_75, %add3A_79 : vector<2000x300xf32>
    %max3A_81 = arith.constant 0.000000e+00 : f32
    %max3A_82 = vector.broadcast %max3A_81 : f32 to vector<2000x300xf32>
    %max3A_83 = arith.maximumf %add3A_80, %max3A_82 : vector<2000x300xf32>
    %get3A_84 = arith.constant 0 : index
    %get3A_85 = arith.constant 0 : index
    %get3A_86 = vector.load %arg12[%get3A_84, %get3A_85] : memref<300x128xf32, #tpu.memory_space<vmem>>, vector<300x128xf32>
    %dot_general3A_87 = arith.constant dense<0.000000e+00> : vector<2000x128xf32>
    %dot_general3A_88 = tpu.matmul %max3A_83, %get3A_86, %dot_general3A_87 {dimension_numbers = #tpu.dot_dimension_numbers<[1], [0], [0], [1], [0, 0, 1, 1], [], []>, transpose_lhs_hint = false} : vector<2000x300xf32>, vector<300x128xf32>, vector<2000x128xf32> -> vector<2000x128xf32>
    %get3A_89 = arith.constant 0 : index
    %get3A_90 = arith.constant 0 : index
    %get3A_91 = vector.load %arg13[%get3A_89, %get3A_90] : memref<1x128xf32, #tpu.memory_space<vmem>>, vector<1x128xf32>
    %add3A_92 = vector.broadcast %get3A_91 : vector<1x128xf32> to vector<2000x128xf32>
    %add3A_93 = arith.addf %dot_general3A_88, %add3A_92 : vector<2000x128xf32>
    %iota3A = tpu.iota {dimensions = array<i32: 1>} : vector<2000x64xi32>
    %get3A_94 = arith.constant 0 : index
    %get3A_95 = arith.constant 0 : index
    %get3A_96 = vector.load %arg5[%get3A_94, %get3A_95] : memref<2000x1xi32, #tpu.memory_space<vmem>>, vector<2000x1xi32>
    %eq3A_97 = vector.broadcast %get3A_96 : vector<2000x1xi32> to vector<2000x64xi32>
    %eq3A_98 = arith.cmpi eq, %eq3A_97, %iota3A : vector<2000x64xi32>
    %jit3A = arith.constant 1.000000e+00 : f32
    %jit3A_99 = arith.constant 0.000000e+00 : f32
    %broadcast_in_dim3A = vector.broadcast %jit3A : f32 to vector<2000x64xf32>
    %broadcast_in_dim3A_100 = vector.broadcast %jit3A_99 : f32 to vector<2000x64xf32>
    %select_n3A = arith.select %eq3A_98, %broadcast_in_dim3A, %broadcast_in_dim3A_100 : vector<2000x64xi1>, vector<2000x64xf32>
    %get3A_101 = arith.constant 0 : index
    %get3A_102 = arith.constant 0 : index
    %get3A_103 = vector.load %arg17[%get3A_101, %get3A_102] : memref<64x128xf32, #tpu.memory_space<vmem>>, vector<64x128xf32>
    %dot_general3A_104 = arith.constant dense<0.000000e+00> : vector<64x128xf32>
    %dot_general3A_105 = tpu.matmul %select_n3A, %add3A_93, %dot_general3A_104 {dimension_numbers = #tpu.dot_dimension_numbers<[0], [0], [1], [1], [0, 1, 1, 1], [], []>, transpose_lhs_hint = false} : vector<2000x64xf32>, vector<2000x128xf32>, vector<64x128xf32> -> vector<64x128xf32>
    %add3A_106 = arith.addf %get3A_103, %dot_general3A_105 : vector<64x128xf32>
    %swap3A = arith.constant 0 : index
    %swap3A_107 = arith.constant 0 : index
    %swap3A_108 = vector.load %arg17[%swap3A, %swap3A_107] : memref<64x128xf32, #tpu.memory_space<vmem>>, vector<64x128xf32>
    tpu.vector_store %arg17[%swap3A, %swap3A_107], %add3A_106 {strides = array<i32>} : memref<64x128xf32, #tpu.memory_space<vmem>>, vector<64x128xf32>,
    %broadcast_in_dim3A_109 = arith.constant 1.000000e+00 : f32
    %broadcast_in_dim3A_110 = vector.broadcast %broadcast_in_dim3A_109 : f32 to vector<2000x128xf32>
    %get3A_111 = arith.constant 0 : index
    %get3A_112 = arith.constant 0 : index
    %get3A_113 = vector.load %arg18[%get3A_111, %get3A_112] : memref<64x128xf32, #tpu.memory_space<vmem>>, vector<64x128xf32>
    %dot_general3A_114 = arith.constant dense<0.000000e+00> : vector<64x128xf32>
    %dot_general3A_115 = tpu.matmul %select_n3A, %broadcast_in_dim3A_110, %dot_general3A_114 {dimension_numbers = #tpu.dot_dimension_numbers<[0], [0], [1], [1], [0, 1, 1, 1], [], []>, transpose_lhs_hint = false} : vector<2000x64xf32>, vector<2000x128xf32>, vector<64x128xf32> -> vector<64x128xf32>
    %add3A_116 = arith.addf %get3A_113, %dot_general3A_115 : vector<64x128xf32>
    %swap3A_117 = arith.constant 0 : index
    %swap3A_118 = arith.constant 0 : index
    %swap3A_119 = vector.load %arg18[%swap3A_117, %swap3A_118] : memref<64x128xf32, #tpu.memory_space<vmem>>, vector<64x128xf32>
    tpu.vector_store %arg18[%swap3A_117, %swap3A_118], %add3A_116 {strides = array<i32>} : memref<64x128xf32, #tpu.memory_space<vmem>>, vector<64x128xf32>,
    %eq3A_120 = arith.constant 4 : i32
    %eq3A_121 = arith.cmpi eq, %arg0, %eq3A_120 : i32
    %convert_element_type3A_122 = arith.extui %eq3A_121 : i1 to i32
    %cond3A_123 = arith.constant 0 : i32
    %cond3A_124 = arith.cmpi ne, %convert_element_type3A_122, %cond3A_123 : i32
    scf.if %cond3A_124 {
      %get3A_125 = arith.constant 0 : index
      %get3A_126 = arith.constant 0 : index
      %get3A_127 = vector.load %arg17[%get3A_125, %get3A_126] : memref<64x128xf32, #tpu.memory_space<vmem>>, vector<64x128xf32>
      %get3A_128 = arith.constant 0 : index
      %get3A_129 = arith.constant 0 : index
      %get3A_130 = vector.load %arg18[%get3A_128, %get3A_129] : memref<64x128xf32, #tpu.memory_space<vmem>>, vector<64x128xf32>
      %max3A_131 = arith.constant 1.000000e+00 : f32
      %max3A_132 = vector.broadcast %max3A_131 : f32 to vector<64x128xf32>
      %max3A_133 = arith.maximumf %get3A_130, %max3A_132 : vector<64x128xf32>
      %div3A = arith.divf %get3A_127, %max3A_133 : vector<64x128xf32>
      %get3A_134 = arith.constant 0 : index
      %get3A_135 = arith.constant 0 : index
      %get3A_136 = vector.load %arg14[%get3A_134, %get3A_135] : memref<128x32xf32, #tpu.memory_space<vmem>>, vector<128x32xf32>
      %dot_general3A_137 = arith.constant dense<0.000000e+00> : vector<64x32xf32>
      %dot_general3A_138 = tpu.matmul %div3A, %get3A_136, %dot_general3A_137 {dimension_numbers = #tpu.dot_dimension_numbers<[1], [0], [0], [1], [0, 0, 1, 1], [], []>, transpose_lhs_hint = false} : vector<64x128xf32>, vector<128x32xf32>, vector<64x32xf32> -> vector<64x32xf32>
      %get3A_139 = arith.constant 0 : index
      %get3A_140 = arith.constant 0 : index
      %get3A_141 = vector.load %arg15[%get3A_139, %get3A_140] : memref<1x32xf32, #tpu.memory_space<vmem>>, vector<1x32xf32>
      %add3A_142 = vector.broadcast %get3A_141 : vector<1x32xf32> to vector<64x32xf32>
      %add3A_143 = arith.addf %dot_general3A_138, %add3A_142 : vector<64x32xf32>
      %swap3A_144 = arith.constant 0 : index
      %swap3A_145 = arith.constant 0 : index
      %swap3A_146 = vector.load %arg16[%swap3A_144, %swap3A_145] : memref<64x32xf32, #tpu.memory_space<vmem>>, vector<64x32xf32>
      tpu.vector_store %arg16[%swap3A_144, %swap3A_145], %add3A_143 {strides = array<i32>} : memref<64x32xf32, #tpu.memory_space<vmem>>, vector<64x32xf32>,
    } else {
    }
    return
  }
  func.func @transform_0(%arg0: i32) -> (i32, i32, i32) {
    %c0_i32 = arith.constant 0 : i32
    %c0_i32_0 = arith.constant 0 : i32
    %c0_i32_1 = arith.constant 0 : i32
    return %c0_i32, %arg0, %c0_i32_0 : i32, i32, i32
  }
  func.func @transform_1(%arg0: i32) -> (i32, i32, i32) {
    %c0_i32 = arith.constant 0 : i32
    %c0_i32_0 = arith.constant 0 : i32
    %c0_i32_1 = arith.constant 0 : i32
    return %c0_i32, %arg0, %c0_i32_0 : i32, i32, i32
  }
  func.func @transform_2(%arg0: i32) -> (i32, i32, i32) {
    %c0_i32 = arith.constant 0 : i32
    %c0_i32_0 = arith.constant 0 : i32
    %c0_i32_1 = arith.constant 0 : i32
    return %c0_i32, %arg0, %c0_i32_0 : i32, i32, i32
  }
  func.func @transform_3(%arg0: i32) -> (i32, i32, i32) {
    %c0_i32 = arith.constant 0 : i32
    %c0_i32_0 = arith.constant 0 : i32
    %c0_i32_1 = arith.constant 0 : i32
    return %c0_i32, %arg0, %c0_i32_0 : i32, i32, i32
  }
  func.func @transform_4(%arg0: i32) -> (i32, i32) {
    %c0_i32 = arith.constant 0 : i32
    %c0_i32_0 = arith.constant 0 : i32
    return %arg0, %c0_i32 : i32, i32
  }
  func.func @transform_5(%arg0: i32) -> (i32, i32) {
    %c0_i32 = arith.constant 0 : i32
    %c0_i32_0 = arith.constant 0 : i32
    %c0_i32_1 = arith.constant 0 : i32
    return %c0_i32, %c0_i32_0 : i32, i32
  }
  func.func @transform_6(%arg0: i32) -> (i32, i32) {
    %c0_i32 = arith.constant 0 : i32
    %c0_i32_0 = arith.constant 0 : i32
    %c0_i32_1 = arith.constant 0 : i32
    return %c0_i32, %c0_i32_0 : i32, i32
  }
  func.func @transform_7(%arg0: i32) -> (i32, i32) {
    %c0_i32 = arith.constant 0 : i32
    %c0_i32_0 = arith.constant 0 : i32
    %c0_i32_1 = arith.constant 0 : i32
    return %c0_i32, %c0_i32_0 : i32, i32
  }
  func.func @transform_8(%arg0: i32) -> (i32, i32) {
    %c0_i32 = arith.constant 0 : i32
    %c0_i32_0 = arith.constant 0 : i32
    %c0_i32_1 = arith.constant 0 : i32
    return %c0_i32, %c0_i32_0 : i32, i32
  }
  func.func @transform_9(%arg0: i32) -> (i32, i32) {
    %c0_i32 = arith.constant 0 : i32
    %c0_i32_0 = arith.constant 0 : i32
    %c0_i32_1 = arith.constant 0 : i32
    return %c0_i32, %c0_i32_0 : i32, i32
  }
  func.func @transform_10(%arg0: i32) -> (i32, i32) {
    %c0_i32 = arith.constant 0 : i32
    %c0_i32_0 = arith.constant 0 : i32
    %c0_i32_1 = arith.constant 0 : i32
    return %c0_i32, %c0_i32_0 : i32, i32
  }
  func.func @transform_11(%arg0: i32) -> (i32, i32) {
    %c0_i32 = arith.constant 0 : i32
    %c0_i32_0 = arith.constant 0 : i32
    %c0_i32_1 = arith.constant 0 : i32
    return %c0_i32, %c0_i32_0 : i32, i32
  }
  func.func @transform_12(%arg0: i32) -> (i32, i32) {
    %c0_i32 = arith.constant 0 : i32
    %c0_i32_0 = arith.constant 0 : i32
    %c0_i32_1 = arith.constant 0 : i32
    return %c0_i32, %c0_i32_0 : i32, i32
  }
  func.func @transform_13(%arg0: i32) -> (i32, i32) {
    %c0_i32 = arith.constant 0 : i32
    %c0_i32_0 = arith.constant 0 : i32
    %c0_i32_1 = arith.constant 0 : i32
    return %c0_i32, %c0_i32_0 : i32, i32
  }
  func.func @transform_14(%arg0: i32) -> (i32, i32) {
    %c0_i32 = arith.constant 0 : i32
    %c0_i32_0 = arith.constant 0 : i32
    %c0_i32_1 = arith.constant 0 : i32
    return %c0_i32, %c0_i32_0 : i32, i32
  }
  func.func @transform_15(%arg0: i32) -> (i32, i32) {
    %c0_i32 = arith.constant 0 : i32
    %c0_i32_0 = arith.constant 0 : i32
    %c0_i32_1 = arith.constant 0 : i32
    return %c0_i32, %c0_i32_0 : i32, i32
  }
}

</mosaic_0001>

<sc_bundles>
// kernel: kernel.15.cloned.1.call-start
scs
__scs_entry_jumppad:
0x0: {  	(pc) =	sbr.rel $0x88, $3  }
0x1: {  	(tag) =	ssettag $0x0;
	lr =	simm.s32 $0x1  }
0x2: {  	[smem:$0x3F8B] =	sst lr;
	_ =	strace $0xD0000000  }
0x3: {  	_ = 	snop  }
0x4: {  	_ = 	snop  }
0x5: {  	_ = 	snop  }
0x6: {  	_ = 	snop  }
0x7: {  	_ = 	snop  }
__scs_overlays_trampoline_lowered:
0x8: {  	[smem:$0x3F9A] =	sst s0  }
0x9: {  	[smem:$0x3F9B] =	sst s1  }
0xa: {  	[smem:$0x3F9C] =	sst s2  }
0xb: {  	[smem:$0x3F9D] =	sst s3  }
0xc: {  	[smem:$0x3F9E] =	sst s4  }
0xd: {  	[smem:$0x3F9F] =	sst s5  }
0xe: {  	[smem:$0x3FA0] =	sst s6  }
0xf: {  	[smem:$0x3FA1] =	sst s7  }
0x10: {  	[smem:$0x3FA2] =	sst s8  }
0x11: {  	[smem:$0x3FA3] =	sst s9;
	s0 =	simm.s32 @!p0 $0x0  }
0x12: {  	s1 =	sld [smem:$0x3F89];
	s0 =	simm.s32 @p0 $0x1  }
0x13: {  	[smem:$0x3FA4] =	sst s0;
	s0 =	simm.s32 @!p1 $0x0  }
0x14: {  	s2 =	sld [smem:$0x3F88];
	s0 =	simm.s32 @p1 $0x1  }
0x15: {  	[smem:$0x3FA5] =	sst s0;
	s0 =	simm.s32 @!p2 $0x0  }
0x16: {  	s3 =	sld [smem:$0x3FDB];
	s0 =	simm.s32 @p2 $0x1  }
0x17: {  	s4 =	simm.s32 $0x1BF5;
	[smem:$0x3FA7] =	sst s0  }
0x18: {  	s0 =	sld [smem:$0x3F8A];
	_ =	swait.ge [sflag:s4], $0x0  }
0x19: {  	s7 =	sld [smem:$0x3F8B]  }
0x1a: {  	s8 =	sadd.s32 $0xFFFFE003, lr  }
0x1b: {  	s9 =	sadd.s32 $0xFFFFFEF7, lr;
	s5 =	simm.s32 $0xFFFFFFFF;
	p2 =	slt.u32 s8, $0xFFFFF086  }
0x1c: {  	p1 =	slt.u32 s9, $0xF7A;
	s5 =	simm.s32 @!p2 $0x0  }
0x1d: {  	s5 =	simm.s32 @p1 $0x1;
	p0 =	seq.s32 s7, s2  }
0x1e: {  	s7 =	smul.u32 @!p0 $0xF7A, s2;
	p2 =	seq.s32 @!p0 s5, $0x0  }
0x1f: {  	s9 =	smul.u32 $0xF7A, s1;
	s8 =	simm.s32 @!p0 $0x1BF5;
	p2 =	por !p2, p0  }
0x20: {  	[sflag:s8] =	ssyncset.s32 @!p0 $0xFFFFF086;
	s6 =	sadd.s32 @!p0 s3, s7;
	s7 =	simm.s32 @!p0 $0x108  }
0x21: {  	s3 =	sadd.s32 s3, s9;
	s6 =	sadd.s32 @!p0 $0x88, s6;
	s7 =	simm.s32 @p2 $0x1082  }
0x22: {  	[simem:s7], [sflag:s8] =	dma.local @!p0 [hbm:s6], $0xF7A  }
0x23: {  	s9 =	sor.u32 $0xD0000000, s2;
	s6 =	simm.s32 $0x108;
	_ =	swait.ge @!p0 [sflag:s8], $0x0  }
0x24: {  	s3 =	sadd.s32 $0x88, s3;
	s6 =	simm.s32 @!p1 $0x1082;
	[sflag:s4] =	ssyncset.s32 $0xFFFFF086  }
0x25: {  	[simem:s6], [sflag:s4] =	dma.local [hbm:s3], $0xF7A  }
0x26: {  	[smem:$0x3F8B] =	sst s1;
	(tag) =	ssettag s2;
	_ =	strace s9  }
0x27: {  	s1 =	sld [smem:$0x3F9B]  }
0x28: {  	s2 =	sld [smem:$0x3F9C]  }
0x29: {  	s4 =	sld [smem:$0x3F9E]  }
0x2a: {  	p0 =	seq.s32 s5, $0x0;
	s5 =	sld [smem:$0x3F9F]  }
0x2b: {  	s6 =	sld [smem:$0x3FA0]  }
0x2c: {  	s7 =	sld [smem:$0x3FA1]  }
0x2d: {  	s3 =	simm.s32 $0x108;
	s8 =	sld [smem:$0x3FA2]  }
0x2e: {  	s3 =	simm.s32 @!p0 $0x1082;
	s9 =	sld [smem:$0x3FA3]  }
0x2f: {  	lr =	sadd.s32 s0, s3;
	s0 =	sld [smem:$0x3F9A]  }
0x30: {  	s3 =	sld [smem:$0x3F9D]  }
0x31: {  	[smem:$0x3FA6] =	sst s10  }
0x32: {  	s10 =	sld [smem:$0x3FA4];
	_ =	sdelay $0x3  }
0x33: {  	p0 =	seq.s32 s10, $0x1;
	s10 =	sld [smem:$0x3FA6];
	_ =	sdelay $0x3  }
0x34: {  	[smem:$0x3FA6] =	sst s10  }
0x35: {  	s10 =	sld [smem:$0x3FA5];
	_ =	sdelay $0x3  }
0x36: {  	p1 =	seq.s32 s10, $0x1;
	s10 =	sld [smem:$0x3FA6];
	_ =	sdelay $0x3  }
0x37: {  	[smem:$0x3FA6] =	sst s10  }
0x38: {  	s10 =	sld [smem:$0x3FA7]  }
0x39: {  	_ = 	snop;
	(pc) =	sbr.ind lr, $3  }
0x3a: {  	_ = 	snop  }
0x3b: {  	_ = 	snop  }
0x3c: {  	p2 =	seq.s32 s10, $0x1;
	s10 =	sld [smem:$0x3FA6]  }
0x3d: {  	_ =	shalt  }
0x3e: {  	_ =	shalt  }
0x3f: {  	_ =	shalt  }
0x40: {  	_ =	shalt  }
0x41: {  	_ =	shalt  }
0x42: {  	_ =	shalt  }
0x43: {  	_ =	shalt  }
0x44: {  	_ =	shalt  }
0x45: {  	_ =	shalt  }
0x46: {  	_ =	shalt  }
0x47: {  	_ =	shalt  }
0x48: {  	_ =	shalt  }
0x49: {  	_ =	shalt  }
0x4a: {  	_ =	shalt  }
0x4b: {  	_ =	shalt  }
0x4c: {  	_ =	shalt  }
0x4d: {  	_ =	shalt  }
0x4e: {  	_ =	shalt  }
0x4f: {  	_ =	shalt  }
0x50: {  	_ =	shalt  }
0x51: {  	_ =	shalt  }
0x52: {  	_ =	shalt  }
0x53: {  	_ =	shalt  }
0x54: {  	_ =	shalt  }
0x55: {  	_ =	shalt  }
0x56: {  	_ =	shalt  }
0x57: {  	_ =	shalt  }
0x58: {  	_ =	shalt  }
0x59: {  	_ =	shalt  }
0x5a: {  	_ =	shalt  }
0x5b: {  	_ =	shalt  }
0x5c: {  	_ =	shalt  }
0x5d: {  	_ =	shalt  }
0x5e: {  	_ =	shalt  }
0x5f: {  	_ =	shalt  }
0x60: {  	_ =	shalt  }
0x61: {  	_ =	shalt  }
0x62: {  	_ =	shalt  }
0x63: {  	_ =	shalt  }
0x64: {  	_ =	shalt  }
0x65: {  	_ =	shalt  }
0x66: {  	_ =	shalt  }
0x67: {  	_ =	shalt  }
0x68: {  	_ =	shalt  }
0x69: {  	_ =	shalt  }
0x6a: {  	_ =	shalt  }
0x6b: {  	_ =	shalt  }
0x6c: {  	_ =	shalt  }
0x6d: {  	_ =	shalt  }
0x6e: {  	_ =	shalt  }
0x6f: {  	_ =	shalt  }
0x70: {  	_ =	shalt  }
0x71: {  	_ =	shalt  }
0x72: {  	_ =	shalt  }
0x73: {  	_ =	shalt  }
0x74: {  	_ =	shalt  }
0x75: {  	_ =	shalt  }
0x76: {  	_ =	shalt  }
0x77: {  	_ =	shalt  }
0x78: {  	_ =	shalt  }
0x79: {  	_ =	shalt  }
0x7a: {  	_ =	shalt  }
0x7b: {  	_ =	shalt  }
0x7c: {  	_ =	shalt  }
0x7d: {  	_ =	shalt  }
0x7e: {  	_ =	shalt  }
0x7f: {  	_ =	shalt  }
0x80: {  	_ =	shalt  }
0x81: {  	_ =	shalt  }
0x82: {  	_ =	shalt  }
0x83: {  	_ =	shalt  }
0x84: {  	_ =	shalt  }
0x85: {  	_ =	shalt  }
0x86: {  	_ =	shalt  }
0x87: {  	_ =	shalt  }
.Lfunc_end0:
.L_simem_size_0:
called_computation_lowered:
.L_overlay_start_0:
0x88: {  	s2 =	sld [smem:$0x3FD9]  }
0x89: {  	s3 =	sld [smem:$0x3FFE];
	_ =	sdelay $0x1  }
0x8a: {  	s1 =	srdreg.scid  }
0x8b: {  	s0 =	sand.u32 $0x1, s1  }
0x8c: {  	s17 =	sshll.u32 s0, $0xA;
	s2 =	sadd.s32 s3, s2  }
0x8d: {  	s2 =	sadd.s32 s2, s17  }
0x8e: {  	[smem:$0x3FB2] =	sst s2  }
0x8f: {  	_ = 	snop  }
0x90: {  	s2 =	sld [smem:$0x3FC9];
	(tm) =	ssettm $0x1  }
0x91: {  	s18 =	sld [smem:$0x3FFB];
	_ =	sdelay $0x3  }
0x92: {  	_ =	strace s18  }
0x93: {  	s3 =	sld [smem:$0x3FFC];
	_ =	sdelay $0x3  }
0x94: {  	_ =	strace s3  }
0x95: {  	s3 =	sld [smem:$0x3FFD];
	_ =	sdelay $0x3  }
0x96: {  	_ =	strace s3  }
0x97: {  	_ =	strace $0x8FFFFFFF  }
0x98: {  	s19 =	sld [smem:$0x3FDB];
	_ =	sdelay $0x1  }
0x99: {  	s4 =	simm.s32 $_scs_section_size  }
0x9a: {  	s5 =	simm.s32 $_size__tile_overlayer_lowered;
	s6 =	simm.s32 $_tile_overlayer_lowered  }
0x9b: {  	s22 =	simm.s32 $0x1BFF;
	s21 =	sshll.u32 s6, $0x1;
	s3 =	sadd.s32 s4, s19  }
0x9c: {  	s7 =	simm.s32 $0x0;
	s20 =	sshll.u32 s5, $0x1;
	s5 =	sadd.s32 s21, s3  }
0x9d: {  	[timem:s7], [sflag:s22] =	dma.local [hbm:s5], s20  }
0x9e: {  	_ =	swait.ge [sflag:s22], s20  }
0x9f: {  	s4 =	ssub.s32 $0x0, s20;
	[sflag:s22] =	ssyncset.done $0x0  }
0xa0: {  	[sflag:s22] =	ssyncadd.s32 s4;
	_ =	sdelay $0x1  }
0xa1: {  	s23 =	simm.s32 $0x1B8B  }
0xa2: {  	_ =	swait.ge [sflag:s23], $0x1  }
0xa3: {  	[sflag:s23] =	ssyncset.done $0x0  }
0xa4: {  	s25 =	simm.s32 $0x1B8E;
	s24 =	sld [smem:$0x3FFE];
	[sflag:s23] =	ssyncadd.s32 $0xFFFFFFFF  }
0xa5: {  	s26 =	simm.s32 $execute0_lowered;
	[smem:$0x3FD2] =	sst s25  }
0xa6: {  	s5 =	sshll.u32 s26, $0x1;
	_ =	strace $0x80000046;
	[dreg:$0x1] =	wrdreg $0xFFFFFFFF  }
0xa7: {  	s28 =	simm.s32 $_size_execute0_lowered;
	s3 =	sadd.s32 s3, s5;
	[dreg:$0x0] =	wrdreg $0x0  }
0xa8: {  	s5 =	sshll.u32 s28, $0x1;
	[dreg:$0x2] =	wrdreg s3  }
0xa9: {  	[dreg:$0x3] =	wrdreg s5  }
0xaa: {  	[dreg:$0x4] =	wrdreg $0xC0  }
0xab: {  	_ =	task [dreg:s7], $0x5FFFF  }
0xac: {  	[dreg:$0x1] =	wrdreg $0xFFFFFFFF  }
0xad: {  	[dreg:$0x0] =	wrdreg $0x60  }
0xae: {  	[dreg:$0x2] =	wrdreg s2  }
0xaf: {  	[dreg:$0x3] =	wrdreg s24  }
0xb0: {  	[dreg:$0x4] =	wrdreg $0x9  }
0xb1: {  	_ =	task.clear_ibuf [dreg:s7], $0x5FFFF;
	_ =	strace $0x90000046  }
0xb2: {  	s29 =	simm.s32 $0x9;
	_ =	strace $0x80000048  }
0xb3: {  	_ =	swait.ge [sflag:s29], $0x1  }
0xb4: {  	[sflag:s29] =	ssyncadd.s32 $0xFFFFFFFF  }
0xb5: {  	_ =	strace $0x90000048  }
0xb6: {  	_ =	sfence  }
0xb7: {  	s30 =	sld [smem:$0x0];
	_ =	sdelay $0x2  }
0xb8: {  	s31 =	sshll.u32 s1, $0xD;
	s1 =	sshrl.u32 s1, $0x2  }
0xb9: {  	s3 =	sand.u32 $0x4000, s31;
	s1 =	sadd.s32 s1, s30  }
0xba: {  	s0 =	sor.u32 s3, s0;
	s1 =	sshll.u32 s1, $0x11  }
0xbb: {  	s0 =	sor.u32 s1, s0  }
0xbc: {  	s0 =	sadd.s32 $0x8F2B, s0  }
0xbd: {  	[sflag:s0] =	ssyncadd.remote.s32 $0x1  }
0xbe: {  	_ =	sfence.sel $0xFFFF  }
0xbf: {  	[dreg:$0x0] =	wrdreg $0xFFFFFFFF;
	(pc) =	sbr.abs _section_cstart, $3  }
0xc0: {  	[dreg:$0x1] =	wrdreg $0xFFFFFFFF  }
0xc1: {  	_ =	task.clear_ibuf [dreg:s7], $0x2FFFF;
	_ =	strace $0x9FFFFFFF  }
0xc2: {  	(tm) =	ssettm $0x7FFFFFFF  }
0xc3: {  	_ =	shalt  }
tec
execute0_lowered:
.L_overlay_start_1:
0x0: {  	(tag) =	ssettag $0x1  }
0x1: {  	s1 =	srdreg.scid;
	s2 =	rddreg [dreg:$0x0]  }
0x2: {  	s0 =	stileid.u32;
	s5 =	rddreg [dreg:$0x1]  }
0x3: {  	s3 =	simm.s32 $0x0;
	s11 =	simm.s32 $0x80;
	s12 =	simm.s32 $0x1800  }
0x4: {  	s13 =	simm.s32 $0x9800;
	s14 =	simm.s32 $0x5800;
	s15 =	simm.s32 $0xD800  }
0x5: {  	s16 =	simm.s32 $0x1;
	s17 =	simm.s32 $0x0;
	s4 =	sand.u32 $0x1, s1  }
0x6: {  	s30 =	sshll.u32 s0, $0x1;
	s1 =	rddreg [dreg:$0x2];
	s7 =	smul.u32 $0x14000, s0  }
0x7: {  	s6 =	sor.u32 s4, s30;
	s8 =	ssub.s32 $0x2, s4;
	s10 =	smul.u32 $0xA000, s4  }
0x8: {  	[smem:$0x7FF] =	sst s3;
	s6 =	smul.u32 $0x180, s6;
	s9 =	sshrl.u32 s8, $0x1  }
0x9: {  	_ =	strace $0x80000047;
	s7 =	sadd.s32 s7, s5;
	s8 =	ssub.s32 s8, s9  }
0xa: {  	s31 =	sadd.s32 s10, s7;
	s9 =	simm.s32 $0x2;
	s6 =	sadd.s32 s6, s5  }
0xb: {  	s10 =	simm.s32 $0xC00;
	s7 =	sadd.s32 $0xD000, s31;
	s4 =	sadd.s32 $0x7000, s6  }
0xc: {  	s5 =	sadd.s32 $0xA000, s6;
	s6 =	smax.u32 s8, $0x1;
	s8 =	sadd.s32 $0x14D000, s31  }
.LBB2_1:
0xd: {  	[tilespmem:s3], [sflag:$0x2] =	stream.linear.gather [hbm4b:s4+s3], $0xA00, $0x38;
	[tilespmem:$0x11800] =	vst v63  }
0xe: {  	_ =	swait.ge [sflag:s9], $0xA00  }
0xf: {  	[sflag:s9] =	ssyncset.done $0x0  }
0x10: {  	[sflag:s9] =	ssyncadd.s32 $0xFFFFF600  }
0x11: {  	[tilespmem:s10], [sflag:$0x2] =	stream.linear.gather [hbm4b:s5+s3], $0xA00, $0x38;
	[tilespmem:$0x11800] =	vst v63  }
0x12: {  	_ =	swait.ge [sflag:s9], $0xA00  }
0x13: {  	[sflag:s9] =	ssyncset.done $0x0  }
0x14: {  	s18 =	simm.s32 $0xC00;
	[sflag:s9] =	ssyncadd.s32 $0xFFFFF600  }
0x15: {  	[tilespmem:s12], [sflag:$0x1] =	stream.indirect.gather [hbm4b:s2+s11], $0x80, s18, s11, $0xb8;
	[tilespmem:$0x11800] =	vst v63  }
0x16: {  	s28 =	simm.s32 $0x0  }
0x17: {  	[tilespmem:s13], [sflag:$0x1] =	stream.indirect.gather [hbm4b:s2+s11], $0x80, s28, s11, $0xb8;
	[tilespmem:$0x11800] =	vst v63  }
0x18: {  	s29 =	simm.s32 $0xC80  }
0x19: {  	[tilespmem:s14], [sflag:$0x1] =	stream.indirect.gather [hbm4b:s2+s11], $0x80, s29, s11, $0xb8;
	[tilespmem:$0x11800] =	vst v63  }
0x1a: {  	_ = 	snop  }
0x1b: {  	[tilespmem:s15], [sflag:$0x1] =	stream.indirect.gather [hbm4b:s2+s11], $0x80, s11, s11, $0xb8;
	[tilespmem:$0x11800] =	vst v63  }
0x1c: {  	_ =	swait.ge [sflag:s16], $0x4000  }
0x1d: {  	[sflag:s16] =	ssyncset.done $0x0  }
0x1e: {  	[sflag:s16] =	ssyncadd.s32 $0xFFFFC000  }
0x1f: {  	_ =	swait.ge [sflag:s16], $0x4000  }
0x20: {  	[sflag:s16] =	ssyncset.done $0x0  }
0x21: {  	[sflag:s16] =	ssyncadd.s32 $0xFFFFC000  }
0x22: {  	_ =	swait.ge [sflag:s16], $0x4000  }
0x23: {  	[sflag:s16] =	ssyncset.done $0x0  }
0x24: {  	[sflag:s16] =	ssyncadd.s32 $0xFFFFC000  }
0x25: {  	_ =	swait.ge [sflag:s16], $0x4000  }
0x26: {  	[sflag:s16] =	ssyncset.done $0x0  }
0x27: {  	s30 =	sadd.s32 $0x0, s7;
	[sflag:s16] =	ssyncadd.s32 $0xFFFFC000  }
0x28: {  	[hbm4b:s30+s3] =	stream.linear.scatter [tilespmem:s12], [sflag:$0x2], $0x4000, $0x38;
	[tilespmem:$0x11800] =	vst v63  }
0x29: {  	_ =	swait.ge [sflag:s9], $0x4000  }
0x2a: {  	[sflag:s9] =	ssyncset.done $0x0  }
0x2b: {  	s19 =	sadd.s32 $0x0, s8;
	[sflag:s9] =	ssyncadd.s32 $0xFFFFC000  }
0x2c: {  	[hbm4b:s19+s3] =	stream.linear.scatter [tilespmem:s13], [sflag:$0x2], $0x4000, $0x38;
	[tilespmem:$0x11800] =	vst v63  }
0x2d: {  	_ =	swait.ge [sflag:s9], $0x4000  }
0x2e: {  	[sflag:s9] =	ssyncset.done $0x0  }
0x2f: {  	s18 =	sadd.s32 $0x800, s30;
	[sflag:s9] =	ssyncadd.s32 $0xFFFFC000  }
0x30: {  	[hbm4b:s18+s3] =	stream.linear.scatter [tilespmem:s14], [sflag:$0x2], $0x4000, $0x38;
	[tilespmem:$0x11800] =	vst v63  }
0x31: {  	_ =	swait.ge [sflag:s9], $0x4000  }
0x32: {  	[sflag:s9] =	ssyncset.done $0x0  }
0x33: {  	s31 =	sadd.s32 $0x800, s19;
	[sflag:s9] =	ssyncadd.s32 $0xFFFFC000  }
0x34: {  	[hbm4b:s31+s3] =	stream.linear.scatter [tilespmem:s15], [sflag:$0x2], $0x4000, $0x38;
	[tilespmem:$0x11800] =	vst v63  }
0x35: {  	s20 =	simm.s32 $0x2000;
	s21 =	simm.s32 $0x80;
	_ =	swait.ge [sflag:s9], $0x4000  }
0x36: {  	s19 =	simm.s32 $0xD80;
	s18 =	simm.s32 $0x1000;
	[sflag:s9] =	ssyncset.done $0x0  }
.LBB2_2:
0x37: {  	s22 =	sadd.s32 $0xFFFFFF80, s19  }
0x38: {  	[sflag:s9] =	ssyncadd.s32 $0xFFFFC000;
	s21 =	sadd.s32 $0x100, s21;
	s23 =	smov.u32 s20  }
0x39: {  	[tilespmem:s12], [sflag:$0x1] =	stream.indirect.gather [hbm4b:s2+s11], $0x80, s22, s11, $0xb8;
	[tilespmem:$0x11800] =	vst v63  }
0x3a: {  	p0 =	sne.s32 s20, $0x9000;
	s20 =	sadd.s32 $0x1000, s20;
	s22 =	sadd.s32 $0xFFFFFF80, s21  }
0x3b: {  	[tilespmem:s13], [sflag:$0x1] =	stream.indirect.gather [hbm4b:s2+s11], $0x80, s22, s11, $0xb8;
	[tilespmem:$0x11800] =	vst v63  }
0x3c: {  	_ = 	snop  }
0x3d: {  	[tilespmem:s14], [sflag:$0x1] =	stream.indirect.gather [hbm4b:s2+s11], $0x80, s19, s11, $0xb8;
	[tilespmem:$0x11800] =	vst v63  }
0x3e: {  	_ = 	snop  }
0x3f: {  	[tilespmem:s15], [sflag:$0x1] =	stream.indirect.gather [hbm4b:s2+s11], $0x80, s21, s11, $0xb8;
	[tilespmem:$0x11800] =	vst v63  }
0x40: {  	_ =	swait.ge [sflag:s16], $0x4000  }
0x41: {  	[sflag:s16] =	ssyncset.done $0x0  }
0x42: {  	[sflag:s16] =	ssyncadd.s32 $0xFFFFC000  }
0x43: {  	_ =	swait.ge [sflag:s16], $0x4000  }
0x44: {  	[sflag:s16] =	ssyncset.done $0x0  }
0x45: {  	[sflag:s16] =	ssyncadd.s32 $0xFFFFC000  }
0x46: {  	_ =	swait.ge [sflag:s16], $0x4000  }
0x47: {  	[sflag:s16] =	ssyncset.done $0x0  }
0x48: {  	[sflag:s16] =	ssyncadd.s32 $0xFFFFC000  }
0x49: {  	_ =	swait.ge [sflag:s16], $0x4000  }
0x4a: {  	[sflag:s16] =	ssyncset.done $0x0  }
0x4b: {  	s22 =	sadd.s32 s18, s7;
	[sflag:s16] =	ssyncadd.s32 $0xFFFFC000  }
0x4c: {  	[hbm4b:s22+s3] =	stream.linear.scatter [tilespmem:s12], [sflag:$0x2], $0x4000, $0x38;
	[tilespmem:$0x11800] =	vst v63  }
0x4d: {  	_ =	swait.ge [sflag:s9], $0x4000  }
0x4e: {  	[sflag:s9] =	ssyncset.done $0x0  }
0x4f: {  	s24 =	sadd.s32 s18, s8;
	s18 =	smov.u32 s23;
	[sflag:s9] =	ssyncadd.s32 $0xFFFFC000  }
0x50: {  	[hbm4b:s24+s3] =	stream.linear.scatter [tilespmem:s13], [sflag:$0x2], $0x4000, $0x38;
	[tilespmem:$0x11800] =	vst v63  }
0x51: {  	_ =	swait.ge [sflag:s9], $0x4000  }
0x52: {  	[sflag:s9] =	ssyncset.done $0x0  }
0x53: {  	s22 =	sadd.s32 $0x800, s22;
	[sflag:s9] =	ssyncadd.s32 $0xFFFFC000  }
0x54: {  	[hbm4b:s22+s3] =	stream.linear.scatter [tilespmem:s14], [sflag:$0x2], $0x4000, $0x38;
	[tilespmem:$0x11800] =	vst v63  }
0x55: {  	_ =	swait.ge [sflag:s9], $0x4000  }
.Ltmp0:
0x56: {  	[sflag:s9] =	ssyncset.done $0x0;
	(pc) =	sbr.rel @p0 .LBB2_2-.Ltmp0, $4  }
0x57: {  	s22 =	sadd.s32 $0x800, s24;
	[sflag:s9] =	ssyncadd.s32 $0xFFFFC000  }
0x58: {  	[hbm4b:s22+s3] =	stream.linear.scatter [tilespmem:s15], [sflag:$0x2], $0x4000, $0x38;
	[tilespmem:$0x11800] =	vst v63  }
0x59: {  	_ =	swait.ge [sflag:s9], $0x4000  }
0x5a: {  	s19 =	sadd.s32 $0x100, s19;
	[sflag:s9] =	ssyncset.done $0x0  }
0x5b: {  	s20 =	sadd.s32 $0xFFFFFF80, s19;
	[sflag:s9] =	ssyncadd.s32 $0xFFFFC000;
	s21 =	sadd.s32 $0x100, s21  }
0x5c: {  	[tilespmem:s12], [sflag:$0x1] =	stream.indirect.gather [hbm4b:s2+s11], $0x80, s20, s11, $0xb8;
	[tilespmem:$0x11800] =	vst v63  }
0x5d: {  	s29 =	sadd.s32 $0xFFFFFF80, s21  }
0x5e: {  	[tilespmem:s13], [sflag:$0x1] =	stream.indirect.gather [hbm4b:s2+s11], $0x80, s29, s11, $0xb8;
	[tilespmem:$0x11800] =	vst v63  }
0x5f: {  	_ = 	snop  }
0x60: {  	[tilespmem:s14], [sflag:$0x1] =	stream.indirect.gather [hbm4b:s2+s11], $0x80, s19, s11, $0xb8;
	[tilespmem:$0x11800] =	vst v63  }
0x61: {  	_ = 	snop  }
0x62: {  	[tilespmem:s15], [sflag:$0x1] =	stream.indirect.gather [hbm4b:s2+s11], $0x80, s21, s11, $0xb8;
	[tilespmem:$0x11800] =	vst v63  }
0x63: {  	_ =	swait.ge [sflag:s16], $0x4000  }
0x64: {  	[sflag:s16] =	ssyncset.done $0x0  }
0x65: {  	[sflag:s16] =	ssyncadd.s32 $0xFFFFC000  }
0x66: {  	_ =	swait.ge [sflag:s16], $0x4000  }
0x67: {  	[sflag:s16] =	ssyncset.done $0x0  }
0x68: {  	[sflag:s16] =	ssyncadd.s32 $0xFFFFC000  }
0x69: {  	_ =	swait.ge [sflag:s16], $0x4000  }
0x6a: {  	[sflag:s16] =	ssyncset.done $0x0  }
0x6b: {  	[sflag:s16] =	ssyncadd.s32 $0xFFFFC000  }
0x6c: {  	_ =	swait.ge [sflag:s16], $0x4000  }
0x6d: {  	[sflag:s16] =	ssyncset.done $0x0  }
0x6e: {  	s30 =	sadd.s32 s18, s7;
	[sflag:s16] =	ssyncadd.s32 $0xFFFFC000  }
0x6f: {  	[hbm4b:s30+s3] =	stream.linear.scatter [tilespmem:s12], [sflag:$0x2], $0x4000, $0x38;
	[tilespmem:$0x11800] =	vst v63  }
0x70: {  	_ =	swait.ge [sflag:s9], $0x4000  }
0x71: {  	[sflag:s9] =	ssyncset.done $0x0  }
0x72: {  	s31 =	sadd.s32 s18, s8;
	[sflag:s9] =	ssyncadd.s32 $0xFFFFC000  }
0x73: {  	[hbm4b:s31+s3] =	stream.linear.scatter [tilespmem:s13], [sflag:$0x2], $0x4000, $0x38;
	[tilespmem:$0x11800] =	vst v63  }
0x74: {  	_ =	swait.ge [sflag:s9], $0x4000  }
0x75: {  	[sflag:s9] =	ssyncset.done $0x0  }
0x76: {  	s19 =	sadd.s32 $0x800, s30;
	[sflag:s9] =	ssyncadd.s32 $0xFFFFC000  }
0x77: {  	[hbm4b:s19+s3] =	stream.linear.scatter [tilespmem:s14], [sflag:$0x2], $0x4000, $0x38;
	[tilespmem:$0x11800] =	vst v63  }
0x78: {  	s17 =	sadd.s32 $0x1, s17;
	_ =	swait.ge [sflag:s9], $0x4000  }
0x79: {  	p0 =	sne.s32 s17, s6;
	[sflag:s9] =	ssyncset.done $0x0  }
.Ltmp1:
0x7a: {  	s18 =	sadd.s32 $0x800, s31;
	[sflag:s9] =	ssyncadd.s32 $0xFFFFC000;
	(pc) =	sbr.rel @p0 .LBB2_1-.Ltmp1, $4  }
0x7b: {  	[hbm4b:s18+s3] =	stream.linear.scatter [tilespmem:s15], [sflag:$0x2], $0x4000, $0x38;
	[tilespmem:$0x11800] =	vst v63  }
0x7c: {  	_ =	swait.ge [sflag:s9], $0x4000  }
0x7d: {  	[sflag:s9] =	ssyncset.done $0x0  }
0x7e: {  	[sflag:s9] =	ssyncadd.s32 $0xFFFFC000  }
0x7f: {  	_ =	sfence.sel $0x180000  }
0x80: {  	[bflag:$0x0] =	sbarrier.arrive $0xFFFF  }
0x81: {  	p0 =	sne.s32 s0, $0x0;
	_ =	strace $0x90000047  }
0x82: {  	s0 =	sadd.s32 @!p0 $0x100000, s1;
	[bflag:$0x2] =	sbarrier.arrive $0xFFFF  }
0x83: {  	[sflag:s0] =	ssyncadd.tile.s32 @!p0 $0x1;
	_ =	shalt  }
.Lfunc_end2:
_tile_overlayer_lowered:
.L_overlay_start_2:
0x84: {  	(tag) =	ssettag $0x2  }
0x85: {  	s0 =	rddreg [dreg:$0x0];
	s2 =	stileid.u32  }
0x86: {  	s1 =	rddreg [dreg:$0x1];
	p0 =	sne.s32 s2, $0x0  }
0x87: {  	s3 =	rddreg [dreg:$0x2];
	[bflag:$0x3] =	sbarrier.arrive $0xFFFF;
	s2 =	simm.s32 @!p0 $0x1C02  }
0x88: {  	[timem:s3], [sflag:s2] =	dma.local @!p0 [hbm:s0], s1  }
0x89: {  	s0 =	simm.s32 @!p0 $0x2  }
0x8a: {  	_ =	swait.ge @!p0 [sflag:s0], s1  }
0x8b: {  	s1 =	ssub.s32 @!p0 $0x0, s1;
	[sflag:s0] =	ssyncset.done @!p0 $0x0  }
0x8c: {  	[sflag:s0] =	ssyncadd.s32 @!p0 s1  }
0x8d: {  	[bflag:$0x3] =	sbarrier.arrive $0xFFFF  }
0x8e: {  	_ =	shalt  }

// kernel: kernel.18.cloned.1.call-start
scs
__scs_entry_jumppad:
0x0: {  	(pc) =	sbr.rel $0x88, $3  }
0x1: {  	(tag) =	ssettag $0x0;
	lr =	simm.s32 $0x1  }
0x2: {  	[smem:$0x3F8B] =	sst lr;
	_ =	strace $0xD0000000  }
0x3: {  	_ = 	snop  }
0x4: {  	_ = 	snop  }
0x5: {  	_ = 	snop  }
0x6: {  	_ = 	snop  }
0x7: {  	_ = 	snop  }
__scs_overlays_trampoline_lowered:
0x8: {  	[smem:$0x3F9A] =	sst s0  }
0x9: {  	[smem:$0x3F9B] =	sst s1  }
0xa: {  	[smem:$0x3F9C] =	sst s2  }
0xb: {  	[smem:$0x3F9D] =	sst s3  }
0xc: {  	[smem:$0x3F9E] =	sst s4  }
0xd: {  	[smem:$0x3F9F] =	sst s5  }
0xe: {  	[smem:$0x3FA0] =	sst s6  }
0xf: {  	[smem:$0x3FA1] =	sst s7  }
0x10: {  	[smem:$0x3FA2] =	sst s8  }
0x11: {  	[smem:$0x3FA3] =	sst s9;
	s0 =	simm.s32 @!p0 $0x0  }
0x12: {  	s1 =	sld [smem:$0x3F89];
	s0 =	simm.s32 @p0 $0x1  }
0x13: {  	[smem:$0x3FA4] =	sst s0;
	s0 =	simm.s32 @!p1 $0x0  }
0x14: {  	s2 =	sld [smem:$0x3F88];
	s0 =	simm.s32 @p1 $0x1  }
0x15: {  	[smem:$0x3FA5] =	sst s0;
	s0 =	simm.s32 @!p2 $0x0  }
0x16: {  	s3 =	sld [smem:$0x3FDB];
	s0 =	simm.s32 @p2 $0x1  }
0x17: {  	s4 =	simm.s32 $0x1BF5;
	[smem:$0x3FA7] =	sst s0  }
0x18: {  	s0 =	sld [smem:$0x3F8A];
	_ =	swait.ge [sflag:s4], $0x0  }
0x19: {  	s7 =	sld [smem:$0x3F8B]  }
0x1a: {  	s8 =	sadd.s32 $0xFFFFE003, lr  }
0x1b: {  	s9 =	sadd.s32 $0xFFFFFEF7, lr;
	s5 =	simm.s32 $0xFFFFFFFF;
	p2 =	slt.u32 s8, $0xFFFFF086  }
0x1c: {  	p1 =	slt.u32 s9, $0xF7A;
	s5 =	simm.s32 @!p2 $0x0  }
0x1d: {  	s5 =	simm.s32 @p1 $0x1;
	p0 =	seq.s32 s7, s2  }
0x1e: {  	s7 =	smul.u32 @!p0 $0xF7A, s2;
	p2 =	seq.s32 @!p0 s5, $0x0  }
0x1f: {  	s9 =	smul.u32 $0xF7A, s1;
	s8 =	simm.s32 @!p0 $0x1BF5;
	p2 =	por !p2, p0  }
0x20: {  	[sflag:s8] =	ssyncset.s32 @!p0 $0xFFFFF086;
	s6 =	sadd.s32 @!p0 s3, s7;
	s7 =	simm.s32 @!p0 $0x108  }
0x21: {  	s3 =	sadd.s32 s3, s9;
	s6 =	sadd.s32 @!p0 $0x88, s6;
	s7 =	simm.s32 @p2 $0x1082  }
0x22: {  	[simem:s7], [sflag:s8] =	dma.local @!p0 [hbm:s6], $0xF7A  }
0x23: {  	s9 =	sor.u32 $0xD0000000, s2;
	s6 =	simm.s32 $0x108;
	_ =	swait.ge @!p0 [sflag:s8], $0x0  }
0x24: {  	s3 =	sadd.s32 $0x88, s3;
	s6 =	simm.s32 @!p1 $0x1082;
	[sflag:s4] =	ssyncset.s32 $0xFFFFF086  }
0x25: {  	[simem:s6], [sflag:s4] =	dma.local [hbm:s3], $0xF7A  }
0x26: {  	[smem:$0x3F8B] =	sst s1;
	(tag) =	ssettag s2;
	_ =	strace s9  }
0x27: {  	s1 =	sld [smem:$0x3F9B]  }
0x28: {  	s2 =	sld [smem:$0x3F9C]  }
0x29: {  	s4 =	sld [smem:$0x3F9E]  }
0x2a: {  	p0 =	seq.s32 s5, $0x0;
	s5 =	sld [smem:$0x3F9F]  }
0x2b: {  	s6 =	sld [smem:$0x3FA0]  }
0x2c: {  	s7 =	sld [smem:$0x3FA1]  }
0x2d: {  	s3 =	simm.s32 $0x108;
	s8 =	sld [smem:$0x3FA2]  }
0x2e: {  	s3 =	simm.s32 @!p0 $0x1082;
	s9 =	sld [smem:$0x3FA3]  }
0x2f: {  	lr =	sadd.s32 s0, s3;
	s0 =	sld [smem:$0x3F9A]  }
0x30: {  	s3 =	sld [smem:$0x3F9D]  }
0x31: {  	[smem:$0x3FA6] =	sst s10  }
0x32: {  	s10 =	sld [smem:$0x3FA4];
	_ =	sdelay $0x3  }
0x33: {  	p0 =	seq.s32 s10, $0x1;
	s10 =	sld [smem:$0x3FA6];
	_ =	sdelay $0x3  }
0x34: {  	[smem:$0x3FA6] =	sst s10  }
0x35: {  	s10 =	sld [smem:$0x3FA5];
	_ =	sdelay $0x3  }
0x36: {  	p1 =	seq.s32 s10, $0x1;
	s10 =	sld [smem:$0x3FA6];
	_ =	sdelay $0x3  }
0x37: {  	[smem:$0x3FA6] =	sst s10  }
0x38: {  	s10 =	sld [smem:$0x3FA7]  }
0x39: {  	_ = 	snop;
	(pc) =	sbr.ind lr, $3  }
0x3a: {  	_ = 	snop  }
0x3b: {  	_ = 	snop  }
0x3c: {  	p2 =	seq.s32 s10, $0x1;
	s10 =	sld [smem:$0x3FA6]  }
0x3d: {  	_ =	shalt  }
0x3e: {  	_ =	shalt  }
0x3f: {  	_ =	shalt  }
0x40: {  	_ =	shalt  }
0x41: {  	_ =	shalt  }
0x42: {  	_ =	shalt  }
0x43: {  	_ =	shalt  }
0x44: {  	_ =	shalt  }
0x45: {  	_ =	shalt  }
0x46: {  	_ =	shalt  }
0x47: {  	_ =	shalt  }
0x48: {  	_ =	shalt  }
0x49: {  	_ =	shalt  }
0x4a: {  	_ =	shalt  }
0x4b: {  	_ =	shalt  }
0x4c: {  	_ =	shalt  }
0x4d: {  	_ =	shalt  }
0x4e: {  	_ =	shalt  }
0x4f: {  	_ =	shalt  }
0x50: {  	_ =	shalt  }
0x51: {  	_ =	shalt  }
0x52: {  	_ =	shalt  }
0x53: {  	_ =	shalt  }
0x54: {  	_ =	shalt  }
0x55: {  	_ =	shalt  }
0x56: {  	_ =	shalt  }
0x57: {  	_ =	shalt  }
0x58: {  	_ =	shalt  }
0x59: {  	_ =	shalt  }
0x5a: {  	_ =	shalt  }
0x5b: {  	_ =	shalt  }
0x5c: {  	_ =	shalt  }
0x5d: {  	_ =	shalt  }
0x5e: {  	_ =	shalt  }
0x5f: {  	_ =	shalt  }
0x60: {  	_ =	shalt  }
0x61: {  	_ =	shalt  }
0x62: {  	_ =	shalt  }
0x63: {  	_ =	shalt  }
0x64: {  	_ =	shalt  }
0x65: {  	_ =	shalt  }
0x66: {  	_ =	shalt  }
0x67: {  	_ =	shalt  }
0x68: {  	_ =	shalt  }
0x69: {  	_ =	shalt  }
0x6a: {  	_ =	shalt  }
0x6b: {  	_ =	shalt  }
0x6c: {  	_ =	shalt  }
0x6d: {  	_ =	shalt  }
0x6e: {  	_ =	shalt  }
0x6f: {  	_ =	shalt  }
0x70: {  	_ =	shalt  }
0x71: {  	_ =	shalt  }
0x72: {  	_ =	shalt  }
0x73: {  	_ =	shalt  }
0x74: {  	_ =	shalt  }
0x75: {  	_ =	shalt  }
0x76: {  	_ =	shalt  }
0x77: {  	_ =	shalt  }
0x78: {  	_ =	shalt  }
0x79: {  	_ =	shalt  }
0x7a: {  	_ =	shalt  }
0x7b: {  	_ =	shalt  }
0x7c: {  	_ =	shalt  }
0x7d: {  	_ =	shalt  }
0x7e: {  	_ =	shalt  }
0x7f: {  	_ =	shalt  }
0x80: {  	_ =	shalt  }
0x81: {  	_ =	shalt  }
0x82: {  	_ =	shalt  }
0x83: {  	_ =	shalt  }
0x84: {  	_ =	shalt  }
0x85: {  	_ =	shalt  }
0x86: {  	_ =	shalt  }
0x87: {  	_ =	shalt  }
.Lfunc_end0:
.L_simem_size_0:
called_computation.1_lowered:
.L_overlay_start_0:
0x88: {  	s2 =	sld [smem:$0x3FD9]  }
0x89: {  	s3 =	sld [smem:$0x3FFE];
	_ =	sdelay $0x1  }
0x8a: {  	s1 =	srdreg.scid  }
0x8b: {  	s0 =	sand.u32 $0x1, s1  }
0x8c: {  	s17 =	sshll.u32 s0, $0xA;
	s2 =	sadd.s32 s3, s2  }
0x8d: {  	s2 =	sadd.s32 s2, s17  }
0x8e: {  	[smem:$0x3FB2] =	sst s2  }
0x8f: {  	_ = 	snop  }
0x90: {  	(tm) =	ssettm $0x1  }
0x91: {  	s18 =	sld [smem:$0x3FFB];
	_ =	sdelay $0x3  }
0x92: {  	_ =	strace s18  }
0x93: {  	s2 =	sld [smem:$0x3FFC];
	_ =	sdelay $0x3  }
0x94: {  	_ =	strace s2  }
0x95: {  	s2 =	sld [smem:$0x3FFD];
	_ =	sdelay $0x3  }
0x96: {  	_ =	strace s2  }
0x97: {  	_ =	strace $0x8FFFFFFF  }
0x98: {  	s19 =	sld [smem:$0x3FDB];
	_ =	sdelay $0x1  }
0x99: {  	s20 =	simm.s32 $_scs_section_size  }
0x9a: {  	s4 =	simm.s32 $_size__tile_overlayer_lowered;
	s5 =	simm.s32 $_tile_overlayer_lowered  }
0x9b: {  	s6 =	simm.s32 $0x1BFF;
	s21 =	sshll.u32 s5, $0x1;
	s3 =	sadd.s32 s20, s19  }
0x9c: {  	s22 =	simm.s32 $0x0;
	s4 =	sshll.u32 s4, $0x1;
	s5 =	sadd.s32 s21, s3  }
0x9d: {  	[timem:s22], [sflag:s6] =	dma.local [hbm:s5], s4  }
0x9e: {  	_ =	swait.ge [sflag:s6], s4  }
0x9f: {  	s4 =	ssub.s32 $0x0, s4;
	[sflag:s6] =	ssyncset.done $0x0  }
0xa0: {  	[sflag:s6] =	ssyncadd.s32 s4;
	_ =	sdelay $0x1  }
0xa1: {  	s23 =	simm.s32 $0x1B8B  }
0xa2: {  	_ =	swait.ge [sflag:s23], $0x1  }
0xa3: {  	[sflag:s23] =	ssyncset.done $0x0  }
0xa4: {  	[sflag:s23] =	ssyncadd.s32 $0xFFFFFFFF  }
0xa5: {  	s4 =	sld [smem:$0x0]  }
0xa6: {  	s5 =	sand.u32 $0xFFFFFFFE, s1  }
0xa7: {  	p0 =	sne.s32 s1, s5  }
0xa8: {  	s5 =	sshll.u32 @p0 s5, $0xE  }
0xa9: {  	s5 =	sadd.s32 @p0 $0x11B8D, s5;
	s6 =	sshll.u32 @p0 s4, $0x11  }
0xaa: {  	s5 =	sor.u32 @p0 s6, s5  }
0xab: {  	[sflag:s5] =	ssyncadd.remote.s32 @p0 $0x1;
	_ =	sdelay $0x1  }
0xac: {  	s5 =	simm.s32 @p0 $0x1B8D  }
0xad: {  	_ =	swait.eq @p0 [sflag:s5], $0x1  }
0xae: {  	[sflag:s5] =	ssyncadd.s32 @p0 $0xFFFFFFFF  }
0xaf: {  	s6 =	sshll.u32 @!p0 s1, $0xE  }
0xb0: {  	s6 =	sor.u32 @!p0 $0x4000, s6;
	s5 =	simm.s32 @!p0 $0x1B8D  }
0xb1: {  	s4 =	sshll.u32 @!p0 s4, $0x11;
	s6 =	sadd.s32 @!p0 $0x11B8D, s6;
	_ =	swait.eq @!p0 [sflag:s5], $0x1  }
0xb2: {  	s4 =	sor.u32 @!p0 s4, s6;
	[sflag:s5] =	ssyncadd.s32 @!p0 $0xFFFFFFFF  }
0xb3: {  	s25 =	simm.s32 $0x1B8E;
	s24 =	sld [smem:$0x3FFE];
	[sflag:s4] =	ssyncadd.remote.s32 @!p0 $0x1  }
0xb4: {  	s26 =	simm.s32 $execute0_lowered;
	[smem:$0x3FD2] =	sst s25  }
0xb5: {  	s5 =	sshll.u32 s26, $0x1;
	_ =	strace $0x80000052;
	[dreg:$0x1] =	wrdreg $0xFFFFFFFF  }
0xb6: {  	s28 =	simm.s32 $_size_execute0_lowered;
	s3 =	sadd.s32 s3, s5;
	[dreg:$0x0] =	wrdreg $0x0  }
0xb7: {  	s5 =	sshll.u32 s28, $0x1;
	[dreg:$0x2] =	wrdreg s3  }
0xb8: {  	[dreg:$0x3] =	wrdreg s5  }
0xb9: {  	[dreg:$0x4] =	wrdreg $0xC0  }
0xba: {  	_ =	task [dreg:s22], $0x5FFFF  }
0xbb: {  	[dreg:$0x1] =	wrdreg $0xFFFFFFFF  }
0xbc: {  	[dreg:$0x0] =	wrdreg $0x60  }
0xbd: {  	[dreg:$0x2] =	wrdreg s24  }
0xbe: {  	[dreg:$0x3] =	wrdreg $0x8C000  }
0xbf: {  	[dreg:$0x4] =	wrdreg $0x9  }
0xc0: {  	_ =	task.clear_ibuf [dreg:s22], $0x5FFFF;
	_ =	strace $0x90000052  }
0xc1: {  	s29 =	simm.s32 $0x9;
	_ =	strace $0x80000054  }
0xc2: {  	_ =	swait.ge [sflag:s29], $0x1  }
0xc3: {  	[sflag:s29] =	ssyncadd.s32 $0xFFFFFFFF  }
0xc4: {  	_ =	strace $0x90000054  }
0xc5: {  	_ =	sfence  }
0xc6: {  	s30 =	sld [smem:$0x0];
	_ =	sdelay $0x2  }
0xc7: {  	s31 =	sshll.u32 s1, $0xD;
	s1 =	sshrl.u32 s1, $0x2  }
0xc8: {  	s4 =	sand.u32 $0x4000, s31;
	s1 =	sadd.s32 s1, s30  }
0xc9: {  	s0 =	sor.u32 s4, s0;
	s1 =	sshll.u32 s1, $0x11  }
0xca: {  	s0 =	sor.u32 s1, s0  }
0xcb: {  	s0 =	sadd.s32 $0x8F2B, s0  }
0xcc: {  	[sflag:s0] =	ssyncadd.remote.s32 $0x1  }
0xcd: {  	_ =	sfence.sel $0xFFFF  }
0xce: {  	[dreg:$0x0] =	wrdreg $0xFFFFFFFF;
	(pc) =	sbr.abs _section_cstart, $3  }
0xcf: {  	[dreg:$0x1] =	wrdreg $0xFFFFFFFF  }
0xd0: {  	_ =	task.clear_ibuf [dreg:s22], $0x2FFFF;
	_ =	strace $0x9FFFFFFF  }
0xd1: {  	(tm) =	ssettm $0x7FFFFFFF  }
tec
execute0_lowered:
.L_overlay_start_1:
0x0: {  	(tag) =	ssettag $0x1  }
0x1: {  	s1 =	srdreg.scid;
	s5 =	rddreg [dreg:$0x0]  }
0x2: {  	s0 =	stileid.u32;
	s2 =	rddreg [dreg:$0x1];
	s3 =	simm.s32 $0x0  }
0x3: {  	s15 =	simm.s32 $0xC00;
	s16 =	simm.s32 $0x4C00;
	s17 =	simm.s32 $0x1  }
0x4: {  	s18 =	simm.s32 $0x80;
	s19 =	simm.s32 $0x3;
	s20 =	simm.s32 $0x900  }
0x5: {  	s21 =	simm.s32 $0x980;
	s22 =	simm.s32 $0x0;
	s8 =	smul.u32 $0x14000, s0  }
0x6: {  	s4 =	sand.u32 $0x1, s1;
	s1 =	rddreg [dreg:$0x2];
	s10 =	smul.u32 $0x50000, s0  }
0x7: {  	s25 =	sshll.u32 s0, $0x1;
	[smem:$0x7FF] =	sst s3;
	s13 =	smul.u32 $0x28, s0  }
0x8: {  	s11 =	sadd.s32 $0xA24000, s5;
	s29 =	sshll.u32 s0, $0x6;
	s9 =	smul.u32 $0x140000, s4  }
0x9: {  	s6 =	sor.u32 s4, s25;
	s26 =	ssub.s32 $0x2, s4;
	s28 =	smul.u32 $0x14, s4  }
0xa: {  	_ =	strace $0x80000053;
	s7 =	smul.u32 $0x180, s6;
	s12 =	sshrl.u32 s26, $0x1  }
0xb: {  	s10 =	sshrl.u32 s10, $0x2;
	s30 =	smul.u32 $0xA000, s6;
	s9 =	sadd.s32 s8, s9  }
0xc: {  	s8 =	sshrl.u32 s8, $0x3;
	s12 =	ssub.s32 s26, s12;
	s14 =	sadd.s32 s10, s2  }
0xd: {  	s10 =	sadd.s32 s28, s13;
	s7 =	sadd.s32 s7, s5;
	s9 =	sshrl.u32 s9, $0x3  }
0xe: {  	s8 =	sadd.s32 s8, s5;
	s13 =	sshll.u32 s10, $0xB;
	s9 =	sadd.s32 s9, s5  }
0xf: {  	s4 =	sadd.s32 $0xF09000, s8;
	s5 =	sor.u32 $0x1C02, s29;
	s6 =	sadd.s32 $0xF06000, s7  }
0x10: {  	s7 =	sadd.s32 s11, s30;
	s31 =	sadd.s32 s13, s11;
	s13 =	sshrl.u32 s14, $0x3  }
0x11: {  	s14 =	simm.s32 $0x2;
	s8 =	sadd.s32 $0xF31000, s9;
	s9 =	smax.u32 s12, $0x1  }
0x12: {  	s10 =	sadd.s32 $0x9800, s7;
	s11 =	sadd.s32 $0x1000, s31;
	s12 =	sadd.s32 $0x800, s31  }
.LBB2_1:
0x13: {  	[spmem:s13], [sflag:s5] =	dma.local [hbm:s4], $0x2800  }
0x14: {  	_ =	swait.ge [sflag:s14], $0x2800  }
0x15: {  	[sflag:s14] =	ssyncset.done $0x0  }
0x16: {  	[sflag:s14] =	ssyncadd.s32 $0xFFFFD800  }
0x17: {  	[bflag:$0x0] =	sbarrier.arrive $0xFFFF  }
0x18: {  	[tilespmem:s3], [sflag:$0x2] =	stream.linear.gather [hbm4b:s6+s3], $0xA00, $0x38;
	[tilespmem:$0x1CC00] =	vst v63  }
0x19: {  	_ =	swait.ge [sflag:s14], $0xA00  }
0x1a: {  	[sflag:s14] =	ssyncset.done $0x0  }
0x1b: {  	[sflag:s14] =	ssyncadd.s32 $0xFFFFF600  }
0x1c: {  	[tilespmem:s15], [sflag:$0x1] =	stream.linear.gather [hbm4b:s7+s3], $0x4000, $0x38;
	[tilespmem:$0x1CC00] =	vst v63  }
0x1d: {  	s23 =	sadd.s32 $0x0, s12  }
0x1e: {  	[tilespmem:s16], [sflag:$0x1] =	stream.linear.gather [hbm4b:s23+s3], $0x4000, $0x38;
	[tilespmem:$0x1CC00] =	vst v63  }
0x1f: {  	_ =	swait.ge [sflag:s17], $0x4000  }
0x20: {  	[sflag:s17] =	ssyncset.done $0x0  }
0x21: {  	s30 =	simm.s32 $0x0;
	[sflag:s17] =	ssyncadd.s32 $0xFFFFC000  }
0x22: {  	[spmem:s2] =	stream.indirect.scatter.add.f32 [tilespmem:s15], [sflag:$0x3], $0x80, s30, s18, $0xb8;
	[tilespmem:$0x1CC00] =	vst v63  }
0x23: {  	_ =	swait.ge [sflag:s19], $0x4000  }
0x24: {  	[sflag:s19] =	ssyncset.done $0x0  }
0x25: {  	s31 =	sadd.s32 $0x0, s11;
	[sflag:s19] =	ssyncadd.s32 $0xFFFFC000  }
0x26: {  	[tilespmem:s15], [sflag:$0x1] =	stream.linear.gather [hbm4b:s31+s3], $0x4000, $0x38;
	[tilespmem:$0x1CC00] =	vst v63  }
0x27: {  	_ =	swait.ge [sflag:s17], $0x4000  }
0x28: {  	[sflag:s17] =	ssyncset.done $0x0  }
0x29: {  	[sflag:s17] =	ssyncadd.s32 $0xFFFFC000  }
0x2a: {  	[spmem:s2] =	stream.indirect.scatter.add.f32 [tilespmem:s16], [sflag:$0x2], $0x80, s18, s18, $0xb8;
	[tilespmem:$0x1CC00] =	vst v63  }
0x2b: {  	s24 =	simm.s32 $0x1000;
	_ =	swait.ge [sflag:s14], $0x4000  }
0x2c: {  	s25 =	simm.s32 $0x2000;
	s23 =	simm.s32 $0x180;
	[sflag:s14] =	ssyncset.done $0x0  }
.LBB2_2:
0x2d: {  	s26 =	sadd.s32 s24, s12  }
0x2e: {  	[sflag:s14] =	ssyncadd.s32 $0xFFFFC000;
	s28 =	smov.u32 s25;
	s29 =	sadd.s32 $0x1000, s25  }
0x2f: {  	[tilespmem:s16], [sflag:$0x1] =	stream.linear.gather [hbm4b:s26+s3], $0x4000, $0x38;
	[tilespmem:$0x1CC00] =	vst v63  }
0x30: {  	p0 =	sne.s32 s25, $0x8000;
	_ =	swait.ge [sflag:s17], $0x4000  }
0x31: {  	[sflag:s17] =	ssyncset.done $0x0  }
0x32: {  	s25 =	sadd.s32 $0xFFFFFF80, s23;
	[sflag:s17] =	ssyncadd.s32 $0xFFFFC000  }
0x33: {  	[spmem:s2] =	stream.indirect.scatter.add.f32 [tilespmem:s15], [sflag:$0x3], $0x80, s25, s18, $0xb8;
	[tilespmem:$0x1CC00] =	vst v63  }
0x34: {  	_ =	swait.ge [sflag:s19], $0x4000  }
0x35: {  	[sflag:s19] =	ssyncset.done $0x0  }
0x36: {  	s25 =	sadd.s32 s24, s11;
	s24 =	smov.u32 s28;
	[sflag:s19] =	ssyncadd.s32 $0xFFFFC000  }
0x37: {  	[tilespmem:s15], [sflag:$0x1] =	stream.linear.gather [hbm4b:s25+s3], $0x4000, $0x38;
	[tilespmem:$0x1CC00] =	vst v63  }
0x38: {  	_ =	swait.ge [sflag:s17], $0x4000  }
.Ltmp0:
0x39: {  	[sflag:s17] =	ssyncset.done $0x0;
	(pc) =	sbr.rel @p0 .LBB2_2-.Ltmp0, $4  }
0x3a: {  	[sflag:s17] =	ssyncadd.s32 $0xFFFFC000  }
0x3b: {  	[spmem:s2] =	stream.indirect.scatter.add.f32 [tilespmem:s16], [sflag:$0x2], $0x80, s23, s18, $0xb8;
	[tilespmem:$0x1CC00] =	vst v63  }
0x3c: {  	_ =	swait.ge [sflag:s14], $0x4000  }
0x3d: {  	s25 =	smov.u32 s29;
	s23 =	sadd.s32 $0x100, s23;
	[sflag:s14] =	ssyncset.done $0x0  }
0x3e: {  	s25 =	sadd.s32 s24, s12;
	[sflag:s14] =	ssyncadd.s32 $0xFFFFC000  }
0x3f: {  	[tilespmem:s16], [sflag:$0x1] =	stream.linear.gather [hbm4b:s25+s3], $0x4000, $0x38;
	[tilespmem:$0x1CC00] =	vst v63  }
0x40: {  	_ =	swait.ge [sflag:s17], $0x4000  }
0x41: {  	[sflag:s17] =	ssyncset.done $0x0  }
0x42: {  	s30 =	sadd.s32 $0xFFFFFF80, s23;
	[sflag:s17] =	ssyncadd.s32 $0xFFFFC000  }
0x43: {  	[spmem:s2] =	stream.indirect.scatter.add.f32 [tilespmem:s15], [sflag:$0x3], $0x80, s30, s18, $0xb8;
	[tilespmem:$0x1CC00] =	vst v63  }
0x44: {  	_ =	swait.ge [sflag:s19], $0x4000  }
0x45: {  	[sflag:s19] =	ssyncset.done $0x0  }
0x46: {  	s31 =	sadd.s32 s24, s11;
	[sflag:s19] =	ssyncadd.s32 $0xFFFFC000  }
0x47: {  	[tilespmem:s15], [sflag:$0x1] =	stream.linear.gather [hbm4b:s31+s3], $0x4000, $0x38;
	[tilespmem:$0x1CC00] =	vst v63  }
0x48: {  	_ =	swait.ge [sflag:s17], $0x4000  }
0x49: {  	[sflag:s17] =	ssyncset.done $0x0  }
0x4a: {  	[sflag:s17] =	ssyncadd.s32 $0xFFFFC000  }
0x4b: {  	[spmem:s2] =	stream.indirect.scatter.add.f32 [tilespmem:s16], [sflag:$0x2], $0x80, s23, s18, $0xb8;
	[tilespmem:$0x1CC00] =	vst v63  }
0x4c: {  	_ =	swait.ge [sflag:s14], $0x4000  }
0x4d: {  	[sflag:s14] =	ssyncset.done $0x0  }
0x4e: {  	[sflag:s14] =	ssyncadd.s32 $0xFFFFC000  }
0x4f: {  	[tilespmem:s16], [sflag:$0x1] =	stream.linear.gather [hbm4b:s10+s3], $0x4000, $0x38;
	[tilespmem:$0x1CC00] =	vst v63  }
0x50: {  	_ =	swait.ge [sflag:s17], $0x4000  }
0x51: {  	[sflag:s17] =	ssyncset.done $0x0  }
0x52: {  	[sflag:s17] =	ssyncadd.s32 $0xFFFFC000  }
0x53: {  	[spmem:s2] =	stream.indirect.scatter.add.f32 [tilespmem:s15], [sflag:$0x3], $0x80, s20, s18, $0xb8;
	[tilespmem:$0x1CC00] =	vst v63  }
0x54: {  	_ =	swait.ge [sflag:s19], $0x4000  }
0x55: {  	[sflag:s19] =	ssyncset.done $0x0  }
0x56: {  	[sflag:s19] =	ssyncadd.s32 $0xFFFFC000  }
0x57: {  	_ =	swait.ge [sflag:s17], $0x4000  }
0x58: {  	[sflag:s17] =	ssyncset.done $0x0  }
0x59: {  	[sflag:s17] =	ssyncadd.s32 $0xFFFFC000  }
0x5a: {  	[spmem:s2] =	stream.indirect.scatter.add.f32 [tilespmem:s16], [sflag:$0x2], $0x80, s21, s18, $0xb8;
	[tilespmem:$0x1CC00] =	vst v63  }
0x5b: {  	_ =	swait.ge [sflag:s14], $0x4000  }
0x5c: {  	s22 =	sadd.s32 $0x1, s22;
	[sflag:s14] =	ssyncset.done $0x0  }
0x5d: {  	p0 =	sne.s32 s22, s9;
	[sflag:s14] =	ssyncadd.s32 $0xFFFFC000  }
.Ltmp1:
0x5e: {  	[bflag:$0x0] =	sbarrier.arrive $0xFFFF;
	(pc) =	sbr.rel @p0 .LBB2_1-.Ltmp1, $4  }
0x5f: {  	[hbm:s8], [sflag:s5] =	dma.local [spmem:s13], $0x2800  }
0x60: {  	_ =	swait.ge [sflag:s14], $0x2800  }
0x61: {  	[sflag:s14] =	ssyncset.done $0x0  }
0x62: {  	[sflag:s14] =	ssyncadd.s32 $0xFFFFD800  }
0x63: {  	_ =	sfence.sel $0x180000  }
0x64: {  	[bflag:$0x0] =	sbarrier.arrive $0xFFFF  }
0x65: {  	p0 =	sne.s32 s0, $0x0;
	_ =	strace $0x90000053  }
0x66: {  	s0 =	sadd.s32 @!p0 $0x100000, s1;
	[bflag:$0x2] =	sbarrier.arrive $0xFFFF  }
0x67: {  	[sflag:s0] =	ssyncadd.tile.s32 @!p0 $0x1;
	_ =	shalt  }
.Lfunc_end2:
_tile_overlayer_lowered:
.L_overlay_start_2:
0x68: {  	(tag) =	ssettag $0x2  }
0x69: {  	s0 =	rddreg [dreg:$0x0];
	s2 =	stileid.u32  }
0x6a: {  	s1 =	rddreg [dreg:$0x1];
	p0 =	sne.s32 s2, $0x0  }
0x6b: {  	s3 =	rddreg [dreg:$0x2];
	[bflag:$0x3] =	sbarrier.arrive $0xFFFF;
	s2 =	simm.s32 @!p0 $0x1C02  }
0x6c: {  	[timem:s3], [sflag:s2] =	dma.local @!p0 [hbm:s0], s1  }
0x6d: {  	s0 =	simm.s32 @!p0 $0x2  }
0x6e: {  	_ =	swait.ge @!p0 [sflag:s0], s1  }
0x6f: {  	s1 =	ssub.s32 @!p0 $0x0, s1;
	[sflag:s0] =	ssyncset.done @!p0 $0x0  }
0x70: {  	[sflag:s0] =	ssyncadd.s32 @!p0 s1  }
0x71: {  	[bflag:$0x3] =	sbarrier.arrive $0xFFFF  }
0x72: {  	_ =	shalt  }

// kernel: kernel.21.cloned.1.call-start
scs
__scs_entry_jumppad:
0x0: {  	(pc) =	sbr.rel $0x88, $3  }
0x1: {  	(tag) =	ssettag $0x0;
	lr =	simm.s32 $0x1  }
0x2: {  	[smem:$0x3F8B] =	sst lr;
	_ =	strace $0xD0000000  }
0x3: {  	_ = 	snop  }
0x4: {  	_ = 	snop  }
0x5: {  	_ = 	snop  }
0x6: {  	_ = 	snop  }
0x7: {  	_ = 	snop  }
__scs_overlays_trampoline_lowered:
0x8: {  	[smem:$0x3F9A] =	sst s0  }
0x9: {  	[smem:$0x3F9B] =	sst s1  }
0xa: {  	[smem:$0x3F9C] =	sst s2  }
0xb: {  	[smem:$0x3F9D] =	sst s3  }
0xc: {  	[smem:$0x3F9E] =	sst s4  }
0xd: {  	[smem:$0x3F9F] =	sst s5  }
0xe: {  	[smem:$0x3FA0] =	sst s6  }
0xf: {  	[smem:$0x3FA1] =	sst s7  }
0x10: {  	[smem:$0x3FA2] =	sst s8  }
0x11: {  	[smem:$0x3FA3] =	sst s9;
	s0 =	simm.s32 @!p0 $0x0  }
0x12: {  	s1 =	sld [smem:$0x3F89];
	s0 =	simm.s32 @p0 $0x1  }
0x13: {  	[smem:$0x3FA4] =	sst s0;
	s0 =	simm.s32 @!p1 $0x0  }
0x14: {  	s2 =	sld [smem:$0x3F88];
	s0 =	simm.s32 @p1 $0x1  }
0x15: {  	[smem:$0x3FA5] =	sst s0;
	s0 =	simm.s32 @!p2 $0x0  }
0x16: {  	s3 =	sld [smem:$0x3FDB];
	s0 =	simm.s32 @p2 $0x1  }
0x17: {  	s4 =	simm.s32 $0x1BF5;
	[smem:$0x3FA7] =	sst s0  }
0x18: {  	s0 =	sld [smem:$0x3F8A];
	_ =	swait.ge [sflag:s4], $0x0  }
0x19: {  	s7 =	sld [smem:$0x3F8B]  }
0x1a: {  	s8 =	sadd.s32 $0xFFFFE003, lr  }
0x1b: {  	s9 =	sadd.s32 $0xFFFFFEF7, lr;
	s5 =	simm.s32 $0xFFFFFFFF;
	p2 =	slt.u32 s8, $0xFFFFF086  }
0x1c: {  	p1 =	slt.u32 s9, $0xF7A;
	s5 =	simm.s32 @!p2 $0x0  }
0x1d: {  	s5 =	simm.s32 @p1 $0x1;
	p0 =	seq.s32 s7, s2  }
0x1e: {  	s7 =	smul.u32 @!p0 $0xF7A, s2;
	p2 =	seq.s32 @!p0 s5, $0x0  }
0x1f: {  	s9 =	smul.u32 $0xF7A, s1;
	s8 =	simm.s32 @!p0 $0x1BF5;
	p2 =	por !p2, p0  }
0x20: {  	[sflag:s8] =	ssyncset.s32 @!p0 $0xFFFFF086;
	s6 =	sadd.s32 @!p0 s3, s7;
	s7 =	simm.s32 @!p0 $0x108  }
0x21: {  	s3 =	sadd.s32 s3, s9;
	s6 =	sadd.s32 @!p0 $0x88, s6;
	s7 =	simm.s32 @p2 $0x1082  }
0x22: {  	[simem:s7], [sflag:s8] =	dma.local @!p0 [hbm:s6], $0xF7A  }
0x23: {  	s9 =	sor.u32 $0xD0000000, s2;
	s6 =	simm.s32 $0x108;
	_ =	swait.ge @!p0 [sflag:s8], $0x0  }
0x24: {  	s3 =	sadd.s32 $0x88, s3;
	s6 =	simm.s32 @!p1 $0x1082;
	[sflag:s4] =	ssyncset.s32 $0xFFFFF086  }
0x25: {  	[simem:s6], [sflag:s4] =	dma.local [hbm:s3], $0xF7A  }
0x26: {  	[smem:$0x3F8B] =	sst s1;
	(tag) =	ssettag s2;
	_ =	strace s9  }
0x27: {  	s1 =	sld [smem:$0x3F9B]  }
0x28: {  	s2 =	sld [smem:$0x3F9C]  }
0x29: {  	s4 =	sld [smem:$0x3F9E]  }
0x2a: {  	p0 =	seq.s32 s5, $0x0;
	s5 =	sld [smem:$0x3F9F]  }
0x2b: {  	s6 =	sld [smem:$0x3FA0]  }
0x2c: {  	s7 =	sld [smem:$0x3FA1]  }
0x2d: {  	s3 =	simm.s32 $0x108;
	s8 =	sld [smem:$0x3FA2]  }
0x2e: {  	s3 =	simm.s32 @!p0 $0x1082;
	s9 =	sld [smem:$0x3FA3]  }
0x2f: {  	lr =	sadd.s32 s0, s3;
	s0 =	sld [smem:$0x3F9A]  }
0x30: {  	s3 =	sld [smem:$0x3F9D]  }
0x31: {  	[smem:$0x3FA6] =	sst s10  }
0x32: {  	s10 =	sld [smem:$0x3FA4];
	_ =	sdelay $0x3  }
0x33: {  	p0 =	seq.s32 s10, $0x1;
	s10 =	sld [smem:$0x3FA6];
	_ =	sdelay $0x3  }
0x34: {  	[smem:$0x3FA6] =	sst s10  }
0x35: {  	s10 =	sld [smem:$0x3FA5];
	_ =	sdelay $0x3  }
0x36: {  	p1 =	seq.s32 s10, $0x1;
	s10 =	sld [smem:$0x3FA6];
	_ =	sdelay $0x3  }
0x37: {  	[smem:$0x3FA6] =	sst s10  }
0x38: {  	s10 =	sld [smem:$0x3FA7]  }
0x39: {  	_ = 	snop;
	(pc) =	sbr.ind lr, $3  }
0x3a: {  	_ = 	snop  }
0x3b: {  	_ = 	snop  }
0x3c: {  	p2 =	seq.s32 s10, $0x1;
	s10 =	sld [smem:$0x3FA6]  }
0x3d: {  	_ =	shalt  }
0x3e: {  	_ =	shalt  }
0x3f: {  	_ =	shalt  }
0x40: {  	_ =	shalt  }
0x41: {  	_ =	shalt  }
0x42: {  	_ =	shalt  }
0x43: {  	_ =	shalt  }
0x44: {  	_ =	shalt  }
0x45: {  	_ =	shalt  }
0x46: {  	_ =	shalt  }
0x47: {  	_ =	shalt  }
0x48: {  	_ =	shalt  }
0x49: {  	_ =	shalt  }
0x4a: {  	_ =	shalt  }
0x4b: {  	_ =	shalt  }
0x4c: {  	_ =	shalt  }
0x4d: {  	_ =	shalt  }
0x4e: {  	_ =	shalt  }
0x4f: {  	_ =	shalt  }
0x50: {  	_ =	shalt  }
0x51: {  	_ =	shalt  }
0x52: {  	_ =	shalt  }
0x53: {  	_ =	shalt  }
0x54: {  	_ =	shalt  }
0x55: {  	_ =	shalt  }
0x56: {  	_ =	shalt  }
0x57: {  	_ =	shalt  }
0x58: {  	_ =	shalt  }
0x59: {  	_ =	shalt  }
0x5a: {  	_ =	shalt  }
0x5b: {  	_ =	shalt  }
0x5c: {  	_ =	shalt  }
0x5d: {  	_ =	shalt  }
0x5e: {  	_ =	shalt  }
0x5f: {  	_ =	shalt  }
0x60: {  	_ =	shalt  }
0x61: {  	_ =	shalt  }
0x62: {  	_ =	shalt  }
0x63: {  	_ =	shalt  }
0x64: {  	_ =	shalt  }
0x65: {  	_ =	shalt  }
0x66: {  	_ =	shalt  }
0x67: {  	_ =	shalt  }
0x68: {  	_ =	shalt  }
0x69: {  	_ =	shalt  }
0x6a: {  	_ =	shalt  }
0x6b: {  	_ =	shalt  }
0x6c: {  	_ =	shalt  }
0x6d: {  	_ =	shalt  }
0x6e: {  	_ =	shalt  }
0x6f: {  	_ =	shalt  }
0x70: {  	_ =	shalt  }
0x71: {  	_ =	shalt  }
0x72: {  	_ =	shalt  }
0x73: {  	_ =	shalt  }
0x74: {  	_ =	shalt  }
0x75: {  	_ =	shalt  }
0x76: {  	_ =	shalt  }
0x77: {  	_ =	shalt  }
0x78: {  	_ =	shalt  }
0x79: {  	_ =	shalt  }
0x7a: {  	_ =	shalt  }
0x7b: {  	_ =	shalt  }
0x7c: {  	_ =	shalt  }
0x7d: {  	_ =	shalt  }
0x7e: {  	_ =	shalt  }
0x7f: {  	_ =	shalt  }
0x80: {  	_ =	shalt  }
0x81: {  	_ =	shalt  }
0x82: {  	_ =	shalt  }
0x83: {  	_ =	shalt  }
0x84: {  	_ =	shalt  }
0x85: {  	_ =	shalt  }
0x86: {  	_ =	shalt  }
0x87: {  	_ =	shalt  }
.Lfunc_end0:
.L_simem_size_0:
called_computation.2_lowered:
.L_overlay_start_0:
0x88: {  	s2 =	sld [smem:$0x3FD9]  }
0x89: {  	s3 =	sld [smem:$0x3FFE];
	_ =	sdelay $0x1  }
0x8a: {  	s1 =	srdreg.scid  }
0x8b: {  	s0 =	sand.u32 $0x1, s1  }
0x8c: {  	s17 =	sshll.u32 s0, $0xA;
	s2 =	sadd.s32 s3, s2  }
0x8d: {  	s2 =	sadd.s32 s2, s17  }
0x8e: {  	[smem:$0x3FB2] =	sst s2  }
0x8f: {  	_ = 	snop  }
0x90: {  	s18 =	sld [smem:$0x3FC9];
	(tm) =	ssettm $0x1  }
0x91: {  	s19 =	sld [smem:$0x3FFB];
	_ =	sdelay $0x3  }
0x92: {  	_ =	strace s19  }
0x93: {  	s2 =	sld [smem:$0x3FFC];
	_ =	sdelay $0x3  }
0x94: {  	_ =	strace s2  }
0x95: {  	s2 =	sld [smem:$0x3FFD];
	_ =	sdelay $0x3  }
0x96: {  	_ =	strace s2  }
0x97: {  	_ =	strace $0x8FFFFFFF  }
0x98: {  	s20 =	sld [smem:$0x3FDB];
	_ =	sdelay $0x1  }
0x99: {  	s4 =	simm.s32 $_scs_section_size  }
0x9a: {  	s5 =	simm.s32 $_size__tile_overlayer_lowered;
	s6 =	simm.s32 $_tile_overlayer_lowered  }
0x9b: {  	s7 =	simm.s32 $0x1BFF;
	s21 =	sshll.u32 s6, $0x1;
	s4 =	sadd.s32 s4, s20  }
0x9c: {  	s22 =	simm.s32 $0x0;
	s5 =	sshll.u32 s5, $0x1;
	s6 =	sadd.s32 s21, s4  }
0x9d: {  	[timem:s22], [sflag:s7] =	dma.local [hbm:s6], s5  }
0x9e: {  	_ =	swait.ge [sflag:s7], s5  }
0x9f: {  	s5 =	ssub.s32 $0x0, s5;
	[sflag:s7] =	ssyncset.done $0x0  }
0xa0: {  	[sflag:s7] =	ssyncadd.s32 s5;
	_ =	sdelay $0x1  }
0xa1: {  	s23 =	simm.s32 $0x1B8B  }
0xa2: {  	_ =	swait.ge [sflag:s23], $0x1  }
0xa3: {  	[sflag:s23] =	ssyncset.done $0x0  }
0xa4: {  	[sflag:s23] =	ssyncadd.s32 $0xFFFFFFFF  }
0xa5: {  	s5 =	sld [smem:$0x0]  }
0xa6: {  	s6 =	sand.u32 $0xFFFFFFFE, s1  }
0xa7: {  	p0 =	sne.s32 s1, s6  }
0xa8: {  	s6 =	sshll.u32 @p0 s6, $0xE  }
0xa9: {  	s6 =	sadd.s32 @p0 $0x11B8D, s6;
	s7 =	sshll.u32 @p0 s5, $0x11  }
0xaa: {  	s6 =	sor.u32 @p0 s7, s6  }
0xab: {  	[sflag:s6] =	ssyncadd.remote.s32 @p0 $0x1;
	_ =	sdelay $0x1  }
0xac: {  	s6 =	simm.s32 @p0 $0x1B8D  }
0xad: {  	_ =	swait.eq @p0 [sflag:s6], $0x1  }
0xae: {  	[sflag:s6] =	ssyncadd.s32 @p0 $0xFFFFFFFF  }
0xaf: {  	s7 =	sshll.u32 @!p0 s1, $0xE  }
0xb0: {  	s7 =	sor.u32 @!p0 $0x4000, s7;
	s6 =	simm.s32 @!p0 $0x1B8D  }
0xb1: {  	s5 =	sshll.u32 @!p0 s5, $0x11;
	s7 =	sadd.s32 @!p0 $0x11B8D, s7;
	_ =	swait.eq @!p0 [sflag:s6], $0x1  }
0xb2: {  	s5 =	sor.u32 @!p0 s5, s7;
	[sflag:s6] =	ssyncadd.s32 @!p0 $0xFFFFFFFF  }
0xb3: {  	s25 =	simm.s32 $0x1B8E;
	s24 =	sld [smem:$0x3FFE];
	[sflag:s5] =	ssyncadd.remote.s32 @!p0 $0x1  }
0xb4: {  	s26 =	simm.s32 $execute0_lowered;
	[smem:$0x3FD2] =	sst s25  }
0xb5: {  	s6 =	sshll.u32 s26, $0x1;
	_ =	strace $0x80000049;
	[dreg:$0x1] =	wrdreg $0xFFFFFFFF  }
0xb6: {  	s28 =	simm.s32 $_size_execute0_lowered;
	s4 =	sadd.s32 s4, s6;
	[dreg:$0x0] =	wrdreg $0x0  }
0xb7: {  	s6 =	sshll.u32 s28, $0x1;
	[dreg:$0x2] =	wrdreg s4  }
0xb8: {  	[dreg:$0x3] =	wrdreg s6  }
0xb9: {  	[dreg:$0x4] =	wrdreg $0xC0  }
0xba: {  	_ =	task [dreg:s22], $0x5FFFF  }
0xbb: {  	[dreg:$0x1] =	wrdreg $0xFFFFFFFF  }
0xbc: {  	[dreg:$0x0] =	wrdreg $0x60  }
0xbd: {  	[dreg:$0x2] =	wrdreg s18  }
0xbe: {  	[dreg:$0x3] =	wrdreg s24  }
0xbf: {  	[dreg:$0x4] =	wrdreg $0xB  }
0xc0: {  	_ =	task.clear_ibuf [dreg:s22], $0x5FFFF;
	_ =	strace $0x90000049  }
0xc1: {  	s29 =	simm.s32 $0xB;
	_ =	strace $0x8000004B  }
0xc2: {  	_ =	swait.ge [sflag:s29], $0x1  }
0xc3: {  	[sflag:s29] =	ssyncadd.s32 $0xFFFFFFFF  }
0xc4: {  	_ =	strace $0x9000004B  }
0xc5: {  	_ =	sfence  }
0xc6: {  	s30 =	sld [smem:$0x0];
	_ =	sdelay $0x2  }
0xc7: {  	s31 =	sshll.u32 s1, $0xD;
	s1 =	sshrl.u32 s1, $0x2  }
0xc8: {  	s4 =	sand.u32 $0x4000, s31;
	s1 =	sadd.s32 s1, s30  }
0xc9: {  	s0 =	sor.u32 s4, s0;
	s1 =	sshll.u32 s1, $0x11  }
0xca: {  	s0 =	sor.u32 s1, s0  }
0xcb: {  	s0 =	sadd.s32 $0x8F2B, s0  }
0xcc: {  	[sflag:s0] =	ssyncadd.remote.s32 $0x1  }
0xcd: {  	_ =	sfence.sel $0xFFFF  }
0xce: {  	[dreg:$0x0] =	wrdreg $0xFFFFFFFF;
	(pc) =	sbr.abs _section_cstart, $3  }
0xcf: {  	[dreg:$0x1] =	wrdreg $0xFFFFFFFF  }
0xd0: {  	_ =	task.clear_ibuf [dreg:s22], $0x2FFFF;
	_ =	strace $0x9FFFFFFF  }
0xd1: {  	(tm) =	ssettm $0x7FFFFFFF  }
tec
execute0_lowered:
.L_overlay_start_1:
0x0: {  	(tag) =	ssettag $0x1  }
0x1: {  	s1 =	srdreg.scid;
	s2 =	rddreg [dreg:$0x0]  }
0x2: {  	s0 =	stileid.u32;
	s5 =	rddreg [dreg:$0x1]  }
0x3: {  	s3 =	simm.s32 $0x0;
	s11 =	simm.s32 $0x80;
	s12 =	simm.s32 $0x1800  }
0x4: {  	s13 =	simm.s32 $0x9800;
	s14 =	simm.s32 $0x5800;
	s15 =	simm.s32 $0xD800  }
0x5: {  	s16 =	simm.s32 $0x1;
	s17 =	simm.s32 $0x0;
	s4 =	sand.u32 $0x1, s1  }
0x6: {  	s30 =	sshll.u32 s0, $0x1;
	s1 =	rddreg [dreg:$0x2];
	s7 =	smul.u32 $0x14000, s0  }
0x7: {  	s6 =	sor.u32 s4, s30;
	s8 =	ssub.s32 $0x2, s4;
	s10 =	smul.u32 $0xA000, s4  }
0x8: {  	[smem:$0x7FF] =	sst s3;
	s6 =	smul.u32 $0x180, s6;
	s9 =	sshrl.u32 s8, $0x1  }
0x9: {  	_ =	strace $0x8000004A;
	s7 =	sadd.s32 s7, s5;
	s8 =	ssub.s32 s8, s9  }
0xa: {  	s31 =	sadd.s32 s10, s7;
	s9 =	simm.s32 $0x2;
	s6 =	sadd.s32 s6, s5  }
0xb: {  	s10 =	simm.s32 $0xC00;
	s7 =	sadd.s32 $0x293000, s31;
	s4 =	sadd.s32 $0x28D000, s6  }
0xc: {  	s5 =	sadd.s32 $0x290000, s6;
	s6 =	smax.u32 s8, $0x1;
	s8 =	sadd.s32 $0x3D3000, s31  }
.LBB2_1:
0xd: {  	[tilespmem:s3], [sflag:$0x2] =	stream.linear.gather [hbm4b:s4+s3], $0xA00, $0x38;
	[tilespmem:$0x11800] =	vst v63  }
0xe: {  	_ =	swait.ge [sflag:s9], $0xA00  }
0xf: {  	[sflag:s9] =	ssyncset.done $0x0  }
0x10: {  	[sflag:s9] =	ssyncadd.s32 $0xFFFFF600  }
0x11: {  	[tilespmem:s10], [sflag:$0x2] =	stream.linear.gather [hbm4b:s5+s3], $0xA00, $0x38;
	[tilespmem:$0x11800] =	vst v63  }
0x12: {  	_ =	swait.ge [sflag:s9], $0xA00  }
0x13: {  	[sflag:s9] =	ssyncset.done $0x0  }
0x14: {  	s18 =	simm.s32 $0xC00;
	[sflag:s9] =	ssyncadd.s32 $0xFFFFF600  }
0x15: {  	[tilespmem:s12], [sflag:$0x1] =	stream.indirect.gather [hbm4b:s2+s11], $0x80, s18, s11, $0xb8;
	[tilespmem:$0x11800] =	vst v63  }
0x16: {  	s28 =	simm.s32 $0x0  }
0x17: {  	[tilespmem:s13], [sflag:$0x1] =	stream.indirect.gather [hbm4b:s2+s11], $0x80, s28, s11, $0xb8;
	[tilespmem:$0x11800] =	vst v63  }
0x18: {  	s29 =	simm.s32 $0xC80  }
0x19: {  	[tilespmem:s14], [sflag:$0x1] =	stream.indirect.gather [hbm4b:s2+s11], $0x80, s29, s11, $0xb8;
	[tilespmem:$0x11800] =	vst v63  }
0x1a: {  	_ = 	snop  }
0x1b: {  	[tilespmem:s15], [sflag:$0x1] =	stream.indirect.gather [hbm4b:s2+s11], $0x80, s11, s11, $0xb8;
	[tilespmem:$0x11800] =	vst v63  }
0x1c: {  	_ =	swait.ge [sflag:s16], $0x4000  }
0x1d: {  	[sflag:s16] =	ssyncset.done $0x0  }
0x1e: {  	[sflag:s16] =	ssyncadd.s32 $0xFFFFC000  }
0x1f: {  	_ =	swait.ge [sflag:s16], $0x4000  }
0x20: {  	[sflag:s16] =	ssyncset.done $0x0  }
0x21: {  	[sflag:s16] =	ssyncadd.s32 $0xFFFFC000  }
0x22: {  	_ =	swait.ge [sflag:s16], $0x4000  }
0x23: {  	[sflag:s16] =	ssyncset.done $0x0  }
0x24: {  	[sflag:s16] =	ssyncadd.s32 $0xFFFFC000  }
0x25: {  	_ =	swait.ge [sflag:s16], $0x4000  }
0x26: {  	[sflag:s16] =	ssyncset.done $0x0  }
0x27: {  	s30 =	sadd.s32 $0x0, s7;
	[sflag:s16] =	ssyncadd.s32 $0xFFFFC000  }
0x28: {  	[hbm4b:s30+s3] =	stream.linear.scatter [tilespmem:s12], [sflag:$0x2], $0x4000, $0x38;
	[tilespmem:$0x11800] =	vst v63  }
0x29: {  	_ =	swait.ge [sflag:s9], $0x4000  }
0x2a: {  	[sflag:s9] =	ssyncset.done $0x0  }
0x2b: {  	s19 =	sadd.s32 $0x0, s8;
	[sflag:s9] =	ssyncadd.s32 $0xFFFFC000  }
0x2c: {  	[hbm4b:s19+s3] =	stream.linear.scatter [tilespmem:s13], [sflag:$0x2], $0x4000, $0x38;
	[tilespmem:$0x11800] =	vst v63  }
0x2d: {  	_ =	swait.ge [sflag:s9], $0x4000  }
0x2e: {  	[sflag:s9] =	ssyncset.done $0x0  }
0x2f: {  	s18 =	sadd.s32 $0x800, s30;
	[sflag:s9] =	ssyncadd.s32 $0xFFFFC000  }
0x30: {  	[hbm4b:s18+s3] =	stream.linear.scatter [tilespmem:s14], [sflag:$0x2], $0x4000, $0x38;
	[tilespmem:$0x11800] =	vst v63  }
0x31: {  	_ =	swait.ge [sflag:s9], $0x4000  }
0x32: {  	[sflag:s9] =	ssyncset.done $0x0  }
0x33: {  	s31 =	sadd.s32 $0x800, s19;
	[sflag:s9] =	ssyncadd.s32 $0xFFFFC000  }
0x34: {  	[hbm4b:s31+s3] =	stream.linear.scatter [tilespmem:s15], [sflag:$0x2], $0x4000, $0x38;
	[tilespmem:$0x11800] =	vst v63  }
0x35: {  	s20 =	simm.s32 $0x2000;
	s21 =	simm.s32 $0x80;
	_ =	swait.ge [sflag:s9], $0x4000  }
0x36: {  	s19 =	simm.s32 $0xD80;
	s18 =	simm.s32 $0x1000;
	[sflag:s9] =	ssyncset.done $0x0  }
.LBB2_2:
0x37: {  	s22 =	sadd.s32 $0xFFFFFF80, s19  }
0x38: {  	[sflag:s9] =	ssyncadd.s32 $0xFFFFC000;
	s21 =	sadd.s32 $0x100, s21;
	s23 =	smov.u32 s20  }
0x39: {  	[tilespmem:s12], [sflag:$0x1] =	stream.indirect.gather [hbm4b:s2+s11], $0x80, s22, s11, $0xb8;
	[tilespmem:$0x11800] =	vst v63  }
0x3a: {  	p0 =	sne.s32 s20, $0x9000;
	s20 =	sadd.s32 $0x1000, s20;
	s22 =	sadd.s32 $0xFFFFFF80, s21  }
0x3b: {  	[tilespmem:s13], [sflag:$0x1] =	stream.indirect.gather [hbm4b:s2+s11], $0x80, s22, s11, $0xb8;
	[tilespmem:$0x11800] =	vst v63  }
0x3c: {  	_ = 	snop  }
0x3d: {  	[tilespmem:s14], [sflag:$0x1] =	stream.indirect.gather [hbm4b:s2+s11], $0x80, s19, s11, $0xb8;
	[tilespmem:$0x11800] =	vst v63  }
0x3e: {  	_ = 	snop  }
0x3f: {  	[tilespmem:s15], [sflag:$0x1] =	stream.indirect.gather [hbm4b:s2+s11], $0x80, s21, s11, $0xb8;
	[tilespmem:$0x11800] =	vst v63  }
0x40: {  	_ =	swait.ge [sflag:s16], $0x4000  }
0x41: {  	[sflag:s16] =	ssyncset.done $0x0  }
0x42: {  	[sflag:s16] =	ssyncadd.s32 $0xFFFFC000  }
0x43: {  	_ =	swait.ge [sflag:s16], $0x4000  }
0x44: {  	[sflag:s16] =	ssyncset.done $0x0  }
0x45: {  	[sflag:s16] =	ssyncadd.s32 $0xFFFFC000  }
0x46: {  	_ =	swait.ge [sflag:s16], $0x4000  }
0x47: {  	[sflag:s16] =	ssyncset.done $0x0  }
0x48: {  	[sflag:s16] =	ssyncadd.s32 $0xFFFFC000  }
0x49: {  	_ =	swait.ge [sflag:s16], $0x4000  }
0x4a: {  	[sflag:s16] =	ssyncset.done $0x0  }
0x4b: {  	s22 =	sadd.s32 s18, s7;
	[sflag:s16] =	ssyncadd.s32 $0xFFFFC000  }
0x4c: {  	[hbm4b:s22+s3] =	stream.linear.scatter [tilespmem:s12], [sflag:$0x2], $0x4000, $0x38;
	[tilespmem:$0x11800] =	vst v63  }
0x4d: {  	_ =	swait.ge [sflag:s9], $0x4000  }
0x4e: {  	[sflag:s9] =	ssyncset.done $0x0  }
0x4f: {  	s24 =	sadd.s32 s18, s8;
	s18 =	smov.u32 s23;
	[sflag:s9] =	ssyncadd.s32 $0xFFFFC000  }
0x50: {  	[hbm4b:s24+s3] =	stream.linear.scatter [tilespmem:s13], [sflag:$0x2], $0x4000, $0x38;
	[tilespmem:$0x11800] =	vst v63  }
0x51: {  	_ =	swait.ge [sflag:s9], $0x4000  }
0x52: {  	[sflag:s9] =	ssyncset.done $0x0  }
0x53: {  	s22 =	sadd.s32 $0x800, s22;
	[sflag:s9] =	ssyncadd.s32 $0xFFFFC000  }
0x54: {  	[hbm4b:s22+s3] =	stream.linear.scatter [tilespmem:s14], [sflag:$0x2], $0x4000, $0x38;
	[tilespmem:$0x11800] =	vst v63  }
0x55: {  	_ =	swait.ge [sflag:s9], $0x4000  }
.Ltmp0:
0x56: {  	[sflag:s9] =	ssyncset.done $0x0;
	(pc) =	sbr.rel @p0 .LBB2_2-.Ltmp0, $4  }
0x57: {  	s22 =	sadd.s32 $0x800, s24;
	[sflag:s9] =	ssyncadd.s32 $0xFFFFC000  }
0x58: {  	[hbm4b:s22+s3] =	stream.linear.scatter [tilespmem:s15], [sflag:$0x2], $0x4000, $0x38;
	[tilespmem:$0x11800] =	vst v63  }
0x59: {  	_ =	swait.ge [sflag:s9], $0x4000  }
0x5a: {  	s19 =	sadd.s32 $0x100, s19;
	[sflag:s9] =	ssyncset.done $0x0  }
0x5b: {  	s20 =	sadd.s32 $0xFFFFFF80, s19;
	[sflag:s9] =	ssyncadd.s32 $0xFFFFC000;
	s21 =	sadd.s32 $0x100, s21  }
0x5c: {  	[tilespmem:s12], [sflag:$0x1] =	stream.indirect.gather [hbm4b:s2+s11], $0x80, s20, s11, $0xb8;
	[tilespmem:$0x11800] =	vst v63  }
0x5d: {  	s29 =	sadd.s32 $0xFFFFFF80, s21  }
0x5e: {  	[tilespmem:s13], [sflag:$0x1] =	stream.indirect.gather [hbm4b:s2+s11], $0x80, s29, s11, $0xb8;
	[tilespmem:$0x11800] =	vst v63  }
0x5f: {  	_ = 	snop  }
0x60: {  	[tilespmem:s14], [sflag:$0x1] =	stream.indirect.gather [hbm4b:s2+s11], $0x80, s19, s11, $0xb8;
	[tilespmem:$0x11800] =	vst v63  }
0x61: {  	_ = 	snop  }
0x62: {  	[tilespmem:s15], [sflag:$0x1] =	stream.indirect.gather [hbm4b:s2+s11], $0x80, s21, s11, $0xb8;
	[tilespmem:$0x11800] =	vst v63  }
0x63: {  	_ =	swait.ge [sflag:s16], $0x4000  }
0x64: {  	[sflag:s16] =	ssyncset.done $0x0  }
0x65: {  	[sflag:s16] =	ssyncadd.s32 $0xFFFFC000  }
0x66: {  	_ =	swait.ge [sflag:s16], $0x4000  }
0x67: {  	[sflag:s16] =	ssyncset.done $0x0  }
0x68: {  	[sflag:s16] =	ssyncadd.s32 $0xFFFFC000  }
0x69: {  	_ =	swait.ge [sflag:s16], $0x4000  }
0x6a: {  	[sflag:s16] =	ssyncset.done $0x0  }
0x6b: {  	[sflag:s16] =	ssyncadd.s32 $0xFFFFC000  }
0x6c: {  	_ =	swait.ge [sflag:s16], $0x4000  }
0x6d: {  	[sflag:s16] =	ssyncset.done $0x0  }
0x6e: {  	s30 =	sadd.s32 s18, s7;
	[sflag:s16] =	ssyncadd.s32 $0xFFFFC000  }
0x6f: {  	[hbm4b:s30+s3] =	stream.linear.scatter [tilespmem:s12], [sflag:$0x2], $0x4000, $0x38;
	[tilespmem:$0x11800] =	vst v63  }
0x70: {  	_ =	swait.ge [sflag:s9], $0x4000  }
0x71: {  	[sflag:s9] =	ssyncset.done $0x0  }
0x72: {  	s31 =	sadd.s32 s18, s8;
	[sflag:s9] =	ssyncadd.s32 $0xFFFFC000  }
0x73: {  	[hbm4b:s31+s3] =	stream.linear.scatter [tilespmem:s13], [sflag:$0x2], $0x4000, $0x38;
	[tilespmem:$0x11800] =	vst v63  }
0x74: {  	_ =	swait.ge [sflag:s9], $0x4000  }
0x75: {  	[sflag:s9] =	ssyncset.done $0x0  }
0x76: {  	s19 =	sadd.s32 $0x800, s30;
	[sflag:s9] =	ssyncadd.s32 $0xFFFFC000  }
0x77: {  	[hbm4b:s19+s3] =	stream.linear.scatter [tilespmem:s14], [sflag:$0x2], $0x4000, $0x38;
	[tilespmem:$0x11800] =	vst v63  }
0x78: {  	s17 =	sadd.s32 $0x1, s17;
	_ =	swait.ge [sflag:s9], $0x4000  }
0x79: {  	p0 =	sne.s32 s17, s6;
	[sflag:s9] =	ssyncset.done $0x0  }
.Ltmp1:
0x7a: {  	s18 =	sadd.s32 $0x800, s31;
	[sflag:s9] =	ssyncadd.s32 $0xFFFFC000;
	(pc) =	sbr.rel @p0 .LBB2_1-.Ltmp1, $4  }
0x7b: {  	[hbm4b:s18+s3] =	stream.linear.scatter [tilespmem:s15], [sflag:$0x2], $0x4000, $0x38;
	[tilespmem:$0x11800] =	vst v63  }
0x7c: {  	_ =	swait.ge [sflag:s9], $0x4000  }
0x7d: {  	[sflag:s9] =	ssyncset.done $0x0  }
0x7e: {  	[sflag:s9] =	ssyncadd.s32 $0xFFFFC000  }
0x7f: {  	_ =	sfence.sel $0x180000  }
0x80: {  	[bflag:$0x0] =	sbarrier.arrive $0xFFFF  }
0x81: {  	p0 =	sne.s32 s0, $0x0;
	_ =	strace $0x9000004A  }
0x82: {  	s0 =	sadd.s32 @!p0 $0x100000, s1;
	[bflag:$0x2] =	sbarrier.arrive $0xFFFF  }
0x83: {  	[sflag:s0] =	ssyncadd.tile.s32 @!p0 $0x1;
	_ =	shalt  }
.Lfunc_end2:
_tile_overlayer_lowered:
.L_overlay_start_2:
0x84: {  	(tag) =	ssettag $0x2  }
0x85: {  	s0 =	rddreg [dreg:$0x0];
	s2 =	stileid.u32  }
0x86: {  	s1 =	rddreg [dreg:$0x1];
	p0 =	sne.s32 s2, $0x0  }
0x87: {  	s3 =	rddreg [dreg:$0x2];
	[bflag:$0x3] =	sbarrier.arrive $0xFFFF;
	s2 =	simm.s32 @!p0 $0x1C02  }
0x88: {  	[timem:s3], [sflag:s2] =	dma.local @!p0 [hbm:s0], s1  }
0x89: {  	s0 =	simm.s32 @!p0 $0x2  }
0x8a: {  	_ =	swait.ge @!p0 [sflag:s0], s1  }
0x8b: {  	s1 =	ssub.s32 @!p0 $0x0, s1;
	[sflag:s0] =	ssyncset.done @!p0 $0x0  }
0x8c: {  	[sflag:s0] =	ssyncadd.s32 @!p0 s1  }
0x8d: {  	[bflag:$0x3] =	sbarrier.arrive $0xFFFF  }
0x8e: {  	_ =	shalt  }

// kernel: kernel.24.cloned.1.call-start
scs
__scs_entry_jumppad:
0x0: {  	(pc) =	sbr.rel $0x88, $3  }
0x1: {  	(tag) =	ssettag $0x0;
	lr =	simm.s32 $0x1  }
0x2: {  	[smem:$0x3F8B] =	sst lr;
	_ =	strace $0xD0000000  }
0x3: {  	_ = 	snop  }
0x4: {  	_ = 	snop  }
0x5: {  	_ = 	snop  }
0x6: {  	_ = 	snop  }
0x7: {  	_ = 	snop  }
__scs_overlays_trampoline_lowered:
0x8: {  	[smem:$0x3F9A] =	sst s0  }
0x9: {  	[smem:$0x3F9B] =	sst s1  }
0xa: {  	[smem:$0x3F9C] =	sst s2  }
0xb: {  	[smem:$0x3F9D] =	sst s3  }
0xc: {  	[smem:$0x3F9E] =	sst s4  }
0xd: {  	[smem:$0x3F9F] =	sst s5  }
0xe: {  	[smem:$0x3FA0] =	sst s6  }
0xf: {  	[smem:$0x3FA1] =	sst s7  }
0x10: {  	[smem:$0x3FA2] =	sst s8  }
0x11: {  	[smem:$0x3FA3] =	sst s9;
	s0 =	simm.s32 @!p0 $0x0  }
0x12: {  	s1 =	sld [smem:$0x3F89];
	s0 =	simm.s32 @p0 $0x1  }
0x13: {  	[smem:$0x3FA4] =	sst s0;
	s0 =	simm.s32 @!p1 $0x0  }
0x14: {  	s2 =	sld [smem:$0x3F88];
	s0 =	simm.s32 @p1 $0x1  }
0x15: {  	[smem:$0x3FA5] =	sst s0;
	s0 =	simm.s32 @!p2 $0x0  }
0x16: {  	s3 =	sld [smem:$0x3FDB];
	s0 =	simm.s32 @p2 $0x1  }
0x17: {  	s4 =	simm.s32 $0x1BF5;
	[smem:$0x3FA7] =	sst s0  }
0x18: {  	s0 =	sld [smem:$0x3F8A];
	_ =	swait.ge [sflag:s4], $0x0  }
0x19: {  	s7 =	sld [smem:$0x3F8B]  }
0x1a: {  	s8 =	sadd.s32 $0xFFFFE003, lr  }
0x1b: {  	s9 =	sadd.s32 $0xFFFFFEF7, lr;
	s5 =	simm.s32 $0xFFFFFFFF;
	p2 =	slt.u32 s8, $0xFFFFF086  }
0x1c: {  	p1 =	slt.u32 s9, $0xF7A;
	s5 =	simm.s32 @!p2 $0x0  }
0x1d: {  	s5 =	simm.s32 @p1 $0x1;
	p0 =	seq.s32 s7, s2  }
0x1e: {  	s7 =	smul.u32 @!p0 $0xF7A, s2;
	p2 =	seq.s32 @!p0 s5, $0x0  }
0x1f: {  	s9 =	smul.u32 $0xF7A, s1;
	s8 =	simm.s32 @!p0 $0x1BF5;
	p2 =	por !p2, p0  }
0x20: {  	[sflag:s8] =	ssyncset.s32 @!p0 $0xFFFFF086;
	s6 =	sadd.s32 @!p0 s3, s7;
	s7 =	simm.s32 @!p0 $0x108  }
0x21: {  	s3 =	sadd.s32 s3, s9;
	s6 =	sadd.s32 @!p0 $0x88, s6;
	s7 =	simm.s32 @p2 $0x1082  }
0x22: {  	[simem:s7], [sflag:s8] =	dma.local @!p0 [hbm:s6], $0xF7A  }
0x23: {  	s9 =	sor.u32 $0xD0000000, s2;
	s6 =	simm.s32 $0x108;
	_ =	swait.ge @!p0 [sflag:s8], $0x0  }
0x24: {  	s3 =	sadd.s32 $0x88, s3;
	s6 =	simm.s32 @!p1 $0x1082;
	[sflag:s4] =	ssyncset.s32 $0xFFFFF086  }
0x25: {  	[simem:s6], [sflag:s4] =	dma.local [hbm:s3], $0xF7A  }
0x26: {  	[smem:$0x3F8B] =	sst s1;
	(tag) =	ssettag s2;
	_ =	strace s9  }
0x27: {  	s1 =	sld [smem:$0x3F9B]  }
0x28: {  	s2 =	sld [smem:$0x3F9C]  }
0x29: {  	s4 =	sld [smem:$0x3F9E]  }
0x2a: {  	p0 =	seq.s32 s5, $0x0;
	s5 =	sld [smem:$0x3F9F]  }
0x2b: {  	s6 =	sld [smem:$0x3FA0]  }
0x2c: {  	s7 =	sld [smem:$0x3FA1]  }
0x2d: {  	s3 =	simm.s32 $0x108;
	s8 =	sld [smem:$0x3FA2]  }
0x2e: {  	s3 =	simm.s32 @!p0 $0x1082;
	s9 =	sld [smem:$0x3FA3]  }
0x2f: {  	lr =	sadd.s32 s0, s3;
	s0 =	sld [smem:$0x3F9A]  }
0x30: {  	s3 =	sld [smem:$0x3F9D]  }
0x31: {  	[smem:$0x3FA6] =	sst s10  }
0x32: {  	s10 =	sld [smem:$0x3FA4];
	_ =	sdelay $0x3  }
0x33: {  	p0 =	seq.s32 s10, $0x1;
	s10 =	sld [smem:$0x3FA6];
	_ =	sdelay $0x3  }
0x34: {  	[smem:$0x3FA6] =	sst s10  }
0x35: {  	s10 =	sld [smem:$0x3FA5];
	_ =	sdelay $0x3  }
0x36: {  	p1 =	seq.s32 s10, $0x1;
	s10 =	sld [smem:$0x3FA6];
	_ =	sdelay $0x3  }
0x37: {  	[smem:$0x3FA6] =	sst s10  }
0x38: {  	s10 =	sld [smem:$0x3FA7]  }
0x39: {  	_ = 	snop;
	(pc) =	sbr.ind lr, $3  }
0x3a: {  	_ = 	snop  }
0x3b: {  	_ = 	snop  }
0x3c: {  	p2 =	seq.s32 s10, $0x1;
	s10 =	sld [smem:$0x3FA6]  }
0x3d: {  	_ =	shalt  }
0x3e: {  	_ =	shalt  }
0x3f: {  	_ =	shalt  }
0x40: {  	_ =	shalt  }
0x41: {  	_ =	shalt  }
0x42: {  	_ =	shalt  }
0x43: {  	_ =	shalt  }
0x44: {  	_ =	shalt  }
0x45: {  	_ =	shalt  }
0x46: {  	_ =	shalt  }
0x47: {  	_ =	shalt  }
0x48: {  	_ =	shalt  }
0x49: {  	_ =	shalt  }
0x4a: {  	_ =	shalt  }
0x4b: {  	_ =	shalt  }
0x4c: {  	_ =	shalt  }
0x4d: {  	_ =	shalt  }
0x4e: {  	_ =	shalt  }
0x4f: {  	_ =	shalt  }
0x50: {  	_ =	shalt  }
0x51: {  	_ =	shalt  }
0x52: {  	_ =	shalt  }
0x53: {  	_ =	shalt  }
0x54: {  	_ =	shalt  }
0x55: {  	_ =	shalt  }
0x56: {  	_ =	shalt  }
0x57: {  	_ =	shalt  }
0x58: {  	_ =	shalt  }
0x59: {  	_ =	shalt  }
0x5a: {  	_ =	shalt  }
0x5b: {  	_ =	shalt  }
0x5c: {  	_ =	shalt  }
0x5d: {  	_ =	shalt  }
0x5e: {  	_ =	shalt  }
0x5f: {  	_ =	shalt  }
0x60: {  	_ =	shalt  }
0x61: {  	_ =	shalt  }
0x62: {  	_ =	shalt  }
0x63: {  	_ =	shalt  }
0x64: {  	_ =	shalt  }
0x65: {  	_ =	shalt  }
0x66: {  	_ =	shalt  }
0x67: {  	_ =	shalt  }
0x68: {  	_ =	shalt  }
0x69: {  	_ =	shalt  }
0x6a: {  	_ =	shalt  }
0x6b: {  	_ =	shalt  }
0x6c: {  	_ =	shalt  }
0x6d: {  	_ =	shalt  }
0x6e: {  	_ =	shalt  }
0x6f: {  	_ =	shalt  }
0x70: {  	_ =	shalt  }
0x71: {  	_ =	shalt  }
0x72: {  	_ =	shalt  }
0x73: {  	_ =	shalt  }
0x74: {  	_ =	shalt  }
0x75: {  	_ =	shalt  }
0x76: {  	_ =	shalt  }
0x77: {  	_ =	shalt  }
0x78: {  	_ =	shalt  }
0x79: {  	_ =	shalt  }
0x7a: {  	_ =	shalt  }
0x7b: {  	_ =	shalt  }
0x7c: {  	_ =	shalt  }
0x7d: {  	_ =	shalt  }
0x7e: {  	_ =	shalt  }
0x7f: {  	_ =	shalt  }
0x80: {  	_ =	shalt  }
0x81: {  	_ =	shalt  }
0x82: {  	_ =	shalt  }
0x83: {  	_ =	shalt  }
0x84: {  	_ =	shalt  }
0x85: {  	_ =	shalt  }
0x86: {  	_ =	shalt  }
0x87: {  	_ =	shalt  }
.Lfunc_end0:
.L_simem_size_0:
called_computation.3_lowered:
.L_overlay_start_0:
0x88: {  	s2 =	sld [smem:$0x3FD9]  }
0x89: {  	s3 =	sld [smem:$0x3FFE];
	_ =	sdelay $0x1  }
0x8a: {  	s1 =	srdreg.scid  }
0x8b: {  	s0 =	sand.u32 $0x1, s1  }
0x8c: {  	s17 =	sshll.u32 s0, $0xA;
	s2 =	sadd.s32 s3, s2  }
0x8d: {  	s2 =	sadd.s32 s2, s17  }
0x8e: {  	[smem:$0x3FB2] =	sst s2  }
0x8f: {  	_ = 	snop  }
0x90: {  	(tm) =	ssettm $0x1  }
0x91: {  	s18 =	sld [smem:$0x3FFB];
	_ =	sdelay $0x3  }
0x92: {  	_ =	strace s18  }
0x93: {  	s2 =	sld [smem:$0x3FFC];
	_ =	sdelay $0x3  }
0x94: {  	_ =	strace s2  }
0x95: {  	s2 =	sld [smem:$0x3FFD];
	_ =	sdelay $0x3  }
0x96: {  	_ =	strace s2  }
0x97: {  	_ =	strace $0x8FFFFFFF  }
0x98: {  	s19 =	sld [smem:$0x3FDB];
	_ =	sdelay $0x1  }
0x99: {  	s20 =	simm.s32 $_scs_section_size  }
0x9a: {  	s4 =	simm.s32 $_size__tile_overlayer_lowered;
	s5 =	simm.s32 $_tile_overlayer_lowered  }
0x9b: {  	s6 =	simm.s32 $0x1BFF;
	s21 =	sshll.u32 s5, $0x1;
	s3 =	sadd.s32 s20, s19  }
0x9c: {  	s22 =	simm.s32 $0x0;
	s4 =	sshll.u32 s4, $0x1;
	s5 =	sadd.s32 s21, s3  }
0x9d: {  	[timem:s22], [sflag:s6] =	dma.local [hbm:s5], s4  }
0x9e: {  	_ =	swait.ge [sflag:s6], s4  }
0x9f: {  	s4 =	ssub.s32 $0x0, s4;
	[sflag:s6] =	ssyncset.done $0x0  }
0xa0: {  	[sflag:s6] =	ssyncadd.s32 s4;
	_ =	sdelay $0x1  }
0xa1: {  	s23 =	simm.s32 $0x1B8B  }
0xa2: {  	_ =	swait.ge [sflag:s23], $0x1  }
0xa3: {  	[sflag:s23] =	ssyncset.done $0x0  }
0xa4: {  	[sflag:s23] =	ssyncadd.s32 $0xFFFFFFFF  }
0xa5: {  	s4 =	sld [smem:$0x0]  }
0xa6: {  	s5 =	sand.u32 $0xFFFFFFFE, s1  }
0xa7: {  	p0 =	sne.s32 s1, s5  }
0xa8: {  	s5 =	sshll.u32 @p0 s5, $0xE  }
0xa9: {  	s5 =	sadd.s32 @p0 $0x11B8D, s5;
	s6 =	sshll.u32 @p0 s4, $0x11  }
0xaa: {  	s5 =	sor.u32 @p0 s6, s5  }
0xab: {  	[sflag:s5] =	ssyncadd.remote.s32 @p0 $0x1;
	_ =	sdelay $0x1  }
0xac: {  	s5 =	simm.s32 @p0 $0x1B8D  }
0xad: {  	_ =	swait.eq @p0 [sflag:s5], $0x1  }
0xae: {  	[sflag:s5] =	ssyncadd.s32 @p0 $0xFFFFFFFF  }
0xaf: {  	s6 =	sshll.u32 @!p0 s1, $0xE  }
0xb0: {  	s6 =	sor.u32 @!p0 $0x4000, s6;
	s5 =	simm.s32 @!p0 $0x1B8D  }
0xb1: {  	s4 =	sshll.u32 @!p0 s4, $0x11;
	s6 =	sadd.s32 @!p0 $0x11B8D, s6;
	_ =	swait.eq @!p0 [sflag:s5], $0x1  }
0xb2: {  	s4 =	sor.u32 @!p0 s4, s6;
	[sflag:s5] =	ssyncadd.s32 @!p0 $0xFFFFFFFF  }
0xb3: {  	s25 =	simm.s32 $0x1B8E;
	s24 =	sld [smem:$0x3FFE];
	[sflag:s4] =	ssyncadd.remote.s32 @!p0 $0x1  }
0xb4: {  	s26 =	simm.s32 $execute0_lowered;
	[smem:$0x3FD2] =	sst s25  }
0xb5: {  	s5 =	sshll.u32 s26, $0x1;
	_ =	strace $0x80000055;
	[dreg:$0x1] =	wrdreg $0xFFFFFFFF  }
0xb6: {  	s28 =	simm.s32 $_size_execute0_lowered;
	s3 =	sadd.s32 s3, s5;
	[dreg:$0x0] =	wrdreg $0x0  }
0xb7: {  	s5 =	sshll.u32 s28, $0x1;
	[dreg:$0x2] =	wrdreg s3  }
0xb8: {  	[dreg:$0x3] =	wrdreg s5  }
0xb9: {  	[dreg:$0x4] =	wrdreg $0xC0  }
0xba: {  	_ =	task [dreg:s22], $0x5FFFF  }
0xbb: {  	[dreg:$0x1] =	wrdreg $0xFFFFFFFF  }
0xbc: {  	[dreg:$0x0] =	wrdreg $0x60  }
0xbd: {  	[dreg:$0x2] =	wrdreg s24  }
0xbe: {  	[dreg:$0x3] =	wrdreg $0x8C000  }
0xbf: {  	[dreg:$0x4] =	wrdreg $0xB  }
0xc0: {  	_ =	task.clear_ibuf [dreg:s22], $0x5FFFF;
	_ =	strace $0x90000055  }
0xc1: {  	s29 =	simm.s32 $0xB;
	_ =	strace $0x80000057  }
0xc2: {  	_ =	swait.ge [sflag:s29], $0x1  }
0xc3: {  	[sflag:s29] =	ssyncadd.s32 $0xFFFFFFFF  }
0xc4: {  	_ =	strace $0x90000057  }
0xc5: {  	_ =	sfence  }
0xc6: {  	s30 =	sld [smem:$0x0];
	_ =	sdelay $0x2  }
0xc7: {  	s31 =	sshll.u32 s1, $0xD;
	s1 =	sshrl.u32 s1, $0x2  }
0xc8: {  	s4 =	sand.u32 $0x4000, s31;
	s1 =	sadd.s32 s1, s30  }
0xc9: {  	s0 =	sor.u32 s4, s0;
	s1 =	sshll.u32 s1, $0x11  }
0xca: {  	s0 =	sor.u32 s1, s0  }
0xcb: {  	s0 =	sadd.s32 $0x8F2B, s0  }
0xcc: {  	[sflag:s0] =	ssyncadd.remote.s32 $0x1  }
0xcd: {  	_ =	sfence.sel $0xFFFF  }
0xce: {  	[dreg:$0x0] =	wrdreg $0xFFFFFFFF;
	(pc) =	sbr.abs _section_cstart, $3  }
0xcf: {  	[dreg:$0x1] =	wrdreg $0xFFFFFFFF  }
0xd0: {  	_ =	task.clear_ibuf [dreg:s22], $0x2FFFF;
	_ =	strace $0x9FFFFFFF  }
0xd1: {  	(tm) =	ssettm $0x7FFFFFFF  }
tec
execute0_lowered:
.L_overlay_start_1:
0x0: {  	(tag) =	ssettag $0x1  }
0x1: {  	s1 =	srdreg.scid;
	s5 =	rddreg [dreg:$0x0]  }
0x2: {  	s0 =	stileid.u32;
	s2 =	rddreg [dreg:$0x1];
	s3 =	simm.s32 $0x0  }
0x3: {  	s15 =	simm.s32 $0xC00;
	s16 =	simm.s32 $0x4C00;
	s17 =	simm.s32 $0x1  }
0x4: {  	s18 =	simm.s32 $0x80;
	s19 =	simm.s32 $0x3;
	s20 =	simm.s32 $0x900  }
0x5: {  	s21 =	simm.s32 $0x980;
	s22 =	simm.s32 $0x0;
	s8 =	smul.u32 $0x14000, s0  }
0x6: {  	s4 =	sand.u32 $0x1, s1;
	s1 =	rddreg [dreg:$0x2];
	s10 =	smul.u32 $0x50000, s0  }
0x7: {  	s25 =	sshll.u32 s0, $0x1;
	[smem:$0x7FF] =	sst s3;
	s13 =	smul.u32 $0x28, s0  }
0x8: {  	s11 =	sadd.s32 $0x4800, s5;
	s29 =	sshll.u32 s0, $0x6;
	s9 =	smul.u32 $0x140000, s4  }
0x9: {  	s6 =	sor.u32 s4, s25;
	s26 =	ssub.s32 $0x2, s4;
	s28 =	smul.u32 $0x14, s4  }
0xa: {  	_ =	strace $0x80000056;
	s7 =	smul.u32 $0x180, s6;
	s12 =	sshrl.u32 s26, $0x1  }
0xb: {  	s10 =	sshrl.u32 s10, $0x2;
	s30 =	smul.u32 $0xA000, s6;
	s9 =	sadd.s32 s8, s9  }
0xc: {  	s8 =	sshrl.u32 s8, $0x3;
	s12 =	ssub.s32 s26, s12;
	s14 =	sadd.s32 s10, s2  }
0xd: {  	s10 =	sadd.s32 s28, s13;
	s7 =	sadd.s32 s7, s5;
	s9 =	sshrl.u32 s9, $0x3  }
0xe: {  	s8 =	sadd.s32 s8, s5;
	s13 =	sshll.u32 s10, $0xB;
	s9 =	sadd.s32 s9, s5  }
0xf: {  	s4 =	sadd.s32 $0xF09000, s8;
	s5 =	sor.u32 $0x1C02, s29;
	s6 =	sadd.s32 $0xF81000, s7  }
0x10: {  	s7 =	sadd.s32 s11, s30;
	s31 =	sadd.s32 s13, s11;
	s13 =	sshrl.u32 s14, $0x3  }
0x11: {  	s14 =	simm.s32 $0x2;
	s8 =	sadd.s32 $0xF84000, s9;
	s9 =	smax.u32 s12, $0x1  }
0x12: {  	s10 =	sadd.s32 $0x9800, s7;
	s11 =	sadd.s32 $0x1000, s31;
	s12 =	sadd.s32 $0x800, s31  }
.LBB2_1:
0x13: {  	[spmem:s13], [sflag:s5] =	dma.local [hbm:s4], $0x2800  }
0x14: {  	_ =	swait.ge [sflag:s14], $0x2800  }
0x15: {  	[sflag:s14] =	ssyncset.done $0x0  }
0x16: {  	[sflag:s14] =	ssyncadd.s32 $0xFFFFD800  }
0x17: {  	[bflag:$0x0] =	sbarrier.arrive $0xFFFF  }
0x18: {  	[tilespmem:s3], [sflag:$0x2] =	stream.linear.gather [hbm4b:s6+s3], $0xA00, $0x38;
	[tilespmem:$0x1CC00] =	vst v63  }
0x19: {  	_ =	swait.ge [sflag:s14], $0xA00  }
0x1a: {  	[sflag:s14] =	ssyncset.done $0x0  }
0x1b: {  	[sflag:s14] =	ssyncadd.s32 $0xFFFFF600  }
0x1c: {  	[tilespmem:s15], [sflag:$0x1] =	stream.linear.gather [hbm4b:s7+s3], $0x4000, $0x38;
	[tilespmem:$0x1CC00] =	vst v63  }
0x1d: {  	s23 =	sadd.s32 $0x0, s12  }
0x1e: {  	[tilespmem:s16], [sflag:$0x1] =	stream.linear.gather [hbm4b:s23+s3], $0x4000, $0x38;
	[tilespmem:$0x1CC00] =	vst v63  }
0x1f: {  	_ =	swait.ge [sflag:s17], $0x4000  }
0x20: {  	[sflag:s17] =	ssyncset.done $0x0  }
0x21: {  	s30 =	simm.s32 $0x0;
	[sflag:s17] =	ssyncadd.s32 $0xFFFFC000  }
0x22: {  	[spmem:s2] =	stream.indirect.scatter.add.f32 [tilespmem:s15], [sflag:$0x3], $0x80, s30, s18, $0xb8;
	[tilespmem:$0x1CC00] =	vst v63  }
0x23: {  	_ =	swait.ge [sflag:s19], $0x4000  }
0x24: {  	[sflag:s19] =	ssyncset.done $0x0  }
0x25: {  	s31 =	sadd.s32 $0x0, s11;
	[sflag:s19] =	ssyncadd.s32 $0xFFFFC000  }
0x26: {  	[tilespmem:s15], [sflag:$0x1] =	stream.linear.gather [hbm4b:s31+s3], $0x4000, $0x38;
	[tilespmem:$0x1CC00] =	vst v63  }
0x27: {  	_ =	swait.ge [sflag:s17], $0x4000  }
0x28: {  	[sflag:s17] =	ssyncset.done $0x0  }
0x29: {  	[sflag:s17] =	ssyncadd.s32 $0xFFFFC000  }
0x2a: {  	[spmem:s2] =	stream.indirect.scatter.add.f32 [tilespmem:s16], [sflag:$0x2], $0x80, s18, s18, $0xb8;
	[tilespmem:$0x1CC00] =	vst v63  }
0x2b: {  	s24 =	simm.s32 $0x1000;
	_ =	swait.ge [sflag:s14], $0x4000  }
0x2c: {  	s25 =	simm.s32 $0x2000;
	s23 =	simm.s32 $0x180;
	[sflag:s14] =	ssyncset.done $0x0  }
.LBB2_2:
0x2d: {  	s26 =	sadd.s32 s24, s12  }
0x2e: {  	[sflag:s14] =	ssyncadd.s32 $0xFFFFC000;
	s28 =	smov.u32 s25;
	s29 =	sadd.s32 $0x1000, s25  }
0x2f: {  	[tilespmem:s16], [sflag:$0x1] =	stream.linear.gather [hbm4b:s26+s3], $0x4000, $0x38;
	[tilespmem:$0x1CC00] =	vst v63  }
0x30: {  	p0 =	sne.s32 s25, $0x8000;
	_ =	swait.ge [sflag:s17], $0x4000  }
0x31: {  	[sflag:s17] =	ssyncset.done $0x0  }
0x32: {  	s25 =	sadd.s32 $0xFFFFFF80, s23;
	[sflag:s17] =	ssyncadd.s32 $0xFFFFC000  }
0x33: {  	[spmem:s2] =	stream.indirect.scatter.add.f32 [tilespmem:s15], [sflag:$0x3], $0x80, s25, s18, $0xb8;
	[tilespmem:$0x1CC00] =	vst v63  }
0x34: {  	_ =	swait.ge [sflag:s19], $0x4000  }
0x35: {  	[sflag:s19] =	ssyncset.done $0x0  }
0x36: {  	s25 =	sadd.s32 s24, s11;
	s24 =	smov.u32 s28;
	[sflag:s19] =	ssyncadd.s32 $0xFFFFC000  }
0x37: {  	[tilespmem:s15], [sflag:$0x1] =	stream.linear.gather [hbm4b:s25+s3], $0x4000, $0x38;
	[tilespmem:$0x1CC00] =	vst v63  }
0x38: {  	_ =	swait.ge [sflag:s17], $0x4000  }
.Ltmp0:
0x39: {  	[sflag:s17] =	ssyncset.done $0x0;
	(pc) =	sbr.rel @p0 .LBB2_2-.Ltmp0, $4  }
0x3a: {  	[sflag:s17] =	ssyncadd.s32 $0xFFFFC000  }
0x3b: {  	[spmem:s2] =	stream.indirect.scatter.add.f32 [tilespmem:s16], [sflag:$0x2], $0x80, s23, s18, $0xb8;
	[tilespmem:$0x1CC00] =	vst v63  }
0x3c: {  	_ =	swait.ge [sflag:s14], $0x4000  }
0x3d: {  	s25 =	smov.u32 s29;
	s23 =	sadd.s32 $0x100, s23;
	[sflag:s14] =	ssyncset.done $0x0  }
0x3e: {  	s25 =	sadd.s32 s24, s12;
	[sflag:s14] =	ssyncadd.s32 $0xFFFFC000  }
0x3f: {  	[tilespmem:s16], [sflag:$0x1] =	stream.linear.gather [hbm4b:s25+s3], $0x4000, $0x38;
	[tilespmem:$0x1CC00] =	vst v63  }
0x40: {  	_ =	swait.ge [sflag:s17], $0x4000  }
0x41: {  	[sflag:s17] =	ssyncset.done $0x0  }
0x42: {  	s30 =	sadd.s32 $0xFFFFFF80, s23;
	[sflag:s17] =	ssyncadd.s32 $0xFFFFC000  }
0x43: {  	[spmem:s2] =	stream.indirect.scatter.add.f32 [tilespmem:s15], [sflag:$0x3], $0x80, s30, s18, $0xb8;
	[tilespmem:$0x1CC00] =	vst v63  }
0x44: {  	_ =	swait.ge [sflag:s19], $0x4000  }
0x45: {  	[sflag:s19] =	ssyncset.done $0x0  }
0x46: {  	s31 =	sadd.s32 s24, s11;
	[sflag:s19] =	ssyncadd.s32 $0xFFFFC000  }
0x47: {  	[tilespmem:s15], [sflag:$0x1] =	stream.linear.gather [hbm4b:s31+s3], $0x4000, $0x38;
	[tilespmem:$0x1CC00] =	vst v63  }
0x48: {  	_ =	swait.ge [sflag:s17], $0x4000  }
0x49: {  	[sflag:s17] =	ssyncset.done $0x0  }
0x4a: {  	[sflag:s17] =	ssyncadd.s32 $0xFFFFC000  }
0x4b: {  	[spmem:s2] =	stream.indirect.scatter.add.f32 [tilespmem:s16], [sflag:$0x2], $0x80, s23, s18, $0xb8;
	[tilespmem:$0x1CC00] =	vst v63  }
0x4c: {  	_ =	swait.ge [sflag:s14], $0x4000  }
0x4d: {  	[sflag:s14] =	ssyncset.done $0x0  }
0x4e: {  	[sflag:s14] =	ssyncadd.s32 $0xFFFFC000  }
0x4f: {  	[tilespmem:s16], [sflag:$0x1] =	stream.linear.gather [hbm4b:s10+s3], $0x4000, $0x38;
	[tilespmem:$0x1CC00] =	vst v63  }
0x50: {  	_ =	swait.ge [sflag:s17], $0x4000  }
0x51: {  	[sflag:s17] =	ssyncset.done $0x0  }
0x52: {  	[sflag:s17] =	ssyncadd.s32 $0xFFFFC000  }
0x53: {  	[spmem:s2] =	stream.indirect.scatter.add.f32 [tilespmem:s15], [sflag:$0x3], $0x80, s20, s18, $0xb8;
	[tilespmem:$0x1CC00] =	vst v63  }
0x54: {  	_ =	swait.ge [sflag:s19], $0x4000  }
0x55: {  	[sflag:s19] =	ssyncset.done $0x0  }
0x56: {  	[sflag:s19] =	ssyncadd.s32 $0xFFFFC000  }
0x57: {  	_ =	swait.ge [sflag:s17], $0x4000  }
0x58: {  	[sflag:s17] =	ssyncset.done $0x0  }
0x59: {  	[sflag:s17] =	ssyncadd.s32 $0xFFFFC000  }
0x5a: {  	[spmem:s2] =	stream.indirect.scatter.add.f32 [tilespmem:s16], [sflag:$0x2], $0x80, s21, s18, $0xb8;
	[tilespmem:$0x1CC00] =	vst v63  }
0x5b: {  	_ =	swait.ge [sflag:s14], $0x4000  }
0x5c: {  	s22 =	sadd.s32 $0x1, s22;
	[sflag:s14] =	ssyncset.done $0x0  }
0x5d: {  	p0 =	sne.s32 s22, s9;
	[sflag:s14] =	ssyncadd.s32 $0xFFFFC000  }
.Ltmp1:
0x5e: {  	[bflag:$0x0] =	sbarrier.arrive $0xFFFF;
	(pc) =	sbr.rel @p0 .LBB2_1-.Ltmp1, $4  }
0x5f: {  	[hbm:s8], [sflag:s5] =	dma.local [spmem:s13], $0x2800  }
0x60: {  	_ =	swait.ge [sflag:s14], $0x2800  }
0x61: {  	[sflag:s14] =	ssyncset.done $0x0  }
0x62: {  	[sflag:s14] =	ssyncadd.s32 $0xFFFFD800  }
0x63: {  	_ =	sfence.sel $0x180000  }
0x64: {  	[bflag:$0x0] =	sbarrier.arrive $0xFFFF  }
0x65: {  	p0 =	sne.s32 s0, $0x0;
	_ =	strace $0x90000056  }
0x66: {  	s0 =	sadd.s32 @!p0 $0x100000, s1;
	[bflag:$0x2] =	sbarrier.arrive $0xFFFF  }
0x67: {  	[sflag:s0] =	ssyncadd.tile.s32 @!p0 $0x1;
	_ =	shalt  }
.Lfunc_end2:
_tile_overlayer_lowered:
.L_overlay_start_2:
0x68: {  	(tag) =	ssettag $0x2  }
0x69: {  	s0 =	rddreg [dreg:$0x0];
	s2 =	stileid.u32  }
0x6a: {  	s1 =	rddreg [dreg:$0x1];
	p0 =	sne.s32 s2, $0x0  }
0x6b: {  	s3 =	rddreg [dreg:$0x2];
	[bflag:$0x3] =	sbarrier.arrive $0xFFFF;
	s2 =	simm.s32 @!p0 $0x1C02  }
0x6c: {  	[timem:s3], [sflag:s2] =	dma.local @!p0 [hbm:s0], s1  }
0x6d: {  	s0 =	simm.s32 @!p0 $0x2  }
0x6e: {  	_ =	swait.ge @!p0 [sflag:s0], s1  }
0x6f: {  	s1 =	ssub.s32 @!p0 $0x0, s1;
	[sflag:s0] =	ssyncset.done @!p0 $0x0  }
0x70: {  	[sflag:s0] =	ssyncadd.s32 @!p0 s1  }
0x71: {  	[bflag:$0x3] =	sbarrier.arrive $0xFFFF  }
0x72: {  	_ =	shalt  }

// kernel: kernel.27.cloned.1.call-start
scs
__scs_entry_jumppad:
0x0: {  	(pc) =	sbr.rel $0x88, $3  }
0x1: {  	(tag) =	ssettag $0x0;
	lr =	simm.s32 $0x1  }
0x2: {  	[smem:$0x3F8B] =	sst lr;
	_ =	strace $0xD0000000  }
0x3: {  	_ = 	snop  }
0x4: {  	_ = 	snop  }
0x5: {  	_ = 	snop  }
0x6: {  	_ = 	snop  }
0x7: {  	_ = 	snop  }
__scs_overlays_trampoline_lowered:
0x8: {  	[smem:$0x3F9A] =	sst s0  }
0x9: {  	[smem:$0x3F9B] =	sst s1  }
0xa: {  	[smem:$0x3F9C] =	sst s2  }
0xb: {  	[smem:$0x3F9D] =	sst s3  }
0xc: {  	[smem:$0x3F9E] =	sst s4  }
0xd: {  	[smem:$0x3F9F] =	sst s5  }
0xe: {  	[smem:$0x3FA0] =	sst s6  }
0xf: {  	[smem:$0x3FA1] =	sst s7  }
0x10: {  	[smem:$0x3FA2] =	sst s8  }
0x11: {  	[smem:$0x3FA3] =	sst s9;
	s0 =	simm.s32 @!p0 $0x0  }
0x12: {  	s1 =	sld [smem:$0x3F89];
	s0 =	simm.s32 @p0 $0x1  }
0x13: {  	[smem:$0x3FA4] =	sst s0;
	s0 =	simm.s32 @!p1 $0x0  }
0x14: {  	s2 =	sld [smem:$0x3F88];
	s0 =	simm.s32 @p1 $0x1  }
0x15: {  	[smem:$0x3FA5] =	sst s0;
	s0 =	simm.s32 @!p2 $0x0  }
0x16: {  	s3 =	sld [smem:$0x3FDB];
	s0 =	simm.s32 @p2 $0x1  }
0x17: {  	s4 =	simm.s32 $0x1BF5;
	[smem:$0x3FA7] =	sst s0  }
0x18: {  	s0 =	sld [smem:$0x3F8A];
	_ =	swait.ge [sflag:s4], $0x0  }
0x19: {  	s7 =	sld [smem:$0x3F8B]  }
0x1a: {  	s8 =	sadd.s32 $0xFFFFE003, lr  }
0x1b: {  	s9 =	sadd.s32 $0xFFFFFEF7, lr;
	s5 =	simm.s32 $0xFFFFFFFF;
	p2 =	slt.u32 s8, $0xFFFFF086  }
0x1c: {  	p1 =	slt.u32 s9, $0xF7A;
	s5 =	simm.s32 @!p2 $0x0  }
0x1d: {  	s5 =	simm.s32 @p1 $0x1;
	p0 =	seq.s32 s7, s2  }
0x1e: {  	s7 =	smul.u32 @!p0 $0xF7A, s2;
	p2 =	seq.s32 @!p0 s5, $0x0  }
0x1f: {  	s9 =	smul.u32 $0xF7A, s1;
	s8 =	simm.s32 @!p0 $0x1BF5;
	p2 =	por !p2, p0  }
0x20: {  	[sflag:s8] =	ssyncset.s32 @!p0 $0xFFFFF086;
	s6 =	sadd.s32 @!p0 s3, s7;
	s7 =	simm.s32 @!p0 $0x108  }
0x21: {  	s3 =	sadd.s32 s3, s9;
	s6 =	sadd.s32 @!p0 $0x88, s6;
	s7 =	simm.s32 @p2 $0x1082  }
0x22: {  	[simem:s7], [sflag:s8] =	dma.local @!p0 [hbm:s6], $0xF7A  }
0x23: {  	s9 =	sor.u32 $0xD0000000, s2;
	s6 =	simm.s32 $0x108;
	_ =	swait.ge @!p0 [sflag:s8], $0x0  }
0x24: {  	s3 =	sadd.s32 $0x88, s3;
	s6 =	simm.s32 @!p1 $0x1082;
	[sflag:s4] =	ssyncset.s32 $0xFFFFF086  }
0x25: {  	[simem:s6], [sflag:s4] =	dma.local [hbm:s3], $0xF7A  }
0x26: {  	[smem:$0x3F8B] =	sst s1;
	(tag) =	ssettag s2;
	_ =	strace s9  }
0x27: {  	s1 =	sld [smem:$0x3F9B]  }
0x28: {  	s2 =	sld [smem:$0x3F9C]  }
0x29: {  	s4 =	sld [smem:$0x3F9E]  }
0x2a: {  	p0 =	seq.s32 s5, $0x0;
	s5 =	sld [smem:$0x3F9F]  }
0x2b: {  	s6 =	sld [smem:$0x3FA0]  }
0x2c: {  	s7 =	sld [smem:$0x3FA1]  }
0x2d: {  	s3 =	simm.s32 $0x108;
	s8 =	sld [smem:$0x3FA2]  }
0x2e: {  	s3 =	simm.s32 @!p0 $0x1082;
	s9 =	sld [smem:$0x3FA3]  }
0x2f: {  	lr =	sadd.s32 s0, s3;
	s0 =	sld [smem:$0x3F9A]  }
0x30: {  	s3 =	sld [smem:$0x3F9D]  }
0x31: {  	[smem:$0x3FA6] =	sst s10  }
0x32: {  	s10 =	sld [smem:$0x3FA4];
	_ =	sdelay $0x3  }
0x33: {  	p0 =	seq.s32 s10, $0x1;
	s10 =	sld [smem:$0x3FA6];
	_ =	sdelay $0x3  }
0x34: {  	[smem:$0x3FA6] =	sst s10  }
0x35: {  	s10 =	sld [smem:$0x3FA5];
	_ =	sdelay $0x3  }
0x36: {  	p1 =	seq.s32 s10, $0x1;
	s10 =	sld [smem:$0x3FA6];
	_ =	sdelay $0x3  }
0x37: {  	[smem:$0x3FA6] =	sst s10  }
0x38: {  	s10 =	sld [smem:$0x3FA7]  }
0x39: {  	_ = 	snop;
	(pc) =	sbr.ind lr, $3  }
0x3a: {  	_ = 	snop  }
0x3b: {  	_ = 	snop  }
0x3c: {  	p2 =	seq.s32 s10, $0x1;
	s10 =	sld [smem:$0x3FA6]  }
0x3d: {  	_ =	shalt  }
0x3e: {  	_ =	shalt  }
0x3f: {  	_ =	shalt  }
0x40: {  	_ =	shalt  }
0x41: {  	_ =	shalt  }
0x42: {  	_ =	shalt  }
0x43: {  	_ =	shalt  }
0x44: {  	_ =	shalt  }
0x45: {  	_ =	shalt  }
0x46: {  	_ =	shalt  }
0x47: {  	_ =	shalt  }
0x48: {  	_ =	shalt  }
0x49: {  	_ =	shalt  }
0x4a: {  	_ =	shalt  }
0x4b: {  	_ =	shalt  }
0x4c: {  	_ =	shalt  }
0x4d: {  	_ =	shalt  }
0x4e: {  	_ =	shalt  }
0x4f: {  	_ =	shalt  }
0x50: {  	_ =	shalt  }
0x51: {  	_ =	shalt  }
0x52: {  	_ =	shalt  }
0x53: {  	_ =	shalt  }
0x54: {  	_ =	shalt  }
0x55: {  	_ =	shalt  }
0x56: {  	_ =	shalt  }
0x57: {  	_ =	shalt  }
0x58: {  	_ =	shalt  }
0x59: {  	_ =	shalt  }
0x5a: {  	_ =	shalt  }
0x5b: {  	_ =	shalt  }
0x5c: {  	_ =	shalt  }
0x5d: {  	_ =	shalt  }
0x5e: {  	_ =	shalt  }
0x5f: {  	_ =	shalt  }
0x60: {  	_ =	shalt  }
0x61: {  	_ =	shalt  }
0x62: {  	_ =	shalt  }
0x63: {  	_ =	shalt  }
0x64: {  	_ =	shalt  }
0x65: {  	_ =	shalt  }
0x66: {  	_ =	shalt  }
0x67: {  	_ =	shalt  }
0x68: {  	_ =	shalt  }
0x69: {  	_ =	shalt  }
0x6a: {  	_ =	shalt  }
0x6b: {  	_ =	shalt  }
0x6c: {  	_ =	shalt  }
0x6d: {  	_ =	shalt  }
0x6e: {  	_ =	shalt  }
0x6f: {  	_ =	shalt  }
0x70: {  	_ =	shalt  }
0x71: {  	_ =	shalt  }
0x72: {  	_ =	shalt  }
0x73: {  	_ =	shalt  }
0x74: {  	_ =	shalt  }
0x75: {  	_ =	shalt  }
0x76: {  	_ =	shalt  }
0x77: {  	_ =	shalt  }
0x78: {  	_ =	shalt  }
0x79: {  	_ =	shalt  }
0x7a: {  	_ =	shalt  }
0x7b: {  	_ =	shalt  }
0x7c: {  	_ =	shalt  }
0x7d: {  	_ =	shalt  }
0x7e: {  	_ =	shalt  }
0x7f: {  	_ =	shalt  }
0x80: {  	_ =	shalt  }
0x81: {  	_ =	shalt  }
0x82: {  	_ =	shalt  }
0x83: {  	_ =	shalt  }
0x84: {  	_ =	shalt  }
0x85: {  	_ =	shalt  }
0x86: {  	_ =	shalt  }
0x87: {  	_ =	shalt  }
.Lfunc_end0:
.L_simem_size_0:
called_computation.4_lowered:
.L_overlay_start_0:
0x88: {  	s2 =	sld [smem:$0x3FD9]  }
0x89: {  	s3 =	sld [smem:$0x3FFE];
	_ =	sdelay $0x1  }
0x8a: {  	s1 =	srdreg.scid  }
0x8b: {  	s0 =	sand.u32 $0x1, s1  }
0x8c: {  	s17 =	sshll.u32 s0, $0xA;
	s2 =	sadd.s32 s3, s2  }
0x8d: {  	s2 =	sadd.s32 s2, s17  }
0x8e: {  	[smem:$0x3FB2] =	sst s2  }
0x8f: {  	_ = 	snop  }
0x90: {  	s18 =	sld [smem:$0x3FC9];
	(tm) =	ssettm $0x1  }
0x91: {  	s19 =	sld [smem:$0x3FFB];
	_ =	sdelay $0x3  }
0x92: {  	_ =	strace s19  }
0x93: {  	s2 =	sld [smem:$0x3FFC];
	_ =	sdelay $0x3  }
0x94: {  	_ =	strace s2  }
0x95: {  	s2 =	sld [smem:$0x3FFD];
	_ =	sdelay $0x3  }
0x96: {  	_ =	strace s2  }
0x97: {  	_ =	strace $0x8FFFFFFF  }
0x98: {  	s20 =	sld [smem:$0x3FDB];
	_ =	sdelay $0x1  }
0x99: {  	s4 =	simm.s32 $_scs_section_size  }
0x9a: {  	s5 =	simm.s32 $_size__tile_overlayer_lowered;
	s6 =	simm.s32 $_tile_overlayer_lowered  }
0x9b: {  	s7 =	simm.s32 $0x1BFF;
	s21 =	sshll.u32 s6, $0x1;
	s4 =	sadd.s32 s4, s20  }
0x9c: {  	s22 =	simm.s32 $0x0;
	s5 =	sshll.u32 s5, $0x1;
	s6 =	sadd.s32 s21, s4  }
0x9d: {  	[timem:s22], [sflag:s7] =	dma.local [hbm:s6], s5  }
0x9e: {  	_ =	swait.ge [sflag:s7], s5  }
0x9f: {  	s5 =	ssub.s32 $0x0, s5;
	[sflag:s7] =	ssyncset.done $0x0  }
0xa0: {  	[sflag:s7] =	ssyncadd.s32 s5;
	_ =	sdelay $0x1  }
0xa1: {  	s23 =	simm.s32 $0x1B8B  }
0xa2: {  	_ =	swait.ge [sflag:s23], $0x1  }
0xa3: {  	[sflag:s23] =	ssyncset.done $0x0  }
0xa4: {  	[sflag:s23] =	ssyncadd.s32 $0xFFFFFFFF  }
0xa5: {  	s5 =	sld [smem:$0x0]  }
0xa6: {  	s6 =	sand.u32 $0xFFFFFFFE, s1  }
0xa7: {  	p0 =	sne.s32 s1, s6  }
0xa8: {  	s6 =	sshll.u32 @p0 s6, $0xE  }
0xa9: {  	s6 =	sadd.s32 @p0 $0x11B8D, s6;
	s7 =	sshll.u32 @p0 s5, $0x11  }
0xaa: {  	s6 =	sor.u32 @p0 s7, s6  }
0xab: {  	[sflag:s6] =	ssyncadd.remote.s32 @p0 $0x1;
	_ =	sdelay $0x1  }
0xac: {  	s6 =	simm.s32 @p0 $0x1B8D  }
0xad: {  	_ =	swait.eq @p0 [sflag:s6], $0x1  }
0xae: {  	[sflag:s6] =	ssyncadd.s32 @p0 $0xFFFFFFFF  }
0xaf: {  	s7 =	sshll.u32 @!p0 s1, $0xE  }
0xb0: {  	s7 =	sor.u32 @!p0 $0x4000, s7;
	s6 =	simm.s32 @!p0 $0x1B8D  }
0xb1: {  	s5 =	sshll.u32 @!p0 s5, $0x11;
	s7 =	sadd.s32 @!p0 $0x11B8D, s7;
	_ =	swait.eq @!p0 [sflag:s6], $0x1  }
0xb2: {  	s5 =	sor.u32 @!p0 s5, s7;
	[sflag:s6] =	ssyncadd.s32 @!p0 $0xFFFFFFFF  }
0xb3: {  	s25 =	simm.s32 $0x1B8E;
	s24 =	sld [smem:$0x3FFE];
	[sflag:s5] =	ssyncadd.remote.s32 @!p0 $0x1  }
0xb4: {  	s26 =	simm.s32 $execute0_lowered;
	[smem:$0x3FD2] =	sst s25  }
0xb5: {  	s6 =	sshll.u32 s26, $0x1;
	_ =	strace $0x8000004C;
	[dreg:$0x1] =	wrdreg $0xFFFFFFFF  }
0xb6: {  	s28 =	simm.s32 $_size_execute0_lowered;
	s4 =	sadd.s32 s4, s6;
	[dreg:$0x0] =	wrdreg $0x0  }
0xb7: {  	s6 =	sshll.u32 s28, $0x1;
	[dreg:$0x2] =	wrdreg s4  }
0xb8: {  	[dreg:$0x3] =	wrdreg s6  }
0xb9: {  	[dreg:$0x4] =	wrdreg $0xC0  }
0xba: {  	_ =	task [dreg:s22], $0x5FFFF  }
0xbb: {  	[dreg:$0x1] =	wrdreg $0xFFFFFFFF  }
0xbc: {  	[dreg:$0x0] =	wrdreg $0x60  }
0xbd: {  	[dreg:$0x2] =	wrdreg s18  }
0xbe: {  	[dreg:$0x3] =	wrdreg s24  }
0xbf: {  	[dreg:$0x4] =	wrdreg $0xC  }
0xc0: {  	_ =	task.clear_ibuf [dreg:s22], $0x5FFFF;
	_ =	strace $0x9000004C  }
0xc1: {  	s29 =	simm.s32 $0xC;
	_ =	strace $0x8000004E  }
0xc2: {  	_ =	swait.ge [sflag:s29], $0x1  }
0xc3: {  	[sflag:s29] =	ssyncadd.s32 $0xFFFFFFFF  }
0xc4: {  	_ =	strace $0x9000004E  }
0xc5: {  	_ =	sfence  }
0xc6: {  	s30 =	sld [smem:$0x0];
	_ =	sdelay $0x2  }
0xc7: {  	s31 =	sshll.u32 s1, $0xD;
	s1 =	sshrl.u32 s1, $0x2  }
0xc8: {  	s4 =	sand.u32 $0x4000, s31;
	s1 =	sadd.s32 s1, s30  }
0xc9: {  	s0 =	sor.u32 s4, s0;
	s1 =	sshll.u32 s1, $0x11  }
0xca: {  	s0 =	sor.u32 s1, s0  }
0xcb: {  	s0 =	sadd.s32 $0x8F2B, s0  }
0xcc: {  	[sflag:s0] =	ssyncadd.remote.s32 $0x1  }
0xcd: {  	_ =	sfence.sel $0xFFFF  }
0xce: {  	[dreg:$0x0] =	wrdreg $0xFFFFFFFF;
	(pc) =	sbr.abs _section_cstart, $3  }
0xcf: {  	[dreg:$0x1] =	wrdreg $0xFFFFFFFF  }
0xd0: {  	_ =	task.clear_ibuf [dreg:s22], $0x2FFFF;
	_ =	strace $0x9FFFFFFF  }
0xd1: {  	(tm) =	ssettm $0x7FFFFFFF  }
tec
execute0_lowered:
.L_overlay_start_1:
0x0: {  	(tag) =	ssettag $0x1  }
0x1: {  	s1 =	srdreg.scid;
	s2 =	rddreg [dreg:$0x0]  }
0x2: {  	s0 =	stileid.u32;
	s5 =	rddreg [dreg:$0x1]  }
0x3: {  	s3 =	simm.s32 $0x0;
	s11 =	simm.s32 $0x80;
	s12 =	simm.s32 $0x1800  }
0x4: {  	s13 =	simm.s32 $0x9800;
	s14 =	simm.s32 $0x5800;
	s15 =	simm.s32 $0xD800  }
0x5: {  	s16 =	simm.s32 $0x1;
	s17 =	simm.s32 $0x0;
	s4 =	sand.u32 $0x1, s1  }
0x6: {  	s30 =	sshll.u32 s0, $0x1;
	s1 =	rddreg [dreg:$0x2];
	s7 =	smul.u32 $0x14000, s0  }
0x7: {  	s6 =	sor.u32 s4, s30;
	s8 =	ssub.s32 $0x2, s4;
	s10 =	smul.u32 $0xA000, s4  }
0x8: {  	[smem:$0x7FF] =	sst s3;
	s6 =	smul.u32 $0x180, s6;
	s9 =	sshrl.u32 s8, $0x1  }
0x9: {  	_ =	strace $0x8000004D;
	s7 =	sadd.s32 s7, s5;
	s8 =	ssub.s32 s8, s9  }
0xa: {  	s31 =	sadd.s32 s10, s7;
	s9 =	simm.s32 $0x2;
	s6 =	sadd.s32 s6, s5  }
0xb: {  	s10 =	simm.s32 $0xC00;
	s7 =	sadd.s32 $0x51E000, s31;
	s4 =	sadd.s32 $0x513000, s6  }
0xc: {  	s5 =	sadd.s32 $0x51B000, s6;
	s6 =	smax.u32 s8, $0x1;
	s8 =	sadd.s32 $0x65E000, s31  }
.LBB2_1:
0xd: {  	[tilespmem:s3], [sflag:$0x2] =	stream.linear.gather [hbm4b:s4+s3], $0xA00, $0x38;
	[tilespmem:$0x11800] =	vst v63  }
0xe: {  	_ =	swait.ge [sflag:s9], $0xA00  }
0xf: {  	[sflag:s9] =	ssyncset.done $0x0  }
0x10: {  	[sflag:s9] =	ssyncadd.s32 $0xFFFFF600  }
0x11: {  	[tilespmem:s10], [sflag:$0x2] =	stream.linear.gather [hbm4b:s5+s3], $0xA00, $0x38;
	[tilespmem:$0x11800] =	vst v63  }
0x12: {  	_ =	swait.ge [sflag:s9], $0xA00  }
0x13: {  	[sflag:s9] =	ssyncset.done $0x0  }
0x14: {  	s18 =	simm.s32 $0xC00;
	[sflag:s9] =	ssyncadd.s32 $0xFFFFF600  }
0x15: {  	[tilespmem:s12], [sflag:$0x1] =	stream.indirect.gather [hbm4b:s2+s11], $0x80, s18, s11, $0xb8;
	[tilespmem:$0x11800] =	vst v63  }
0x16: {  	s28 =	simm.s32 $0x0  }
0x17: {  	[tilespmem:s13], [sflag:$0x1] =	stream.indirect.gather [hbm4b:s2+s11], $0x80, s28, s11, $0xb8;
	[tilespmem:$0x11800] =	vst v63  }
0x18: {  	s29 =	simm.s32 $0xC80  }
0x19: {  	[tilespmem:s14], [sflag:$0x1] =	stream.indirect.gather [hbm4b:s2+s11], $0x80, s29, s11, $0xb8;
	[tilespmem:$0x11800] =	vst v63  }
0x1a: {  	_ = 	snop  }
0x1b: {  	[tilespmem:s15], [sflag:$0x1] =	stream.indirect.gather [hbm4b:s2+s11], $0x80, s11, s11, $0xb8;
	[tilespmem:$0x11800] =	vst v63  }
0x1c: {  	_ =	swait.ge [sflag:s16], $0x4000  }
0x1d: {  	[sflag:s16] =	ssyncset.done $0x0  }
0x1e: {  	[sflag:s16] =	ssyncadd.s32 $0xFFFFC000  }
0x1f: {  	_ =	swait.ge [sflag:s16], $0x4000  }
0x20: {  	[sflag:s16] =	ssyncset.done $0x0  }
0x21: {  	[sflag:s16] =	ssyncadd.s32 $0xFFFFC000  }
0x22: {  	_ =	swait.ge [sflag:s16], $0x4000  }
0x23: {  	[sflag:s16] =	ssyncset.done $0x0  }
0x24: {  	[sflag:s16] =	ssyncadd.s32 $0xFFFFC000  }
0x25: {  	_ =	swait.ge [sflag:s16], $0x4000  }
0x26: {  	[sflag:s16] =	ssyncset.done $0x0  }
0x27: {  	s30 =	sadd.s32 $0x0, s7;
	[sflag:s16] =	ssyncadd.s32 $0xFFFFC000  }
0x28: {  	[hbm4b:s30+s3] =	stream.linear.scatter [tilespmem:s12], [sflag:$0x2], $0x4000, $0x38;
	[tilespmem:$0x11800] =	vst v63  }
0x29: {  	_ =	swait.ge [sflag:s9], $0x4000  }
0x2a: {  	[sflag:s9] =	ssyncset.done $0x0  }
0x2b: {  	s19 =	sadd.s32 $0x0, s8;
	[sflag:s9] =	ssyncadd.s32 $0xFFFFC000  }
0x2c: {  	[hbm4b:s19+s3] =	stream.linear.scatter [tilespmem:s13], [sflag:$0x2], $0x4000, $0x38;
	[tilespmem:$0x11800] =	vst v63  }
0x2d: {  	_ =	swait.ge [sflag:s9], $0x4000  }
0x2e: {  	[sflag:s9] =	ssyncset.done $0x0  }
0x2f: {  	s18 =	sadd.s32 $0x800, s30;
	[sflag:s9] =	ssyncadd.s32 $0xFFFFC000  }
0x30: {  	[hbm4b:s18+s3] =	stream.linear.scatter [tilespmem:s14], [sflag:$0x2], $0x4000, $0x38;
	[tilespmem:$0x11800] =	vst v63  }
0x31: {  	_ =	swait.ge [sflag:s9], $0x4000  }
0x32: {  	[sflag:s9] =	ssyncset.done $0x0  }
0x33: {  	s31 =	sadd.s32 $0x800, s19;
	[sflag:s9] =	ssyncadd.s32 $0xFFFFC000  }
0x34: {  	[hbm4b:s31+s3] =	stream.linear.scatter [tilespmem:s15], [sflag:$0x2], $0x4000, $0x38;
	[tilespmem:$0x11800] =	vst v63  }
0x35: {  	s20 =	simm.s32 $0x2000;
	s21 =	simm.s32 $0x80;
	_ =	swait.ge [sflag:s9], $0x4000  }
0x36: {  	s19 =	simm.s32 $0xD80;
	s18 =	simm.s32 $0x1000;
	[sflag:s9] =	ssyncset.done $0x0  }
.LBB2_2:
0x37: {  	s22 =	sadd.s32 $0xFFFFFF80, s19  }
0x38: {  	[sflag:s9] =	ssyncadd.s32 $0xFFFFC000;
	s21 =	sadd.s32 $0x100, s21;
	s23 =	smov.u32 s20  }
0x39: {  	[tilespmem:s12], [sflag:$0x1] =	stream.indirect.gather [hbm4b:s2+s11], $0x80, s22, s11, $0xb8;
	[tilespmem:$0x11800] =	vst v63  }
0x3a: {  	p0 =	sne.s32 s20, $0x9000;
	s20 =	sadd.s32 $0x1000, s20;
	s22 =	sadd.s32 $0xFFFFFF80, s21  }
0x3b: {  	[tilespmem:s13], [sflag:$0x1] =	stream.indirect.gather [hbm4b:s2+s11], $0x80, s22, s11, $0xb8;
	[tilespmem:$0x11800] =	vst v63  }
0x3c: {  	_ = 	snop  }
0x3d: {  	[tilespmem:s14], [sflag:$0x1] =	stream.indirect.gather [hbm4b:s2+s11], $0x80, s19, s11, $0xb8;
	[tilespmem:$0x11800] =	vst v63  }
0x3e: {  	_ = 	snop  }
0x3f: {  	[tilespmem:s15], [sflag:$0x1] =	stream.indirect.gather [hbm4b:s2+s11], $0x80, s21, s11, $0xb8;
	[tilespmem:$0x11800] =	vst v63  }
0x40: {  	_ =	swait.ge [sflag:s16], $0x4000  }
0x41: {  	[sflag:s16] =	ssyncset.done $0x0  }
0x42: {  	[sflag:s16] =	ssyncadd.s32 $0xFFFFC000  }
0x43: {  	_ =	swait.ge [sflag:s16], $0x4000  }
0x44: {  	[sflag:s16] =	ssyncset.done $0x0  }
0x45: {  	[sflag:s16] =	ssyncadd.s32 $0xFFFFC000  }
0x46: {  	_ =	swait.ge [sflag:s16], $0x4000  }
0x47: {  	[sflag:s16] =	ssyncset.done $0x0  }
0x48: {  	[sflag:s16] =	ssyncadd.s32 $0xFFFFC000  }
0x49: {  	_ =	swait.ge [sflag:s16], $0x4000  }
0x4a: {  	[sflag:s16] =	ssyncset.done $0x0  }
0x4b: {  	s22 =	sadd.s32 s18, s7;
	[sflag:s16] =	ssyncadd.s32 $0xFFFFC000  }
0x4c: {  	[hbm4b:s22+s3] =	stream.linear.scatter [tilespmem:s12], [sflag:$0x2], $0x4000, $0x38;
	[tilespmem:$0x11800] =	vst v63  }
0x4d: {  	_ =	swait.ge [sflag:s9], $0x4000  }
0x4e: {  	[sflag:s9] =	ssyncset.done $0x0  }
0x4f: {  	s24 =	sadd.s32 s18, s8;
	s18 =	smov.u32 s23;
	[sflag:s9] =	ssyncadd.s32 $0xFFFFC000  }
0x50: {  	[hbm4b:s24+s3] =	stream.linear.scatter [tilespmem:s13], [sflag:$0x2], $0x4000, $0x38;
	[tilespmem:$0x11800] =	vst v63  }
0x51: {  	_ =	swait.ge [sflag:s9], $0x4000  }
0x52: {  	[sflag:s9] =	ssyncset.done $0x0  }
0x53: {  	s22 =	sadd.s32 $0x800, s22;
	[sflag:s9] =	ssyncadd.s32 $0xFFFFC000  }
0x54: {  	[hbm4b:s22+s3] =	stream.linear.scatter [tilespmem:s14], [sflag:$0x2], $0x4000, $0x38;
	[tilespmem:$0x11800] =	vst v63  }
0x55: {  	_ =	swait.ge [sflag:s9], $0x4000  }
.Ltmp0:
0x56: {  	[sflag:s9] =	ssyncset.done $0x0;
	(pc) =	sbr.rel @p0 .LBB2_2-.Ltmp0, $4  }
0x57: {  	s22 =	sadd.s32 $0x800, s24;
	[sflag:s9] =	ssyncadd.s32 $0xFFFFC000  }
0x58: {  	[hbm4b:s22+s3] =	stream.linear.scatter [tilespmem:s15], [sflag:$0x2], $0x4000, $0x38;
	[tilespmem:$0x11800] =	vst v63  }
0x59: {  	_ =	swait.ge [sflag:s9], $0x4000  }
0x5a: {  	s19 =	sadd.s32 $0x100, s19;
	[sflag:s9] =	ssyncset.done $0x0  }
0x5b: {  	s20 =	sadd.s32 $0xFFFFFF80, s19;
	[sflag:s9] =	ssyncadd.s32 $0xFFFFC000;
	s21 =	sadd.s32 $0x100, s21  }
0x5c: {  	[tilespmem:s12], [sflag:$0x1] =	stream.indirect.gather [hbm4b:s2+s11], $0x80, s20, s11, $0xb8;
	[tilespmem:$0x11800] =	vst v63  }
0x5d: {  	s29 =	sadd.s32 $0xFFFFFF80, s21  }
0x5e: {  	[tilespmem:s13], [sflag:$0x1] =	stream.indirect.gather [hbm4b:s2+s11], $0x80, s29, s11, $0xb8;
	[tilespmem:$0x11800] =	vst v63  }
0x5f: {  	_ = 	snop  }
0x60: {  	[tilespmem:s14], [sflag:$0x1] =	stream.indirect.gather [hbm4b:s2+s11], $0x80, s19, s11, $0xb8;
	[tilespmem:$0x11800] =	vst v63  }
0x61: {  	_ = 	snop  }
0x62: {  	[tilespmem:s15], [sflag:$0x1] =	stream.indirect.gather [hbm4b:s2+s11], $0x80, s21, s11, $0xb8;
	[tilespmem:$0x11800] =	vst v63  }
0x63: {  	_ =	swait.ge [sflag:s16], $0x4000  }
0x64: {  	[sflag:s16] =	ssyncset.done $0x0  }
0x65: {  	[sflag:s16] =	ssyncadd.s32 $0xFFFFC000  }
0x66: {  	_ =	swait.ge [sflag:s16], $0x4000  }
0x67: {  	[sflag:s16] =	ssyncset.done $0x0  }
0x68: {  	[sflag:s16] =	ssyncadd.s32 $0xFFFFC000  }
0x69: {  	_ =	swait.ge [sflag:s16], $0x4000  }
0x6a: {  	[sflag:s16] =	ssyncset.done $0x0  }
0x6b: {  	[sflag:s16] =	ssyncadd.s32 $0xFFFFC000  }
0x6c: {  	_ =	swait.ge [sflag:s16], $0x4000  }
0x6d: {  	[sflag:s16] =	ssyncset.done $0x0  }
0x6e: {  	s30 =	sadd.s32 s18, s7;
	[sflag:s16] =	ssyncadd.s32 $0xFFFFC000  }
0x6f: {  	[hbm4b:s30+s3] =	stream.linear.scatter [tilespmem:s12], [sflag:$0x2], $0x4000, $0x38;
	[tilespmem:$0x11800] =	vst v63  }
0x70: {  	_ =	swait.ge [sflag:s9], $0x4000  }
0x71: {  	[sflag:s9] =	ssyncset.done $0x0  }
0x72: {  	s31 =	sadd.s32 s18, s8;
	[sflag:s9] =	ssyncadd.s32 $0xFFFFC000  }
0x73: {  	[hbm4b:s31+s3] =	stream.linear.scatter [tilespmem:s13], [sflag:$0x2], $0x4000, $0x38;
	[tilespmem:$0x11800] =	vst v63  }
0x74: {  	_ =	swait.ge [sflag:s9], $0x4000  }
0x75: {  	[sflag:s9] =	ssyncset.done $0x0  }
0x76: {  	s19 =	sadd.s32 $0x800, s30;
	[sflag:s9] =	ssyncadd.s32 $0xFFFFC000  }
0x77: {  	[hbm4b:s19+s3] =	stream.linear.scatter [tilespmem:s14], [sflag:$0x2], $0x4000, $0x38;
	[tilespmem:$0x11800] =	vst v63  }
0x78: {  	s17 =	sadd.s32 $0x1, s17;
	_ =	swait.ge [sflag:s9], $0x4000  }
0x79: {  	p0 =	sne.s32 s17, s6;
	[sflag:s9] =	ssyncset.done $0x0  }
.Ltmp1:
0x7a: {  	s18 =	sadd.s32 $0x800, s31;
	[sflag:s9] =	ssyncadd.s32 $0xFFFFC000;
	(pc) =	sbr.rel @p0 .LBB2_1-.Ltmp1, $4  }
0x7b: {  	[hbm4b:s18+s3] =	stream.linear.scatter [tilespmem:s15], [sflag:$0x2], $0x4000, $0x38;
	[tilespmem:$0x11800] =	vst v63  }
0x7c: {  	_ =	swait.ge [sflag:s9], $0x4000  }
0x7d: {  	[sflag:s9] =	ssyncset.done $0x0  }
0x7e: {  	[sflag:s9] =	ssyncadd.s32 $0xFFFFC000  }
0x7f: {  	_ =	sfence.sel $0x180000  }
0x80: {  	[bflag:$0x0] =	sbarrier.arrive $0xFFFF  }
0x81: {  	p0 =	sne.s32 s0, $0x0;
	_ =	strace $0x9000004D  }
0x82: {  	s0 =	sadd.s32 @!p0 $0x100000, s1;
	[bflag:$0x2] =	sbarrier.arrive $0xFFFF  }
0x83: {  	[sflag:s0] =	ssyncadd.tile.s32 @!p0 $0x1;
	_ =	shalt  }
.Lfunc_end2:
_tile_overlayer_lowered:
.L_overlay_start_2:
0x84: {  	(tag) =	ssettag $0x2  }
0x85: {  	s0 =	rddreg [dreg:$0x0];
	s2 =	stileid.u32  }
0x86: {  	s1 =	rddreg [dreg:$0x1];
	p0 =	sne.s32 s2, $0x0  }
0x87: {  	s3 =	rddreg [dreg:$0x2];
	[bflag:$0x3] =	sbarrier.arrive $0xFFFF;
	s2 =	simm.s32 @!p0 $0x1C02  }
0x88: {  	[timem:s3], [sflag:s2] =	dma.local @!p0 [hbm:s0], s1  }
0x89: {  	s0 =	simm.s32 @!p0 $0x2  }
0x8a: {  	_ =	swait.ge @!p0 [sflag:s0], s1  }
0x8b: {  	s1 =	ssub.s32 @!p0 $0x0, s1;
	[sflag:s0] =	ssyncset.done @!p0 $0x0  }
0x8c: {  	[sflag:s0] =	ssyncadd.s32 @!p0 s1  }
0x8d: {  	[bflag:$0x3] =	sbarrier.arrive $0xFFFF  }
0x8e: {  	_ =	shalt  }

// kernel: kernel.30.cloned.1.call-start
scs
__scs_entry_jumppad:
0x0: {  	(pc) =	sbr.rel $0x88, $3  }
0x1: {  	(tag) =	ssettag $0x0;
	lr =	simm.s32 $0x1  }
0x2: {  	[smem:$0x3F8B] =	sst lr;
	_ =	strace $0xD0000000  }
0x3: {  	_ = 	snop  }
0x4: {  	_ = 	snop  }
0x5: {  	_ = 	snop  }
0x6: {  	_ = 	snop  }
0x7: {  	_ = 	snop  }
__scs_overlays_trampoline_lowered:
0x8: {  	[smem:$0x3F9A] =	sst s0  }
0x9: {  	[smem:$0x3F9B] =	sst s1  }
0xa: {  	[smem:$0x3F9C] =	sst s2  }
0xb: {  	[smem:$0x3F9D] =	sst s3  }
0xc: {  	[smem:$0x3F9E] =	sst s4  }
0xd: {  	[smem:$0x3F9F] =	sst s5  }
0xe: {  	[smem:$0x3FA0] =	sst s6  }
0xf: {  	[smem:$0x3FA1] =	sst s7  }
0x10: {  	[smem:$0x3FA2] =	sst s8  }
0x11: {  	[smem:$0x3FA3] =	sst s9;
	s0 =	simm.s32 @!p0 $0x0  }
0x12: {  	s1 =	sld [smem:$0x3F89];
	s0 =	simm.s32 @p0 $0x1  }
0x13: {  	[smem:$0x3FA4] =	sst s0;
	s0 =	simm.s32 @!p1 $0x0  }
0x14: {  	s2 =	sld [smem:$0x3F88];
	s0 =	simm.s32 @p1 $0x1  }
0x15: {  	[smem:$0x3FA5] =	sst s0;
	s0 =	simm.s32 @!p2 $0x0  }
0x16: {  	s3 =	sld [smem:$0x3FDB];
	s0 =	simm.s32 @p2 $0x1  }
0x17: {  	s4 =	simm.s32 $0x1BF5;
	[smem:$0x3FA7] =	sst s0  }
0x18: {  	s0 =	sld [smem:$0x3F8A];
	_ =	swait.ge [sflag:s4], $0x0  }
0x19: {  	s7 =	sld [smem:$0x3F8B]  }
0x1a: {  	s8 =	sadd.s32 $0xFFFFE003, lr  }
0x1b: {  	s9 =	sadd.s32 $0xFFFFFEF7, lr;
	s5 =	simm.s32 $0xFFFFFFFF;
	p2 =	slt.u32 s8, $0xFFFFF086  }
0x1c: {  	p1 =	slt.u32 s9, $0xF7A;
	s5 =	simm.s32 @!p2 $0x0  }
0x1d: {  	s5 =	simm.s32 @p1 $0x1;
	p0 =	seq.s32 s7, s2  }
0x1e: {  	s7 =	smul.u32 @!p0 $0xF7A, s2;
	p2 =	seq.s32 @!p0 s5, $0x0  }
0x1f: {  	s9 =	smul.u32 $0xF7A, s1;
	s8 =	simm.s32 @!p0 $0x1BF5;
	p2 =	por !p2, p0  }
0x20: {  	[sflag:s8] =	ssyncset.s32 @!p0 $0xFFFFF086;
	s6 =	sadd.s32 @!p0 s3, s7;
	s7 =	simm.s32 @!p0 $0x108  }
0x21: {  	s3 =	sadd.s32 s3, s9;
	s6 =	sadd.s32 @!p0 $0x88, s6;
	s7 =	simm.s32 @p2 $0x1082  }
0x22: {  	[simem:s7], [sflag:s8] =	dma.local @!p0 [hbm:s6], $0xF7A  }
0x23: {  	s9 =	sor.u32 $0xD0000000, s2;
	s6 =	simm.s32 $0x108;
	_ =	swait.ge @!p0 [sflag:s8], $0x0  }
0x24: {  	s3 =	sadd.s32 $0x88, s3;
	s6 =	simm.s32 @!p1 $0x1082;
	[sflag:s4] =	ssyncset.s32 $0xFFFFF086  }
0x25: {  	[simem:s6], [sflag:s4] =	dma.local [hbm:s3], $0xF7A  }
0x26: {  	[smem:$0x3F8B] =	sst s1;
	(tag) =	ssettag s2;
	_ =	strace s9  }
0x27: {  	s1 =	sld [smem:$0x3F9B]  }
0x28: {  	s2 =	sld [smem:$0x3F9C]  }
0x29: {  	s4 =	sld [smem:$0x3F9E]  }
0x2a: {  	p0 =	seq.s32 s5, $0x0;
	s5 =	sld [smem:$0x3F9F]  }
0x2b: {  	s6 =	sld [smem:$0x3FA0]  }
0x2c: {  	s7 =	sld [smem:$0x3FA1]  }
0x2d: {  	s3 =	simm.s32 $0x108;
	s8 =	sld [smem:$0x3FA2]  }
0x2e: {  	s3 =	simm.s32 @!p0 $0x1082;
	s9 =	sld [smem:$0x3FA3]  }
0x2f: {  	lr =	sadd.s32 s0, s3;
	s0 =	sld [smem:$0x3F9A]  }
0x30: {  	s3 =	sld [smem:$0x3F9D]  }
0x31: {  	[smem:$0x3FA6] =	sst s10  }
0x32: {  	s10 =	sld [smem:$0x3FA4];
	_ =	sdelay $0x3  }
0x33: {  	p0 =	seq.s32 s10, $0x1;
	s10 =	sld [smem:$0x3FA6];
	_ =	sdelay $0x3  }
0x34: {  	[smem:$0x3FA6] =	sst s10  }
0x35: {  	s10 =	sld [smem:$0x3FA5];
	_ =	sdelay $0x3  }
0x36: {  	p1 =	seq.s32 s10, $0x1;
	s10 =	sld [smem:$0x3FA6];
	_ =	sdelay $0x3  }
0x37: {  	[smem:$0x3FA6] =	sst s10  }
0x38: {  	s10 =	sld [smem:$0x3FA7]  }
0x39: {  	_ = 	snop;
	(pc) =	sbr.ind lr, $3  }
0x3a: {  	_ = 	snop  }
0x3b: {  	_ = 	snop  }
0x3c: {  	p2 =	seq.s32 s10, $0x1;
	s10 =	sld [smem:$0x3FA6]  }
0x3d: {  	_ =	shalt  }
0x3e: {  	_ =	shalt  }
0x3f: {  	_ =	shalt  }
0x40: {  	_ =	shalt  }
0x41: {  	_ =	shalt  }
0x42: {  	_ =	shalt  }
0x43: {  	_ =	shalt  }
0x44: {  	_ =	shalt  }
0x45: {  	_ =	shalt  }
0x46: {  	_ =	shalt  }
0x47: {  	_ =	shalt  }
0x48: {  	_ =	shalt  }
0x49: {  	_ =	shalt  }
0x4a: {  	_ =	shalt  }
0x4b: {  	_ =	shalt  }
0x4c: {  	_ =	shalt  }
0x4d: {  	_ =	shalt  }
0x4e: {  	_ =	shalt  }
0x4f: {  	_ =	shalt  }
0x50: {  	_ =	shalt  }
0x51: {  	_ =	shalt  }
0x52: {  	_ =	shalt  }
0x53: {  	_ =	shalt  }
0x54: {  	_ =	shalt  }
0x55: {  	_ =	shalt  }
0x56: {  	_ =	shalt  }
0x57: {  	_ =	shalt  }
0x58: {  	_ =	shalt  }
0x59: {  	_ =	shalt  }
0x5a: {  	_ =	shalt  }
0x5b: {  	_ =	shalt  }
0x5c: {  	_ =	shalt  }
0x5d: {  	_ =	shalt  }
0x5e: {  	_ =	shalt  }
0x5f: {  	_ =	shalt  }
0x60: {  	_ =	shalt  }
0x61: {  	_ =	shalt  }
0x62: {  	_ =	shalt  }
0x63: {  	_ =	shalt  }
0x64: {  	_ =	shalt  }
0x65: {  	_ =	shalt  }
0x66: {  	_ =	shalt  }
0x67: {  	_ =	shalt  }
0x68: {  	_ =	shalt  }
0x69: {  	_ =	shalt  }
0x6a: {  	_ =	shalt  }
0x6b: {  	_ =	shalt  }
0x6c: {  	_ =	shalt  }
0x6d: {  	_ =	shalt  }
0x6e: {  	_ =	shalt  }
0x6f: {  	_ =	shalt  }
0x70: {  	_ =	shalt  }
0x71: {  	_ =	shalt  }
0x72: {  	_ =	shalt  }
0x73: {  	_ =	shalt  }
0x74: {  	_ =	shalt  }
0x75: {  	_ =	shalt  }
0x76: {  	_ =	shalt  }
0x77: {  	_ =	shalt  }
0x78: {  	_ =	shalt  }
0x79: {  	_ =	shalt  }
0x7a: {  	_ =	shalt  }
0x7b: {  	_ =	shalt  }
0x7c: {  	_ =	shalt  }
0x7d: {  	_ =	shalt  }
0x7e: {  	_ =	shalt  }
0x7f: {  	_ =	shalt  }
0x80: {  	_ =	shalt  }
0x81: {  	_ =	shalt  }
0x82: {  	_ =	shalt  }
0x83: {  	_ =	shalt  }
0x84: {  	_ =	shalt  }
0x85: {  	_ =	shalt  }
0x86: {  	_ =	shalt  }
0x87: {  	_ =	shalt  }
.Lfunc_end0:
.L_simem_size_0:
called_computation.5_lowered:
.L_overlay_start_0:
0x88: {  	s2 =	sld [smem:$0x3FD9]  }
0x89: {  	s3 =	sld [smem:$0x3FFE];
	_ =	sdelay $0x1  }
0x8a: {  	s1 =	srdreg.scid  }
0x8b: {  	s0 =	sand.u32 $0x1, s1  }
0x8c: {  	s17 =	sshll.u32 s0, $0xA;
	s2 =	sadd.s32 s3, s2  }
0x8d: {  	s2 =	sadd.s32 s2, s17  }
0x8e: {  	[smem:$0x3FB2] =	sst s2  }
0x8f: {  	_ = 	snop  }
0x90: {  	(tm) =	ssettm $0x1  }
0x91: {  	s18 =	sld [smem:$0x3FFB];
	_ =	sdelay $0x3  }
0x92: {  	_ =	strace s18  }
0x93: {  	s2 =	sld [smem:$0x3FFC];
	_ =	sdelay $0x3  }
0x94: {  	_ =	strace s2  }
0x95: {  	s2 =	sld [smem:$0x3FFD];
	_ =	sdelay $0x3  }
0x96: {  	_ =	strace s2  }
0x97: {  	_ =	strace $0x8FFFFFFF  }
0x98: {  	s19 =	sld [smem:$0x3FDB];
	_ =	sdelay $0x1  }
0x99: {  	s20 =	simm.s32 $_scs_section_size  }
0x9a: {  	s4 =	simm.s32 $_size__tile_overlayer_lowered;
	s5 =	simm.s32 $_tile_overlayer_lowered  }
0x9b: {  	s6 =	simm.s32 $0x1BFF;
	s21 =	sshll.u32 s5, $0x1;
	s3 =	sadd.s32 s20, s19  }
0x9c: {  	s22 =	simm.s32 $0x0;
	s4 =	sshll.u32 s4, $0x1;
	s5 =	sadd.s32 s21, s3  }
0x9d: {  	[timem:s22], [sflag:s6] =	dma.local [hbm:s5], s4  }
0x9e: {  	_ =	swait.ge [sflag:s6], s4  }
0x9f: {  	s4 =	ssub.s32 $0x0, s4;
	[sflag:s6] =	ssyncset.done $0x0  }
0xa0: {  	[sflag:s6] =	ssyncadd.s32 s4;
	_ =	sdelay $0x1  }
0xa1: {  	s23 =	simm.s32 $0x1B8B  }
0xa2: {  	_ =	swait.ge [sflag:s23], $0x1  }
0xa3: {  	[sflag:s23] =	ssyncset.done $0x0  }
0xa4: {  	[sflag:s23] =	ssyncadd.s32 $0xFFFFFFFF  }
0xa5: {  	s4 =	sld [smem:$0x0]  }
0xa6: {  	s5 =	sand.u32 $0xFFFFFFFE, s1  }
0xa7: {  	p0 =	sne.s32 s1, s5  }
0xa8: {  	s5 =	sshll.u32 @p0 s5, $0xE  }
0xa9: {  	s5 =	sadd.s32 @p0 $0x11B8D, s5;
	s6 =	sshll.u32 @p0 s4, $0x11  }
0xaa: {  	s5 =	sor.u32 @p0 s6, s5  }
0xab: {  	[sflag:s5] =	ssyncadd.remote.s32 @p0 $0x1;
	_ =	sdelay $0x1  }
0xac: {  	s5 =	simm.s32 @p0 $0x1B8D  }
0xad: {  	_ =	swait.eq @p0 [sflag:s5], $0x1  }
0xae: {  	[sflag:s5] =	ssyncadd.s32 @p0 $0xFFFFFFFF  }
0xaf: {  	s6 =	sshll.u32 @!p0 s1, $0xE  }
0xb0: {  	s6 =	sor.u32 @!p0 $0x4000, s6;
	s5 =	simm.s32 @!p0 $0x1B8D  }
0xb1: {  	s4 =	sshll.u32 @!p0 s4, $0x11;
	s6 =	sadd.s32 @!p0 $0x11B8D, s6;
	_ =	swait.eq @!p0 [sflag:s5], $0x1  }
0xb2: {  	s4 =	sor.u32 @!p0 s4, s6;
	[sflag:s5] =	ssyncadd.s32 @!p0 $0xFFFFFFFF  }
0xb3: {  	s25 =	simm.s32 $0x1B8E;
	s24 =	sld [smem:$0x3FFE];
	[sflag:s4] =	ssyncadd.remote.s32 @!p0 $0x1  }
0xb4: {  	s26 =	simm.s32 $execute0_lowered;
	[smem:$0x3FD2] =	sst s25  }
0xb5: {  	s5 =	sshll.u32 s26, $0x1;
	_ =	strace $0x80000058;
	[dreg:$0x1] =	wrdreg $0xFFFFFFFF  }
0xb6: {  	s28 =	simm.s32 $_size_execute0_lowered;
	s3 =	sadd.s32 s3, s5;
	[dreg:$0x0] =	wrdreg $0x0  }
0xb7: {  	s5 =	sshll.u32 s28, $0x1;
	[dreg:$0x2] =	wrdreg s3  }
0xb8: {  	[dreg:$0x3] =	wrdreg s5  }
0xb9: {  	[dreg:$0x4] =	wrdreg $0xC0  }
0xba: {  	_ =	task [dreg:s22], $0x5FFFF  }
0xbb: {  	[dreg:$0x1] =	wrdreg $0xFFFFFFFF  }
0xbc: {  	[dreg:$0x0] =	wrdreg $0x60  }
0xbd: {  	[dreg:$0x2] =	wrdreg s24  }
0xbe: {  	[dreg:$0x3] =	wrdreg $0x8C000  }
0xbf: {  	[dreg:$0x4] =	wrdreg $0xC  }
0xc0: {  	_ =	task.clear_ibuf [dreg:s22], $0x5FFFF;
	_ =	strace $0x90000058  }
0xc1: {  	s29 =	simm.s32 $0xC;
	_ =	strace $0x8000005A  }
0xc2: {  	_ =	swait.ge [sflag:s29], $0x1  }
0xc3: {  	[sflag:s29] =	ssyncadd.s32 $0xFFFFFFFF  }
0xc4: {  	_ =	strace $0x9000005A  }
0xc5: {  	_ =	sfence  }
0xc6: {  	s30 =	sld [smem:$0x0];
	_ =	sdelay $0x2  }
0xc7: {  	s31 =	sshll.u32 s1, $0xD;
	s1 =	sshrl.u32 s1, $0x2  }
0xc8: {  	s4 =	sand.u32 $0x4000, s31;
	s1 =	sadd.s32 s1, s30  }
0xc9: {  	s0 =	sor.u32 s4, s0;
	s1 =	sshll.u32 s1, $0x11  }
0xca: {  	s0 =	sor.u32 s1, s0  }
0xcb: {  	s0 =	sadd.s32 $0x8F2B, s0  }
0xcc: {  	[sflag:s0] =	ssyncadd.remote.s32 $0x1  }
0xcd: {  	_ =	sfence.sel $0xFFFF  }
0xce: {  	[dreg:$0x0] =	wrdreg $0xFFFFFFFF;
	(pc) =	sbr.abs _section_cstart, $3  }
0xcf: {  	[dreg:$0x1] =	wrdreg $0xFFFFFFFF  }
0xd0: {  	_ =	task.clear_ibuf [dreg:s22], $0x2FFFF;
	_ =	strace $0x9FFFFFFF  }
0xd1: {  	(tm) =	ssettm $0x7FFFFFFF  }
tec
execute0_lowered:
.L_overlay_start_1:
0x0: {  	(tag) =	ssettag $0x1  }
0x1: {  	s1 =	srdreg.scid;
	s5 =	rddreg [dreg:$0x0]  }
0x2: {  	s0 =	stileid.u32;
	s2 =	rddreg [dreg:$0x1];
	s3 =	simm.s32 $0x0  }
0x3: {  	s15 =	simm.s32 $0xC00;
	s16 =	simm.s32 $0x4C00;
	s17 =	simm.s32 $0x1  }
0x4: {  	s18 =	simm.s32 $0x80;
	s19 =	simm.s32 $0x3;
	s20 =	simm.s32 $0x900  }
0x5: {  	s21 =	simm.s32 $0x980;
	s22 =	simm.s32 $0x0;
	s8 =	smul.u32 $0x14000, s0  }
0x6: {  	s4 =	sand.u32 $0x1, s1;
	s1 =	rddreg [dreg:$0x2];
	s10 =	smul.u32 $0x50000, s0  }
0x7: {  	s25 =	sshll.u32 s0, $0x1;
	[smem:$0x7FF] =	sst s3;
	s13 =	smul.u32 $0x28, s0  }
0x8: {  	s11 =	sadd.s32 $0xFD7000, s5;
	s29 =	sshll.u32 s0, $0x6;
	s9 =	smul.u32 $0x140000, s4  }
0x9: {  	s6 =	sor.u32 s4, s25;
	s26 =	ssub.s32 $0x2, s4;
	s28 =	smul.u32 $0x14, s4  }
0xa: {  	_ =	strace $0x80000059;
	s7 =	smul.u32 $0x180, s6;
	s12 =	sshrl.u32 s26, $0x1  }
0xb: {  	s10 =	sshrl.u32 s10, $0x2;
	s30 =	smul.u32 $0xA000, s6;
	s9 =	sadd.s32 s8, s9  }
0xc: {  	s8 =	sshrl.u32 s8, $0x3;
	s12 =	ssub.s32 s26, s12;
	s14 =	sadd.s32 s10, s2  }
0xd: {  	s10 =	sadd.s32 s28, s13;
	s7 =	sadd.s32 s7, s5;
	s9 =	sshrl.u32 s9, $0x3  }
0xe: {  	s8 =	sadd.s32 s8, s5;
	s13 =	sshll.u32 s10, $0xB;
	s9 =	sadd.s32 s9, s5  }
0xf: {  	s4 =	sadd.s32 $0xF09000, s8;
	s5 =	sor.u32 $0x1C02, s29;
	s6 =	sadd.s32 $0xFD4000, s7  }
0x10: {  	s7 =	sadd.s32 s11, s30;
	s31 =	sadd.s32 s13, s11;
	s13 =	sshrl.u32 s14, $0x3  }
0x11: {  	s14 =	simm.s32 $0x2;
	s8 =	sadd.s32 $0x1117000, s9;
	s9 =	smax.u32 s12, $0x1  }
0x12: {  	s10 =	sadd.s32 $0x9800, s7;
	s11 =	sadd.s32 $0x1000, s31;
	s12 =	sadd.s32 $0x800, s31  }
.LBB2_1:
0x13: {  	[spmem:s13], [sflag:s5] =	dma.local [hbm:s4], $0x2800  }
0x14: {  	_ =	swait.ge [sflag:s14], $0x2800  }
0x15: {  	[sflag:s14] =	ssyncset.done $0x0  }
0x16: {  	[sflag:s14] =	ssyncadd.s32 $0xFFFFD800  }
0x17: {  	[bflag:$0x0] =	sbarrier.arrive $0xFFFF  }
0x18: {  	[tilespmem:s3], [sflag:$0x2] =	stream.linear.gather [hbm4b:s6+s3], $0xA00, $0x38;
	[tilespmem:$0x1CC00] =	vst v63  }
0x19: {  	_ =	swait.ge [sflag:s14], $0xA00  }
0x1a: {  	[sflag:s14] =	ssyncset.done $0x0  }
0x1b: {  	[sflag:s14] =	ssyncadd.s32 $0xFFFFF600  }
0x1c: {  	[tilespmem:s15], [sflag:$0x1] =	stream.linear.gather [hbm4b:s7+s3], $0x4000, $0x38;
	[tilespmem:$0x1CC00] =	vst v63  }
0x1d: {  	s23 =	sadd.s32 $0x0, s12  }
0x1e: {  	[tilespmem:s16], [sflag:$0x1] =	stream.linear.gather [hbm4b:s23+s3], $0x4000, $0x38;
	[tilespmem:$0x1CC00] =	vst v63  }
0x1f: {  	_ =	swait.ge [sflag:s17], $0x4000  }
0x20: {  	[sflag:s17] =	ssyncset.done $0x0  }
0x21: {  	s30 =	simm.s32 $0x0;
	[sflag:s17] =	ssyncadd.s32 $0xFFFFC000  }
0x22: {  	[spmem:s2] =	stream.indirect.scatter.add.f32 [tilespmem:s15], [sflag:$0x3], $0x80, s30, s18, $0xb8;
	[tilespmem:$0x1CC00] =	vst v63  }
0x23: {  	_ =	swait.ge [sflag:s19], $0x4000  }
0x24: {  	[sflag:s19] =	ssyncset.done $0x0  }
0x25: {  	s31 =	sadd.s32 $0x0, s11;
	[sflag:s19] =	ssyncadd.s32 $0xFFFFC000  }
0x26: {  	[tilespmem:s15], [sflag:$0x1] =	stream.linear.gather [hbm4b:s31+s3], $0x4000, $0x38;
	[tilespmem:$0x1CC00] =	vst v63  }
0x27: {  	_ =	swait.ge [sflag:s17], $0x4000  }
0x28: {  	[sflag:s17] =	ssyncset.done $0x0  }
0x29: {  	[sflag:s17] =	ssyncadd.s32 $0xFFFFC000  }
0x2a: {  	[spmem:s2] =	stream.indirect.scatter.add.f32 [tilespmem:s16], [sflag:$0x2], $0x80, s18, s18, $0xb8;
	[tilespmem:$0x1CC00] =	vst v63  }
0x2b: {  	s24 =	simm.s32 $0x1000;
	_ =	swait.ge [sflag:s14], $0x4000  }
0x2c: {  	s25 =	simm.s32 $0x2000;
	s23 =	simm.s32 $0x180;
	[sflag:s14] =	ssyncset.done $0x0  }
.LBB2_2:
0x2d: {  	s26 =	sadd.s32 s24, s12  }
0x2e: {  	[sflag:s14] =	ssyncadd.s32 $0xFFFFC000;
	s28 =	smov.u32 s25;
	s29 =	sadd.s32 $0x1000, s25  }
0x2f: {  	[tilespmem:s16], [sflag:$0x1] =	stream.linear.gather [hbm4b:s26+s3], $0x4000, $0x38;
	[tilespmem:$0x1CC00] =	vst v63  }
0x30: {  	p0 =	sne.s32 s25, $0x8000;
	_ =	swait.ge [sflag:s17], $0x4000  }
0x31: {  	[sflag:s17] =	ssyncset.done $0x0  }
0x32: {  	s25 =	sadd.s32 $0xFFFFFF80, s23;
	[sflag:s17] =	ssyncadd.s32 $0xFFFFC000  }
0x33: {  	[spmem:s2] =	stream.indirect.scatter.add.f32 [tilespmem:s15], [sflag:$0x3], $0x80, s25, s18, $0xb8;
	[tilespmem:$0x1CC00] =	vst v63  }
0x34: {  	_ =	swait.ge [sflag:s19], $0x4000  }
0x35: {  	[sflag:s19] =	ssyncset.done $0x0  }
0x36: {  	s25 =	sadd.s32 s24, s11;
	s24 =	smov.u32 s28;
	[sflag:s19] =	ssyncadd.s32 $0xFFFFC000  }
0x37: {  	[tilespmem:s15], [sflag:$0x1] =	stream.linear.gather [hbm4b:s25+s3], $0x4000, $0x38;
	[tilespmem:$0x1CC00] =	vst v63  }
0x38: {  	_ =	swait.ge [sflag:s17], $0x4000  }
.Ltmp0:
0x39: {  	[sflag:s17] =	ssyncset.done $0x0;
	(pc) =	sbr.rel @p0 .LBB2_2-.Ltmp0, $4  }
0x3a: {  	[sflag:s17] =	ssyncadd.s32 $0xFFFFC000  }
0x3b: {  	[spmem:s2] =	stream.indirect.scatter.add.f32 [tilespmem:s16], [sflag:$0x2], $0x80, s23, s18, $0xb8;
	[tilespmem:$0x1CC00] =	vst v63  }
0x3c: {  	_ =	swait.ge [sflag:s14], $0x4000  }
0x3d: {  	s25 =	smov.u32 s29;
	s23 =	sadd.s32 $0x100, s23;
	[sflag:s14] =	ssyncset.done $0x0  }
0x3e: {  	s25 =	sadd.s32 s24, s12;
	[sflag:s14] =	ssyncadd.s32 $0xFFFFC000  }
0x3f: {  	[tilespmem:s16], [sflag:$0x1] =	stream.linear.gather [hbm4b:s25+s3], $0x4000, $0x38;
	[tilespmem:$0x1CC00] =	vst v63  }
0x40: {  	_ =	swait.ge [sflag:s17], $0x4000  }
0x41: {  	[sflag:s17] =	ssyncset.done $0x0  }
0x42: {  	s30 =	sadd.s32 $0xFFFFFF80, s23;
	[sflag:s17] =	ssyncadd.s32 $0xFFFFC000  }
0x43: {  	[spmem:s2] =	stream.indirect.scatter.add.f32 [tilespmem:s15], [sflag:$0x3], $0x80, s30, s18, $0xb8;
	[tilespmem:$0x1CC00] =	vst v63  }
0x44: {  	_ =	swait.ge [sflag:s19], $0x4000  }
0x45: {  	[sflag:s19] =	ssyncset.done $0x0  }
0x46: {  	s31 =	sadd.s32 s24, s11;
	[sflag:s19] =	ssyncadd.s32 $0xFFFFC000  }
0x47: {  	[tilespmem:s15], [sflag:$0x1] =	stream.linear.gather [hbm4b:s31+s3], $0x4000, $0x38;
	[tilespmem:$0x1CC00] =	vst v63  }
0x48: {  	_ =	swait.ge [sflag:s17], $0x4000  }
0x49: {  	[sflag:s17] =	ssyncset.done $0x0  }
0x4a: {  	[sflag:s17] =	ssyncadd.s32 $0xFFFFC000  }
0x4b: {  	[spmem:s2] =	stream.indirect.scatter.add.f32 [tilespmem:s16], [sflag:$0x2], $0x80, s23, s18, $0xb8;
	[tilespmem:$0x1CC00] =	vst v63  }
0x4c: {  	_ =	swait.ge [sflag:s14], $0x4000  }
0x4d: {  	[sflag:s14] =	ssyncset.done $0x0  }
0x4e: {  	[sflag:s14] =	ssyncadd.s32 $0xFFFFC000  }
0x4f: {  	[tilespmem:s16], [sflag:$0x1] =	stream.linear.gather [hbm4b:s10+s3], $0x4000, $0x38;
	[tilespmem:$0x1CC00] =	vst v63  }
0x50: {  	_ =	swait.ge [sflag:s17], $0x4000  }
0x51: {  	[sflag:s17] =	ssyncset.done $0x0  }
0x52: {  	[sflag:s17] =	ssyncadd.s32 $0xFFFFC000  }
0x53: {  	[spmem:s2] =	stream.indirect.scatter.add.f32 [tilespmem:s15], [sflag:$0x3], $0x80, s20, s18, $0xb8;
	[tilespmem:$0x1CC00] =	vst v63  }
0x54: {  	_ =	swait.ge [sflag:s19], $0x4000  }
0x55: {  	[sflag:s19] =	ssyncset.done $0x0  }
0x56: {  	[sflag:s19] =	ssyncadd.s32 $0xFFFFC000  }
0x57: {  	_ =	swait.ge [sflag:s17], $0x4000  }
0x58: {  	[sflag:s17] =	ssyncset.done $0x0  }
0x59: {  	[sflag:s17] =	ssyncadd.s32 $0xFFFFC000  }
0x5a: {  	[spmem:s2] =	stream.indirect.scatter.add.f32 [tilespmem:s16], [sflag:$0x2], $0x80, s21, s18, $0xb8;
	[tilespmem:$0x1CC00] =	vst v63  }
0x5b: {  	_ =	swait.ge [sflag:s14], $0x4000  }
0x5c: {  	s22 =	sadd.s32 $0x1, s22;
	[sflag:s14] =	ssyncset.done $0x0  }
0x5d: {  	p0 =	sne.s32 s22, s9;
	[sflag:s14] =	ssyncadd.s32 $0xFFFFC000  }
.Ltmp1:
0x5e: {  	[bflag:$0x0] =	sbarrier.arrive $0xFFFF;
	(pc) =	sbr.rel @p0 .LBB2_1-.Ltmp1, $4  }
0x5f: {  	[hbm:s8], [sflag:s5] =	dma.local [spmem:s13], $0x2800  }
0x60: {  	_ =	swait.ge [sflag:s14], $0x2800  }
0x61: {  	[sflag:s14] =	ssyncset.done $0x0  }
0x62: {  	[sflag:s14] =	ssyncadd.s32 $0xFFFFD800  }
0x63: {  	_ =	sfence.sel $0x180000  }
0x64: {  	[bflag:$0x0] =	sbarrier.arrive $0xFFFF  }
0x65: {  	p0 =	sne.s32 s0, $0x0;
	_ =	strace $0x90000059  }
0x66: {  	s0 =	sadd.s32 @!p0 $0x100000, s1;
	[bflag:$0x2] =	sbarrier.arrive $0xFFFF  }
0x67: {  	[sflag:s0] =	ssyncadd.tile.s32 @!p0 $0x1;
	_ =	shalt  }
.Lfunc_end2:
_tile_overlayer_lowered:
.L_overlay_start_2:
0x68: {  	(tag) =	ssettag $0x2  }
0x69: {  	s0 =	rddreg [dreg:$0x0];
	s2 =	stileid.u32  }
0x6a: {  	s1 =	rddreg [dreg:$0x1];
	p0 =	sne.s32 s2, $0x0  }
0x6b: {  	s3 =	rddreg [dreg:$0x2];
	[bflag:$0x3] =	sbarrier.arrive $0xFFFF;
	s2 =	simm.s32 @!p0 $0x1C02  }
0x6c: {  	[timem:s3], [sflag:s2] =	dma.local @!p0 [hbm:s0], s1  }
0x6d: {  	s0 =	simm.s32 @!p0 $0x2  }
0x6e: {  	_ =	swait.ge @!p0 [sflag:s0], s1  }
0x6f: {  	s1 =	ssub.s32 @!p0 $0x0, s1;
	[sflag:s0] =	ssyncset.done @!p0 $0x0  }
0x70: {  	[sflag:s0] =	ssyncadd.s32 @!p0 s1  }
0x71: {  	[bflag:$0x3] =	sbarrier.arrive $0xFFFF  }
0x72: {  	_ =	shalt  }

// kernel: kernel.33.cloned.1.call-start
scs
__scs_entry_jumppad:
0x0: {  	(pc) =	sbr.rel $0x88, $3  }
0x1: {  	(tag) =	ssettag $0x0;
	lr =	simm.s32 $0x1  }
0x2: {  	[smem:$0x3F8B] =	sst lr;
	_ =	strace $0xD0000000  }
0x3: {  	_ = 	snop  }
0x4: {  	_ = 	snop  }
0x5: {  	_ = 	snop  }
0x6: {  	_ = 	snop  }
0x7: {  	_ = 	snop  }
__scs_overlays_trampoline_lowered:
0x8: {  	[smem:$0x3F9A] =	sst s0  }
0x9: {  	[smem:$0x3F9B] =	sst s1  }
0xa: {  	[smem:$0x3F9C] =	sst s2  }
0xb: {  	[smem:$0x3F9D] =	sst s3  }
0xc: {  	[smem:$0x3F9E] =	sst s4  }
0xd: {  	[smem:$0x3F9F] =	sst s5  }
0xe: {  	[smem:$0x3FA0] =	sst s6  }
0xf: {  	[smem:$0x3FA1] =	sst s7  }
0x10: {  	[smem:$0x3FA2] =	sst s8  }
0x11: {  	[smem:$0x3FA3] =	sst s9;
	s0 =	simm.s32 @!p0 $0x0  }
0x12: {  	s1 =	sld [smem:$0x3F89];
	s0 =	simm.s32 @p0 $0x1  }
0x13: {  	[smem:$0x3FA4] =	sst s0;
	s0 =	simm.s32 @!p1 $0x0  }
0x14: {  	s2 =	sld [smem:$0x3F88];
	s0 =	simm.s32 @p1 $0x1  }
0x15: {  	[smem:$0x3FA5] =	sst s0;
	s0 =	simm.s32 @!p2 $0x0  }
0x16: {  	s3 =	sld [smem:$0x3FDB];
	s0 =	simm.s32 @p2 $0x1  }
0x17: {  	s4 =	simm.s32 $0x1BF5;
	[smem:$0x3FA7] =	sst s0  }
0x18: {  	s0 =	sld [smem:$0x3F8A];
	_ =	swait.ge [sflag:s4], $0x0  }
0x19: {  	s7 =	sld [smem:$0x3F8B]  }
0x1a: {  	s8 =	sadd.s32 $0xFFFFE003, lr  }
0x1b: {  	s9 =	sadd.s32 $0xFFFFFEF7, lr;
	s5 =	simm.s32 $0xFFFFFFFF;
	p2 =	slt.u32 s8, $0xFFFFF086  }
0x1c: {  	p1 =	slt.u32 s9, $0xF7A;
	s5 =	simm.s32 @!p2 $0x0  }
0x1d: {  	s5 =	simm.s32 @p1 $0x1;
	p0 =	seq.s32 s7, s2  }
0x1e: {  	s7 =	smul.u32 @!p0 $0xF7A, s2;
	p2 =	seq.s32 @!p0 s5, $0x0  }
0x1f: {  	s9 =	smul.u32 $0xF7A, s1;
	s8 =	simm.s32 @!p0 $0x1BF5;
	p2 =	por !p2, p0  }
0x20: {  	[sflag:s8] =	ssyncset.s32 @!p0 $0xFFFFF086;
	s6 =	sadd.s32 @!p0 s3, s7;
	s7 =	simm.s32 @!p0 $0x108  }
0x21: {  	s3 =	sadd.s32 s3, s9;
	s6 =	sadd.s32 @!p0 $0x88, s6;
	s7 =	simm.s32 @p2 $0x1082  }
0x22: {  	[simem:s7], [sflag:s8] =	dma.local @!p0 [hbm:s6], $0xF7A  }
0x23: {  	s9 =	sor.u32 $0xD0000000, s2;
	s6 =	simm.s32 $0x108;
	_ =	swait.ge @!p0 [sflag:s8], $0x0  }
0x24: {  	s3 =	sadd.s32 $0x88, s3;
	s6 =	simm.s32 @!p1 $0x1082;
	[sflag:s4] =	ssyncset.s32 $0xFFFFF086  }
0x25: {  	[simem:s6], [sflag:s4] =	dma.local [hbm:s3], $0xF7A  }
0x26: {  	[smem:$0x3F8B] =	sst s1;
	(tag) =	ssettag s2;
	_ =	strace s9  }
0x27: {  	s1 =	sld [smem:$0x3F9B]  }
0x28: {  	s2 =	sld [smem:$0x3F9C]  }
0x29: {  	s4 =	sld [smem:$0x3F9E]  }
0x2a: {  	p0 =	seq.s32 s5, $0x0;
	s5 =	sld [smem:$0x3F9F]  }
0x2b: {  	s6 =	sld [smem:$0x3FA0]  }
0x2c: {  	s7 =	sld [smem:$0x3FA1]  }
0x2d: {  	s3 =	simm.s32 $0x108;
	s8 =	sld [smem:$0x3FA2]  }
0x2e: {  	s3 =	simm.s32 @!p0 $0x1082;
	s9 =	sld [smem:$0x3FA3]  }
0x2f: {  	lr =	sadd.s32 s0, s3;
	s0 =	sld [smem:$0x3F9A]  }
0x30: {  	s3 =	sld [smem:$0x3F9D]  }
0x31: {  	[smem:$0x3FA6] =	sst s10  }
0x32: {  	s10 =	sld [smem:$0x3FA4];
	_ =	sdelay $0x3  }
0x33: {  	p0 =	seq.s32 s10, $0x1;
	s10 =	sld [smem:$0x3FA6];
	_ =	sdelay $0x3  }
0x34: {  	[smem:$0x3FA6] =	sst s10  }
0x35: {  	s10 =	sld [smem:$0x3FA5];
	_ =	sdelay $0x3  }
0x36: {  	p1 =	seq.s32 s10, $0x1;
	s10 =	sld [smem:$0x3FA6];
	_ =	sdelay $0x3  }
0x37: {  	[smem:$0x3FA6] =	sst s10  }
0x38: {  	s10 =	sld [smem:$0x3FA7]  }
0x39: {  	_ = 	snop;
	(pc) =	sbr.ind lr, $3  }
0x3a: {  	_ = 	snop  }
0x3b: {  	_ = 	snop  }
0x3c: {  	p2 =	seq.s32 s10, $0x1;
	s10 =	sld [smem:$0x3FA6]  }
0x3d: {  	_ =	shalt  }
0x3e: {  	_ =	shalt  }
0x3f: {  	_ =	shalt  }
0x40: {  	_ =	shalt  }
0x41: {  	_ =	shalt  }
0x42: {  	_ =	shalt  }
0x43: {  	_ =	shalt  }
0x44: {  	_ =	shalt  }
0x45: {  	_ =	shalt  }
0x46: {  	_ =	shalt  }
0x47: {  	_ =	shalt  }
0x48: {  	_ =	shalt  }
0x49: {  	_ =	shalt  }
0x4a: {  	_ =	shalt  }
0x4b: {  	_ =	shalt  }
0x4c: {  	_ =	shalt  }
0x4d: {  	_ =	shalt  }
0x4e: {  	_ =	shalt  }
0x4f: {  	_ =	shalt  }
0x50: {  	_ =	shalt  }
0x51: {  	_ =	shalt  }
0x52: {  	_ =	shalt  }
0x53: {  	_ =	shalt  }
0x54: {  	_ =	shalt  }
0x55: {  	_ =	shalt  }
0x56: {  	_ =	shalt  }
0x57: {  	_ =	shalt  }
0x58: {  	_ =	shalt  }
0x59: {  	_ =	shalt  }
0x5a: {  	_ =	shalt  }
0x5b: {  	_ =	shalt  }
0x5c: {  	_ =	shalt  }
0x5d: {  	_ =	shalt  }
0x5e: {  	_ =	shalt  }
0x5f: {  	_ =	shalt  }
0x60: {  	_ =	shalt  }
0x61: {  	_ =	shalt  }
0x62: {  	_ =	shalt  }
0x63: {  	_ =	shalt  }
0x64: {  	_ =	shalt  }
0x65: {  	_ =	shalt  }
0x66: {  	_ =	shalt  }
0x67: {  	_ =	shalt  }
0x68: {  	_ =	shalt  }
0x69: {  	_ =	shalt  }
0x6a: {  	_ =	shalt  }
0x6b: {  	_ =	shalt  }
0x6c: {  	_ =	shalt  }
0x6d: {  	_ =	shalt  }
0x6e: {  	_ =	shalt  }
0x6f: {  	_ =	shalt  }
0x70: {  	_ =	shalt  }
0x71: {  	_ =	shalt  }
0x72: {  	_ =	shalt  }
0x73: {  	_ =	shalt  }
0x74: {  	_ =	shalt  }
0x75: {  	_ =	shalt  }
0x76: {  	_ =	shalt  }
0x77: {  	_ =	shalt  }
0x78: {  	_ =	shalt  }
0x79: {  	_ =	shalt  }
0x7a: {  	_ =	shalt  }
0x7b: {  	_ =	shalt  }
0x7c: {  	_ =	shalt  }
0x7d: {  	_ =	shalt  }
0x7e: {  	_ =	shalt  }
0x7f: {  	_ =	shalt  }
0x80: {  	_ =	shalt  }
0x81: {  	_ =	shalt  }
0x82: {  	_ =	shalt  }
0x83: {  	_ =	shalt  }
0x84: {  	_ =	shalt  }
0x85: {  	_ =	shalt  }
0x86: {  	_ =	shalt  }
0x87: {  	_ =	shalt  }
.Lfunc_end0:
.L_simem_size_0:
called_computation.6_lowered:
.L_overlay_start_0:
0x88: {  	s2 =	sld [smem:$0x3FD9]  }
0x89: {  	s3 =	sld [smem:$0x3FFE];
	_ =	sdelay $0x1  }
0x8a: {  	s1 =	srdreg.scid  }
0x8b: {  	s0 =	sand.u32 $0x1, s1  }
0x8c: {  	s17 =	sshll.u32 s0, $0xA;
	s2 =	sadd.s32 s3, s2  }
0x8d: {  	s2 =	sadd.s32 s2, s17  }
0x8e: {  	[smem:$0x3FB2] =	sst s2  }
0x8f: {  	_ = 	snop  }
0x90: {  	s18 =	sld [smem:$0x3FC9];
	(tm) =	ssettm $0x1  }
0x91: {  	s19 =	sld [smem:$0x3FFB];
	_ =	sdelay $0x3  }
0x92: {  	_ =	strace s19  }
0x93: {  	s2 =	sld [smem:$0x3FFC];
	_ =	sdelay $0x3  }
0x94: {  	_ =	strace s2  }
0x95: {  	s2 =	sld [smem:$0x3FFD];
	_ =	sdelay $0x3  }
0x96: {  	_ =	strace s2  }
0x97: {  	_ =	strace $0x8FFFFFFF  }
0x98: {  	s20 =	sld [smem:$0x3FDB];
	_ =	sdelay $0x1  }
0x99: {  	s4 =	simm.s32 $_scs_section_size  }
0x9a: {  	s5 =	simm.s32 $_size__tile_overlayer_lowered;
	s6 =	simm.s32 $_tile_overlayer_lowered  }
0x9b: {  	s7 =	simm.s32 $0x1BFF;
	s21 =	sshll.u32 s6, $0x1;
	s4 =	sadd.s32 s4, s20  }
0x9c: {  	s22 =	simm.s32 $0x0;
	s5 =	sshll.u32 s5, $0x1;
	s6 =	sadd.s32 s21, s4  }
0x9d: {  	[timem:s22], [sflag:s7] =	dma.local [hbm:s6], s5  }
0x9e: {  	_ =	swait.ge [sflag:s7], s5  }
0x9f: {  	s5 =	ssub.s32 $0x0, s5;
	[sflag:s7] =	ssyncset.done $0x0  }
0xa0: {  	[sflag:s7] =	ssyncadd.s32 s5;
	_ =	sdelay $0x1  }
0xa1: {  	s23 =	simm.s32 $0x1B8B  }
0xa2: {  	_ =	swait.ge [sflag:s23], $0x1  }
0xa3: {  	[sflag:s23] =	ssyncset.done $0x0  }
0xa4: {  	[sflag:s23] =	ssyncadd.s32 $0xFFFFFFFF  }
0xa5: {  	s5 =	sld [smem:$0x0]  }
0xa6: {  	s6 =	sand.u32 $0xFFFFFFFE, s1  }
0xa7: {  	p0 =	sne.s32 s1, s6  }
0xa8: {  	s6 =	sshll.u32 @p0 s6, $0xE  }
0xa9: {  	s6 =	sadd.s32 @p0 $0x11B8D, s6;
	s7 =	sshll.u32 @p0 s5, $0x11  }
0xaa: {  	s6 =	sor.u32 @p0 s7, s6  }
0xab: {  	[sflag:s6] =	ssyncadd.remote.s32 @p0 $0x1;
	_ =	sdelay $0x1  }
0xac: {  	s6 =	simm.s32 @p0 $0x1B8D  }
0xad: {  	_ =	swait.eq @p0 [sflag:s6], $0x1  }
0xae: {  	[sflag:s6] =	ssyncadd.s32 @p0 $0xFFFFFFFF  }
0xaf: {  	s7 =	sshll.u32 @!p0 s1, $0xE  }
0xb0: {  	s7 =	sor.u32 @!p0 $0x4000, s7;
	s6 =	simm.s32 @!p0 $0x1B8D  }
0xb1: {  	s5 =	sshll.u32 @!p0 s5, $0x11;
	s7 =	sadd.s32 @!p0 $0x11B8D, s7;
	_ =	swait.eq @!p0 [sflag:s6], $0x1  }
0xb2: {  	s5 =	sor.u32 @!p0 s5, s7;
	[sflag:s6] =	ssyncadd.s32 @!p0 $0xFFFFFFFF  }
0xb3: {  	s25 =	simm.s32 $0x1B8E;
	s24 =	sld [smem:$0x3FFE];
	[sflag:s5] =	ssyncadd.remote.s32 @!p0 $0x1  }
0xb4: {  	s26 =	simm.s32 $execute0_lowered;
	[smem:$0x3FD2] =	sst s25  }
0xb5: {  	s6 =	sshll.u32 s26, $0x1;
	_ =	strace $0x8000004F;
	[dreg:$0x1] =	wrdreg $0xFFFFFFFF  }
0xb6: {  	s28 =	simm.s32 $_size_execute0_lowered;
	s4 =	sadd.s32 s4, s6;
	[dreg:$0x0] =	wrdreg $0x0  }
0xb7: {  	s6 =	sshll.u32 s28, $0x1;
	[dreg:$0x2] =	wrdreg s4  }
0xb8: {  	[dreg:$0x3] =	wrdreg s6  }
0xb9: {  	[dreg:$0x4] =	wrdreg $0xC0  }
0xba: {  	_ =	task [dreg:s22], $0x5FFFF  }
0xbb: {  	[dreg:$0x1] =	wrdreg $0xFFFFFFFF  }
0xbc: {  	[dreg:$0x0] =	wrdreg $0x60  }
0xbd: {  	[dreg:$0x2] =	wrdreg s18  }
0xbe: {  	[dreg:$0x3] =	wrdreg s24  }
0xbf: {  	[dreg:$0x4] =	wrdreg $0xA  }
0xc0: {  	_ =	task.clear_ibuf [dreg:s22], $0x5FFFF;
	_ =	strace $0x9000004F  }
0xc1: {  	s29 =	simm.s32 $0xA;
	_ =	strace $0x80000051  }
0xc2: {  	_ =	swait.ge [sflag:s29], $0x1  }
0xc3: {  	[sflag:s29] =	ssyncadd.s32 $0xFFFFFFFF  }
0xc4: {  	_ =	strace $0x90000051  }
0xc5: {  	_ =	sfence  }
0xc6: {  	s30 =	sld [smem:$0x0];
	_ =	sdelay $0x2  }
0xc7: {  	s31 =	sshll.u32 s1, $0xD;
	s1 =	sshrl.u32 s1, $0x2  }
0xc8: {  	s4 =	sand.u32 $0x4000, s31;
	s1 =	sadd.s32 s1, s30  }
0xc9: {  	s0 =	sor.u32 s4, s0;
	s1 =	sshll.u32 s1, $0x11  }
0xca: {  	s0 =	sor.u32 s1, s0  }
0xcb: {  	s0 =	sadd.s32 $0x8F2B, s0  }
0xcc: {  	[sflag:s0] =	ssyncadd.remote.s32 $0x1  }
0xcd: {  	_ =	sfence.sel $0xFFFF  }
0xce: {  	[dreg:$0x0] =	wrdreg $0xFFFFFFFF;
	(pc) =	sbr.abs _section_cstart, $3  }
0xcf: {  	[dreg:$0x1] =	wrdreg $0xFFFFFFFF  }
0xd0: {  	_ =	task.clear_ibuf [dreg:s22], $0x2FFFF;
	_ =	strace $0x9FFFFFFF  }
0xd1: {  	(tm) =	ssettm $0x7FFFFFFF  }
tec
execute0_lowered:
.L_overlay_start_1:
0x0: {  	(tag) =	ssettag $0x1  }
0x1: {  	s1 =	srdreg.scid;
	s2 =	rddreg [dreg:$0x0]  }
0x2: {  	s0 =	stileid.u32;
	s5 =	rddreg [dreg:$0x1]  }
0x3: {  	s3 =	simm.s32 $0x0;
	s11 =	simm.s32 $0x80;
	s12 =	simm.s32 $0x1800  }
0x4: {  	s13 =	simm.s32 $0x9800;
	s14 =	simm.s32 $0x5800;
	s15 =	simm.s32 $0xD800  }
0x5: {  	s16 =	simm.s32 $0x1;
	s17 =	simm.s32 $0x0;
	s4 =	sand.u32 $0x1, s1  }
0x6: {  	s30 =	sshll.u32 s0, $0x1;
	s1 =	rddreg [dreg:$0x2];
	s7 =	smul.u32 $0x14000, s0  }
0x7: {  	s6 =	sor.u32 s4, s30;
	s8 =	ssub.s32 $0x2, s4;
	s10 =	smul.u32 $0xA000, s4  }
0x8: {  	[smem:$0x7FF] =	sst s3;
	s6 =	smul.u32 $0x180, s6;
	s9 =	sshrl.u32 s8, $0x1  }
0x9: {  	_ =	strace $0x80000050;
	s7 =	sadd.s32 s7, s5;
	s8 =	ssub.s32 s8, s9  }
0xa: {  	s31 =	sadd.s32 s10, s7;
	s9 =	simm.s32 $0x2;
	s6 =	sadd.s32 s6, s5  }
0xb: {  	s10 =	simm.s32 $0xC00;
	s7 =	sadd.s32 $0x7A4000, s31;
	s4 =	sadd.s32 $0x79E000, s6  }
0xc: {  	s5 =	sadd.s32 $0x7A1000, s6;
	s6 =	smax.u32 s8, $0x1;
	s8 =	sadd.s32 $0x8E4000, s31  }
.LBB2_1:
0xd: {  	[tilespmem:s3], [sflag:$0x2] =	stream.linear.gather [hbm4b:s4+s3], $0xA00, $0x38;
	[tilespmem:$0x11800] =	vst v63  }
0xe: {  	_ =	swait.ge [sflag:s9], $0xA00  }
0xf: {  	[sflag:s9] =	ssyncset.done $0x0  }
0x10: {  	[sflag:s9] =	ssyncadd.s32 $0xFFFFF600  }
0x11: {  	[tilespmem:s10], [sflag:$0x2] =	stream.linear.gather [hbm4b:s5+s3], $0xA00, $0x38;
	[tilespmem:$0x11800] =	vst v63  }
0x12: {  	_ =	swait.ge [sflag:s9], $0xA00  }
0x13: {  	[sflag:s9] =	ssyncset.done $0x0  }
0x14: {  	s18 =	simm.s32 $0xC00;
	[sflag:s9] =	ssyncadd.s32 $0xFFFFF600  }
0x15: {  	[tilespmem:s12], [sflag:$0x1] =	stream.indirect.gather [hbm4b:s2+s11], $0x80, s18, s11, $0xb8;
	[tilespmem:$0x11800] =	vst v63  }
0x16: {  	s28 =	simm.s32 $0x0  }
0x17: {  	[tilespmem:s13], [sflag:$0x1] =	stream.indirect.gather [hbm4b:s2+s11], $0x80, s28, s11, $0xb8;
	[tilespmem:$0x11800] =	vst v63  }
0x18: {  	s29 =	simm.s32 $0xC80  }
0x19: {  	[tilespmem:s14], [sflag:$0x1] =	stream.indirect.gather [hbm4b:s2+s11], $0x80, s29, s11, $0xb8;
	[tilespmem:$0x11800] =	vst v63  }
0x1a: {  	_ = 	snop  }
0x1b: {  	[tilespmem:s15], [sflag:$0x1] =	stream.indirect.gather [hbm4b:s2+s11], $0x80, s11, s11, $0xb8;
	[tilespmem:$0x11800] =	vst v63  }
0x1c: {  	_ =	swait.ge [sflag:s16], $0x4000  }
0x1d: {  	[sflag:s16] =	ssyncset.done $0x0  }
0x1e: {  	[sflag:s16] =	ssyncadd.s32 $0xFFFFC000  }
0x1f: {  	_ =	swait.ge [sflag:s16], $0x4000  }
0x20: {  	[sflag:s16] =	ssyncset.done $0x0  }
0x21: {  	[sflag:s16] =	ssyncadd.s32 $0xFFFFC000  }
0x22: {  	_ =	swait.ge [sflag:s16], $0x4000  }
0x23: {  	[sflag:s16] =	ssyncset.done $0x0  }
0x24: {  	[sflag:s16] =	ssyncadd.s32 $0xFFFFC000  }
0x25: {  	_ =	swait.ge [sflag:s16], $0x4000  }
0x26: {  	[sflag:s16] =	ssyncset.done $0x0  }
0x27: {  	s30 =	sadd.s32 $0x0, s7;
	[sflag:s16] =	ssyncadd.s32 $0xFFFFC000  }
0x28: {  	[hbm4b:s30+s3] =	stream.linear.scatter [tilespmem:s12], [sflag:$0x2], $0x4000, $0x38;
	[tilespmem:$0x11800] =	vst v63  }
0x29: {  	_ =	swait.ge [sflag:s9], $0x4000  }
0x2a: {  	[sflag:s9] =	ssyncset.done $0x0  }
0x2b: {  	s19 =	sadd.s32 $0x0, s8;
	[sflag:s9] =	ssyncadd.s32 $0xFFFFC000  }
0x2c: {  	[hbm4b:s19+s3] =	stream.linear.scatter [tilespmem:s13], [sflag:$0x2], $0x4000, $0x38;
	[tilespmem:$0x11800] =	vst v63  }
0x2d: {  	_ =	swait.ge [sflag:s9], $0x4000  }
0x2e: {  	[sflag:s9] =	ssyncset.done $0x0  }
0x2f: {  	s18 =	sadd.s32 $0x800, s30;
	[sflag:s9] =	ssyncadd.s32 $0xFFFFC000  }
0x30: {  	[hbm4b:s18+s3] =	stream.linear.scatter [tilespmem:s14], [sflag:$0x2], $0x4000, $0x38;
	[tilespmem:$0x11800] =	vst v63  }
0x31: {  	_ =	swait.ge [sflag:s9], $0x4000  }
0x32: {  	[sflag:s9] =	ssyncset.done $0x0  }
0x33: {  	s31 =	sadd.s32 $0x800, s19;
	[sflag:s9] =	ssyncadd.s32 $0xFFFFC000  }
0x34: {  	[hbm4b:s31+s3] =	stream.linear.scatter [tilespmem:s15], [sflag:$0x2], $0x4000, $0x38;
	[tilespmem:$0x11800] =	vst v63  }
0x35: {  	s20 =	simm.s32 $0x2000;
	s21 =	simm.s32 $0x80;
	_ =	swait.ge [sflag:s9], $0x4000  }
0x36: {  	s19 =	simm.s32 $0xD80;
	s18 =	simm.s32 $0x1000;
	[sflag:s9] =	ssyncset.done $0x0  }
.LBB2_2:
0x37: {  	s22 =	sadd.s32 $0xFFFFFF80, s19  }
0x38: {  	[sflag:s9] =	ssyncadd.s32 $0xFFFFC000;
	s21 =	sadd.s32 $0x100, s21;
	s23 =	smov.u32 s20  }
0x39: {  	[tilespmem:s12], [sflag:$0x1] =	stream.indirect.gather [hbm4b:s2+s11], $0x80, s22, s11, $0xb8;
	[tilespmem:$0x11800] =	vst v63  }
0x3a: {  	p0 =	sne.s32 s20, $0x9000;
	s20 =	sadd.s32 $0x1000, s20;
	s22 =	sadd.s32 $0xFFFFFF80, s21  }
0x3b: {  	[tilespmem:s13], [sflag:$0x1] =	stream.indirect.gather [hbm4b:s2+s11], $0x80, s22, s11, $0xb8;
	[tilespmem:$0x11800] =	vst v63  }
0x3c: {  	_ = 	snop  }
0x3d: {  	[tilespmem:s14], [sflag:$0x1] =	stream.indirect.gather [hbm4b:s2+s11], $0x80, s19, s11, $0xb8;
	[tilespmem:$0x11800] =	vst v63  }
0x3e: {  	_ = 	snop  }
0x3f: {  	[tilespmem:s15], [sflag:$0x1] =	stream.indirect.gather [hbm4b:s2+s11], $0x80, s21, s11, $0xb8;
	[tilespmem:$0x11800] =	vst v63  }
0x40: {  	_ =	swait.ge [sflag:s16], $0x4000  }
0x41: {  	[sflag:s16] =	ssyncset.done $0x0  }
0x42: {  	[sflag:s16] =	ssyncadd.s32 $0xFFFFC000  }
0x43: {  	_ =	swait.ge [sflag:s16], $0x4000  }
0x44: {  	[sflag:s16] =	ssyncset.done $0x0  }
0x45: {  	[sflag:s16] =	ssyncadd.s32 $0xFFFFC000  }
0x46: {  	_ =	swait.ge [sflag:s16], $0x4000  }
0x47: {  	[sflag:s16] =	ssyncset.done $0x0  }
0x48: {  	[sflag:s16] =	ssyncadd.s32 $0xFFFFC000  }
0x49: {  	_ =	swait.ge [sflag:s16], $0x4000  }
0x4a: {  	[sflag:s16] =	ssyncset.done $0x0  }
0x4b: {  	s22 =	sadd.s32 s18, s7;
	[sflag:s16] =	ssyncadd.s32 $0xFFFFC000  }
0x4c: {  	[hbm4b:s22+s3] =	stream.linear.scatter [tilespmem:s12], [sflag:$0x2], $0x4000, $0x38;
	[tilespmem:$0x11800] =	vst v63  }
0x4d: {  	_ =	swait.ge [sflag:s9], $0x4000  }
0x4e: {  	[sflag:s9] =	ssyncset.done $0x0  }
0x4f: {  	s24 =	sadd.s32 s18, s8;
	s18 =	smov.u32 s23;
	[sflag:s9] =	ssyncadd.s32 $0xFFFFC000  }
0x50: {  	[hbm4b:s24+s3] =	stream.linear.scatter [tilespmem:s13], [sflag:$0x2], $0x4000, $0x38;
	[tilespmem:$0x11800] =	vst v63  }
0x51: {  	_ =	swait.ge [sflag:s9], $0x4000  }
0x52: {  	[sflag:s9] =	ssyncset.done $0x0  }
0x53: {  	s22 =	sadd.s32 $0x800, s22;
	[sflag:s9] =	ssyncadd.s32 $0xFFFFC000  }
0x54: {  	[hbm4b:s22+s3] =	stream.linear.scatter [tilespmem:s14], [sflag:$0x2], $0x4000, $0x38;
	[tilespmem:$0x11800] =	vst v63  }
0x55: {  	_ =	swait.ge [sflag:s9], $0x4000  }
.Ltmp0:
0x56: {  	[sflag:s9] =	ssyncset.done $0x0;
	(pc) =	sbr.rel @p0 .LBB2_2-.Ltmp0, $4  }
0x57: {  	s22 =	sadd.s32 $0x800, s24;
	[sflag:s9] =	ssyncadd.s32 $0xFFFFC000  }
0x58: {  	[hbm4b:s22+s3] =	stream.linear.scatter [tilespmem:s15], [sflag:$0x2], $0x4000, $0x38;
	[tilespmem:$0x11800] =	vst v63  }
0x59: {  	_ =	swait.ge [sflag:s9], $0x4000  }
0x5a: {  	s19 =	sadd.s32 $0x100, s19;
	[sflag:s9] =	ssyncset.done $0x0  }
0x5b: {  	s20 =	sadd.s32 $0xFFFFFF80, s19;
	[sflag:s9] =	ssyncadd.s32 $0xFFFFC000;
	s21 =	sadd.s32 $0x100, s21  }
0x5c: {  	[tilespmem:s12], [sflag:$0x1] =	stream.indirect.gather [hbm4b:s2+s11], $0x80, s20, s11, $0xb8;
	[tilespmem:$0x11800] =	vst v63  }
0x5d: {  	s29 =	sadd.s32 $0xFFFFFF80, s21  }
0x5e: {  	[tilespmem:s13], [sflag:$0x1] =	stream.indirect.gather [hbm4b:s2+s11], $0x80, s29, s11, $0xb8;
	[tilespmem:$0x11800] =	vst v63  }
0x5f: {  	_ = 	snop  }
0x60: {  	[tilespmem:s14], [sflag:$0x1] =	stream.indirect.gather [hbm4b:s2+s11], $0x80, s19, s11, $0xb8;
	[tilespmem:$0x11800] =	vst v63  }
0x61: {  	_ = 	snop  }
0x62: {  	[tilespmem:s15], [sflag:$0x1] =	stream.indirect.gather [hbm4b:s2+s11], $0x80, s21, s11, $0xb8;
	[tilespmem:$0x11800] =	vst v63  }
0x63: {  	_ =	swait.ge [sflag:s16], $0x4000  }
0x64: {  	[sflag:s16] =	ssyncset.done $0x0  }
0x65: {  	[sflag:s16] =	ssyncadd.s32 $0xFFFFC000  }
0x66: {  	_ =	swait.ge [sflag:s16], $0x4000  }
0x67: {  	[sflag:s16] =	ssyncset.done $0x0  }
0x68: {  	[sflag:s16] =	ssyncadd.s32 $0xFFFFC000  }
0x69: {  	_ =	swait.ge [sflag:s16], $0x4000  }
0x6a: {  	[sflag:s16] =	ssyncset.done $0x0  }
0x6b: {  	[sflag:s16] =	ssyncadd.s32 $0xFFFFC000  }
0x6c: {  	_ =	swait.ge [sflag:s16], $0x4000  }
0x6d: {  	[sflag:s16] =	ssyncset.done $0x0  }
0x6e: {  	s30 =	sadd.s32 s18, s7;
	[sflag:s16] =	ssyncadd.s32 $0xFFFFC000  }
0x6f: {  	[hbm4b:s30+s3] =	stream.linear.scatter [tilespmem:s12], [sflag:$0x2], $0x4000, $0x38;
	[tilespmem:$0x11800] =	vst v63  }
0x70: {  	_ =	swait.ge [sflag:s9], $0x4000  }
0x71: {  	[sflag:s9] =	ssyncset.done $0x0  }
0x72: {  	s31 =	sadd.s32 s18, s8;
	[sflag:s9] =	ssyncadd.s32 $0xFFFFC000  }
0x73: {  	[hbm4b:s31+s3] =	stream.linear.scatter [tilespmem:s13], [sflag:$0x2], $0x4000, $0x38;
	[tilespmem:$0x11800] =	vst v63  }
0x74: {  	_ =	swait.ge [sflag:s9], $0x4000  }
0x75: {  	[sflag:s9] =	ssyncset.done $0x0  }
0x76: {  	s19 =	sadd.s32 $0x800, s30;
	[sflag:s9] =	ssyncadd.s32 $0xFFFFC000  }
0x77: {  	[hbm4b:s19+s3] =	stream.linear.scatter [tilespmem:s14], [sflag:$0x2], $0x4000, $0x38;
	[tilespmem:$0x11800] =	vst v63  }
0x78: {  	s17 =	sadd.s32 $0x1, s17;
	_ =	swait.ge [sflag:s9], $0x4000  }
0x79: {  	p0 =	sne.s32 s17, s6;
	[sflag:s9] =	ssyncset.done $0x0  }
.Ltmp1:
0x7a: {  	s18 =	sadd.s32 $0x800, s31;
	[sflag:s9] =	ssyncadd.s32 $0xFFFFC000;
	(pc) =	sbr.rel @p0 .LBB2_1-.Ltmp1, $4  }
0x7b: {  	[hbm4b:s18+s3] =	stream.linear.scatter [tilespmem:s15], [sflag:$0x2], $0x4000, $0x38;
	[tilespmem:$0x11800] =	vst v63  }
0x7c: {  	_ =	swait.ge [sflag:s9], $0x4000  }
0x7d: {  	[sflag:s9] =	ssyncset.done $0x0  }
0x7e: {  	[sflag:s9] =	ssyncadd.s32 $0xFFFFC000  }
0x7f: {  	_ =	sfence.sel $0x180000  }
0x80: {  	[bflag:$0x0] =	sbarrier.arrive $0xFFFF  }
0x81: {  	p0 =	sne.s32 s0, $0x0;
	_ =	strace $0x90000050  }
0x82: {  	s0 =	sadd.s32 @!p0 $0x100000, s1;
	[bflag:$0x2] =	sbarrier.arrive $0xFFFF  }
0x83: {  	[sflag:s0] =	ssyncadd.tile.s32 @!p0 $0x1;
	_ =	shalt  }
.Lfunc_end2:
_tile_overlayer_lowered:
.L_overlay_start_2:
0x84: {  	(tag) =	ssettag $0x2  }
0x85: {  	s0 =	rddreg [dreg:$0x0];
	s2 =	stileid.u32  }
0x86: {  	s1 =	rddreg [dreg:$0x1];
	p0 =	sne.s32 s2, $0x0  }
0x87: {  	s3 =	rddreg [dreg:$0x2];
	[bflag:$0x3] =	sbarrier.arrive $0xFFFF;
	s2 =	simm.s32 @!p0 $0x1C02  }
0x88: {  	[timem:s3], [sflag:s2] =	dma.local @!p0 [hbm:s0], s1  }
0x89: {  	s0 =	simm.s32 @!p0 $0x2  }
0x8a: {  	_ =	swait.ge @!p0 [sflag:s0], s1  }
0x8b: {  	s1 =	ssub.s32 @!p0 $0x0, s1;
	[sflag:s0] =	ssyncset.done @!p0 $0x0  }
0x8c: {  	[sflag:s0] =	ssyncadd.s32 @!p0 s1  }
0x8d: {  	[bflag:$0x3] =	sbarrier.arrive $0xFFFF  }
0x8e: {  	_ =	shalt  }

// kernel: kernel.36.cloned.1.call-start
scs
__scs_entry_jumppad:
0x0: {  	(pc) =	sbr.rel $0x88, $3  }
0x1: {  	(tag) =	ssettag $0x0;
	lr =	simm.s32 $0x1  }
0x2: {  	[smem:$0x3F8B] =	sst lr;
	_ =	strace $0xD0000000  }
0x3: {  	_ = 	snop  }
0x4: {  	_ = 	snop  }
0x5: {  	_ = 	snop  }
0x6: {  	_ = 	snop  }
0x7: {  	_ = 	snop  }
__scs_overlays_trampoline_lowered:
0x8: {  	[smem:$0x3F9A] =	sst s0  }
0x9: {  	[smem:$0x3F9B] =	sst s1  }
0xa: {  	[smem:$0x3F9C] =	sst s2  }
0xb: {  	[smem:$0x3F9D] =	sst s3  }
0xc: {  	[smem:$0x3F9E] =	sst s4  }
0xd: {  	[smem:$0x3F9F] =	sst s5  }
0xe: {  	[smem:$0x3FA0] =	sst s6  }
0xf: {  	[smem:$0x3FA1] =	sst s7  }
0x10: {  	[smem:$0x3FA2] =	sst s8  }
0x11: {  	[smem:$0x3FA3] =	sst s9;
	s0 =	simm.s32 @!p0 $0x0  }
0x12: {  	s1 =	sld [smem:$0x3F89];
	s0 =	simm.s32 @p0 $0x1  }
0x13: {  	[smem:$0x3FA4] =	sst s0;
	s0 =	simm.s32 @!p1 $0x0  }
0x14: {  	s2 =	sld [smem:$0x3F88];
	s0 =	simm.s32 @p1 $0x1  }
0x15: {  	[smem:$0x3FA5] =	sst s0;
	s0 =	simm.s32 @!p2 $0x0  }
0x16: {  	s3 =	sld [smem:$0x3FDB];
	s0 =	simm.s32 @p2 $0x1  }
0x17: {  	s4 =	simm.s32 $0x1BF5;
	[smem:$0x3FA7] =	sst s0  }
0x18: {  	s0 =	sld [smem:$0x3F8A];
	_ =	swait.ge [sflag:s4], $0x0  }
0x19: {  	s7 =	sld [smem:$0x3F8B]  }
0x1a: {  	s8 =	sadd.s32 $0xFFFFE003, lr  }
0x1b: {  	s9 =	sadd.s32 $0xFFFFFEF7, lr;
	s5 =	simm.s32 $0xFFFFFFFF;
	p2 =	slt.u32 s8, $0xFFFFF086  }
0x1c: {  	p1 =	slt.u32 s9, $0xF7A;
	s5 =	simm.s32 @!p2 $0x0  }
0x1d: {  	s5 =	simm.s32 @p1 $0x1;
	p0 =	seq.s32 s7, s2  }
0x1e: {  	s7 =	smul.u32 @!p0 $0xF7A, s2;
	p2 =	seq.s32 @!p0 s5, $0x0  }
0x1f: {  	s9 =	smul.u32 $0xF7A, s1;
	s8 =	simm.s32 @!p0 $0x1BF5;
	p2 =	por !p2, p0  }
0x20: {  	[sflag:s8] =	ssyncset.s32 @!p0 $0xFFFFF086;
	s6 =	sadd.s32 @!p0 s3, s7;
	s7 =	simm.s32 @!p0 $0x108  }
0x21: {  	s3 =	sadd.s32 s3, s9;
	s6 =	sadd.s32 @!p0 $0x88, s6;
	s7 =	simm.s32 @p2 $0x1082  }
0x22: {  	[simem:s7], [sflag:s8] =	dma.local @!p0 [hbm:s6], $0xF7A  }
0x23: {  	s9 =	sor.u32 $0xD0000000, s2;
	s6 =	simm.s32 $0x108;
	_ =	swait.ge @!p0 [sflag:s8], $0x0  }
0x24: {  	s3 =	sadd.s32 $0x88, s3;
	s6 =	simm.s32 @!p1 $0x1082;
	[sflag:s4] =	ssyncset.s32 $0xFFFFF086  }
0x25: {  	[simem:s6], [sflag:s4] =	dma.local [hbm:s3], $0xF7A  }
0x26: {  	[smem:$0x3F8B] =	sst s1;
	(tag) =	ssettag s2;
	_ =	strace s9  }
0x27: {  	s1 =	sld [smem:$0x3F9B]  }
0x28: {  	s2 =	sld [smem:$0x3F9C]  }
0x29: {  	s4 =	sld [smem:$0x3F9E]  }
0x2a: {  	p0 =	seq.s32 s5, $0x0;
	s5 =	sld [smem:$0x3F9F]  }
0x2b: {  	s6 =	sld [smem:$0x3FA0]  }
0x2c: {  	s7 =	sld [smem:$0x3FA1]  }
0x2d: {  	s3 =	simm.s32 $0x108;
	s8 =	sld [smem:$0x3FA2]  }
0x2e: {  	s3 =	simm.s32 @!p0 $0x1082;
	s9 =	sld [smem:$0x3FA3]  }
0x2f: {  	lr =	sadd.s32 s0, s3;
	s0 =	sld [smem:$0x3F9A]  }
0x30: {  	s3 =	sld [smem:$0x3F9D]  }
0x31: {  	[smem:$0x3FA6] =	sst s10  }
0x32: {  	s10 =	sld [smem:$0x3FA4];
	_ =	sdelay $0x3  }
0x33: {  	p0 =	seq.s32 s10, $0x1;
	s10 =	sld [smem:$0x3FA6];
	_ =	sdelay $0x3  }
0x34: {  	[smem:$0x3FA6] =	sst s10  }
0x35: {  	s10 =	sld [smem:$0x3FA5];
	_ =	sdelay $0x3  }
0x36: {  	p1 =	seq.s32 s10, $0x1;
	s10 =	sld [smem:$0x3FA6];
	_ =	sdelay $0x3  }
0x37: {  	[smem:$0x3FA6] =	sst s10  }
0x38: {  	s10 =	sld [smem:$0x3FA7]  }
0x39: {  	_ = 	snop;
	(pc) =	sbr.ind lr, $3  }
0x3a: {  	_ = 	snop  }
0x3b: {  	_ = 	snop  }
0x3c: {  	p2 =	seq.s32 s10, $0x1;
	s10 =	sld [smem:$0x3FA6]  }
0x3d: {  	_ =	shalt  }
0x3e: {  	_ =	shalt  }
0x3f: {  	_ =	shalt  }
0x40: {  	_ =	shalt  }
0x41: {  	_ =	shalt  }
0x42: {  	_ =	shalt  }
0x43: {  	_ =	shalt  }
0x44: {  	_ =	shalt  }
0x45: {  	_ =	shalt  }
0x46: {  	_ =	shalt  }
0x47: {  	_ =	shalt  }
0x48: {  	_ =	shalt  }
0x49: {  	_ =	shalt  }
0x4a: {  	_ =	shalt  }
0x4b: {  	_ =	shalt  }
0x4c: {  	_ =	shalt  }
0x4d: {  	_ =	shalt  }
0x4e: {  	_ =	shalt  }
0x4f: {  	_ =	shalt  }
0x50: {  	_ =	shalt  }
0x51: {  	_ =	shalt  }
0x52: {  	_ =	shalt  }
0x53: {  	_ =	shalt  }
0x54: {  	_ =	shalt  }
0x55: {  	_ =	shalt  }
0x56: {  	_ =	shalt  }
0x57: {  	_ =	shalt  }
0x58: {  	_ =	shalt  }
0x59: {  	_ =	shalt  }
0x5a: {  	_ =	shalt  }
0x5b: {  	_ =	shalt  }
0x5c: {  	_ =	shalt  }
0x5d: {  	_ =	shalt  }
0x5e: {  	_ =	shalt  }
0x5f: {  	_ =	shalt  }
0x60: {  	_ =	shalt  }
0x61: {  	_ =	shalt  }
0x62: {  	_ =	shalt  }
0x63: {  	_ =	shalt  }
0x64: {  	_ =	shalt  }
0x65: {  	_ =	shalt  }
0x66: {  	_ =	shalt  }
0x67: {  	_ =	shalt  }
0x68: {  	_ =	shalt  }
0x69: {  	_ =	shalt  }
0x6a: {  	_ =	shalt  }
0x6b: {  	_ =	shalt  }
0x6c: {  	_ =	shalt  }
0x6d: {  	_ =	shalt  }
0x6e: {  	_ =	shalt  }
0x6f: {  	_ =	shalt  }
0x70: {  	_ =	shalt  }
0x71: {  	_ =	shalt  }
0x72: {  	_ =	shalt  }
0x73: {  	_ =	shalt  }
0x74: {  	_ =	shalt  }
0x75: {  	_ =	shalt  }
0x76: {  	_ =	shalt  }
0x77: {  	_ =	shalt  }
0x78: {  	_ =	shalt  }
0x79: {  	_ =	shalt  }
0x7a: {  	_ =	shalt  }
0x7b: {  	_ =	shalt  }
0x7c: {  	_ =	shalt  }
0x7d: {  	_ =	shalt  }
0x7e: {  	_ =	shalt  }
0x7f: {  	_ =	shalt  }
0x80: {  	_ =	shalt  }
0x81: {  	_ =	shalt  }
0x82: {  	_ =	shalt  }
0x83: {  	_ =	shalt  }
0x84: {  	_ =	shalt  }
0x85: {  	_ =	shalt  }
0x86: {  	_ =	shalt  }
0x87: {  	_ =	shalt  }
.Lfunc_end0:
.L_simem_size_0:
called_computation.7_lowered:
.L_overlay_start_0:
0x88: {  	s2 =	sld [smem:$0x3FD9]  }
0x89: {  	s3 =	sld [smem:$0x3FFE];
	_ =	sdelay $0x1  }
0x8a: {  	s1 =	srdreg.scid  }
0x8b: {  	s0 =	sand.u32 $0x1, s1  }
0x8c: {  	s17 =	sshll.u32 s0, $0xA;
	s2 =	sadd.s32 s3, s2  }
0x8d: {  	s2 =	sadd.s32 s2, s17  }
0x8e: {  	[smem:$0x3FB2] =	sst s2  }
0x8f: {  	_ = 	snop  }
0x90: {  	(tm) =	ssettm $0x1  }
0x91: {  	s18 =	sld [smem:$0x3FFB];
	_ =	sdelay $0x3  }
0x92: {  	_ =	strace s18  }
0x93: {  	s2 =	sld [smem:$0x3FFC];
	_ =	sdelay $0x3  }
0x94: {  	_ =	strace s2  }
0x95: {  	s2 =	sld [smem:$0x3FFD];
	_ =	sdelay $0x3  }
0x96: {  	_ =	strace s2  }
0x97: {  	_ =	strace $0x8FFFFFFF  }
0x98: {  	s19 =	sld [smem:$0x3FDB];
	_ =	sdelay $0x1  }
0x99: {  	s20 =	simm.s32 $_scs_section_size  }
0x9a: {  	s4 =	simm.s32 $_size__tile_overlayer_lowered;
	s5 =	simm.s32 $_tile_overlayer_lowered  }
0x9b: {  	s6 =	simm.s32 $0x1BFF;
	s21 =	sshll.u32 s5, $0x1;
	s3 =	sadd.s32 s20, s19  }
0x9c: {  	s22 =	simm.s32 $0x0;
	s4 =	sshll.u32 s4, $0x1;
	s5 =	sadd.s32 s21, s3  }
0x9d: {  	[timem:s22], [sflag:s6] =	dma.local [hbm:s5], s4  }
0x9e: {  	_ =	swait.ge [sflag:s6], s4  }
0x9f: {  	s4 =	ssub.s32 $0x0, s4;
	[sflag:s6] =	ssyncset.done $0x0  }
0xa0: {  	[sflag:s6] =	ssyncadd.s32 s4;
	_ =	sdelay $0x1  }
0xa1: {  	s23 =	simm.s32 $0x1B8B  }
0xa2: {  	_ =	swait.ge [sflag:s23], $0x1  }
0xa3: {  	[sflag:s23] =	ssyncset.done $0x0  }
0xa4: {  	[sflag:s23] =	ssyncadd.s32 $0xFFFFFFFF  }
0xa5: {  	s4 =	sld [smem:$0x0]  }
0xa6: {  	s5 =	sand.u32 $0xFFFFFFFE, s1  }
0xa7: {  	p0 =	sne.s32 s1, s5  }
0xa8: {  	s5 =	sshll.u32 @p0 s5, $0xE  }
0xa9: {  	s5 =	sadd.s32 @p0 $0x11B8D, s5;
	s6 =	sshll.u32 @p0 s4, $0x11  }
0xaa: {  	s5 =	sor.u32 @p0 s6, s5  }
0xab: {  	[sflag:s5] =	ssyncadd.remote.s32 @p0 $0x1;
	_ =	sdelay $0x1  }
0xac: {  	s5 =	simm.s32 @p0 $0x1B8D  }
0xad: {  	_ =	swait.eq @p0 [sflag:s5], $0x1  }
0xae: {  	[sflag:s5] =	ssyncadd.s32 @p0 $0xFFFFFFFF  }
0xaf: {  	s6 =	sshll.u32 @!p0 s1, $0xE  }
0xb0: {  	s6 =	sor.u32 @!p0 $0x4000, s6;
	s5 =	simm.s32 @!p0 $0x1B8D  }
0xb1: {  	s4 =	sshll.u32 @!p0 s4, $0x11;
	s6 =	sadd.s32 @!p0 $0x11B8D, s6;
	_ =	swait.eq @!p0 [sflag:s5], $0x1  }
0xb2: {  	s4 =	sor.u32 @!p0 s4, s6;
	[sflag:s5] =	ssyncadd.s32 @!p0 $0xFFFFFFFF  }
0xb3: {  	s25 =	simm.s32 $0x1B8E;
	s24 =	sld [smem:$0x3FFE];
	[sflag:s4] =	ssyncadd.remote.s32 @!p0 $0x1  }
0xb4: {  	s26 =	simm.s32 $execute0_lowered;
	[smem:$0x3FD2] =	sst s25  }
0xb5: {  	s5 =	sshll.u32 s26, $0x1;
	_ =	strace $0x8000005B;
	[dreg:$0x1] =	wrdreg $0xFFFFFFFF  }
0xb6: {  	s28 =	simm.s32 $_size_execute0_lowered;
	s3 =	sadd.s32 s3, s5;
	[dreg:$0x0] =	wrdreg $0x0  }
0xb7: {  	s5 =	sshll.u32 s28, $0x1;
	[dreg:$0x2] =	wrdreg s3  }
0xb8: {  	[dreg:$0x3] =	wrdreg s5  }
0xb9: {  	[dreg:$0x4] =	wrdreg $0xC0  }
0xba: {  	_ =	task [dreg:s22], $0x5FFFF  }
0xbb: {  	[dreg:$0x1] =	wrdreg $0xFFFFFFFF  }
0xbc: {  	[dreg:$0x0] =	wrdreg $0x60  }
0xbd: {  	[dreg:$0x2] =	wrdreg s24  }
0xbe: {  	[dreg:$0x3] =	wrdreg $0x8C000  }
0xbf: {  	[dreg:$0x4] =	wrdreg $0xA  }
0xc0: {  	_ =	task.clear_ibuf [dreg:s22], $0x5FFFF;
	_ =	strace $0x9000005B  }
0xc1: {  	s29 =	simm.s32 $0xA;
	_ =	strace $0x8000005D  }
0xc2: {  	_ =	swait.ge [sflag:s29], $0x1  }
0xc3: {  	[sflag:s29] =	ssyncadd.s32 $0xFFFFFFFF  }
0xc4: {  	_ =	strace $0x9000005D  }
0xc5: {  	_ =	sfence  }
0xc6: {  	s30 =	sld [smem:$0x0];
	_ =	sdelay $0x2  }
0xc7: {  	s31 =	sshll.u32 s1, $0xD;
	s1 =	sshrl.u32 s1, $0x2  }
0xc8: {  	s4 =	sand.u32 $0x4000, s31;
	s1 =	sadd.s32 s1, s30  }
0xc9: {  	s0 =	sor.u32 s4, s0;
	s1 =	sshll.u32 s1, $0x11  }
0xca: {  	s0 =	sor.u32 s1, s0  }
0xcb: {  	s0 =	sadd.s32 $0x8F2B, s0  }
0xcc: {  	[sflag:s0] =	ssyncadd.remote.s32 $0x1  }
0xcd: {  	_ =	sfence.sel $0xFFFF  }
0xce: {  	[dreg:$0x0] =	wrdreg $0xFFFFFFFF;
	(pc) =	sbr.abs _section_cstart, $3  }
0xcf: {  	[dreg:$0x1] =	wrdreg $0xFFFFFFFF  }
0xd0: {  	_ =	task.clear_ibuf [dreg:s22], $0x2FFFF;
	_ =	strace $0x9FFFFFFF  }
0xd1: {  	(tm) =	ssettm $0x7FFFFFFF  }
tec
execute0_lowered:
.L_overlay_start_1:
0x0: {  	(tag) =	ssettag $0x1  }
0x1: {  	s1 =	srdreg.scid;
	s5 =	rddreg [dreg:$0x0]  }
0x2: {  	s0 =	stileid.u32;
	s2 =	rddreg [dreg:$0x1];
	s3 =	simm.s32 $0x0  }
0x3: {  	s15 =	simm.s32 $0xC00;
	s16 =	simm.s32 $0x4C00;
	s17 =	simm.s32 $0x1  }
0x4: {  	s18 =	simm.s32 $0x80;
	s19 =	simm.s32 $0x3;
	s20 =	simm.s32 $0x900  }
0x5: {  	s21 =	simm.s32 $0x980;
	s22 =	simm.s32 $0x0;
	s8 =	smul.u32 $0x14000, s0  }
0x6: {  	s4 =	sand.u32 $0x1, s1;
	s1 =	rddreg [dreg:$0x2];
	s10 =	smul.u32 $0x50000, s0  }
0x7: {  	s25 =	sshll.u32 s0, $0x1;
	[smem:$0x7FF] =	sst s3;
	s13 =	smul.u32 $0x28, s0  }
0x8: {  	s11 =	sadd.s32 $0x116A000, s5;
	s29 =	sshll.u32 s0, $0x6;
	s9 =	smul.u32 $0x140000, s4  }
0x9: {  	s6 =	sor.u32 s4, s25;
	s26 =	ssub.s32 $0x2, s4;
	s28 =	smul.u32 $0x14, s4  }
0xa: {  	_ =	strace $0x8000005C;
	s7 =	smul.u32 $0x180, s6;
	s12 =	sshrl.u32 s26, $0x1  }
0xb: {  	s10 =	sshrl.u32 s10, $0x2;
	s30 =	smul.u32 $0xA000, s6;
	s9 =	sadd.s32 s8, s9  }
0xc: {  	s8 =	sshrl.u32 s8, $0x3;
	s12 =	ssub.s32 s26, s12;
	s14 =	sadd.s32 s10, s2  }
0xd: {  	s10 =	sadd.s32 s28, s13;
	s7 =	sadd.s32 s7, s5;
	s9 =	sshrl.u32 s9, $0x3  }
0xe: {  	s8 =	sadd.s32 s8, s5;
	s13 =	sshll.u32 s10, $0xB;
	s9 =	sadd.s32 s9, s5  }
0xf: {  	s4 =	sadd.s32 $0xF09000, s8;
	s5 =	sor.u32 $0x1C02, s29;
	s6 =	sadd.s32 $0x1167000, s7  }
0x10: {  	s7 =	sadd.s32 s11, s30;
	s31 =	sadd.s32 s13, s11;
	s13 =	sshrl.u32 s14, $0x3  }
0x11: {  	s14 =	simm.s32 $0x2;
	s8 =	sadd.s32 $0xB64000, s9;
	s9 =	smax.u32 s12, $0x1  }
0x12: {  	s10 =	sadd.s32 $0x9800, s7;
	s11 =	sadd.s32 $0x1000, s31;
	s12 =	sadd.s32 $0x800, s31  }
.LBB2_1:
0x13: {  	[spmem:s13], [sflag:s5] =	dma.local [hbm:s4], $0x2800  }
0x14: {  	_ =	swait.ge [sflag:s14], $0x2800  }
0x15: {  	[sflag:s14] =	ssyncset.done $0x0  }
0x16: {  	[sflag:s14] =	ssyncadd.s32 $0xFFFFD800  }
0x17: {  	[bflag:$0x0] =	sbarrier.arrive $0xFFFF  }
0x18: {  	[tilespmem:s3], [sflag:$0x2] =	stream.linear.gather [hbm4b:s6+s3], $0xA00, $0x38;
	[tilespmem:$0x1CC00] =	vst v63  }
0x19: {  	_ =	swait.ge [sflag:s14], $0xA00  }
0x1a: {  	[sflag:s14] =	ssyncset.done $0x0  }
0x1b: {  	[sflag:s14] =	ssyncadd.s32 $0xFFFFF600  }
0x1c: {  	[tilespmem:s15], [sflag:$0x1] =	stream.linear.gather [hbm4b:s7+s3], $0x4000, $0x38;
	[tilespmem:$0x1CC00] =	vst v63  }
0x1d: {  	s23 =	sadd.s32 $0x0, s12  }
0x1e: {  	[tilespmem:s16], [sflag:$0x1] =	stream.linear.gather [hbm4b:s23+s3], $0x4000, $0x38;
	[tilespmem:$0x1CC00] =	vst v63  }
0x1f: {  	_ =	swait.ge [sflag:s17], $0x4000  }
0x20: {  	[sflag:s17] =	ssyncset.done $0x0  }
0x21: {  	s30 =	simm.s32 $0x0;
	[sflag:s17] =	ssyncadd.s32 $0xFFFFC000  }
0x22: {  	[spmem:s2] =	stream.indirect.scatter.add.f32 [tilespmem:s15], [sflag:$0x3], $0x80, s30, s18, $0xb8;
	[tilespmem:$0x1CC00] =	vst v63  }
0x23: {  	_ =	swait.ge [sflag:s19], $0x4000  }
0x24: {  	[sflag:s19] =	ssyncset.done $0x0  }
0x25: {  	s31 =	sadd.s32 $0x0, s11;
	[sflag:s19] =	ssyncadd.s32 $0xFFFFC000  }
0x26: {  	[tilespmem:s15], [sflag:$0x1] =	stream.linear.gather [hbm4b:s31+s3], $0x4000, $0x38;
	[tilespmem:$0x1CC00] =	vst v63  }
0x27: {  	_ =	swait.ge [sflag:s17], $0x4000  }
0x28: {  	[sflag:s17] =	ssyncset.done $0x0  }
0x29: {  	[sflag:s17] =	ssyncadd.s32 $0xFFFFC000  }
0x2a: {  	[spmem:s2] =	stream.indirect.scatter.add.f32 [tilespmem:s16], [sflag:$0x2], $0x80, s18, s18, $0xb8;
	[tilespmem:$0x1CC00] =	vst v63  }
0x2b: {  	s24 =	simm.s32 $0x1000;
	_ =	swait.ge [sflag:s14], $0x4000  }
0x2c: {  	s25 =	simm.s32 $0x2000;
	s23 =	simm.s32 $0x180;
	[sflag:s14] =	ssyncset.done $0x0  }
.LBB2_2:
0x2d: {  	s26 =	sadd.s32 s24, s12  }
0x2e: {  	[sflag:s14] =	ssyncadd.s32 $0xFFFFC000;
	s28 =	smov.u32 s25;
	s29 =	sadd.s32 $0x1000, s25  }
0x2f: {  	[tilespmem:s16], [sflag:$0x1] =	stream.linear.gather [hbm4b:s26+s3], $0x4000, $0x38;
	[tilespmem:$0x1CC00] =	vst v63  }
0x30: {  	p0 =	sne.s32 s25, $0x8000;
	_ =	swait.ge [sflag:s17], $0x4000  }
0x31: {  	[sflag:s17] =	ssyncset.done $0x0  }
0x32: {  	s25 =	sadd.s32 $0xFFFFFF80, s23;
	[sflag:s17] =	ssyncadd.s32 $0xFFFFC000  }
0x33: {  	[spmem:s2] =	stream.indirect.scatter.add.f32 [tilespmem:s15], [sflag:$0x3], $0x80, s25, s18, $0xb8;
	[tilespmem:$0x1CC00] =	vst v63  }
0x34: {  	_ =	swait.ge [sflag:s19], $0x4000  }
0x35: {  	[sflag:s19] =	ssyncset.done $0x0  }
0x36: {  	s25 =	sadd.s32 s24, s11;
	s24 =	smov.u32 s28;
	[sflag:s19] =	ssyncadd.s32 $0xFFFFC000  }
0x37: {  	[tilespmem:s15], [sflag:$0x1] =	stream.linear.gather [hbm4b:s25+s3], $0x4000, $0x38;
	[tilespmem:$0x1CC00] =	vst v63  }
0x38: {  	_ =	swait.ge [sflag:s17], $0x4000  }
.Ltmp0:
0x39: {  	[sflag:s17] =	ssyncset.done $0x0;
	(pc) =	sbr.rel @p0 .LBB2_2-.Ltmp0, $4  }
0x3a: {  	[sflag:s17] =	ssyncadd.s32 $0xFFFFC000  }
0x3b: {  	[spmem:s2] =	stream.indirect.scatter.add.f32 [tilespmem:s16], [sflag:$0x2], $0x80, s23, s18, $0xb8;
	[tilespmem:$0x1CC00] =	vst v63  }
0x3c: {  	_ =	swait.ge [sflag:s14], $0x4000  }
0x3d: {  	s25 =	smov.u32 s29;
	s23 =	sadd.s32 $0x100, s23;
	[sflag:s14] =	ssyncset.done $0x0  }
0x3e: {  	s25 =	sadd.s32 s24, s12;
	[sflag:s14] =	ssyncadd.s32 $0xFFFFC000  }
0x3f: {  	[tilespmem:s16], [sflag:$0x1] =	stream.linear.gather [hbm4b:s25+s3], $0x4000, $0x38;
	[tilespmem:$0x1CC00] =	vst v63  }
0x40: {  	_ =	swait.ge [sflag:s17], $0x4000  }
0x41: {  	[sflag:s17] =	ssyncset.done $0x0  }
0x42: {  	s30 =	sadd.s32 $0xFFFFFF80, s23;
	[sflag:s17] =	ssyncadd.s32 $0xFFFFC000  }
0x43: {  	[spmem:s2] =	stream.indirect.scatter.add.f32 [tilespmem:s15], [sflag:$0x3], $0x80, s30, s18, $0xb8;
	[tilespmem:$0x1CC00] =	vst v63  }
0x44: {  	_ =	swait.ge [sflag:s19], $0x4000  }
0x45: {  	[sflag:s19] =	ssyncset.done $0x0  }
0x46: {  	s31 =	sadd.s32 s24, s11;
	[sflag:s19] =	ssyncadd.s32 $0xFFFFC000  }
0x47: {  	[tilespmem:s15], [sflag:$0x1] =	stream.linear.gather [hbm4b:s31+s3], $0x4000, $0x38;
	[tilespmem:$0x1CC00] =	vst v63  }
0x48: {  	_ =	swait.ge [sflag:s17], $0x4000  }
0x49: {  	[sflag:s17] =	ssyncset.done $0x0  }
0x4a: {  	[sflag:s17] =	ssyncadd.s32 $0xFFFFC000  }
0x4b: {  	[spmem:s2] =	stream.indirect.scatter.add.f32 [tilespmem:s16], [sflag:$0x2], $0x80, s23, s18, $0xb8;
	[tilespmem:$0x1CC00] =	vst v63  }
0x4c: {  	_ =	swait.ge [sflag:s14], $0x4000  }
0x4d: {  	[sflag:s14] =	ssyncset.done $0x0  }
0x4e: {  	[sflag:s14] =	ssyncadd.s32 $0xFFFFC000  }
0x4f: {  	[tilespmem:s16], [sflag:$0x1] =	stream.linear.gather [hbm4b:s10+s3], $0x4000, $0x38;
	[tilespmem:$0x1CC00] =	vst v63  }
0x50: {  	_ =	swait.ge [sflag:s17], $0x4000  }
0x51: {  	[sflag:s17] =	ssyncset.done $0x0  }
0x52: {  	[sflag:s17] =	ssyncadd.s32 $0xFFFFC000  }
0x53: {  	[spmem:s2] =	stream.indirect.scatter.add.f32 [tilespmem:s15], [sflag:$0x3], $0x80, s20, s18, $0xb8;
	[tilespmem:$0x1CC00] =	vst v63  }
0x54: {  	_ =	swait.ge [sflag:s19], $0x4000  }
0x55: {  	[sflag:s19] =	ssyncset.done $0x0  }
0x56: {  	[sflag:s19] =	ssyncadd.s32 $0xFFFFC000  }
0x57: {  	_ =	swait.ge [sflag:s17], $0x4000  }
0x58: {  	[sflag:s17] =	ssyncset.done $0x0  }
0x59: {  	[sflag:s17] =	ssyncadd.s32 $0xFFFFC000  }
0x5a: {  	[spmem:s2] =	stream.indirect.scatter.add.f32 [tilespmem:s16], [sflag:$0x2], $0x80, s21, s18, $0xb8;
	[tilespmem:$0x1CC00] =	vst v63  }
0x5b: {  	_ =	swait.ge [sflag:s14], $0x4000  }
0x5c: {  	s22 =	sadd.s32 $0x1, s22;
	[sflag:s14] =	ssyncset.done $0x0  }
0x5d: {  	p0 =	sne.s32 s22, s9;
	[sflag:s14] =	ssyncadd.s32 $0xFFFFC000  }
.Ltmp1:
0x5e: {  	[bflag:$0x0] =	sbarrier.arrive $0xFFFF;
	(pc) =	sbr.rel @p0 .LBB2_1-.Ltmp1, $4  }
0x5f: {  	[hbm:s8], [sflag:s5] =	dma.local [spmem:s13], $0x2800  }
0x60: {  	_ =	swait.ge [sflag:s14], $0x2800  }
0x61: {  	[sflag:s14] =	ssyncset.done $0x0  }
0x62: {  	[sflag:s14] =	ssyncadd.s32 $0xFFFFD800  }
0x63: {  	_ =	sfence.sel $0x180000  }
0x64: {  	[bflag:$0x0] =	sbarrier.arrive $0xFFFF  }
0x65: {  	p0 =	sne.s32 s0, $0x0;
	_ =	strace $0x9000005C  }
0x66: {  	s0 =	sadd.s32 @!p0 $0x100000, s1;
	[bflag:$0x2] =	sbarrier.arrive $0xFFFF  }
0x67: {  	[sflag:s0] =	ssyncadd.tile.s32 @!p0 $0x1;
	_ =	shalt  }
.Lfunc_end2:
_tile_overlayer_lowered:
.L_overlay_start_2:
0x68: {  	(tag) =	ssettag $0x2  }
0x69: {  	s0 =	rddreg [dreg:$0x0];
	s2 =	stileid.u32  }
0x6a: {  	s1 =	rddreg [dreg:$0x1];
	p0 =	sne.s32 s2, $0x0  }
0x6b: {  	s3 =	rddreg [dreg:$0x2];
	[bflag:$0x3] =	sbarrier.arrive $0xFFFF;
	s2 =	simm.s32 @!p0 $0x1C02  }
0x6c: {  	[timem:s3], [sflag:s2] =	dma.local @!p0 [hbm:s0], s1  }
0x6d: {  	s0 =	simm.s32 @!p0 $0x2  }
0x6e: {  	_ =	swait.ge @!p0 [sflag:s0], s1  }
0x6f: {  	s1 =	ssub.s32 @!p0 $0x0, s1;
	[sflag:s0] =	ssyncset.done @!p0 $0x0  }
0x70: {  	[sflag:s0] =	ssyncadd.s32 @!p0 s1  }
0x71: {  	[bflag:$0x3] =	sbarrier.arrive $0xFFFF  }
0x72: {  	_ =	shalt  }

</sc_bundles>
